<compile_context>
chip_gen: v7x
topology: tpu7x:2x2x1
jax: 0.10.2.dev20260603
libtpu: 0.0.44.dev20260713+nightly
codegen_flags: <defaults>
</compile_context>

<pallas_src>
import jax
import jax.numpy as jnp
from jax import lax
from jax.experimental import pallas as pl
from jax.experimental.pallas import tpu as pltpu
from jax.experimental.pallas import tpu_sc as plsc

N_EDGES = 2048
N_OPS = 16
N_CLIENTS = 4096
L = 16

NUM_SC = 2
NUM_SUB = 16
PAIRS = NUM_SC * NUM_SUB // 2
EDGES_PER_P = N_EDGES // PAIRS
EGROUPS = EDGES_PER_P // L
HALF_C = N_CLIENTS // 2
CB = 256
NBLOCKS = HALF_C // CB
HIST = EDGES_PER_P * N_OPS
EDGES_PER_W = EDGES_PER_P // 2


def _hsum(vec):
    parts = [vec[o] for o in range(L)]
    while len(parts) > 1:
        parts = [a + b for a, b in zip(parts[::2], parts[1::2])]
    return parts[0]


def _body(aN_hbm, aR_hbm, acc_hbm, iN_hbm, iR_hbm, outN_hbm, outR_hbm,
          acc_v, rew_v, buf0, buf1, sem0, sem1, histN, histR, tmp_v,
          alf_v, out_v, shrN, shrR):
    cid = lax.axis_index("c")
    sid = lax.axis_index("s")
    pair = sid // 2
    half = sid % 2
    p = cid * (NUM_SUB // 2) + pair
    e0 = p * EDGES_PER_P
    c_base = half * HALF_C

    pltpu.sync_copy(acc_hbm, acc_v)

    @plsc.parallel_loop(0, N_CLIENTS // L, unroll=8,
                        carry=jnp.zeros((L,), jnp.float32))
    def tot(i, t):
        return t + acc_v[pl.ds(pl.multiple_of(i * L, 8), L)]

    baseline = _hsum(tot) * (1.0 / (100.0 * N_CLIENTS))

    @plsc.parallel_loop(0, N_CLIENTS // L, unroll=8,
                        carry=jnp.zeros((L,), jnp.float32))
    def rtot_v(i, rt):
        sl = pl.ds(pl.multiple_of(i * L, 8), L)
        r = acc_v[sl] * (1.0 / 100.0) - baseline
        rew_v[sl] = r
        return rt + r

    r_total = _hsum(rtot_v)

    @plsc.parallel_loop(0, HIST // L, unroll=8)
    def _zero_step(i):
        sl = pl.ds(pl.multiple_of(i * L, 8), L)
        z = jnp.zeros((L,), jnp.float32)
        histN[sl] = z
        histR[sl] = z

    lane = lax.iota(jnp.int32, L)
    bases = [lane + g * L for g in range(EGROUPS)]

    def _src(hbm, cb):
        c0 = pl.multiple_of(c_base + cb * CB, 8)
        return hbm.at[pl.ds(c0, CB), pl.ds(e0, EDGES_PER_P)]

    def _one_matrix(hbm, hist):
        def _issue(cb, buf, sem):
            pltpu.async_copy(_src(hbm, cb), buf, sem)

        def _wait(cb, buf, sem):
            pltpu.make_async_copy(_src(hbm, cb), buf, sem).wait()

        def _compute(cb, buf):
            @plsc.parallel_loop(0, CB, unroll=8)
            def _client(c):
                rsp = plsc.load_gather(
                    rew_v, [jnp.full((L,), c_base + cb * CB + c, jnp.int32)])
                for g in range(EGROUPS):
                    iv = buf[c, pl.ds(g * L, L)]
                    off = lax.shift_left(iv, 7) + bases[g]
                    plsc.addupdate_scatter(hist, [off], rsp)

        _issue(0, buf0, sem0)

        def _block_pair(it, _):
            gb0 = it * 2
            _wait(gb0, buf0, sem0)
            _issue(gb0 + 1, buf1, sem1)
            _compute(gb0, buf0)
            _wait(gb0 + 1, buf1, sem1)

            @pl.when(it < NBLOCKS // 2 - 1)
            def _():
                _issue(gb0 + 2, buf0, sem0)

            _compute(gb0 + 1, buf1)
            return 0

        lax.fori_loop(0, NBLOCKS // 2, _block_pair, 0)

    _one_matrix(iN_hbm, histN)
    _one_matrix(iR_hbm, histR)

    pltpu.sync_copy(histN, shrN.at[sid])
    pltpu.sync_copy(histR, shrR.at[sid])
    plsc.subcore_barrier()

    def _merge(hist, shr):
        pltpu.sync_copy(shr.at[sid + 1 - 2 * half], tmp_v)

        @plsc.parallel_loop(0, HIST // L, unroll=8)
        def _add_step(i):
            sl = pl.ds(pl.multiple_of(i * L, 8), L)
            hist[sl] = hist[sl] + tmp_v[sl]

    _merge(histN, shrN)
    _merge(histR, shrR)

    inv_n = 1.0 / N_CLIENTS
    we0 = e0 + half * EDGES_PER_W
    hoff_e = half * EDGES_PER_W
    gidx0 = lane * (EDGES_PER_P)

    def _emit(a_hbm, hist, o_hbm):
        pltpu.sync_copy(a_hbm.at[pl.ds(we0, EDGES_PER_W), :], alf_v)

        @plsc.parallel_loop(0, EDGES_PER_W, unroll=4)
        def _edge(e):
            ex = jnp.exp(alf_v[e, :])
            s = _hsum(ex)
            prob = ex / jnp.full((L,), s, jnp.float32)
            h = plsc.load_gather(hist, [gidx0 + (hoff_e + e)])
            out_v[e, :] = (r_total * prob - h) * inv_n
        pltpu.sync_copy(out_v, o_hbm.at[pl.ds(we0, EDGES_PER_W), :])

    _emit(aN_hbm, histN, outN_hbm)
    _emit(aR_hbm, histR, outR_hbm)


@jax.jit
def _run(aN, aR, acc, iN, iR):
    mesh = plsc.VectorSubcoreMesh(core_axis_name="c", subcore_axis_name="s")
    f = pl.kernel(
        _body,
        mesh=mesh,
        compiler_params=pltpu.CompilerParams(
            needs_layout_passes=False,
            disable_bounds_checks=True,
            disable_semaphore_checks=True,
            skip_device_barrier=True,
        ),
        out_type=(
            jax.ShapeDtypeStruct((N_EDGES, N_OPS), jnp.float32),
            jax.ShapeDtypeStruct((N_EDGES, N_OPS), jnp.float32),
        ),
        scratch_types=[
            pltpu.VMEM((N_CLIENTS,), jnp.float32),
            pltpu.VMEM((N_CLIENTS,), jnp.float32),
            pltpu.VMEM((CB, EDGES_PER_P), jnp.int32),
            pltpu.VMEM((CB, EDGES_PER_P), jnp.int32),
            pltpu.SemaphoreType.DMA,
            pltpu.SemaphoreType.DMA,
            pltpu.VMEM((HIST,), jnp.float32),
            pltpu.VMEM((HIST,), jnp.float32),
            pltpu.VMEM((HIST,), jnp.float32),
            pltpu.VMEM((EDGES_PER_W, N_OPS), jnp.float32),
            pltpu.VMEM((EDGES_PER_W, N_OPS), jnp.float32),
            pltpu.VMEM_SHARED((NUM_SUB, HIST), jnp.float32),
            pltpu.VMEM_SHARED((NUM_SUB, HIST), jnp.float32),
        ],
    )
    return f(aN, aR, acc, iN, iR)


def kernel(alphas_normal, alphas_reduce, epoch_acc, epoch_index_normal,
           epoch_index_reduce):
    iN = epoch_index_normal.astype(jnp.int32)
    iR = epoch_index_reduce.astype(jnp.int32)
    return _run(alphas_normal, alphas_reduce, epoch_acc, iN, iR)

# --- scband reference (transcript-rebuilt; emitter-appended) ---
"""Pipeline reference for scband-architect-70111046140083 (READ-ONLY COPY).

The authoritative reference and input builder live on the scoring server;
editing this copy changes nothing except your own understanding.
"""

import jax, jax.numpy as jnp
import numpy as np

N_EDGES = 2048
N_OPS = 16
N_CLIENTS = 4096


def setup_inputs(seed: int = 0) -> dict:
    key = jax.random.key(seed)
    k1, k2, k3, k4, k5 = jax.random.split(key, 5)
    alphas_normal = jax.random.normal(k1, (N_EDGES, N_OPS), dtype=jnp.float32)
    alphas_reduce = jax.random.normal(k2, (N_EDGES, N_OPS), dtype=jnp.float32)
    epoch_acc = jax.random.uniform(k3, (N_CLIENTS,), dtype=jnp.float32)
    epoch_index_normal = jax.random.randint(k4, (N_CLIENTS, N_EDGES), 0, N_OPS, dtype=jnp.int64) if jax.config.jax_enable_x64 else jax.random.randint(k4, (N_CLIENTS, N_EDGES), 0, N_OPS).astype(jnp.int32)
    epoch_index_reduce = jax.random.randint(k5, (N_CLIENTS, N_EDGES), 0, N_OPS, dtype=jnp.int64) if jax.config.jax_enable_x64 else jax.random.randint(k5, (N_CLIENTS, N_EDGES), 0, N_OPS).astype(jnp.int32)
    return {
        "alphas_normal": alphas_normal,
        "alphas_reduce": alphas_reduce,
        "epoch_acc": epoch_acc,
        "epoch_index_normal": epoch_index_normal,
        "epoch_index_reduce": epoch_index_reduce,
    }


def _compute_grad(alphas, accuracy, index, baseline):
    # Faithful vectorization of Architect._compute_grad:
    #   per client: client_grad = softmax(alphas); client_grad[edge, index[edge]] -= 1
    #   grad = mean_c( reward_c * client_grad )
    prob = jax.nn.softmax(alphas, axis=-1)
    rewards = accuracy / 100.0 - baseline  # [n_clients]
    n_clients = accuracy.shape[0]
    # sum_c reward_c * prob  (prob term identical across clients)
    grad = jnp.sum(rewards) * prob
    # scatter-add the "-1" at each client's sampled (edge, op) location, weighted by reward
    edge_ids = jnp.broadcast_to(jnp.arange(alphas.shape[0])[None, :], index.shape)
    updates = jnp.broadcast_to(rewards[:, None], index.shape)
    grad = grad.at[edge_ids, index].add(-updates)
    return grad / n_clients


def reference(alphas_normal, alphas_reduce, epoch_acc, epoch_index_normal, epoch_index_reduce):
    # _compute_reward: first call sets baseline = mean(acc)/100; second call
    # updates baseline += decay*(avg - baseline) which is a no-op since the same
    # accuracy list is used -> both calls use baseline = mean(acc)/100.
    baseline = jnp.mean(epoch_acc) / 100.0
    grad_normal = _compute_grad(alphas_normal, epoch_acc, epoch_index_normal, baseline)
    grad_reduce = _compute_grad(alphas_reduce, epoch_acc, epoch_index_reduce, baseline)
    return (grad_normal, grad_reduce)

if __name__ == "__main__":
    import jax
    _d = setup_inputs()
    print(jax.jit(kernel)(*tuple(_d.values())))

</pallas_src>

<mosaic_0001>
#map = affine_map<(d0, d1) -> (0, 0)>
#map1 = affine_map<(d0, d1) -> (0)>
module attributes {stable_mosaic.version = 14 : i64} {
  func.func @_body(%arg0: i32, %arg1: i32, %arg2: memref<2048x16xf32, #tpu.memory_space<hbm>>, %arg3: memref<2048x16xf32, #tpu.memory_space<hbm>>, %arg4: memref<4096xf32, #tpu.memory_space<hbm>>, %arg5: memref<4096x2048xi32, #tpu.memory_space<hbm>>, %arg6: memref<4096x2048xi32, #tpu.memory_space<hbm>>, %arg7: memref<2048x16xf32, #tpu.memory_space<hbm>>, %arg8: memref<2048x16xf32, #tpu.memory_space<hbm>>, %arg9: memref<4096xf32, #tpu.memory_space<vmem>>, %arg10: memref<4096xf32, #tpu.memory_space<vmem>>, %arg11: memref<256x128xi32, #tpu.memory_space<vmem>>, %arg12: memref<256x128xi32, #tpu.memory_space<vmem>>, %arg13: memref<!tpu.dma_semaphore, #tpu.memory_space<semaphore_mem>>, %arg14: memref<!tpu.dma_semaphore, #tpu.memory_space<semaphore_mem>>, %arg15: memref<2048xf32, #tpu.memory_space<vmem>>, %arg16: memref<2048xf32, #tpu.memory_space<vmem>>, %arg17: memref<2048xf32, #tpu.memory_space<vmem>>, %arg18: memref<64x16xf32, #tpu.memory_space<vmem>>, %arg19: memref<64x16xf32, #tpu.memory_space<vmem>>, %arg20: memref<16x2048xf32, #tpu.memory_space<vmem_shared>>, %arg21: memref<16x2048xf32, #tpu.memory_space<vmem_shared>>) attributes {dimension_semantics = [#tpu.dimension_semantics<core_parallel>, #tpu.dimension_semantics<subcore_parallel>], iteration_bounds = array<i64: 2, 16>, scalar_prefetch = 0 : i64, scratch_operands = 13 : i64, tpu.core_type = #tpu.core_type<sc_vector_subcore>, window_params = [{transform_indices = #map}, {transform_indices = #map}, {transform_indices = #map1}, {transform_indices = #map}, {transform_indices = #map}, {transform_indices = #map}, {transform_indices = #map}]} {
    %jit3A = arith.constant 2 : i32
    %div3A = arith.divsi %arg1, %jit3A : i32
    %sign3A = arith.constant 0 : i32
    %sign3A_0 = arith.cmpi sgt, %arg1, %sign3A : i32
    %sign3A_1 = arith.extui %sign3A_0 : i1 to i32
    %sign3A_2 = arith.constant 0 : i32
    %sign3A_3 = arith.cmpi slt, %arg1, %sign3A_2 : i32
    %sign3A_4 = arith.extui %sign3A_3 : i1 to i32
    %sign3A_5 = arith.subi %sign3A_1, %sign3A_4 : i32
    %sign3A_6 = arith.constant 0 : i32
    %sign3A_7 = arith.cmpi sgt, %jit3A, %sign3A_6 : i32
    %sign3A_8 = arith.extui %sign3A_7 : i1 to i32
    %sign3A_9 = arith.constant 0 : i32
    %sign3A_10 = arith.cmpi slt, %jit3A, %sign3A_9 : i32
    %sign3A_11 = arith.extui %sign3A_10 : i1 to i32
    %sign3A_12 = arith.subi %sign3A_8, %sign3A_11 : i32
    %ne3A = arith.cmpi ne, %sign3A_5, %sign3A_12 : i32
    %rem3A = arith.remsi %arg1, %jit3A : i32
    %ne3A_13 = arith.constant 0 : i32
    %ne3A_14 = arith.cmpi ne, %rem3A, %ne3A_13 : i32
    %and3A = arith.andi %ne3A, %ne3A_14 : i1
    %sub3A = arith.constant 1 : i32
    %sub3A_15 = arith.subi %div3A, %sub3A : i32
    %select_n3A = arith.select %and3A, %sub3A_15, %div3A : i32
    %jit3A_16 = arith.constant 2 : i32
    %eq3A = arith.constant 0 : i32
    %eq3A_17 = arith.cmpi eq, %jit3A_16, %eq3A : i32
    %jit3A_18 = arith.constant 1 : i32
    %select_n3A_19 = arith.select %eq3A_17, %jit3A_18, %jit3A_16 : i32
    %rem3A_20 = arith.remsi %arg1, %select_n3A_19 : i32
    %ne3A_21 = arith.constant 0 : i32
    %ne3A_22 = arith.cmpi ne, %rem3A_20, %ne3A_21 : i32
    %lt3A = arith.constant 0 : i32
    %lt3A_23 = arith.cmpi slt, %rem3A_20, %lt3A : i32
    %lt3A_24 = arith.constant 0 : i32
    %lt3A_25 = arith.cmpi slt, %select_n3A_19, %lt3A_24 : i32
    %ne3A_26 = arith.xori %lt3A_23, %lt3A_25 : i1
    %and3A_27 = arith.andi %ne3A_26, %ne3A_22 : i1
    %add3A = arith.addi %rem3A_20, %select_n3A_19 : i32
    %select_n3A_28 = arith.select %and3A_27, %add3A, %rem3A_20 : i32
    %mul3A = arith.constant 8 : i32
    %mul3A_29 = arith.muli %arg0, %mul3A : i32
    %add3A_30 = arith.addi %mul3A_29, %select_n3A : i32
    %mul3A_31 = arith.constant 128 : i32
    %mul3A_32 = arith.muli %add3A_30, %mul3A_31 : i32
    %mul3A_33 = arith.constant 2048 : i32
    %mul3A_34 = arith.muli %select_n3A_28, %mul3A_33 : i32
    "tpu.region"() ({
      %run_scoped3A = tpu.sem_alloc : memref<!tpu.dma_semaphore, #tpu.memory_space<semaphore_mem>>
      tpu.enqueue_dma source(%arg4 : memref<4096xf32, #tpu.memory_space<hbm>>) target(%arg9 : memref<4096xf32, #tpu.memory_space<vmem>>) target_semaphore(%run_scoped3A : memref<!tpu.dma_semaphore, #tpu.memory_space<semaphore_mem>>)
      tpu.wait_dma2 semaphore(%run_scoped3A : memref<!tpu.dma_semaphore, #tpu.memory_space<semaphore_mem>>) src(%arg4 : memref<4096xf32, #tpu.memory_space<hbm>>) dst(%arg9 : memref<4096xf32, #tpu.memory_space<vmem>>)
      tpu.yield
    }) : () -> ()
    %broadcast_in_dim3A = arith.constant 0.000000e+00 : f32
    %broadcast_in_dim3A_35 = vector.broadcast %broadcast_in_dim3A : f32 to vector<16xf32>
    %parallel_loop3A = arith.constant 0 : i32
    %parallel_loop3A_36 = arith.constant 256 : i32
    %parallel_loop3A_37 = arith.constant 1 : i32
    %parallel_loop3A_38 = scf.for %parallel_loop3A_217 = %parallel_loop3A to %parallel_loop3A_36 step %parallel_loop3A_37 iter_args(%parallel_loop3A_218 = %broadcast_in_dim3A_35) -> (vector<16xf32>)  : i32 {
      %parallel_loop3A_219 = arith.constant 16 : i32
      %parallel_loop3A_220 = arith.muli %parallel_loop3A_217, %parallel_loop3A_219 : i32
      %parallel_loop3A_221 = tpu.assume_multiple %parallel_loop3A_220, 8 : i32
      %parallel_loop3A_222 = arith.index_cast %parallel_loop3A_221 : i32 to index
      %parallel_loop3A_223 = tpu.vector_load %arg9[%parallel_loop3A_222] {strides = array<i32>} : memref<4096xf32, #tpu.memory_space<vmem>>, vector<16xf32>,
      %parallel_loop3A_224 = arith.addf %parallel_loop3A_218, %parallel_loop3A_223 : vector<16xf32>
      scf.yield %parallel_loop3A_224 : vector<16xf32>
    } {sc.loop_unroll_factor = 8 : i64, sc.parallel_access}
    %slice3A = vector.extract_strided_slice %parallel_loop3A_38 {offsets = [0], sizes = [1], strides = [1]} : vector<16xf32> to vector<1xf32>
    %squeeze3A = vector.extract %slice3A[0] : f32 from vector<1xf32>
    %slice3A_39 = vector.extract_strided_slice %parallel_loop3A_38 {offsets = [1], sizes = [1], strides = [1]} : vector<16xf32> to vector<1xf32>
    %squeeze3A_40 = vector.extract %slice3A_39[0] : f32 from vector<1xf32>
    %slice3A_41 = vector.extract_strided_slice %parallel_loop3A_38 {offsets = [2], sizes = [1], strides = [1]} : vector<16xf32> to vector<1xf32>
    %squeeze3A_42 = vector.extract %slice3A_41[0] : f32 from vector<1xf32>
    %slice3A_43 = vector.extract_strided_slice %parallel_loop3A_38 {offsets = [3], sizes = [1], strides = [1]} : vector<16xf32> to vector<1xf32>
    %squeeze3A_44 = vector.extract %slice3A_43[0] : f32 from vector<1xf32>
    %slice3A_45 = vector.extract_strided_slice %parallel_loop3A_38 {offsets = [4], sizes = [1], strides = [1]} : vector<16xf32> to vector<1xf32>
    %squeeze3A_46 = vector.extract %slice3A_45[0] : f32 from vector<1xf32>
    %slice3A_47 = vector.extract_strided_slice %parallel_loop3A_38 {offsets = [5], sizes = [1], strides = [1]} : vector<16xf32> to vector<1xf32>
    %squeeze3A_48 = vector.extract %slice3A_47[0] : f32 from vector<1xf32>
    %slice3A_49 = vector.extract_strided_slice %parallel_loop3A_38 {offsets = [6], sizes = [1], strides = [1]} : vector<16xf32> to vector<1xf32>
    %squeeze3A_50 = vector.extract %slice3A_49[0] : f32 from vector<1xf32>
    %slice3A_51 = vector.extract_strided_slice %parallel_loop3A_38 {offsets = [7], sizes = [1], strides = [1]} : vector<16xf32> to vector<1xf32>
    %squeeze3A_52 = vector.extract %slice3A_51[0] : f32 from vector<1xf32>
    %slice3A_53 = vector.extract_strided_slice %parallel_loop3A_38 {offsets = [8], sizes = [1], strides = [1]} : vector<16xf32> to vector<1xf32>
    %squeeze3A_54 = vector.extract %slice3A_53[0] : f32 from vector<1xf32>
    %slice3A_55 = vector.extract_strided_slice %parallel_loop3A_38 {offsets = [9], sizes = [1], strides = [1]} : vector<16xf32> to vector<1xf32>
    %squeeze3A_56 = vector.extract %slice3A_55[0] : f32 from vector<1xf32>
    %slice3A_57 = vector.extract_strided_slice %parallel_loop3A_38 {offsets = [10], sizes = [1], strides = [1]} : vector<16xf32> to vector<1xf32>
    %squeeze3A_58 = vector.extract %slice3A_57[0] : f32 from vector<1xf32>
    %slice3A_59 = vector.extract_strided_slice %parallel_loop3A_38 {offsets = [11], sizes = [1], strides = [1]} : vector<16xf32> to vector<1xf32>
    %squeeze3A_60 = vector.extract %slice3A_59[0] : f32 from vector<1xf32>
    %slice3A_61 = vector.extract_strided_slice %parallel_loop3A_38 {offsets = [12], sizes = [1], strides = [1]} : vector<16xf32> to vector<1xf32>
    %squeeze3A_62 = vector.extract %slice3A_61[0] : f32 from vector<1xf32>
    %slice3A_63 = vector.extract_strided_slice %parallel_loop3A_38 {offsets = [13], sizes = [1], strides = [1]} : vector<16xf32> to vector<1xf32>
    %squeeze3A_64 = vector.extract %slice3A_63[0] : f32 from vector<1xf32>
    %slice3A_65 = vector.extract_strided_slice %parallel_loop3A_38 {offsets = [14], sizes = [1], strides = [1]} : vector<16xf32> to vector<1xf32>
    %squeeze3A_66 = vector.extract %slice3A_65[0] : f32 from vector<1xf32>
    %slice3A_67 = vector.extract_strided_slice %parallel_loop3A_38 {offsets = [15], sizes = [1], strides = [1]} : vector<16xf32> to vector<1xf32>
    %squeeze3A_68 = vector.extract %slice3A_67[0] : f32 from vector<1xf32>
    %add3A_69 = arith.addf %squeeze3A, %squeeze3A_40 : f32
    %add3A_70 = arith.addf %squeeze3A_42, %squeeze3A_44 : f32
    %add3A_71 = arith.addf %squeeze3A_46, %squeeze3A_48 : f32
    %add3A_72 = arith.addf %squeeze3A_50, %squeeze3A_52 : f32
    %add3A_73 = arith.addf %squeeze3A_54, %squeeze3A_56 : f32
    %add3A_74 = arith.addf %squeeze3A_58, %squeeze3A_60 : f32
    %add3A_75 = arith.addf %squeeze3A_62, %squeeze3A_64 : f32
    %add3A_76 = arith.addf %squeeze3A_66, %squeeze3A_68 : f32
    %add3A_77 = arith.addf %add3A_69, %add3A_70 : f32
    %add3A_78 = arith.addf %add3A_71, %add3A_72 : f32
    %add3A_79 = arith.addf %add3A_73, %add3A_74 : f32
    %add3A_80 = arith.addf %add3A_75, %add3A_76 : f32
    %add3A_81 = arith.addf %add3A_77, %add3A_78 : f32
    %add3A_82 = arith.addf %add3A_79, %add3A_80 : f32
    %add3A_83 = arith.addf %add3A_81, %add3A_82 : f32
    %mul3A_84 = arith.constant 2.4414062E-6 : f32
    %mul3A_85 = arith.mulf %add3A_83, %mul3A_84 : f32
    %broadcast_in_dim3A_86 = arith.constant 0.000000e+00 : f32
    %broadcast_in_dim3A_87 = vector.broadcast %broadcast_in_dim3A_86 : f32 to vector<16xf32>
    %parallel_loop3A_88 = arith.constant 0 : i32
    %parallel_loop3A_89 = arith.constant 256 : i32
    %parallel_loop3A_90 = arith.constant 1 : i32
    %parallel_loop3A_91 = scf.for %parallel_loop3A_217 = %parallel_loop3A_88 to %parallel_loop3A_89 step %parallel_loop3A_90 iter_args(%parallel_loop3A_218 = %broadcast_in_dim3A_87) -> (vector<16xf32>)  : i32 {
      %parallel_loop3A_219 = arith.constant 16 : i32
      %parallel_loop3A_220 = arith.muli %parallel_loop3A_217, %parallel_loop3A_219 : i32
      %parallel_loop3A_221 = tpu.assume_multiple %parallel_loop3A_220, 8 : i32
      %parallel_loop3A_222 = arith.index_cast %parallel_loop3A_221 : i32 to index
      %parallel_loop3A_223 = tpu.vector_load %arg9[%parallel_loop3A_222] {strides = array<i32>} : memref<4096xf32, #tpu.memory_space<vmem>>, vector<16xf32>,
      %parallel_loop3A_224 = arith.constant 0.00999999977 : f32
      %parallel_loop3A_225 = vector.broadcast %parallel_loop3A_224 : f32 to vector<16xf32>
      %parallel_loop3A_226 = arith.mulf %parallel_loop3A_223, %parallel_loop3A_225 : vector<16xf32>
      %parallel_loop3A_227 = vector.broadcast %mul3A_85 : f32 to vector<16xf32>
      %parallel_loop3A_228 = arith.subf %parallel_loop3A_226, %parallel_loop3A_227 : vector<16xf32>
      %parallel_loop3A_229 = arith.index_cast %parallel_loop3A_221 : i32 to index
      %parallel_loop3A_230 = tpu.vector_load %arg10[%parallel_loop3A_229] {strides = array<i32>} : memref<4096xf32, #tpu.memory_space<vmem>>, vector<16xf32>,
      tpu.vector_store %arg10[%parallel_loop3A_229], %parallel_loop3A_228 {strides = array<i32>} : memref<4096xf32, #tpu.memory_space<vmem>>, vector<16xf32>,
      %parallel_loop3A_231 = arith.addf %parallel_loop3A_218, %parallel_loop3A_228 : vector<16xf32>
      scf.yield %parallel_loop3A_231 : vector<16xf32>
    } {sc.loop_unroll_factor = 8 : i64, sc.parallel_access}
    %slice3A_92 = vector.extract_strided_slice %parallel_loop3A_91 {offsets = [0], sizes = [1], strides = [1]} : vector<16xf32> to vector<1xf32>
    %squeeze3A_93 = vector.extract %slice3A_92[0] : f32 from vector<1xf32>
    %slice3A_94 = vector.extract_strided_slice %parallel_loop3A_91 {offsets = [1], sizes = [1], strides = [1]} : vector<16xf32> to vector<1xf32>
    %squeeze3A_95 = vector.extract %slice3A_94[0] : f32 from vector<1xf32>
    %slice3A_96 = vector.extract_strided_slice %parallel_loop3A_91 {offsets = [2], sizes = [1], strides = [1]} : vector<16xf32> to vector<1xf32>
    %squeeze3A_97 = vector.extract %slice3A_96[0] : f32 from vector<1xf32>
    %slice3A_98 = vector.extract_strided_slice %parallel_loop3A_91 {offsets = [3], sizes = [1], strides = [1]} : vector<16xf32> to vector<1xf32>
    %squeeze3A_99 = vector.extract %slice3A_98[0] : f32 from vector<1xf32>
    %slice3A_100 = vector.extract_strided_slice %parallel_loop3A_91 {offsets = [4], sizes = [1], strides = [1]} : vector<16xf32> to vector<1xf32>
    %squeeze3A_101 = vector.extract %slice3A_100[0] : f32 from vector<1xf32>
    %slice3A_102 = vector.extract_strided_slice %parallel_loop3A_91 {offsets = [5], sizes = [1], strides = [1]} : vector<16xf32> to vector<1xf32>
    %squeeze3A_103 = vector.extract %slice3A_102[0] : f32 from vector<1xf32>
    %slice3A_104 = vector.extract_strided_slice %parallel_loop3A_91 {offsets = [6], sizes = [1], strides = [1]} : vector<16xf32> to vector<1xf32>
    %squeeze3A_105 = vector.extract %slice3A_104[0] : f32 from vector<1xf32>
    %slice3A_106 = vector.extract_strided_slice %parallel_loop3A_91 {offsets = [7], sizes = [1], strides = [1]} : vector<16xf32> to vector<1xf32>
    %squeeze3A_107 = vector.extract %slice3A_106[0] : f32 from vector<1xf32>
    %slice3A_108 = vector.extract_strided_slice %parallel_loop3A_91 {offsets = [8], sizes = [1], strides = [1]} : vector<16xf32> to vector<1xf32>
    %squeeze3A_109 = vector.extract %slice3A_108[0] : f32 from vector<1xf32>
    %slice3A_110 = vector.extract_strided_slice %parallel_loop3A_91 {offsets = [9], sizes = [1], strides = [1]} : vector<16xf32> to vector<1xf32>
    %squeeze3A_111 = vector.extract %slice3A_110[0] : f32 from vector<1xf32>
    %slice3A_112 = vector.extract_strided_slice %parallel_loop3A_91 {offsets = [10], sizes = [1], strides = [1]} : vector<16xf32> to vector<1xf32>
    %squeeze3A_113 = vector.extract %slice3A_112[0] : f32 from vector<1xf32>
    %slice3A_114 = vector.extract_strided_slice %parallel_loop3A_91 {offsets = [11], sizes = [1], strides = [1]} : vector<16xf32> to vector<1xf32>
    %squeeze3A_115 = vector.extract %slice3A_114[0] : f32 from vector<1xf32>
    %slice3A_116 = vector.extract_strided_slice %parallel_loop3A_91 {offsets = [12], sizes = [1], strides = [1]} : vector<16xf32> to vector<1xf32>
    %squeeze3A_117 = vector.extract %slice3A_116[0] : f32 from vector<1xf32>
    %slice3A_118 = vector.extract_strided_slice %parallel_loop3A_91 {offsets = [13], sizes = [1], strides = [1]} : vector<16xf32> to vector<1xf32>
    %squeeze3A_119 = vector.extract %slice3A_118[0] : f32 from vector<1xf32>
    %slice3A_120 = vector.extract_strided_slice %parallel_loop3A_91 {offsets = [14], sizes = [1], strides = [1]} : vector<16xf32> to vector<1xf32>
    %squeeze3A_121 = vector.extract %slice3A_120[0] : f32 from vector<1xf32>
    %slice3A_122 = vector.extract_strided_slice %parallel_loop3A_91 {offsets = [15], sizes = [1], strides = [1]} : vector<16xf32> to vector<1xf32>
    %squeeze3A_123 = vector.extract %slice3A_122[0] : f32 from vector<1xf32>
    %add3A_124 = arith.addf %squeeze3A_93, %squeeze3A_95 : f32
    %add3A_125 = arith.addf %squeeze3A_97, %squeeze3A_99 : f32
    %add3A_126 = arith.addf %squeeze3A_101, %squeeze3A_103 : f32
    %add3A_127 = arith.addf %squeeze3A_105, %squeeze3A_107 : f32
    %add3A_128 = arith.addf %squeeze3A_109, %squeeze3A_111 : f32
    %add3A_129 = arith.addf %squeeze3A_113, %squeeze3A_115 : f32
    %add3A_130 = arith.addf %squeeze3A_117, %squeeze3A_119 : f32
    %add3A_131 = arith.addf %squeeze3A_121, %squeeze3A_123 : f32
    %add3A_132 = arith.addf %add3A_124, %add3A_125 : f32
    %add3A_133 = arith.addf %add3A_126, %add3A_127 : f32
    %add3A_134 = arith.addf %add3A_128, %add3A_129 : f32
    %add3A_135 = arith.addf %add3A_130, %add3A_131 : f32
    %add3A_136 = arith.addf %add3A_132, %add3A_133 : f32
    %add3A_137 = arith.addf %add3A_134, %add3A_135 : f32
    %add3A_138 = arith.addf %add3A_136, %add3A_137 : f32
    %parallel_loop3A_139 = arith.constant 0 : i32
    %parallel_loop3A_140 = arith.constant 128 : i32
    %parallel_loop3A_141 = arith.constant 1 : i32
    scf.for %parallel_loop3A_217 = %parallel_loop3A_139 to %parallel_loop3A_140 step %parallel_loop3A_141  : i32 {
      %parallel_loop3A_218 = arith.constant 16 : i32
      %parallel_loop3A_219 = arith.muli %parallel_loop3A_217, %parallel_loop3A_218 : i32
      %parallel_loop3A_220 = tpu.assume_multiple %parallel_loop3A_219, 8 : i32
      %parallel_loop3A_221 = arith.constant 0.000000e+00 : f32
      %parallel_loop3A_222 = vector.broadcast %parallel_loop3A_221 : f32 to vector<16xf32>
      %parallel_loop3A_223 = arith.index_cast %parallel_loop3A_220 : i32 to index
      %parallel_loop3A_224 = tpu.vector_load %arg15[%parallel_loop3A_223] {strides = array<i32>} : memref<2048xf32, #tpu.memory_space<vmem>>, vector<16xf32>,
      tpu.vector_store %arg15[%parallel_loop3A_223], %parallel_loop3A_222 {strides = array<i32>} : memref<2048xf32, #tpu.memory_space<vmem>>, vector<16xf32>,
      %parallel_loop3A_225 = arith.index_cast %parallel_loop3A_220 : i32 to index
      %parallel_loop3A_226 = tpu.vector_load %arg16[%parallel_loop3A_225] {strides = array<i32>} : memref<2048xf32, #tpu.memory_space<vmem>>, vector<16xf32>,
      tpu.vector_store %arg16[%parallel_loop3A_225], %parallel_loop3A_222 {strides = array<i32>} : memref<2048xf32, #tpu.memory_space<vmem>>, vector<16xf32>,
    } {sc.loop_unroll_factor = 8 : i64, sc.parallel_access}
    %iota3A = tpu.iota {dimensions = array<i32: 0>} : vector<16xi32>
    %add3A_142 = arith.constant 0 : i32
    %add3A_143 = vector.broadcast %add3A_142 : i32 to vector<16xi32>
    %add3A_144 = arith.addi %iota3A, %add3A_143 : vector<16xi32>
    %add3A_145 = arith.constant 16 : i32
    %add3A_146 = vector.broadcast %add3A_145 : i32 to vector<16xi32>
    %add3A_147 = arith.addi %iota3A, %add3A_146 : vector<16xi32>
    %add3A_148 = arith.constant 32 : i32
    %add3A_149 = vector.broadcast %add3A_148 : i32 to vector<16xi32>
    %add3A_150 = arith.addi %iota3A, %add3A_149 : vector<16xi32>
    %add3A_151 = arith.constant 48 : i32
    %add3A_152 = vector.broadcast %add3A_151 : i32 to vector<16xi32>
    %add3A_153 = arith.addi %iota3A, %add3A_152 : vector<16xi32>
    %add3A_154 = arith.constant 64 : i32
    %add3A_155 = vector.broadcast %add3A_154 : i32 to vector<16xi32>
    %add3A_156 = arith.addi %iota3A, %add3A_155 : vector<16xi32>
    %add3A_157 = arith.constant 80 : i32
    %add3A_158 = vector.broadcast %add3A_157 : i32 to vector<16xi32>
    %add3A_159 = arith.addi %iota3A, %add3A_158 : vector<16xi32>
    %add3A_160 = arith.constant 96 : i32
    %add3A_161 = vector.broadcast %add3A_160 : i32 to vector<16xi32>
    %add3A_162 = arith.addi %iota3A, %add3A_161 : vector<16xi32>
    %add3A_163 = arith.constant 112 : i32
    %add3A_164 = vector.broadcast %add3A_163 : i32 to vector<16xi32>
    %add3A_165 = arith.addi %iota3A, %add3A_164 : vector<16xi32>
    %add3A_166 = arith.constant 0 : i32
    %add3A_167 = arith.addi %mul3A_34, %add3A_166 : i32
    %multiple_of3A = tpu.assume_multiple %add3A_167, 8 : i32
    %dma_start3A = tpu.memref_slice %arg5[%multiple_of3A, %mul3A_32] : memref<4096x2048xi32, #tpu.memory_space<hbm>> -> memref<256x128xi32, #tpu.memory_space<hbm>>
    %dma_start3A_168 = tpu.memref_slice %arg5[%multiple_of3A, %mul3A_32] : memref<4096x2048xi32, #tpu.memory_space<hbm>> -> memref<256x128xi32, #tpu.memory_space<hbm>>
    tpu.enqueue_dma source(%dma_start3A_168 : memref<256x128xi32, #tpu.memory_space<hbm>>) target(%arg11 : memref<256x128xi32, #tpu.memory_space<vmem>>) target_semaphore(%arg13 : memref<!tpu.dma_semaphore, #tpu.memory_space<semaphore_mem>>)
    %scan3A = arith.constant 0 : i32
    %scan3A_169 = arith.constant 0 : i32
    %scan3A_170 = arith.constant 4 : i32
    %scan3A_171 = arith.addi %scan3A_169, %scan3A_170 : i32
    %scan3A_172 = arith.constant 1 : i32
    %scan3A_173 = scf.for %scan3A_217 = %scan3A_169 to %scan3A_171 step %scan3A_172 iter_args(%scan3A_218 = %scan3A) -> (i32)  : i32 {
      %mul3A_219 = arith.constant 2 : i32
      %mul3A_220 = arith.muli %scan3A_217, %mul3A_219 : i32
      %mul3A_221 = arith.constant 256 : i32
      %mul3A_222 = arith.muli %mul3A_220, %mul3A_221 : i32
      %add3A_223 = arith.addi %mul3A_34, %mul3A_222 : i32
      %multiple_of3A_224 = tpu.assume_multiple %add3A_223, 8 : i32
      %dma_wait3A = tpu.memref_slice %arg5[%multiple_of3A_224, %mul3A_32] : memref<4096x2048xi32, #tpu.memory_space<hbm>> -> memref<256x128xi32, #tpu.memory_space<hbm>>
      %dma_wait3A_225 = tpu.memref_slice %arg5[%multiple_of3A_224, %mul3A_32] : memref<4096x2048xi32, #tpu.memory_space<hbm>> -> memref<256x128xi32, #tpu.memory_space<hbm>>
      tpu.wait_dma2 semaphore(%arg13 : memref<!tpu.dma_semaphore, #tpu.memory_space<semaphore_mem>>) src(%dma_wait3A_225 : memref<256x128xi32, #tpu.memory_space<hbm>>) dst(%arg11 : memref<256x128xi32, #tpu.memory_space<vmem>>)
      %add3A_226 = arith.constant 1 : i32
      %add3A_227 = arith.addi %mul3A_220, %add3A_226 : i32
      %mul3A_228 = arith.constant 256 : i32
      %mul3A_229 = arith.muli %add3A_227, %mul3A_228 : i32
      %add3A_230 = arith.addi %mul3A_34, %mul3A_229 : i32
      %multiple_of3A_231 = tpu.assume_multiple %add3A_230, 8 : i32
      %dma_start3A_232 = tpu.memref_slice %arg5[%multiple_of3A_231, %mul3A_32] : memref<4096x2048xi32, #tpu.memory_space<hbm>> -> memref<256x128xi32, #tpu.memory_space<hbm>>
      %dma_start3A_233 = tpu.memref_slice %arg5[%multiple_of3A_231, %mul3A_32] : memref<4096x2048xi32, #tpu.memory_space<hbm>> -> memref<256x128xi32, #tpu.memory_space<hbm>>
      tpu.enqueue_dma source(%dma_start3A_233 : memref<256x128xi32, #tpu.memory_space<hbm>>) target(%arg12 : memref<256x128xi32, #tpu.memory_space<vmem>>) target_semaphore(%arg14 : memref<!tpu.dma_semaphore, #tpu.memory_space<semaphore_mem>>)
      %parallel_loop3A_234 = arith.constant 0 : i32
      %parallel_loop3A_235 = arith.constant 256 : i32
      %parallel_loop3A_236 = arith.constant 1 : i32
      scf.for %parallel_loop3A_254 = %parallel_loop3A_234 to %parallel_loop3A_235 step %parallel_loop3A_236  : i32 {
        %parallel_loop3A_255 = arith.constant 256 : i32
        %parallel_loop3A_256 = arith.muli %mul3A_220, %parallel_loop3A_255 : i32
        %parallel_loop3A_257 = arith.addi %mul3A_34, %parallel_loop3A_256 : i32
        %parallel_loop3A_258 = arith.addi %parallel_loop3A_257, %parallel_loop3A_254 : i32
        %parallel_loop3A_259 = vector.broadcast %parallel_loop3A_258 : i32 to vector<16xi32>
        %parallel_loop3A_260 = tpu.vector_load_idx %arg10[%parallel_loop3A_259] : memref<4096xf32, #tpu.memory_space<vmem>>[vector<16xi32>], vector<16xf32>,
        %parallel_loop3A_261 = arith.index_cast %parallel_loop3A_254 : i32 to index
        %parallel_loop3A_262 = arith.constant 0 : index
        %parallel_loop3A_263 = tpu.vector_load %arg11[%parallel_loop3A_261, %parallel_loop3A_262] {strides = array<i32>} : memref<256x128xi32, #tpu.memory_space<vmem>>, vector<16xi32>,
        %parallel_loop3A_264 = arith.constant 7 : i32
        %parallel_loop3A_265 = vector.broadcast %parallel_loop3A_264 : i32 to vector<16xi32>
        %parallel_loop3A_266 = arith.shli %parallel_loop3A_263, %parallel_loop3A_265 : vector<16xi32>
        %parallel_loop3A_267 = arith.addi %parallel_loop3A_266, %add3A_144 : vector<16xi32>
        tpu.vector_store_idx %arg15[%parallel_loop3A_267], %parallel_loop3A_260 {add = true} : memref<2048xf32, #tpu.memory_space<vmem>>[vector<16xi32>], vector<16xf32>,
        %parallel_loop3A_268 = arith.index_cast %parallel_loop3A_254 : i32 to index
        %parallel_loop3A_269 = arith.constant 16 : index
        %parallel_loop3A_270 = tpu.vector_load %arg11[%parallel_loop3A_268, %parallel_loop3A_269] {strides = array<i32>} : memref<256x128xi32, #tpu.memory_space<vmem>>, vector<16xi32>,
        %parallel_loop3A_271 = arith.constant 7 : i32
        %parallel_loop3A_272 = vector.broadcast %parallel_loop3A_271 : i32 to vector<16xi32>
        %parallel_loop3A_273 = arith.shli %parallel_loop3A_270, %parallel_loop3A_272 : vector<16xi32>
        %parallel_loop3A_274 = arith.addi %parallel_loop3A_273, %add3A_147 : vector<16xi32>
        tpu.vector_store_idx %arg15[%parallel_loop3A_274], %parallel_loop3A_260 {add = true} : memref<2048xf32, #tpu.memory_space<vmem>>[vector<16xi32>], vector<16xf32>,
        %parallel_loop3A_275 = arith.index_cast %parallel_loop3A_254 : i32 to index
        %parallel_loop3A_276 = arith.constant 32 : index
        %parallel_loop3A_277 = tpu.vector_load %arg11[%parallel_loop3A_275, %parallel_loop3A_276] {strides = array<i32>} : memref<256x128xi32, #tpu.memory_space<vmem>>, vector<16xi32>,
        %parallel_loop3A_278 = arith.constant 7 : i32
        %parallel_loop3A_279 = vector.broadcast %parallel_loop3A_278 : i32 to vector<16xi32>
        %parallel_loop3A_280 = arith.shli %parallel_loop3A_277, %parallel_loop3A_279 : vector<16xi32>
        %parallel_loop3A_281 = arith.addi %parallel_loop3A_280, %add3A_150 : vector<16xi32>
        tpu.vector_store_idx %arg15[%parallel_loop3A_281], %parallel_loop3A_260 {add = true} : memref<2048xf32, #tpu.memory_space<vmem>>[vector<16xi32>], vector<16xf32>,
        %parallel_loop3A_282 = arith.index_cast %parallel_loop3A_254 : i32 to index
        %parallel_loop3A_283 = arith.constant 48 : index
        %parallel_loop3A_284 = tpu.vector_load %arg11[%parallel_loop3A_282, %parallel_loop3A_283] {strides = array<i32>} : memref<256x128xi32, #tpu.memory_space<vmem>>, vector<16xi32>,
        %parallel_loop3A_285 = arith.constant 7 : i32
        %parallel_loop3A_286 = vector.broadcast %parallel_loop3A_285 : i32 to vector<16xi32>
        %parallel_loop3A_287 = arith.shli %parallel_loop3A_284, %parallel_loop3A_286 : vector<16xi32>
        %parallel_loop3A_288 = arith.addi %parallel_loop3A_287, %add3A_153 : vector<16xi32>
        tpu.vector_store_idx %arg15[%parallel_loop3A_288], %parallel_loop3A_260 {add = true} : memref<2048xf32, #tpu.memory_space<vmem>>[vector<16xi32>], vector<16xf32>,
        %parallel_loop3A_289 = arith.index_cast %parallel_loop3A_254 : i32 to index
        %parallel_loop3A_290 = arith.constant 64 : index
        %parallel_loop3A_291 = tpu.vector_load %arg11[%parallel_loop3A_289, %parallel_loop3A_290] {strides = array<i32>} : memref<256x128xi32, #tpu.memory_space<vmem>>, vector<16xi32>,
        %parallel_loop3A_292 = arith.constant 7 : i32
        %parallel_loop3A_293 = vector.broadcast %parallel_loop3A_292 : i32 to vector<16xi32>
        %parallel_loop3A_294 = arith.shli %parallel_loop3A_291, %parallel_loop3A_293 : vector<16xi32>
        %parallel_loop3A_295 = arith.addi %parallel_loop3A_294, %add3A_156 : vector<16xi32>
        tpu.vector_store_idx %arg15[%parallel_loop3A_295], %parallel_loop3A_260 {add = true} : memref<2048xf32, #tpu.memory_space<vmem>>[vector<16xi32>], vector<16xf32>,
        %parallel_loop3A_296 = arith.index_cast %parallel_loop3A_254 : i32 to index
        %parallel_loop3A_297 = arith.constant 80 : index
        %parallel_loop3A_298 = tpu.vector_load %arg11[%parallel_loop3A_296, %parallel_loop3A_297] {strides = array<i32>} : memref<256x128xi32, #tpu.memory_space<vmem>>, vector<16xi32>,
        %parallel_loop3A_299 = arith.constant 7 : i32
        %parallel_loop3A_300 = vector.broadcast %parallel_loop3A_299 : i32 to vector<16xi32>
        %parallel_loop3A_301 = arith.shli %parallel_loop3A_298, %parallel_loop3A_300 : vector<16xi32>
        %parallel_loop3A_302 = arith.addi %parallel_loop3A_301, %add3A_159 : vector<16xi32>
        tpu.vector_store_idx %arg15[%parallel_loop3A_302], %parallel_loop3A_260 {add = true} : memref<2048xf32, #tpu.memory_space<vmem>>[vector<16xi32>], vector<16xf32>,
        %parallel_loop3A_303 = arith.index_cast %parallel_loop3A_254 : i32 to index
        %parallel_loop3A_304 = arith.constant 96 : index
        %parallel_loop3A_305 = tpu.vector_load %arg11[%parallel_loop3A_303, %parallel_loop3A_304] {strides = array<i32>} : memref<256x128xi32, #tpu.memory_space<vmem>>, vector<16xi32>,
        %parallel_loop3A_306 = arith.constant 7 : i32
        %parallel_loop3A_307 = vector.broadcast %parallel_loop3A_306 : i32 to vector<16xi32>
        %parallel_loop3A_308 = arith.shli %parallel_loop3A_305, %parallel_loop3A_307 : vector<16xi32>
        %parallel_loop3A_309 = arith.addi %parallel_loop3A_308, %add3A_162 : vector<16xi32>
        tpu.vector_store_idx %arg15[%parallel_loop3A_309], %parallel_loop3A_260 {add = true} : memref<2048xf32, #tpu.memory_space<vmem>>[vector<16xi32>], vector<16xf32>,
        %parallel_loop3A_310 = arith.index_cast %parallel_loop3A_254 : i32 to index
        %parallel_loop3A_311 = arith.constant 112 : index
        %parallel_loop3A_312 = tpu.vector_load %arg11[%parallel_loop3A_310, %parallel_loop3A_311] {strides = array<i32>} : memref<256x128xi32, #tpu.memory_space<vmem>>, vector<16xi32>,
        %parallel_loop3A_313 = arith.constant 7 : i32
        %parallel_loop3A_314 = vector.broadcast %parallel_loop3A_313 : i32 to vector<16xi32>
        %parallel_loop3A_315 = arith.shli %parallel_loop3A_312, %parallel_loop3A_314 : vector<16xi32>
        %parallel_loop3A_316 = arith.addi %parallel_loop3A_315, %add3A_165 : vector<16xi32>
        tpu.vector_store_idx %arg15[%parallel_loop3A_316], %parallel_loop3A_260 {add = true} : memref<2048xf32, #tpu.memory_space<vmem>>[vector<16xi32>], vector<16xf32>,
      } {sc.loop_unroll_factor = 8 : i64, sc.parallel_access}
      %add3A_237 = arith.constant 1 : i32
      %add3A_238 = arith.addi %mul3A_220, %add3A_237 : i32
      %mul3A_239 = arith.constant 256 : i32
      %mul3A_240 = arith.muli %add3A_238, %mul3A_239 : i32
      %add3A_241 = arith.addi %mul3A_34, %mul3A_240 : i32
      %multiple_of3A_242 = tpu.assume_multiple %add3A_241, 8 : i32
      %dma_wait3A_243 = tpu.memref_slice %arg5[%multiple_of3A_242, %mul3A_32] : memref<4096x2048xi32, #tpu.memory_space<hbm>> -> memref<256x128xi32, #tpu.memory_space<hbm>>
      %dma_wait3A_244 = tpu.memref_slice %arg5[%multiple_of3A_242, %mul3A_32] : memref<4096x2048xi32, #tpu.memory_space<hbm>> -> memref<256x128xi32, #tpu.memory_space<hbm>>
      tpu.wait_dma2 semaphore(%arg14 : memref<!tpu.dma_semaphore, #tpu.memory_space<semaphore_mem>>) src(%dma_wait3A_244 : memref<256x128xi32, #tpu.memory_space<hbm>>) dst(%arg12 : memref<256x128xi32, #tpu.memory_space<vmem>>)
      %lt3A_245 = arith.constant 3 : i32
      %lt3A_246 = arith.cmpi slt, %scan3A_217, %lt3A_245 : i32
      %convert_element_type3A = arith.extui %lt3A_246 : i1 to i32
      %cond3A = arith.constant 0 : i32
      %cond3A_247 = arith.cmpi ne, %convert_element_type3A, %cond3A : i32
      scf.if %cond3A_247 {
        %add3A_254 = arith.constant 2 : i32
        %add3A_255 = arith.addi %mul3A_220, %add3A_254 : i32
        %mul3A_256 = arith.constant 256 : i32
        %mul3A_257 = arith.muli %add3A_255, %mul3A_256 : i32
        %add3A_258 = arith.addi %mul3A_34, %mul3A_257 : i32
        %multiple_of3A_259 = tpu.assume_multiple %add3A_258, 8 : i32
        %dma_start3A_260 = tpu.memref_slice %arg5[%multiple_of3A_259, %mul3A_32] : memref<4096x2048xi32, #tpu.memory_space<hbm>> -> memref<256x128xi32, #tpu.memory_space<hbm>>
        %dma_start3A_261 = tpu.memref_slice %arg5[%multiple_of3A_259, %mul3A_32] : memref<4096x2048xi32, #tpu.memory_space<hbm>> -> memref<256x128xi32, #tpu.memory_space<hbm>>
        tpu.enqueue_dma source(%dma_start3A_261 : memref<256x128xi32, #tpu.memory_space<hbm>>) target(%arg11 : memref<256x128xi32, #tpu.memory_space<vmem>>) target_semaphore(%arg13 : memref<!tpu.dma_semaphore, #tpu.memory_space<semaphore_mem>>)
      } else {
      }
      %add3A_248 = arith.constant 1 : i32
      %add3A_249 = arith.addi %mul3A_220, %add3A_248 : i32
      %parallel_loop3A_250 = arith.constant 0 : i32
      %parallel_loop3A_251 = arith.constant 256 : i32
      %parallel_loop3A_252 = arith.constant 1 : i32
      scf.for %parallel_loop3A_254 = %parallel_loop3A_250 to %parallel_loop3A_251 step %parallel_loop3A_252  : i32 {
        %parallel_loop3A_255 = arith.constant 256 : i32
        %parallel_loop3A_256 = arith.muli %add3A_249, %parallel_loop3A_255 : i32
        %parallel_loop3A_257 = arith.addi %mul3A_34, %parallel_loop3A_256 : i32
        %parallel_loop3A_258 = arith.addi %parallel_loop3A_257, %parallel_loop3A_254 : i32
        %parallel_loop3A_259 = vector.broadcast %parallel_loop3A_258 : i32 to vector<16xi32>
        %parallel_loop3A_260 = tpu.vector_load_idx %arg10[%parallel_loop3A_259] : memref<4096xf32, #tpu.memory_space<vmem>>[vector<16xi32>], vector<16xf32>,
        %parallel_loop3A_261 = arith.index_cast %parallel_loop3A_254 : i32 to index
        %parallel_loop3A_262 = arith.constant 0 : index
        %parallel_loop3A_263 = tpu.vector_load %arg12[%parallel_loop3A_261, %parallel_loop3A_262] {strides = array<i32>} : memref<256x128xi32, #tpu.memory_space<vmem>>, vector<16xi32>,
        %parallel_loop3A_264 = arith.constant 7 : i32
        %parallel_loop3A_265 = vector.broadcast %parallel_loop3A_264 : i32 to vector<16xi32>
        %parallel_loop3A_266 = arith.shli %parallel_loop3A_263, %parallel_loop3A_265 : vector<16xi32>
        %parallel_loop3A_267 = arith.addi %parallel_loop3A_266, %add3A_144 : vector<16xi32>
        tpu.vector_store_idx %arg15[%parallel_loop3A_267], %parallel_loop3A_260 {add = true} : memref<2048xf32, #tpu.memory_space<vmem>>[vector<16xi32>], vector<16xf32>,
        %parallel_loop3A_268 = arith.index_cast %parallel_loop3A_254 : i32 to index
        %parallel_loop3A_269 = arith.constant 16 : index
        %parallel_loop3A_270 = tpu.vector_load %arg12[%parallel_loop3A_268, %parallel_loop3A_269] {strides = array<i32>} : memref<256x128xi32, #tpu.memory_space<vmem>>, vector<16xi32>,
        %parallel_loop3A_271 = arith.constant 7 : i32
        %parallel_loop3A_272 = vector.broadcast %parallel_loop3A_271 : i32 to vector<16xi32>
        %parallel_loop3A_273 = arith.shli %parallel_loop3A_270, %parallel_loop3A_272 : vector<16xi32>
        %parallel_loop3A_274 = arith.addi %parallel_loop3A_273, %add3A_147 : vector<16xi32>
        tpu.vector_store_idx %arg15[%parallel_loop3A_274], %parallel_loop3A_260 {add = true} : memref<2048xf32, #tpu.memory_space<vmem>>[vector<16xi32>], vector<16xf32>,
        %parallel_loop3A_275 = arith.index_cast %parallel_loop3A_254 : i32 to index
        %parallel_loop3A_276 = arith.constant 32 : index
        %parallel_loop3A_277 = tpu.vector_load %arg12[%parallel_loop3A_275, %parallel_loop3A_276] {strides = array<i32>} : memref<256x128xi32, #tpu.memory_space<vmem>>, vector<16xi32>,
        %parallel_loop3A_278 = arith.constant 7 : i32
        %parallel_loop3A_279 = vector.broadcast %parallel_loop3A_278 : i32 to vector<16xi32>
        %parallel_loop3A_280 = arith.shli %parallel_loop3A_277, %parallel_loop3A_279 : vector<16xi32>
        %parallel_loop3A_281 = arith.addi %parallel_loop3A_280, %add3A_150 : vector<16xi32>
        tpu.vector_store_idx %arg15[%parallel_loop3A_281], %parallel_loop3A_260 {add = true} : memref<2048xf32, #tpu.memory_space<vmem>>[vector<16xi32>], vector<16xf32>,
        %parallel_loop3A_282 = arith.index_cast %parallel_loop3A_254 : i32 to index
        %parallel_loop3A_283 = arith.constant 48 : index
        %parallel_loop3A_284 = tpu.vector_load %arg12[%parallel_loop3A_282, %parallel_loop3A_283] {strides = array<i32>} : memref<256x128xi32, #tpu.memory_space<vmem>>, vector<16xi32>,
        %parallel_loop3A_285 = arith.constant 7 : i32
        %parallel_loop3A_286 = vector.broadcast %parallel_loop3A_285 : i32 to vector<16xi32>
        %parallel_loop3A_287 = arith.shli %parallel_loop3A_284, %parallel_loop3A_286 : vector<16xi32>
        %parallel_loop3A_288 = arith.addi %parallel_loop3A_287, %add3A_153 : vector<16xi32>
        tpu.vector_store_idx %arg15[%parallel_loop3A_288], %parallel_loop3A_260 {add = true} : memref<2048xf32, #tpu.memory_space<vmem>>[vector<16xi32>], vector<16xf32>,
        %parallel_loop3A_289 = arith.index_cast %parallel_loop3A_254 : i32 to index
        %parallel_loop3A_290 = arith.constant 64 : index
        %parallel_loop3A_291 = tpu.vector_load %arg12[%parallel_loop3A_289, %parallel_loop3A_290] {strides = array<i32>} : memref<256x128xi32, #tpu.memory_space<vmem>>, vector<16xi32>,
        %parallel_loop3A_292 = arith.constant 7 : i32
        %parallel_loop3A_293 = vector.broadcast %parallel_loop3A_292 : i32 to vector<16xi32>
        %parallel_loop3A_294 = arith.shli %parallel_loop3A_291, %parallel_loop3A_293 : vector<16xi32>
        %parallel_loop3A_295 = arith.addi %parallel_loop3A_294, %add3A_156 : vector<16xi32>
        tpu.vector_store_idx %arg15[%parallel_loop3A_295], %parallel_loop3A_260 {add = true} : memref<2048xf32, #tpu.memory_space<vmem>>[vector<16xi32>], vector<16xf32>,
        %parallel_loop3A_296 = arith.index_cast %parallel_loop3A_254 : i32 to index
        %parallel_loop3A_297 = arith.constant 80 : index
        %parallel_loop3A_298 = tpu.vector_load %arg12[%parallel_loop3A_296, %parallel_loop3A_297] {strides = array<i32>} : memref<256x128xi32, #tpu.memory_space<vmem>>, vector<16xi32>,
        %parallel_loop3A_299 = arith.constant 7 : i32
        %parallel_loop3A_300 = vector.broadcast %parallel_loop3A_299 : i32 to vector<16xi32>
        %parallel_loop3A_301 = arith.shli %parallel_loop3A_298, %parallel_loop3A_300 : vector<16xi32>
        %parallel_loop3A_302 = arith.addi %parallel_loop3A_301, %add3A_159 : vector<16xi32>
        tpu.vector_store_idx %arg15[%parallel_loop3A_302], %parallel_loop3A_260 {add = true} : memref<2048xf32, #tpu.memory_space<vmem>>[vector<16xi32>], vector<16xf32>,
        %parallel_loop3A_303 = arith.index_cast %parallel_loop3A_254 : i32 to index
        %parallel_loop3A_304 = arith.constant 96 : index
        %parallel_loop3A_305 = tpu.vector_load %arg12[%parallel_loop3A_303, %parallel_loop3A_304] {strides = array<i32>} : memref<256x128xi32, #tpu.memory_space<vmem>>, vector<16xi32>,
        %parallel_loop3A_306 = arith.constant 7 : i32
        %parallel_loop3A_307 = vector.broadcast %parallel_loop3A_306 : i32 to vector<16xi32>
        %parallel_loop3A_308 = arith.shli %parallel_loop3A_305, %parallel_loop3A_307 : vector<16xi32>
        %parallel_loop3A_309 = arith.addi %parallel_loop3A_308, %add3A_162 : vector<16xi32>
        tpu.vector_store_idx %arg15[%parallel_loop3A_309], %parallel_loop3A_260 {add = true} : memref<2048xf32, #tpu.memory_space<vmem>>[vector<16xi32>], vector<16xf32>,
        %parallel_loop3A_310 = arith.index_cast %parallel_loop3A_254 : i32 to index
        %parallel_loop3A_311 = arith.constant 112 : index
        %parallel_loop3A_312 = tpu.vector_load %arg12[%parallel_loop3A_310, %parallel_loop3A_311] {strides = array<i32>} : memref<256x128xi32, #tpu.memory_space<vmem>>, vector<16xi32>,
        %parallel_loop3A_313 = arith.constant 7 : i32
        %parallel_loop3A_314 = vector.broadcast %parallel_loop3A_313 : i32 to vector<16xi32>
        %parallel_loop3A_315 = arith.shli %parallel_loop3A_312, %parallel_loop3A_314 : vector<16xi32>
        %parallel_loop3A_316 = arith.addi %parallel_loop3A_315, %add3A_165 : vector<16xi32>
        tpu.vector_store_idx %arg15[%parallel_loop3A_316], %parallel_loop3A_260 {add = true} : memref<2048xf32, #tpu.memory_space<vmem>>[vector<16xi32>], vector<16xf32>,
      } {sc.loop_unroll_factor = 8 : i64, sc.parallel_access}
      %scan3A_253 = arith.constant 0 : i32
      scf.yield %scan3A_253 : i32
    }
    %scan3A_174 = arith.constant 4 : i32
    %add3A_175 = arith.constant 0 : i32
    %add3A_176 = arith.addi %mul3A_34, %add3A_175 : i32
    %multiple_of3A_177 = tpu.assume_multiple %add3A_176, 8 : i32
    %dma_start3A_178 = tpu.memref_slice %arg6[%multiple_of3A_177, %mul3A_32] : memref<4096x2048xi32, #tpu.memory_space<hbm>> -> memref<256x128xi32, #tpu.memory_space<hbm>>
    %dma_start3A_179 = tpu.memref_slice %arg6[%multiple_of3A_177, %mul3A_32] : memref<4096x2048xi32, #tpu.memory_space<hbm>> -> memref<256x128xi32, #tpu.memory_space<hbm>>
    tpu.enqueue_dma source(%dma_start3A_179 : memref<256x128xi32, #tpu.memory_space<hbm>>) target(%arg11 : memref<256x128xi32, #tpu.memory_space<vmem>>) target_semaphore(%arg13 : memref<!tpu.dma_semaphore, #tpu.memory_space<semaphore_mem>>)
    %scan3A_180 = arith.constant 0 : i32
    %scan3A_181 = arith.constant 0 : i32
    %scan3A_182 = arith.constant 4 : i32
    %scan3A_183 = arith.addi %scan3A_181, %scan3A_182 : i32
    %scan3A_184 = arith.constant 1 : i32
    %scan3A_185 = scf.for %scan3A_217 = %scan3A_181 to %scan3A_183 step %scan3A_184 iter_args(%scan3A_218 = %scan3A_180) -> (i32)  : i32 {
      %mul3A_219 = arith.constant 2 : i32
      %mul3A_220 = arith.muli %scan3A_217, %mul3A_219 : i32
      %mul3A_221 = arith.constant 256 : i32
      %mul3A_222 = arith.muli %mul3A_220, %mul3A_221 : i32
      %add3A_223 = arith.addi %mul3A_34, %mul3A_222 : i32
      %multiple_of3A_224 = tpu.assume_multiple %add3A_223, 8 : i32
      %dma_wait3A = tpu.memref_slice %arg6[%multiple_of3A_224, %mul3A_32] : memref<4096x2048xi32, #tpu.memory_space<hbm>> -> memref<256x128xi32, #tpu.memory_space<hbm>>
      %dma_wait3A_225 = tpu.memref_slice %arg6[%multiple_of3A_224, %mul3A_32] : memref<4096x2048xi32, #tpu.memory_space<hbm>> -> memref<256x128xi32, #tpu.memory_space<hbm>>
      tpu.wait_dma2 semaphore(%arg13 : memref<!tpu.dma_semaphore, #tpu.memory_space<semaphore_mem>>) src(%dma_wait3A_225 : memref<256x128xi32, #tpu.memory_space<hbm>>) dst(%arg11 : memref<256x128xi32, #tpu.memory_space<vmem>>)
      %add3A_226 = arith.constant 1 : i32
      %add3A_227 = arith.addi %mul3A_220, %add3A_226 : i32
      %mul3A_228 = arith.constant 256 : i32
      %mul3A_229 = arith.muli %add3A_227, %mul3A_228 : i32
      %add3A_230 = arith.addi %mul3A_34, %mul3A_229 : i32
      %multiple_of3A_231 = tpu.assume_multiple %add3A_230, 8 : i32
      %dma_start3A_232 = tpu.memref_slice %arg6[%multiple_of3A_231, %mul3A_32] : memref<4096x2048xi32, #tpu.memory_space<hbm>> -> memref<256x128xi32, #tpu.memory_space<hbm>>
      %dma_start3A_233 = tpu.memref_slice %arg6[%multiple_of3A_231, %mul3A_32] : memref<4096x2048xi32, #tpu.memory_space<hbm>> -> memref<256x128xi32, #tpu.memory_space<hbm>>
      tpu.enqueue_dma source(%dma_start3A_233 : memref<256x128xi32, #tpu.memory_space<hbm>>) target(%arg12 : memref<256x128xi32, #tpu.memory_space<vmem>>) target_semaphore(%arg14 : memref<!tpu.dma_semaphore, #tpu.memory_space<semaphore_mem>>)
      %parallel_loop3A_234 = arith.constant 0 : i32
      %parallel_loop3A_235 = arith.constant 256 : i32
      %parallel_loop3A_236 = arith.constant 1 : i32
      scf.for %parallel_loop3A_254 = %parallel_loop3A_234 to %parallel_loop3A_235 step %parallel_loop3A_236  : i32 {
        %parallel_loop3A_255 = arith.constant 256 : i32
        %parallel_loop3A_256 = arith.muli %mul3A_220, %parallel_loop3A_255 : i32
        %parallel_loop3A_257 = arith.addi %mul3A_34, %parallel_loop3A_256 : i32
        %parallel_loop3A_258 = arith.addi %parallel_loop3A_257, %parallel_loop3A_254 : i32
        %parallel_loop3A_259 = vector.broadcast %parallel_loop3A_258 : i32 to vector<16xi32>
        %parallel_loop3A_260 = tpu.vector_load_idx %arg10[%parallel_loop3A_259] : memref<4096xf32, #tpu.memory_space<vmem>>[vector<16xi32>], vector<16xf32>,
        %parallel_loop3A_261 = arith.index_cast %parallel_loop3A_254 : i32 to index
        %parallel_loop3A_262 = arith.constant 0 : index
        %parallel_loop3A_263 = tpu.vector_load %arg11[%parallel_loop3A_261, %parallel_loop3A_262] {strides = array<i32>} : memref<256x128xi32, #tpu.memory_space<vmem>>, vector<16xi32>,
        %parallel_loop3A_264 = arith.constant 7 : i32
        %parallel_loop3A_265 = vector.broadcast %parallel_loop3A_264 : i32 to vector<16xi32>
        %parallel_loop3A_266 = arith.shli %parallel_loop3A_263, %parallel_loop3A_265 : vector<16xi32>
        %parallel_loop3A_267 = arith.addi %parallel_loop3A_266, %add3A_144 : vector<16xi32>
        tpu.vector_store_idx %arg16[%parallel_loop3A_267], %parallel_loop3A_260 {add = true} : memref<2048xf32, #tpu.memory_space<vmem>>[vector<16xi32>], vector<16xf32>,
        %parallel_loop3A_268 = arith.index_cast %parallel_loop3A_254 : i32 to index
        %parallel_loop3A_269 = arith.constant 16 : index
        %parallel_loop3A_270 = tpu.vector_load %arg11[%parallel_loop3A_268, %parallel_loop3A_269] {strides = array<i32>} : memref<256x128xi32, #tpu.memory_space<vmem>>, vector<16xi32>,
        %parallel_loop3A_271 = arith.constant 7 : i32
        %parallel_loop3A_272 = vector.broadcast %parallel_loop3A_271 : i32 to vector<16xi32>
        %parallel_loop3A_273 = arith.shli %parallel_loop3A_270, %parallel_loop3A_272 : vector<16xi32>
        %parallel_loop3A_274 = arith.addi %parallel_loop3A_273, %add3A_147 : vector<16xi32>
        tpu.vector_store_idx %arg16[%parallel_loop3A_274], %parallel_loop3A_260 {add = true} : memref<2048xf32, #tpu.memory_space<vmem>>[vector<16xi32>], vector<16xf32>,
        %parallel_loop3A_275 = arith.index_cast %parallel_loop3A_254 : i32 to index
        %parallel_loop3A_276 = arith.constant 32 : index
        %parallel_loop3A_277 = tpu.vector_load %arg11[%parallel_loop3A_275, %parallel_loop3A_276] {strides = array<i32>} : memref<256x128xi32, #tpu.memory_space<vmem>>, vector<16xi32>,
        %parallel_loop3A_278 = arith.constant 7 : i32
        %parallel_loop3A_279 = vector.broadcast %parallel_loop3A_278 : i32 to vector<16xi32>
        %parallel_loop3A_280 = arith.shli %parallel_loop3A_277, %parallel_loop3A_279 : vector<16xi32>
        %parallel_loop3A_281 = arith.addi %parallel_loop3A_280, %add3A_150 : vector<16xi32>
        tpu.vector_store_idx %arg16[%parallel_loop3A_281], %parallel_loop3A_260 {add = true} : memref<2048xf32, #tpu.memory_space<vmem>>[vector<16xi32>], vector<16xf32>,
        %parallel_loop3A_282 = arith.index_cast %parallel_loop3A_254 : i32 to index
        %parallel_loop3A_283 = arith.constant 48 : index
        %parallel_loop3A_284 = tpu.vector_load %arg11[%parallel_loop3A_282, %parallel_loop3A_283] {strides = array<i32>} : memref<256x128xi32, #tpu.memory_space<vmem>>, vector<16xi32>,
        %parallel_loop3A_285 = arith.constant 7 : i32
        %parallel_loop3A_286 = vector.broadcast %parallel_loop3A_285 : i32 to vector<16xi32>
        %parallel_loop3A_287 = arith.shli %parallel_loop3A_284, %parallel_loop3A_286 : vector<16xi32>
        %parallel_loop3A_288 = arith.addi %parallel_loop3A_287, %add3A_153 : vector<16xi32>
        tpu.vector_store_idx %arg16[%parallel_loop3A_288], %parallel_loop3A_260 {add = true} : memref<2048xf32, #tpu.memory_space<vmem>>[vector<16xi32>], vector<16xf32>,
        %parallel_loop3A_289 = arith.index_cast %parallel_loop3A_254 : i32 to index
        %parallel_loop3A_290 = arith.constant 64 : index
        %parallel_loop3A_291 = tpu.vector_load %arg11[%parallel_loop3A_289, %parallel_loop3A_290] {strides = array<i32>} : memref<256x128xi32, #tpu.memory_space<vmem>>, vector<16xi32>,
        %parallel_loop3A_292 = arith.constant 7 : i32
        %parallel_loop3A_293 = vector.broadcast %parallel_loop3A_292 : i32 to vector<16xi32>
        %parallel_loop3A_294 = arith.shli %parallel_loop3A_291, %parallel_loop3A_293 : vector<16xi32>
        %parallel_loop3A_295 = arith.addi %parallel_loop3A_294, %add3A_156 : vector<16xi32>
        tpu.vector_store_idx %arg16[%parallel_loop3A_295], %parallel_loop3A_260 {add = true} : memref<2048xf32, #tpu.memory_space<vmem>>[vector<16xi32>], vector<16xf32>,
        %parallel_loop3A_296 = arith.index_cast %parallel_loop3A_254 : i32 to index
        %parallel_loop3A_297 = arith.constant 80 : index
        %parallel_loop3A_298 = tpu.vector_load %arg11[%parallel_loop3A_296, %parallel_loop3A_297] {strides = array<i32>} : memref<256x128xi32, #tpu.memory_space<vmem>>, vector<16xi32>,
        %parallel_loop3A_299 = arith.constant 7 : i32
        %parallel_loop3A_300 = vector.broadcast %parallel_loop3A_299 : i32 to vector<16xi32>
        %parallel_loop3A_301 = arith.shli %parallel_loop3A_298, %parallel_loop3A_300 : vector<16xi32>
        %parallel_loop3A_302 = arith.addi %parallel_loop3A_301, %add3A_159 : vector<16xi32>
        tpu.vector_store_idx %arg16[%parallel_loop3A_302], %parallel_loop3A_260 {add = true} : memref<2048xf32, #tpu.memory_space<vmem>>[vector<16xi32>], vector<16xf32>,
        %parallel_loop3A_303 = arith.index_cast %parallel_loop3A_254 : i32 to index
        %parallel_loop3A_304 = arith.constant 96 : index
        %parallel_loop3A_305 = tpu.vector_load %arg11[%parallel_loop3A_303, %parallel_loop3A_304] {strides = array<i32>} : memref<256x128xi32, #tpu.memory_space<vmem>>, vector<16xi32>,
        %parallel_loop3A_306 = arith.constant 7 : i32
        %parallel_loop3A_307 = vector.broadcast %parallel_loop3A_306 : i32 to vector<16xi32>
        %parallel_loop3A_308 = arith.shli %parallel_loop3A_305, %parallel_loop3A_307 : vector<16xi32>
        %parallel_loop3A_309 = arith.addi %parallel_loop3A_308, %add3A_162 : vector<16xi32>
        tpu.vector_store_idx %arg16[%parallel_loop3A_309], %parallel_loop3A_260 {add = true} : memref<2048xf32, #tpu.memory_space<vmem>>[vector<16xi32>], vector<16xf32>,
        %parallel_loop3A_310 = arith.index_cast %parallel_loop3A_254 : i32 to index
        %parallel_loop3A_311 = arith.constant 112 : index
        %parallel_loop3A_312 = tpu.vector_load %arg11[%parallel_loop3A_310, %parallel_loop3A_311] {strides = array<i32>} : memref<256x128xi32, #tpu.memory_space<vmem>>, vector<16xi32>,
        %parallel_loop3A_313 = arith.constant 7 : i32
        %parallel_loop3A_314 = vector.broadcast %parallel_loop3A_313 : i32 to vector<16xi32>
        %parallel_loop3A_315 = arith.shli %parallel_loop3A_312, %parallel_loop3A_314 : vector<16xi32>
        %parallel_loop3A_316 = arith.addi %parallel_loop3A_315, %add3A_165 : vector<16xi32>
        tpu.vector_store_idx %arg16[%parallel_loop3A_316], %parallel_loop3A_260 {add = true} : memref<2048xf32, #tpu.memory_space<vmem>>[vector<16xi32>], vector<16xf32>,
      } {sc.loop_unroll_factor = 8 : i64, sc.parallel_access}
      %add3A_237 = arith.constant 1 : i32
      %add3A_238 = arith.addi %mul3A_220, %add3A_237 : i32
      %mul3A_239 = arith.constant 256 : i32
      %mul3A_240 = arith.muli %add3A_238, %mul3A_239 : i32
      %add3A_241 = arith.addi %mul3A_34, %mul3A_240 : i32
      %multiple_of3A_242 = tpu.assume_multiple %add3A_241, 8 : i32
      %dma_wait3A_243 = tpu.memref_slice %arg6[%multiple_of3A_242, %mul3A_32] : memref<4096x2048xi32, #tpu.memory_space<hbm>> -> memref<256x128xi32, #tpu.memory_space<hbm>>
      %dma_wait3A_244 = tpu.memref_slice %arg6[%multiple_of3A_242, %mul3A_32] : memref<4096x2048xi32, #tpu.memory_space<hbm>> -> memref<256x128xi32, #tpu.memory_space<hbm>>
      tpu.wait_dma2 semaphore(%arg14 : memref<!tpu.dma_semaphore, #tpu.memory_space<semaphore_mem>>) src(%dma_wait3A_244 : memref<256x128xi32, #tpu.memory_space<hbm>>) dst(%arg12 : memref<256x128xi32, #tpu.memory_space<vmem>>)
      %lt3A_245 = arith.constant 3 : i32
      %lt3A_246 = arith.cmpi slt, %scan3A_217, %lt3A_245 : i32
      %convert_element_type3A = arith.extui %lt3A_246 : i1 to i32
      %cond3A = arith.constant 0 : i32
      %cond3A_247 = arith.cmpi ne, %convert_element_type3A, %cond3A : i32
      scf.if %cond3A_247 {
        %add3A_254 = arith.constant 2 : i32
        %add3A_255 = arith.addi %mul3A_220, %add3A_254 : i32
        %mul3A_256 = arith.constant 256 : i32
        %mul3A_257 = arith.muli %add3A_255, %mul3A_256 : i32
        %add3A_258 = arith.addi %mul3A_34, %mul3A_257 : i32
        %multiple_of3A_259 = tpu.assume_multiple %add3A_258, 8 : i32
        %dma_start3A_260 = tpu.memref_slice %arg6[%multiple_of3A_259, %mul3A_32] : memref<4096x2048xi32, #tpu.memory_space<hbm>> -> memref<256x128xi32, #tpu.memory_space<hbm>>
        %dma_start3A_261 = tpu.memref_slice %arg6[%multiple_of3A_259, %mul3A_32] : memref<4096x2048xi32, #tpu.memory_space<hbm>> -> memref<256x128xi32, #tpu.memory_space<hbm>>
        tpu.enqueue_dma source(%dma_start3A_261 : memref<256x128xi32, #tpu.memory_space<hbm>>) target(%arg11 : memref<256x128xi32, #tpu.memory_space<vmem>>) target_semaphore(%arg13 : memref<!tpu.dma_semaphore, #tpu.memory_space<semaphore_mem>>)
      } else {
      }
      %add3A_248 = arith.constant 1 : i32
      %add3A_249 = arith.addi %mul3A_220, %add3A_248 : i32
      %parallel_loop3A_250 = arith.constant 0 : i32
      %parallel_loop3A_251 = arith.constant 256 : i32
      %parallel_loop3A_252 = arith.constant 1 : i32
      scf.for %parallel_loop3A_254 = %parallel_loop3A_250 to %parallel_loop3A_251 step %parallel_loop3A_252  : i32 {
        %parallel_loop3A_255 = arith.constant 256 : i32
        %parallel_loop3A_256 = arith.muli %add3A_249, %parallel_loop3A_255 : i32
        %parallel_loop3A_257 = arith.addi %mul3A_34, %parallel_loop3A_256 : i32
        %parallel_loop3A_258 = arith.addi %parallel_loop3A_257, %parallel_loop3A_254 : i32
        %parallel_loop3A_259 = vector.broadcast %parallel_loop3A_258 : i32 to vector<16xi32>
        %parallel_loop3A_260 = tpu.vector_load_idx %arg10[%parallel_loop3A_259] : memref<4096xf32, #tpu.memory_space<vmem>>[vector<16xi32>], vector<16xf32>,
        %parallel_loop3A_261 = arith.index_cast %parallel_loop3A_254 : i32 to index
        %parallel_loop3A_262 = arith.constant 0 : index
        %parallel_loop3A_263 = tpu.vector_load %arg12[%parallel_loop3A_261, %parallel_loop3A_262] {strides = array<i32>} : memref<256x128xi32, #tpu.memory_space<vmem>>, vector<16xi32>,
        %parallel_loop3A_264 = arith.constant 7 : i32
        %parallel_loop3A_265 = vector.broadcast %parallel_loop3A_264 : i32 to vector<16xi32>
        %parallel_loop3A_266 = arith.shli %parallel_loop3A_263, %parallel_loop3A_265 : vector<16xi32>
        %parallel_loop3A_267 = arith.addi %parallel_loop3A_266, %add3A_144 : vector<16xi32>
        tpu.vector_store_idx %arg16[%parallel_loop3A_267], %parallel_loop3A_260 {add = true} : memref<2048xf32, #tpu.memory_space<vmem>>[vector<16xi32>], vector<16xf32>,
        %parallel_loop3A_268 = arith.index_cast %parallel_loop3A_254 : i32 to index
        %parallel_loop3A_269 = arith.constant 16 : index
        %parallel_loop3A_270 = tpu.vector_load %arg12[%parallel_loop3A_268, %parallel_loop3A_269] {strides = array<i32>} : memref<256x128xi32, #tpu.memory_space<vmem>>, vector<16xi32>,
        %parallel_loop3A_271 = arith.constant 7 : i32
        %parallel_loop3A_272 = vector.broadcast %parallel_loop3A_271 : i32 to vector<16xi32>
        %parallel_loop3A_273 = arith.shli %parallel_loop3A_270, %parallel_loop3A_272 : vector<16xi32>
        %parallel_loop3A_274 = arith.addi %parallel_loop3A_273, %add3A_147 : vector<16xi32>
        tpu.vector_store_idx %arg16[%parallel_loop3A_274], %parallel_loop3A_260 {add = true} : memref<2048xf32, #tpu.memory_space<vmem>>[vector<16xi32>], vector<16xf32>,
        %parallel_loop3A_275 = arith.index_cast %parallel_loop3A_254 : i32 to index
        %parallel_loop3A_276 = arith.constant 32 : index
        %parallel_loop3A_277 = tpu.vector_load %arg12[%parallel_loop3A_275, %parallel_loop3A_276] {strides = array<i32>} : memref<256x128xi32, #tpu.memory_space<vmem>>, vector<16xi32>,
        %parallel_loop3A_278 = arith.constant 7 : i32
        %parallel_loop3A_279 = vector.broadcast %parallel_loop3A_278 : i32 to vector<16xi32>
        %parallel_loop3A_280 = arith.shli %parallel_loop3A_277, %parallel_loop3A_279 : vector<16xi32>
        %parallel_loop3A_281 = arith.addi %parallel_loop3A_280, %add3A_150 : vector<16xi32>
        tpu.vector_store_idx %arg16[%parallel_loop3A_281], %parallel_loop3A_260 {add = true} : memref<2048xf32, #tpu.memory_space<vmem>>[vector<16xi32>], vector<16xf32>,
        %parallel_loop3A_282 = arith.index_cast %parallel_loop3A_254 : i32 to index
        %parallel_loop3A_283 = arith.constant 48 : index
        %parallel_loop3A_284 = tpu.vector_load %arg12[%parallel_loop3A_282, %parallel_loop3A_283] {strides = array<i32>} : memref<256x128xi32, #tpu.memory_space<vmem>>, vector<16xi32>,
        %parallel_loop3A_285 = arith.constant 7 : i32
        %parallel_loop3A_286 = vector.broadcast %parallel_loop3A_285 : i32 to vector<16xi32>
        %parallel_loop3A_287 = arith.shli %parallel_loop3A_284, %parallel_loop3A_286 : vector<16xi32>
        %parallel_loop3A_288 = arith.addi %parallel_loop3A_287, %add3A_153 : vector<16xi32>
        tpu.vector_store_idx %arg16[%parallel_loop3A_288], %parallel_loop3A_260 {add = true} : memref<2048xf32, #tpu.memory_space<vmem>>[vector<16xi32>], vector<16xf32>,
        %parallel_loop3A_289 = arith.index_cast %parallel_loop3A_254 : i32 to index
        %parallel_loop3A_290 = arith.constant 64 : index
        %parallel_loop3A_291 = tpu.vector_load %arg12[%parallel_loop3A_289, %parallel_loop3A_290] {strides = array<i32>} : memref<256x128xi32, #tpu.memory_space<vmem>>, vector<16xi32>,
        %parallel_loop3A_292 = arith.constant 7 : i32
        %parallel_loop3A_293 = vector.broadcast %parallel_loop3A_292 : i32 to vector<16xi32>
        %parallel_loop3A_294 = arith.shli %parallel_loop3A_291, %parallel_loop3A_293 : vector<16xi32>
        %parallel_loop3A_295 = arith.addi %parallel_loop3A_294, %add3A_156 : vector<16xi32>
        tpu.vector_store_idx %arg16[%parallel_loop3A_295], %parallel_loop3A_260 {add = true} : memref<2048xf32, #tpu.memory_space<vmem>>[vector<16xi32>], vector<16xf32>,
        %parallel_loop3A_296 = arith.index_cast %parallel_loop3A_254 : i32 to index
        %parallel_loop3A_297 = arith.constant 80 : index
        %parallel_loop3A_298 = tpu.vector_load %arg12[%parallel_loop3A_296, %parallel_loop3A_297] {strides = array<i32>} : memref<256x128xi32, #tpu.memory_space<vmem>>, vector<16xi32>,
        %parallel_loop3A_299 = arith.constant 7 : i32
        %parallel_loop3A_300 = vector.broadcast %parallel_loop3A_299 : i32 to vector<16xi32>
        %parallel_loop3A_301 = arith.shli %parallel_loop3A_298, %parallel_loop3A_300 : vector<16xi32>
        %parallel_loop3A_302 = arith.addi %parallel_loop3A_301, %add3A_159 : vector<16xi32>
        tpu.vector_store_idx %arg16[%parallel_loop3A_302], %parallel_loop3A_260 {add = true} : memref<2048xf32, #tpu.memory_space<vmem>>[vector<16xi32>], vector<16xf32>,
        %parallel_loop3A_303 = arith.index_cast %parallel_loop3A_254 : i32 to index
        %parallel_loop3A_304 = arith.constant 96 : index
        %parallel_loop3A_305 = tpu.vector_load %arg12[%parallel_loop3A_303, %parallel_loop3A_304] {strides = array<i32>} : memref<256x128xi32, #tpu.memory_space<vmem>>, vector<16xi32>,
        %parallel_loop3A_306 = arith.constant 7 : i32
        %parallel_loop3A_307 = vector.broadcast %parallel_loop3A_306 : i32 to vector<16xi32>
        %parallel_loop3A_308 = arith.shli %parallel_loop3A_305, %parallel_loop3A_307 : vector<16xi32>
        %parallel_loop3A_309 = arith.addi %parallel_loop3A_308, %add3A_162 : vector<16xi32>
        tpu.vector_store_idx %arg16[%parallel_loop3A_309], %parallel_loop3A_260 {add = true} : memref<2048xf32, #tpu.memory_space<vmem>>[vector<16xi32>], vector<16xf32>,
        %parallel_loop3A_310 = arith.index_cast %parallel_loop3A_254 : i32 to index
        %parallel_loop3A_311 = arith.constant 112 : index
        %parallel_loop3A_312 = tpu.vector_load %arg12[%parallel_loop3A_310, %parallel_loop3A_311] {strides = array<i32>} : memref<256x128xi32, #tpu.memory_space<vmem>>, vector<16xi32>,
        %parallel_loop3A_313 = arith.constant 7 : i32
        %parallel_loop3A_314 = vector.broadcast %parallel_loop3A_313 : i32 to vector<16xi32>
        %parallel_loop3A_315 = arith.shli %parallel_loop3A_312, %parallel_loop3A_314 : vector<16xi32>
        %parallel_loop3A_316 = arith.addi %parallel_loop3A_315, %add3A_165 : vector<16xi32>
        tpu.vector_store_idx %arg16[%parallel_loop3A_316], %parallel_loop3A_260 {add = true} : memref<2048xf32, #tpu.memory_space<vmem>>[vector<16xi32>], vector<16xf32>,
      } {sc.loop_unroll_factor = 8 : i64, sc.parallel_access}
      %scan3A_253 = arith.constant 0 : i32
      scf.yield %scan3A_253 : i32
    }
    %scan3A_186 = arith.constant 4 : i32
    "tpu.region"() ({
      %run_scoped3A = tpu.sem_alloc : memref<!tpu.dma_semaphore, #tpu.memory_space<semaphore_mem>>
      %dma_start3A_217 = arith.constant 0 : i32
      %dma_start3A_218 = tpu.memref_slice %arg20[%arg1, %dma_start3A_217] : memref<16x2048xf32, #tpu.memory_space<vmem_shared>> -> memref<1x2048xf32, #tpu.memory_space<vmem_shared>>
      %dma_start3A_219 = tpu.memref_squeeze %dma_start3A_218 : memref<1x2048xf32, #tpu.memory_space<vmem_shared>> -> memref<2048xf32, #tpu.memory_space<vmem_shared>>
      %dma_start3A_220 = arith.constant 0 : i32
      %dma_start3A_221 = tpu.memref_slice %arg20[%arg1, %dma_start3A_220] : memref<16x2048xf32, #tpu.memory_space<vmem_shared>> -> memref<1x2048xf32, #tpu.memory_space<vmem_shared>>
      %dma_start3A_222 = tpu.memref_squeeze %dma_start3A_221 : memref<1x2048xf32, #tpu.memory_space<vmem_shared>> -> memref<2048xf32, #tpu.memory_space<vmem_shared>>
      tpu.enqueue_dma source(%arg15 : memref<2048xf32, #tpu.memory_space<vmem>>) target(%dma_start3A_222 : memref<2048xf32, #tpu.memory_space<vmem_shared>>) target_semaphore(%run_scoped3A : memref<!tpu.dma_semaphore, #tpu.memory_space<semaphore_mem>>)
      %dma_wait3A = arith.constant 0 : i32
      %dma_wait3A_223 = tpu.memref_slice %arg20[%arg1, %dma_wait3A] : memref<16x2048xf32, #tpu.memory_space<vmem_shared>> -> memref<1x2048xf32, #tpu.memory_space<vmem_shared>>
      %dma_wait3A_224 = tpu.memref_squeeze %dma_wait3A_223 : memref<1x2048xf32, #tpu.memory_space<vmem_shared>> -> memref<2048xf32, #tpu.memory_space<vmem_shared>>
      %dma_wait3A_225 = arith.constant 0 : i32
      %dma_wait3A_226 = tpu.memref_slice %arg20[%arg1, %dma_wait3A_225] : memref<16x2048xf32, #tpu.memory_space<vmem_shared>> -> memref<1x2048xf32, #tpu.memory_space<vmem_shared>>
      %dma_wait3A_227 = tpu.memref_squeeze %dma_wait3A_226 : memref<1x2048xf32, #tpu.memory_space<vmem_shared>> -> memref<2048xf32, #tpu.memory_space<vmem_shared>>
      tpu.wait_dma2 semaphore(%run_scoped3A : memref<!tpu.dma_semaphore, #tpu.memory_space<semaphore_mem>>) src(%arg15 : memref<2048xf32, #tpu.memory_space<vmem>>) dst(%dma_wait3A_227 : memref<2048xf32, #tpu.memory_space<vmem_shared>>)
      tpu.yield
    }) : () -> ()
    "tpu.region"() ({
      %run_scoped3A = tpu.sem_alloc : memref<!tpu.dma_semaphore, #tpu.memory_space<semaphore_mem>>
      %dma_start3A_217 = arith.constant 0 : i32
      %dma_start3A_218 = tpu.memref_slice %arg21[%arg1, %dma_start3A_217] : memref<16x2048xf32, #tpu.memory_space<vmem_shared>> -> memref<1x2048xf32, #tpu.memory_space<vmem_shared>>
      %dma_start3A_219 = tpu.memref_squeeze %dma_start3A_218 : memref<1x2048xf32, #tpu.memory_space<vmem_shared>> -> memref<2048xf32, #tpu.memory_space<vmem_shared>>
      %dma_start3A_220 = arith.constant 0 : i32
      %dma_start3A_221 = tpu.memref_slice %arg21[%arg1, %dma_start3A_220] : memref<16x2048xf32, #tpu.memory_space<vmem_shared>> -> memref<1x2048xf32, #tpu.memory_space<vmem_shared>>
      %dma_start3A_222 = tpu.memref_squeeze %dma_start3A_221 : memref<1x2048xf32, #tpu.memory_space<vmem_shared>> -> memref<2048xf32, #tpu.memory_space<vmem_shared>>
      tpu.enqueue_dma source(%arg16 : memref<2048xf32, #tpu.memory_space<vmem>>) target(%dma_start3A_222 : memref<2048xf32, #tpu.memory_space<vmem_shared>>) target_semaphore(%run_scoped3A : memref<!tpu.dma_semaphore, #tpu.memory_space<semaphore_mem>>)
      %dma_wait3A = arith.constant 0 : i32
      %dma_wait3A_223 = tpu.memref_slice %arg21[%arg1, %dma_wait3A] : memref<16x2048xf32, #tpu.memory_space<vmem_shared>> -> memref<1x2048xf32, #tpu.memory_space<vmem_shared>>
      %dma_wait3A_224 = tpu.memref_squeeze %dma_wait3A_223 : memref<1x2048xf32, #tpu.memory_space<vmem_shared>> -> memref<2048xf32, #tpu.memory_space<vmem_shared>>
      %dma_wait3A_225 = arith.constant 0 : i32
      %dma_wait3A_226 = tpu.memref_slice %arg21[%arg1, %dma_wait3A_225] : memref<16x2048xf32, #tpu.memory_space<vmem_shared>> -> memref<1x2048xf32, #tpu.memory_space<vmem_shared>>
      %dma_wait3A_227 = tpu.memref_squeeze %dma_wait3A_226 : memref<1x2048xf32, #tpu.memory_space<vmem_shared>> -> memref<2048xf32, #tpu.memory_space<vmem_shared>>
      tpu.wait_dma2 semaphore(%run_scoped3A : memref<!tpu.dma_semaphore, #tpu.memory_space<semaphore_mem>>) src(%arg16 : memref<2048xf32, #tpu.memory_space<vmem>>) dst(%dma_wait3A_227 : memref<2048xf32, #tpu.memory_space<vmem_shared>>)
      tpu.yield
    }) : () -> ()
    %barrier3A = arith.constant 0 : index
    tpu.barrier barrier_id(%barrier3A)
    %add3A_187 = arith.constant 1 : i32
    %add3A_188 = arith.addi %arg1, %add3A_187 : i32
    %mul3A_189 = arith.constant 2 : i32
    %mul3A_190 = arith.muli %mul3A_189, %select_n3A_28 : i32
    %sub3A_191 = arith.subi %add3A_188, %mul3A_190 : i32
    "tpu.region"() ({
      %run_scoped3A = tpu.sem_alloc : memref<!tpu.dma_semaphore, #tpu.memory_space<semaphore_mem>>
      %dma_start3A_217 = arith.constant 0 : i32
      %dma_start3A_218 = tpu.memref_slice %arg20[%sub3A_191, %dma_start3A_217] : memref<16x2048xf32, #tpu.memory_space<vmem_shared>> -> memref<1x2048xf32, #tpu.memory_space<vmem_shared>>
      %dma_start3A_219 = tpu.memref_squeeze %dma_start3A_218 : memref<1x2048xf32, #tpu.memory_space<vmem_shared>> -> memref<2048xf32, #tpu.memory_space<vmem_shared>>
      %dma_start3A_220 = arith.constant 0 : i32
      %dma_start3A_221 = tpu.memref_slice %arg20[%sub3A_191, %dma_start3A_220] : memref<16x2048xf32, #tpu.memory_space<vmem_shared>> -> memref<1x2048xf32, #tpu.memory_space<vmem_shared>>
      %dma_start3A_222 = tpu.memref_squeeze %dma_start3A_221 : memref<1x2048xf32, #tpu.memory_space<vmem_shared>> -> memref<2048xf32, #tpu.memory_space<vmem_shared>>
      tpu.enqueue_dma source(%dma_start3A_222 : memref<2048xf32, #tpu.memory_space<vmem_shared>>) target(%arg17 : memref<2048xf32, #tpu.memory_space<vmem>>) target_semaphore(%run_scoped3A : memref<!tpu.dma_semaphore, #tpu.memory_space<semaphore_mem>>)
      %dma_wait3A = arith.constant 0 : i32
      %dma_wait3A_223 = tpu.memref_slice %arg20[%sub3A_191, %dma_wait3A] : memref<16x2048xf32, #tpu.memory_space<vmem_shared>> -> memref<1x2048xf32, #tpu.memory_space<vmem_shared>>
      %dma_wait3A_224 = tpu.memref_squeeze %dma_wait3A_223 : memref<1x2048xf32, #tpu.memory_space<vmem_shared>> -> memref<2048xf32, #tpu.memory_space<vmem_shared>>
      %dma_wait3A_225 = arith.constant 0 : i32
      %dma_wait3A_226 = tpu.memref_slice %arg20[%sub3A_191, %dma_wait3A_225] : memref<16x2048xf32, #tpu.memory_space<vmem_shared>> -> memref<1x2048xf32, #tpu.memory_space<vmem_shared>>
      %dma_wait3A_227 = tpu.memref_squeeze %dma_wait3A_226 : memref<1x2048xf32, #tpu.memory_space<vmem_shared>> -> memref<2048xf32, #tpu.memory_space<vmem_shared>>
      tpu.wait_dma2 semaphore(%run_scoped3A : memref<!tpu.dma_semaphore, #tpu.memory_space<semaphore_mem>>) src(%dma_wait3A_227 : memref<2048xf32, #tpu.memory_space<vmem_shared>>) dst(%arg17 : memref<2048xf32, #tpu.memory_space<vmem>>)
      tpu.yield
    }) : () -> ()
    %parallel_loop3A_192 = arith.constant 0 : i32
    %parallel_loop3A_193 = arith.constant 128 : i32
    %parallel_loop3A_194 = arith.constant 1 : i32
    scf.for %parallel_loop3A_217 = %parallel_loop3A_192 to %parallel_loop3A_193 step %parallel_loop3A_194  : i32 {
      %parallel_loop3A_218 = arith.constant 16 : i32
      %parallel_loop3A_219 = arith.muli %parallel_loop3A_217, %parallel_loop3A_218 : i32
      %parallel_loop3A_220 = tpu.assume_multiple %parallel_loop3A_219, 8 : i32
      %parallel_loop3A_221 = arith.index_cast %parallel_loop3A_220 : i32 to index
      %parallel_loop3A_222 = tpu.vector_load %arg15[%parallel_loop3A_221] {strides = array<i32>} : memref<2048xf32, #tpu.memory_space<vmem>>, vector<16xf32>,
      %parallel_loop3A_223 = arith.index_cast %parallel_loop3A_220 : i32 to index
      %parallel_loop3A_224 = tpu.vector_load %arg17[%parallel_loop3A_223] {strides = array<i32>} : memref<2048xf32, #tpu.memory_space<vmem>>, vector<16xf32>,
      %parallel_loop3A_225 = arith.addf %parallel_loop3A_222, %parallel_loop3A_224 : vector<16xf32>
      %parallel_loop3A_226 = arith.index_cast %parallel_loop3A_220 : i32 to index
      %parallel_loop3A_227 = tpu.vector_load %arg15[%parallel_loop3A_226] {strides = array<i32>} : memref<2048xf32, #tpu.memory_space<vmem>>, vector<16xf32>,
      tpu.vector_store %arg15[%parallel_loop3A_226], %parallel_loop3A_225 {strides = array<i32>} : memref<2048xf32, #tpu.memory_space<vmem>>, vector<16xf32>,
    } {sc.loop_unroll_factor = 8 : i64, sc.parallel_access}
    %add3A_195 = arith.constant 1 : i32
    %add3A_196 = arith.addi %arg1, %add3A_195 : i32
    %mul3A_197 = arith.constant 2 : i32
    %mul3A_198 = arith.muli %mul3A_197, %select_n3A_28 : i32
    %sub3A_199 = arith.subi %add3A_196, %mul3A_198 : i32
    "tpu.region"() ({
      %run_scoped3A = tpu.sem_alloc : memref<!tpu.dma_semaphore, #tpu.memory_space<semaphore_mem>>
      %dma_start3A_217 = arith.constant 0 : i32
      %dma_start3A_218 = tpu.memref_slice %arg21[%sub3A_199, %dma_start3A_217] : memref<16x2048xf32, #tpu.memory_space<vmem_shared>> -> memref<1x2048xf32, #tpu.memory_space<vmem_shared>>
      %dma_start3A_219 = tpu.memref_squeeze %dma_start3A_218 : memref<1x2048xf32, #tpu.memory_space<vmem_shared>> -> memref<2048xf32, #tpu.memory_space<vmem_shared>>
      %dma_start3A_220 = arith.constant 0 : i32
      %dma_start3A_221 = tpu.memref_slice %arg21[%sub3A_199, %dma_start3A_220] : memref<16x2048xf32, #tpu.memory_space<vmem_shared>> -> memref<1x2048xf32, #tpu.memory_space<vmem_shared>>
      %dma_start3A_222 = tpu.memref_squeeze %dma_start3A_221 : memref<1x2048xf32, #tpu.memory_space<vmem_shared>> -> memref<2048xf32, #tpu.memory_space<vmem_shared>>
      tpu.enqueue_dma source(%dma_start3A_222 : memref<2048xf32, #tpu.memory_space<vmem_shared>>) target(%arg17 : memref<2048xf32, #tpu.memory_space<vmem>>) target_semaphore(%run_scoped3A : memref<!tpu.dma_semaphore, #tpu.memory_space<semaphore_mem>>)
      %dma_wait3A = arith.constant 0 : i32
      %dma_wait3A_223 = tpu.memref_slice %arg21[%sub3A_199, %dma_wait3A] : memref<16x2048xf32, #tpu.memory_space<vmem_shared>> -> memref<1x2048xf32, #tpu.memory_space<vmem_shared>>
      %dma_wait3A_224 = tpu.memref_squeeze %dma_wait3A_223 : memref<1x2048xf32, #tpu.memory_space<vmem_shared>> -> memref<2048xf32, #tpu.memory_space<vmem_shared>>
      %dma_wait3A_225 = arith.constant 0 : i32
      %dma_wait3A_226 = tpu.memref_slice %arg21[%sub3A_199, %dma_wait3A_225] : memref<16x2048xf32, #tpu.memory_space<vmem_shared>> -> memref<1x2048xf32, #tpu.memory_space<vmem_shared>>
      %dma_wait3A_227 = tpu.memref_squeeze %dma_wait3A_226 : memref<1x2048xf32, #tpu.memory_space<vmem_shared>> -> memref<2048xf32, #tpu.memory_space<vmem_shared>>
      tpu.wait_dma2 semaphore(%run_scoped3A : memref<!tpu.dma_semaphore, #tpu.memory_space<semaphore_mem>>) src(%dma_wait3A_227 : memref<2048xf32, #tpu.memory_space<vmem_shared>>) dst(%arg17 : memref<2048xf32, #tpu.memory_space<vmem>>)
      tpu.yield
    }) : () -> ()
    %parallel_loop3A_200 = arith.constant 0 : i32
    %parallel_loop3A_201 = arith.constant 128 : i32
    %parallel_loop3A_202 = arith.constant 1 : i32
    scf.for %parallel_loop3A_217 = %parallel_loop3A_200 to %parallel_loop3A_201 step %parallel_loop3A_202  : i32 {
      %parallel_loop3A_218 = arith.constant 16 : i32
      %parallel_loop3A_219 = arith.muli %parallel_loop3A_217, %parallel_loop3A_218 : i32
      %parallel_loop3A_220 = tpu.assume_multiple %parallel_loop3A_219, 8 : i32
      %parallel_loop3A_221 = arith.index_cast %parallel_loop3A_220 : i32 to index
      %parallel_loop3A_222 = tpu.vector_load %arg16[%parallel_loop3A_221] {strides = array<i32>} : memref<2048xf32, #tpu.memory_space<vmem>>, vector<16xf32>,
      %parallel_loop3A_223 = arith.index_cast %parallel_loop3A_220 : i32 to index
      %parallel_loop3A_224 = tpu.vector_load %arg17[%parallel_loop3A_223] {strides = array<i32>} : memref<2048xf32, #tpu.memory_space<vmem>>, vector<16xf32>,
      %parallel_loop3A_225 = arith.addf %parallel_loop3A_222, %parallel_loop3A_224 : vector<16xf32>
      %parallel_loop3A_226 = arith.index_cast %parallel_loop3A_220 : i32 to index
      %parallel_loop3A_227 = tpu.vector_load %arg16[%parallel_loop3A_226] {strides = array<i32>} : memref<2048xf32, #tpu.memory_space<vmem>>, vector<16xf32>,
      tpu.vector_store %arg16[%parallel_loop3A_226], %parallel_loop3A_225 {strides = array<i32>} : memref<2048xf32, #tpu.memory_space<vmem>>, vector<16xf32>,
    } {sc.loop_unroll_factor = 8 : i64, sc.parallel_access}
    %mul3A_203 = arith.constant 64 : i32
    %mul3A_204 = arith.muli %select_n3A_28, %mul3A_203 : i32
    %add3A_205 = arith.addi %mul3A_32, %mul3A_204 : i32
    %mul3A_206 = arith.constant 64 : i32
    %mul3A_207 = arith.muli %select_n3A_28, %mul3A_206 : i32
    %mul3A_208 = arith.constant 128 : i32
    %mul3A_209 = vector.broadcast %mul3A_208 : i32 to vector<16xi32>
    %mul3A_210 = arith.muli %iota3A, %mul3A_209 : vector<16xi32>
    "tpu.region"() ({
      %run_scoped3A = tpu.sem_alloc : memref<!tpu.dma_semaphore, #tpu.memory_space<semaphore_mem>>
      %dma_start3A_217 = arith.constant 0 : i32
      %dma_start3A_218 = tpu.memref_slice %arg2[%add3A_205, %dma_start3A_217] : memref<2048x16xf32, #tpu.memory_space<hbm>> -> memref<64x16xf32, #tpu.memory_space<hbm>>
      %dma_start3A_219 = arith.constant 0 : i32
      %dma_start3A_220 = tpu.memref_slice %arg2[%add3A_205, %dma_start3A_219] : memref<2048x16xf32, #tpu.memory_space<hbm>> -> memref<64x16xf32, #tpu.memory_space<hbm>>
      tpu.enqueue_dma source(%dma_start3A_220 : memref<64x16xf32, #tpu.memory_space<hbm>>) target(%arg18 : memref<64x16xf32, #tpu.memory_space<vmem>>) target_semaphore(%run_scoped3A : memref<!tpu.dma_semaphore, #tpu.memory_space<semaphore_mem>>)
      %dma_wait3A = arith.constant 0 : i32
      %dma_wait3A_221 = tpu.memref_slice %arg2[%add3A_205, %dma_wait3A] : memref<2048x16xf32, #tpu.memory_space<hbm>> -> memref<64x16xf32, #tpu.memory_space<hbm>>
      %dma_wait3A_222 = arith.constant 0 : i32
      %dma_wait3A_223 = tpu.memref_slice %arg2[%add3A_205, %dma_wait3A_222] : memref<2048x16xf32, #tpu.memory_space<hbm>> -> memref<64x16xf32, #tpu.memory_space<hbm>>
      tpu.wait_dma2 semaphore(%run_scoped3A : memref<!tpu.dma_semaphore, #tpu.memory_space<semaphore_mem>>) src(%dma_wait3A_223 : memref<64x16xf32, #tpu.memory_space<hbm>>) dst(%arg18 : memref<64x16xf32, #tpu.memory_space<vmem>>)
      tpu.yield
    }) : () -> ()
    %parallel_loop3A_211 = arith.constant 0 : i32
    %parallel_loop3A_212 = arith.constant 64 : i32
    %parallel_loop3A_213 = arith.constant 1 : i32
    scf.for %parallel_loop3A_217 = %parallel_loop3A_211 to %parallel_loop3A_212 step %parallel_loop3A_213  : i32 {
      %parallel_loop3A_218 = arith.index_cast %parallel_loop3A_217 : i32 to index
      %parallel_loop3A_219 = arith.constant 0 : index
      %parallel_loop3A_220 = tpu.vector_load %arg18[%parallel_loop3A_218, %parallel_loop3A_219] {strides = array<i32>} : memref<64x16xf32, #tpu.memory_space<vmem>>, vector<16xf32>,
      %parallel_loop3A_221 = math.exp %parallel_loop3A_220 : vector<16xf32>
      %parallel_loop3A_222 = vector.extract_strided_slice %parallel_loop3A_221 {offsets = [0], sizes = [1], strides = [1]} : vector<16xf32> to vector<1xf32>
      %parallel_loop3A_223 = vector.extract %parallel_loop3A_222[0] : f32 from vector<1xf32>
      %parallel_loop3A_224 = vector.extract_strided_slice %parallel_loop3A_221 {offsets = [1], sizes = [1], strides = [1]} : vector<16xf32> to vector<1xf32>
      %parallel_loop3A_225 = vector.extract %parallel_loop3A_224[0] : f32 from vector<1xf32>
      %parallel_loop3A_226 = vector.extract_strided_slice %parallel_loop3A_221 {offsets = [2], sizes = [1], strides = [1]} : vector<16xf32> to vector<1xf32>
      %parallel_loop3A_227 = vector.extract %parallel_loop3A_226[0] : f32 from vector<1xf32>
      %parallel_loop3A_228 = vector.extract_strided_slice %parallel_loop3A_221 {offsets = [3], sizes = [1], strides = [1]} : vector<16xf32> to vector<1xf32>
      %parallel_loop3A_229 = vector.extract %parallel_loop3A_228[0] : f32 from vector<1xf32>
      %parallel_loop3A_230 = vector.extract_strided_slice %parallel_loop3A_221 {offsets = [4], sizes = [1], strides = [1]} : vector<16xf32> to vector<1xf32>
      %parallel_loop3A_231 = vector.extract %parallel_loop3A_230[0] : f32 from vector<1xf32>
      %parallel_loop3A_232 = vector.extract_strided_slice %parallel_loop3A_221 {offsets = [5], sizes = [1], strides = [1]} : vector<16xf32> to vector<1xf32>
      %parallel_loop3A_233 = vector.extract %parallel_loop3A_232[0] : f32 from vector<1xf32>
      %parallel_loop3A_234 = vector.extract_strided_slice %parallel_loop3A_221 {offsets = [6], sizes = [1], strides = [1]} : vector<16xf32> to vector<1xf32>
      %parallel_loop3A_235 = vector.extract %parallel_loop3A_234[0] : f32 from vector<1xf32>
      %parallel_loop3A_236 = vector.extract_strided_slice %parallel_loop3A_221 {offsets = [7], sizes = [1], strides = [1]} : vector<16xf32> to vector<1xf32>
      %parallel_loop3A_237 = vector.extract %parallel_loop3A_236[0] : f32 from vector<1xf32>
      %parallel_loop3A_238 = vector.extract_strided_slice %parallel_loop3A_221 {offsets = [8], sizes = [1], strides = [1]} : vector<16xf32> to vector<1xf32>
      %parallel_loop3A_239 = vector.extract %parallel_loop3A_238[0] : f32 from vector<1xf32>
      %parallel_loop3A_240 = vector.extract_strided_slice %parallel_loop3A_221 {offsets = [9], sizes = [1], strides = [1]} : vector<16xf32> to vector<1xf32>
      %parallel_loop3A_241 = vector.extract %parallel_loop3A_240[0] : f32 from vector<1xf32>
      %parallel_loop3A_242 = vector.extract_strided_slice %parallel_loop3A_221 {offsets = [10], sizes = [1], strides = [1]} : vector<16xf32> to vector<1xf32>
      %parallel_loop3A_243 = vector.extract %parallel_loop3A_242[0] : f32 from vector<1xf32>
      %parallel_loop3A_244 = vector.extract_strided_slice %parallel_loop3A_221 {offsets = [11], sizes = [1], strides = [1]} : vector<16xf32> to vector<1xf32>
      %parallel_loop3A_245 = vector.extract %parallel_loop3A_244[0] : f32 from vector<1xf32>
      %parallel_loop3A_246 = vector.extract_strided_slice %parallel_loop3A_221 {offsets = [12], sizes = [1], strides = [1]} : vector<16xf32> to vector<1xf32>
      %parallel_loop3A_247 = vector.extract %parallel_loop3A_246[0] : f32 from vector<1xf32>
      %parallel_loop3A_248 = vector.extract_strided_slice %parallel_loop3A_221 {offsets = [13], sizes = [1], strides = [1]} : vector<16xf32> to vector<1xf32>
      %parallel_loop3A_249 = vector.extract %parallel_loop3A_248[0] : f32 from vector<1xf32>
      %parallel_loop3A_250 = vector.extract_strided_slice %parallel_loop3A_221 {offsets = [14], sizes = [1], strides = [1]} : vector<16xf32> to vector<1xf32>
      %parallel_loop3A_251 = vector.extract %parallel_loop3A_250[0] : f32 from vector<1xf32>
      %parallel_loop3A_252 = vector.extract_strided_slice %parallel_loop3A_221 {offsets = [15], sizes = [1], strides = [1]} : vector<16xf32> to vector<1xf32>
      %parallel_loop3A_253 = vector.extract %parallel_loop3A_252[0] : f32 from vector<1xf32>
      %parallel_loop3A_254 = arith.addf %parallel_loop3A_223, %parallel_loop3A_225 : f32
      %parallel_loop3A_255 = arith.addf %parallel_loop3A_227, %parallel_loop3A_229 : f32
      %parallel_loop3A_256 = arith.addf %parallel_loop3A_231, %parallel_loop3A_233 : f32
      %parallel_loop3A_257 = arith.addf %parallel_loop3A_235, %parallel_loop3A_237 : f32
      %parallel_loop3A_258 = arith.addf %parallel_loop3A_239, %parallel_loop3A_241 : f32
      %parallel_loop3A_259 = arith.addf %parallel_loop3A_243, %parallel_loop3A_245 : f32
      %parallel_loop3A_260 = arith.addf %parallel_loop3A_247, %parallel_loop3A_249 : f32
      %parallel_loop3A_261 = arith.addf %parallel_loop3A_251, %parallel_loop3A_253 : f32
      %parallel_loop3A_262 = arith.addf %parallel_loop3A_254, %parallel_loop3A_255 : f32
      %parallel_loop3A_263 = arith.addf %parallel_loop3A_256, %parallel_loop3A_257 : f32
      %parallel_loop3A_264 = arith.addf %parallel_loop3A_258, %parallel_loop3A_259 : f32
      %parallel_loop3A_265 = arith.addf %parallel_loop3A_260, %parallel_loop3A_261 : f32
      %parallel_loop3A_266 = arith.addf %parallel_loop3A_262, %parallel_loop3A_263 : f32
      %parallel_loop3A_267 = arith.addf %parallel_loop3A_264, %parallel_loop3A_265 : f32
      %parallel_loop3A_268 = arith.addf %parallel_loop3A_266, %parallel_loop3A_267 : f32
      %parallel_loop3A_269 = vector.broadcast %parallel_loop3A_268 : f32 to vector<16xf32>
      %parallel_loop3A_270 = arith.divf %parallel_loop3A_221, %parallel_loop3A_269 : vector<16xf32>
      %parallel_loop3A_271 = arith.addi %mul3A_207, %parallel_loop3A_217 : i32
      %parallel_loop3A_272 = vector.broadcast %parallel_loop3A_271 : i32 to vector<16xi32>
      %parallel_loop3A_273 = arith.addi %mul3A_210, %parallel_loop3A_272 : vector<16xi32>
      %parallel_loop3A_274 = tpu.vector_load_idx %arg15[%parallel_loop3A_273] : memref<2048xf32, #tpu.memory_space<vmem>>[vector<16xi32>], vector<16xf32>,
      %parallel_loop3A_275 = vector.broadcast %add3A_138 : f32 to vector<16xf32>
      %parallel_loop3A_276 = arith.mulf %parallel_loop3A_275, %parallel_loop3A_270 : vector<16xf32>
      %parallel_loop3A_277 = arith.subf %parallel_loop3A_276, %parallel_loop3A_274 : vector<16xf32>
      %parallel_loop3A_278 = arith.constant 2.44140625E-4 : f32
      %parallel_loop3A_279 = vector.broadcast %parallel_loop3A_278 : f32 to vector<16xf32>
      %parallel_loop3A_280 = arith.mulf %parallel_loop3A_277, %parallel_loop3A_279 : vector<16xf32>
      %parallel_loop3A_281 = arith.index_cast %parallel_loop3A_217 : i32 to index
      %parallel_loop3A_282 = arith.constant 0 : index
      %parallel_loop3A_283 = tpu.vector_load %arg19[%parallel_loop3A_281, %parallel_loop3A_282] {strides = array<i32>} : memref<64x16xf32, #tpu.memory_space<vmem>>, vector<16xf32>,
      tpu.vector_store %arg19[%parallel_loop3A_281, %parallel_loop3A_282], %parallel_loop3A_280 {strides = array<i32>} : memref<64x16xf32, #tpu.memory_space<vmem>>, vector<16xf32>,
    } {sc.loop_unroll_factor = 4 : i64, sc.parallel_access}
    "tpu.region"() ({
      %run_scoped3A = tpu.sem_alloc : memref<!tpu.dma_semaphore, #tpu.memory_space<semaphore_mem>>
      %dma_start3A_217 = arith.constant 0 : i32
      %dma_start3A_218 = tpu.memref_slice %arg7[%add3A_205, %dma_start3A_217] : memref<2048x16xf32, #tpu.memory_space<hbm>> -> memref<64x16xf32, #tpu.memory_space<hbm>>
      %dma_start3A_219 = arith.constant 0 : i32
      %dma_start3A_220 = tpu.memref_slice %arg7[%add3A_205, %dma_start3A_219] : memref<2048x16xf32, #tpu.memory_space<hbm>> -> memref<64x16xf32, #tpu.memory_space<hbm>>
      tpu.enqueue_dma source(%arg19 : memref<64x16xf32, #tpu.memory_space<vmem>>) target(%dma_start3A_220 : memref<64x16xf32, #tpu.memory_space<hbm>>) target_semaphore(%run_scoped3A : memref<!tpu.dma_semaphore, #tpu.memory_space<semaphore_mem>>)
      %dma_wait3A = arith.constant 0 : i32
      %dma_wait3A_221 = tpu.memref_slice %arg7[%add3A_205, %dma_wait3A] : memref<2048x16xf32, #tpu.memory_space<hbm>> -> memref<64x16xf32, #tpu.memory_space<hbm>>
      %dma_wait3A_222 = arith.constant 0 : i32
      %dma_wait3A_223 = tpu.memref_slice %arg7[%add3A_205, %dma_wait3A_222] : memref<2048x16xf32, #tpu.memory_space<hbm>> -> memref<64x16xf32, #tpu.memory_space<hbm>>
      tpu.wait_dma2 semaphore(%run_scoped3A : memref<!tpu.dma_semaphore, #tpu.memory_space<semaphore_mem>>) src(%arg19 : memref<64x16xf32, #tpu.memory_space<vmem>>) dst(%dma_wait3A_223 : memref<64x16xf32, #tpu.memory_space<hbm>>)
      tpu.yield
    }) : () -> ()
    "tpu.region"() ({
      %run_scoped3A = tpu.sem_alloc : memref<!tpu.dma_semaphore, #tpu.memory_space<semaphore_mem>>
      %dma_start3A_217 = arith.constant 0 : i32
      %dma_start3A_218 = tpu.memref_slice %arg3[%add3A_205, %dma_start3A_217] : memref<2048x16xf32, #tpu.memory_space<hbm>> -> memref<64x16xf32, #tpu.memory_space<hbm>>
      %dma_start3A_219 = arith.constant 0 : i32
      %dma_start3A_220 = tpu.memref_slice %arg3[%add3A_205, %dma_start3A_219] : memref<2048x16xf32, #tpu.memory_space<hbm>> -> memref<64x16xf32, #tpu.memory_space<hbm>>
      tpu.enqueue_dma source(%dma_start3A_220 : memref<64x16xf32, #tpu.memory_space<hbm>>) target(%arg18 : memref<64x16xf32, #tpu.memory_space<vmem>>) target_semaphore(%run_scoped3A : memref<!tpu.dma_semaphore, #tpu.memory_space<semaphore_mem>>)
      %dma_wait3A = arith.constant 0 : i32
      %dma_wait3A_221 = tpu.memref_slice %arg3[%add3A_205, %dma_wait3A] : memref<2048x16xf32, #tpu.memory_space<hbm>> -> memref<64x16xf32, #tpu.memory_space<hbm>>
      %dma_wait3A_222 = arith.constant 0 : i32
      %dma_wait3A_223 = tpu.memref_slice %arg3[%add3A_205, %dma_wait3A_222] : memref<2048x16xf32, #tpu.memory_space<hbm>> -> memref<64x16xf32, #tpu.memory_space<hbm>>
      tpu.wait_dma2 semaphore(%run_scoped3A : memref<!tpu.dma_semaphore, #tpu.memory_space<semaphore_mem>>) src(%dma_wait3A_223 : memref<64x16xf32, #tpu.memory_space<hbm>>) dst(%arg18 : memref<64x16xf32, #tpu.memory_space<vmem>>)
      tpu.yield
    }) : () -> ()
    %parallel_loop3A_214 = arith.constant 0 : i32
    %parallel_loop3A_215 = arith.constant 64 : i32
    %parallel_loop3A_216 = arith.constant 1 : i32
    scf.for %parallel_loop3A_217 = %parallel_loop3A_214 to %parallel_loop3A_215 step %parallel_loop3A_216  : i32 {
      %parallel_loop3A_218 = arith.index_cast %parallel_loop3A_217 : i32 to index
      %parallel_loop3A_219 = arith.constant 0 : index
      %parallel_loop3A_220 = tpu.vector_load %arg18[%parallel_loop3A_218, %parallel_loop3A_219] {strides = array<i32>} : memref<64x16xf32, #tpu.memory_space<vmem>>, vector<16xf32>,
      %parallel_loop3A_221 = math.exp %parallel_loop3A_220 : vector<16xf32>
      %parallel_loop3A_222 = vector.extract_strided_slice %parallel_loop3A_221 {offsets = [0], sizes = [1], strides = [1]} : vector<16xf32> to vector<1xf32>
      %parallel_loop3A_223 = vector.extract %parallel_loop3A_222[0] : f32 from vector<1xf32>
      %parallel_loop3A_224 = vector.extract_strided_slice %parallel_loop3A_221 {offsets = [1], sizes = [1], strides = [1]} : vector<16xf32> to vector<1xf32>
      %parallel_loop3A_225 = vector.extract %parallel_loop3A_224[0] : f32 from vector<1xf32>
      %parallel_loop3A_226 = vector.extract_strided_slice %parallel_loop3A_221 {offsets = [2], sizes = [1], strides = [1]} : vector<16xf32> to vector<1xf32>
      %parallel_loop3A_227 = vector.extract %parallel_loop3A_226[0] : f32 from vector<1xf32>
      %parallel_loop3A_228 = vector.extract_strided_slice %parallel_loop3A_221 {offsets = [3], sizes = [1], strides = [1]} : vector<16xf32> to vector<1xf32>
      %parallel_loop3A_229 = vector.extract %parallel_loop3A_228[0] : f32 from vector<1xf32>
      %parallel_loop3A_230 = vector.extract_strided_slice %parallel_loop3A_221 {offsets = [4], sizes = [1], strides = [1]} : vector<16xf32> to vector<1xf32>
      %parallel_loop3A_231 = vector.extract %parallel_loop3A_230[0] : f32 from vector<1xf32>
      %parallel_loop3A_232 = vector.extract_strided_slice %parallel_loop3A_221 {offsets = [5], sizes = [1], strides = [1]} : vector<16xf32> to vector<1xf32>
      %parallel_loop3A_233 = vector.extract %parallel_loop3A_232[0] : f32 from vector<1xf32>
      %parallel_loop3A_234 = vector.extract_strided_slice %parallel_loop3A_221 {offsets = [6], sizes = [1], strides = [1]} : vector<16xf32> to vector<1xf32>
      %parallel_loop3A_235 = vector.extract %parallel_loop3A_234[0] : f32 from vector<1xf32>
      %parallel_loop3A_236 = vector.extract_strided_slice %parallel_loop3A_221 {offsets = [7], sizes = [1], strides = [1]} : vector<16xf32> to vector<1xf32>
      %parallel_loop3A_237 = vector.extract %parallel_loop3A_236[0] : f32 from vector<1xf32>
      %parallel_loop3A_238 = vector.extract_strided_slice %parallel_loop3A_221 {offsets = [8], sizes = [1], strides = [1]} : vector<16xf32> to vector<1xf32>
      %parallel_loop3A_239 = vector.extract %parallel_loop3A_238[0] : f32 from vector<1xf32>
      %parallel_loop3A_240 = vector.extract_strided_slice %parallel_loop3A_221 {offsets = [9], sizes = [1], strides = [1]} : vector<16xf32> to vector<1xf32>
      %parallel_loop3A_241 = vector.extract %parallel_loop3A_240[0] : f32 from vector<1xf32>
      %parallel_loop3A_242 = vector.extract_strided_slice %parallel_loop3A_221 {offsets = [10], sizes = [1], strides = [1]} : vector<16xf32> to vector<1xf32>
      %parallel_loop3A_243 = vector.extract %parallel_loop3A_242[0] : f32 from vector<1xf32>
      %parallel_loop3A_244 = vector.extract_strided_slice %parallel_loop3A_221 {offsets = [11], sizes = [1], strides = [1]} : vector<16xf32> to vector<1xf32>
      %parallel_loop3A_245 = vector.extract %parallel_loop3A_244[0] : f32 from vector<1xf32>
      %parallel_loop3A_246 = vector.extract_strided_slice %parallel_loop3A_221 {offsets = [12], sizes = [1], strides = [1]} : vector<16xf32> to vector<1xf32>
      %parallel_loop3A_247 = vector.extract %parallel_loop3A_246[0] : f32 from vector<1xf32>
      %parallel_loop3A_248 = vector.extract_strided_slice %parallel_loop3A_221 {offsets = [13], sizes = [1], strides = [1]} : vector<16xf32> to vector<1xf32>
      %parallel_loop3A_249 = vector.extract %parallel_loop3A_248[0] : f32 from vector<1xf32>
      %parallel_loop3A_250 = vector.extract_strided_slice %parallel_loop3A_221 {offsets = [14], sizes = [1], strides = [1]} : vector<16xf32> to vector<1xf32>
      %parallel_loop3A_251 = vector.extract %parallel_loop3A_250[0] : f32 from vector<1xf32>
      %parallel_loop3A_252 = vector.extract_strided_slice %parallel_loop3A_221 {offsets = [15], sizes = [1], strides = [1]} : vector<16xf32> to vector<1xf32>
      %parallel_loop3A_253 = vector.extract %parallel_loop3A_252[0] : f32 from vector<1xf32>
      %parallel_loop3A_254 = arith.addf %parallel_loop3A_223, %parallel_loop3A_225 : f32
      %parallel_loop3A_255 = arith.addf %parallel_loop3A_227, %parallel_loop3A_229 : f32
      %parallel_loop3A_256 = arith.addf %parallel_loop3A_231, %parallel_loop3A_233 : f32
      %parallel_loop3A_257 = arith.addf %parallel_loop3A_235, %parallel_loop3A_237 : f32
      %parallel_loop3A_258 = arith.addf %parallel_loop3A_239, %parallel_loop3A_241 : f32
      %parallel_loop3A_259 = arith.addf %parallel_loop3A_243, %parallel_loop3A_245 : f32
      %parallel_loop3A_260 = arith.addf %parallel_loop3A_247, %parallel_loop3A_249 : f32
      %parallel_loop3A_261 = arith.addf %parallel_loop3A_251, %parallel_loop3A_253 : f32
      %parallel_loop3A_262 = arith.addf %parallel_loop3A_254, %parallel_loop3A_255 : f32
      %parallel_loop3A_263 = arith.addf %parallel_loop3A_256, %parallel_loop3A_257 : f32
      %parallel_loop3A_264 = arith.addf %parallel_loop3A_258, %parallel_loop3A_259 : f32
      %parallel_loop3A_265 = arith.addf %parallel_loop3A_260, %parallel_loop3A_261 : f32
      %parallel_loop3A_266 = arith.addf %parallel_loop3A_262, %parallel_loop3A_263 : f32
      %parallel_loop3A_267 = arith.addf %parallel_loop3A_264, %parallel_loop3A_265 : f32
      %parallel_loop3A_268 = arith.addf %parallel_loop3A_266, %parallel_loop3A_267 : f32
      %parallel_loop3A_269 = vector.broadcast %parallel_loop3A_268 : f32 to vector<16xf32>
      %parallel_loop3A_270 = arith.divf %parallel_loop3A_221, %parallel_loop3A_269 : vector<16xf32>
      %parallel_loop3A_271 = arith.addi %mul3A_207, %parallel_loop3A_217 : i32
      %parallel_loop3A_272 = vector.broadcast %parallel_loop3A_271 : i32 to vector<16xi32>
      %parallel_loop3A_273 = arith.addi %mul3A_210, %parallel_loop3A_272 : vector<16xi32>
      %parallel_loop3A_274 = tpu.vector_load_idx %arg16[%parallel_loop3A_273] : memref<2048xf32, #tpu.memory_space<vmem>>[vector<16xi32>], vector<16xf32>,
      %parallel_loop3A_275 = vector.broadcast %add3A_138 : f32 to vector<16xf32>
      %parallel_loop3A_276 = arith.mulf %parallel_loop3A_275, %parallel_loop3A_270 : vector<16xf32>
      %parallel_loop3A_277 = arith.subf %parallel_loop3A_276, %parallel_loop3A_274 : vector<16xf32>
      %parallel_loop3A_278 = arith.constant 2.44140625E-4 : f32
      %parallel_loop3A_279 = vector.broadcast %parallel_loop3A_278 : f32 to vector<16xf32>
      %parallel_loop3A_280 = arith.mulf %parallel_loop3A_277, %parallel_loop3A_279 : vector<16xf32>
      %parallel_loop3A_281 = arith.index_cast %parallel_loop3A_217 : i32 to index
      %parallel_loop3A_282 = arith.constant 0 : index
      %parallel_loop3A_283 = tpu.vector_load %arg19[%parallel_loop3A_281, %parallel_loop3A_282] {strides = array<i32>} : memref<64x16xf32, #tpu.memory_space<vmem>>, vector<16xf32>,
      tpu.vector_store %arg19[%parallel_loop3A_281, %parallel_loop3A_282], %parallel_loop3A_280 {strides = array<i32>} : memref<64x16xf32, #tpu.memory_space<vmem>>, vector<16xf32>,
    } {sc.loop_unroll_factor = 4 : i64, sc.parallel_access}
    "tpu.region"() ({
      %run_scoped3A = tpu.sem_alloc : memref<!tpu.dma_semaphore, #tpu.memory_space<semaphore_mem>>
      %dma_start3A_217 = arith.constant 0 : i32
      %dma_start3A_218 = tpu.memref_slice %arg8[%add3A_205, %dma_start3A_217] : memref<2048x16xf32, #tpu.memory_space<hbm>> -> memref<64x16xf32, #tpu.memory_space<hbm>>
      %dma_start3A_219 = arith.constant 0 : i32
      %dma_start3A_220 = tpu.memref_slice %arg8[%add3A_205, %dma_start3A_219] : memref<2048x16xf32, #tpu.memory_space<hbm>> -> memref<64x16xf32, #tpu.memory_space<hbm>>
      tpu.enqueue_dma source(%arg19 : memref<64x16xf32, #tpu.memory_space<vmem>>) target(%dma_start3A_220 : memref<64x16xf32, #tpu.memory_space<hbm>>) target_semaphore(%run_scoped3A : memref<!tpu.dma_semaphore, #tpu.memory_space<semaphore_mem>>)
      %dma_wait3A = arith.constant 0 : i32
      %dma_wait3A_221 = tpu.memref_slice %arg8[%add3A_205, %dma_wait3A] : memref<2048x16xf32, #tpu.memory_space<hbm>> -> memref<64x16xf32, #tpu.memory_space<hbm>>
      %dma_wait3A_222 = arith.constant 0 : i32
      %dma_wait3A_223 = tpu.memref_slice %arg8[%add3A_205, %dma_wait3A_222] : memref<2048x16xf32, #tpu.memory_space<hbm>> -> memref<64x16xf32, #tpu.memory_space<hbm>>
      tpu.wait_dma2 semaphore(%run_scoped3A : memref<!tpu.dma_semaphore, #tpu.memory_space<semaphore_mem>>) src(%arg19 : memref<64x16xf32, #tpu.memory_space<vmem>>) dst(%dma_wait3A_223 : memref<64x16xf32, #tpu.memory_space<hbm>>)
      tpu.yield
    }) : () -> ()
    return
  }
}

</mosaic_0001>

<sc_bundles>
// kernel: _run.3.cloned.1.call-start
scs
__scs_entry_jumppad:
0x0: {  	(pc) =	sbr.rel $0x88, $3  }
0x1: {  	(tag) =	ssettag $0x0;
	lr =	simm.s32 $0x1  }
0x2: {  	[smem:$0x3F9C] =	sst lr;
	_ =	strace $0xD0000000  }
0x3: {  	_ = 	snop  }
0x4: {  	_ = 	snop  }
0x5: {  	_ = 	snop  }
0x6: {  	_ = 	snop  }
0x7: {  	_ = 	snop  }
__scs_overlays_trampoline_lowered:
0x8: {  	[smem:$0x3FAB] =	sst s0  }
0x9: {  	[smem:$0x3FAC] =	sst s1  }
0xa: {  	[smem:$0x3FAD] =	sst s2  }
0xb: {  	[smem:$0x3FAE] =	sst s3  }
0xc: {  	[smem:$0x3FAF] =	sst s4  }
0xd: {  	[smem:$0x3FB0] =	sst s5  }
0xe: {  	[smem:$0x3FB1] =	sst s6  }
0xf: {  	[smem:$0x3FB2] =	sst s7  }
0x10: {  	[smem:$0x3FB3] =	sst s8  }
0x11: {  	[smem:$0x3FB4] =	sst s9;
	s0 =	simm.s32 @!p0 $0x0  }
0x12: {  	s1 =	sld [smem:$0x3F9A];
	s0 =	simm.s32 @p0 $0x1  }
0x13: {  	[smem:$0x3FB5] =	sst s0;
	s0 =	simm.s32 @!p1 $0x0  }
0x14: {  	s2 =	sld [smem:$0x3F99];
	s0 =	simm.s32 @p1 $0x1  }
0x15: {  	[smem:$0x3FB6] =	sst s0;
	s0 =	simm.s32 @!p2 $0x0  }
0x16: {  	s3 =	sld [smem:$0x3FDB];
	s0 =	simm.s32 @p2 $0x1  }
0x17: {  	s4 =	simm.s32 $0x1BF5;
	[smem:$0x3FB8] =	sst s0  }
0x18: {  	s0 =	sld [smem:$0x3F9B];
	_ =	swait.ge [sflag:s4], $0x0  }
0x19: {  	s7 =	sld [smem:$0x3F9C]  }
0x1a: {  	s8 =	sadd.s32 $0xFFFFE003, lr  }
0x1b: {  	s9 =	sadd.s32 $0xFFFFFEF7, lr;
	s5 =	simm.s32 $0xFFFFFFFF;
	p2 =	slt.u32 s8, $0xFFFFF086  }
0x1c: {  	p1 =	slt.u32 s9, $0xF7A;
	s5 =	simm.s32 @!p2 $0x0  }
0x1d: {  	s5 =	simm.s32 @p1 $0x1;
	p0 =	seq.s32 s7, s2  }
0x1e: {  	s7 =	smul.u32 @!p0 $0xF7A, s2;
	p2 =	seq.s32 @!p0 s5, $0x0  }
0x1f: {  	s9 =	smul.u32 $0xF7A, s1;
	s8 =	simm.s32 @!p0 $0x1BF5;
	p2 =	por !p2, p0  }
0x20: {  	[sflag:s8] =	ssyncset.s32 @!p0 $0xFFFFF086;
	s6 =	sadd.s32 @!p0 s3, s7;
	s7 =	simm.s32 @!p0 $0x108  }
0x21: {  	s3 =	sadd.s32 s3, s9;
	s6 =	sadd.s32 @!p0 $0x88, s6;
	s7 =	simm.s32 @p2 $0x1082  }
0x22: {  	[simem:s7], [sflag:s8] =	dma.local @!p0 [hbm:s6], $0xF7A  }
0x23: {  	s9 =	sor.u32 $0xD0000000, s2;
	s6 =	simm.s32 $0x108;
	_ =	swait.ge @!p0 [sflag:s8], $0x0  }
0x24: {  	s3 =	sadd.s32 $0x88, s3;
	s6 =	simm.s32 @!p1 $0x1082;
	[sflag:s4] =	ssyncset.s32 $0xFFFFF086  }
0x25: {  	[simem:s6], [sflag:s4] =	dma.local [hbm:s3], $0xF7A  }
0x26: {  	[smem:$0x3F9C] =	sst s1;
	(tag) =	ssettag s2;
	_ =	strace s9  }
0x27: {  	s1 =	sld [smem:$0x3FAC]  }
0x28: {  	s2 =	sld [smem:$0x3FAD]  }
0x29: {  	s4 =	sld [smem:$0x3FAF]  }
0x2a: {  	p0 =	seq.s32 s5, $0x0;
	s5 =	sld [smem:$0x3FB0]  }
0x2b: {  	s6 =	sld [smem:$0x3FB1]  }
0x2c: {  	s7 =	sld [smem:$0x3FB2]  }
0x2d: {  	s3 =	simm.s32 $0x108;
	s8 =	sld [smem:$0x3FB3]  }
0x2e: {  	s3 =	simm.s32 @!p0 $0x1082;
	s9 =	sld [smem:$0x3FB4]  }
0x2f: {  	lr =	sadd.s32 s0, s3;
	s0 =	sld [smem:$0x3FAB]  }
0x30: {  	s3 =	sld [smem:$0x3FAE]  }
0x31: {  	[smem:$0x3FB7] =	sst s10  }
0x32: {  	s10 =	sld [smem:$0x3FB5];
	_ =	sdelay $0x3  }
0x33: {  	p0 =	seq.s32 s10, $0x1;
	s10 =	sld [smem:$0x3FB7];
	_ =	sdelay $0x3  }
0x34: {  	[smem:$0x3FB7] =	sst s10  }
0x35: {  	s10 =	sld [smem:$0x3FB6];
	_ =	sdelay $0x3  }
0x36: {  	p1 =	seq.s32 s10, $0x1;
	s10 =	sld [smem:$0x3FB7];
	_ =	sdelay $0x3  }
0x37: {  	[smem:$0x3FB7] =	sst s10  }
0x38: {  	s10 =	sld [smem:$0x3FB8]  }
0x39: {  	_ = 	snop;
	(pc) =	sbr.ind lr, $3  }
0x3a: {  	_ = 	snop  }
0x3b: {  	_ = 	snop  }
0x3c: {  	p2 =	seq.s32 s10, $0x1;
	s10 =	sld [smem:$0x3FB7]  }
0x3d: {  	_ =	shalt  }
0x3e: {  	_ =	shalt  }
0x3f: {  	_ =	shalt  }
0x40: {  	_ =	shalt  }
0x41: {  	_ =	shalt  }
0x42: {  	_ =	shalt  }
0x43: {  	_ =	shalt  }
0x44: {  	_ =	shalt  }
0x45: {  	_ =	shalt  }
0x46: {  	_ =	shalt  }
0x47: {  	_ =	shalt  }
0x48: {  	_ =	shalt  }
0x49: {  	_ =	shalt  }
0x4a: {  	_ =	shalt  }
0x4b: {  	_ =	shalt  }
0x4c: {  	_ =	shalt  }
0x4d: {  	_ =	shalt  }
0x4e: {  	_ =	shalt  }
0x4f: {  	_ =	shalt  }
0x50: {  	_ =	shalt  }
0x51: {  	_ =	shalt  }
0x52: {  	_ =	shalt  }
0x53: {  	_ =	shalt  }
0x54: {  	_ =	shalt  }
0x55: {  	_ =	shalt  }
0x56: {  	_ =	shalt  }
0x57: {  	_ =	shalt  }
0x58: {  	_ =	shalt  }
0x59: {  	_ =	shalt  }
0x5a: {  	_ =	shalt  }
0x5b: {  	_ =	shalt  }
0x5c: {  	_ =	shalt  }
0x5d: {  	_ =	shalt  }
0x5e: {  	_ =	shalt  }
0x5f: {  	_ =	shalt  }
0x60: {  	_ =	shalt  }
0x61: {  	_ =	shalt  }
0x62: {  	_ =	shalt  }
0x63: {  	_ =	shalt  }
0x64: {  	_ =	shalt  }
0x65: {  	_ =	shalt  }
0x66: {  	_ =	shalt  }
0x67: {  	_ =	shalt  }
0x68: {  	_ =	shalt  }
0x69: {  	_ =	shalt  }
0x6a: {  	_ =	shalt  }
0x6b: {  	_ =	shalt  }
0x6c: {  	_ =	shalt  }
0x6d: {  	_ =	shalt  }
0x6e: {  	_ =	shalt  }
0x6f: {  	_ =	shalt  }
0x70: {  	_ =	shalt  }
0x71: {  	_ =	shalt  }
0x72: {  	_ =	shalt  }
0x73: {  	_ =	shalt  }
0x74: {  	_ =	shalt  }
0x75: {  	_ =	shalt  }
0x76: {  	_ =	shalt  }
0x77: {  	_ =	shalt  }
0x78: {  	_ =	shalt  }
0x79: {  	_ =	shalt  }
0x7a: {  	_ =	shalt  }
0x7b: {  	_ =	shalt  }
0x7c: {  	_ =	shalt  }
0x7d: {  	_ =	shalt  }
0x7e: {  	_ =	shalt  }
0x7f: {  	_ =	shalt  }
0x80: {  	_ =	shalt  }
0x81: {  	_ =	shalt  }
0x82: {  	_ =	shalt  }
0x83: {  	_ =	shalt  }
0x84: {  	_ =	shalt  }
0x85: {  	_ =	shalt  }
0x86: {  	_ =	shalt  }
0x87: {  	_ =	shalt  }
.Lfunc_end0:
.L_simem_size_0:
called_computation_lowered:
.L_overlay_start_0:
0x88: {  	s2 =	sld [smem:$0x3FD9]  }
0x89: {  	s3 =	sld [smem:$0x3FFE];
	_ =	sdelay $0x1  }
0x8a: {  	s1 =	srdreg.scid  }
0x8b: {  	s0 =	sand.u32 $0x1, s1  }
0x8c: {  	s17 =	sshll.u32 s0, $0xA;
	s2 =	sadd.s32 s3, s2  }
0x8d: {  	s2 =	sadd.s32 s2, s17  }
0x8e: {  	[smem:$0x3FC3] =	sst s2  }
0x8f: {  	_ = 	snop  }
0x90: {  	s2 =	sld [smem:$0x3FC7]  }
0x91: {  	s18 =	sld [smem:$0x3FC6]  }
0x92: {  	s4 =	sld [smem:$0x3FC5];
	(tm) =	ssettm $0x1  }
0x93: {  	s5 =	sld [smem:$0x3FFB];
	_ =	sdelay $0x3  }
0x94: {  	_ =	strace s5  }
0x95: {  	s5 =	sld [smem:$0x3FFC];
	_ =	sdelay $0x3  }
0x96: {  	_ =	strace s5  }
0x97: {  	s5 =	sld [smem:$0x3FFD];
	_ =	sdelay $0x3  }
0x98: {  	_ =	strace s5  }
0x99: {  	_ =	strace $0x8FFFFFFF  }
0x9a: {  	s19 =	sld [smem:$0x3FDB];
	_ =	sdelay $0x1  }
0x9b: {  	s6 =	simm.s32 $_scs_section_size  }
0x9c: {  	s7 =	simm.s32 $_size__tile_overlayer_lowered;
	s8 =	simm.s32 $_tile_overlayer_lowered  }
0x9d: {  	s22 =	simm.s32 $0x1BFF;
	s21 =	sshll.u32 s8, $0x1;
	s5 =	sadd.s32 s6, s19  }
0x9e: {  	s9 =	simm.s32 $0x0;
	s20 =	sshll.u32 s7, $0x1;
	s7 =	sadd.s32 s21, s5  }
0x9f: {  	[timem:s9], [sflag:s22] =	dma.local [hbm:s7], s20  }
0xa0: {  	_ =	swait.ge [sflag:s22], s20  }
0xa1: {  	s6 =	ssub.s32 $0x0, s20;
	[sflag:s22] =	ssyncset.done $0x0  }
0xa2: {  	[sflag:s22] =	ssyncadd.s32 s6;
	_ =	sdelay $0x1  }
0xa3: {  	s23 =	simm.s32 $0x1B8B  }
0xa4: {  	_ =	swait.ge [sflag:s23], $0x1  }
0xa5: {  	[sflag:s23] =	ssyncset.done $0x0  }
0xa6: {  	s25 =	simm.s32 $0x1B8E;
	s24 =	sld [smem:$0x3FFE];
	[sflag:s23] =	ssyncadd.s32 $0xFFFFFFFF  }
0xa7: {  	s26 =	simm.s32 $execute0_lowered;
	[smem:$0x3FD2] =	sst s25  }
0xa8: {  	s7 =	sshll.u32 s26, $0x1;
	_ =	strace $0x80000046;
	[dreg:$0x1] =	wrdreg $0xFFFFFFFF  }
0xa9: {  	s28 =	simm.s32 $_size_execute0_lowered;
	s5 =	sadd.s32 s5, s7;
	[dreg:$0x0] =	wrdreg $0x0  }
0xaa: {  	s7 =	sshll.u32 s28, $0x1;
	[dreg:$0x2] =	wrdreg s5  }
0xab: {  	[dreg:$0x3] =	wrdreg s7  }
0xac: {  	[dreg:$0x4] =	wrdreg $0xC0  }
0xad: {  	_ =	task [dreg:s9], $0x5FFFF  }
0xae: {  	[dreg:$0x1] =	wrdreg $0xFFFFFFFF  }
0xaf: {  	[dreg:$0x0] =	wrdreg $0x60  }
0xb0: {  	[dreg:$0x2] =	wrdreg s24  }
0xb1: {  	[dreg:$0x3] =	wrdreg s2  }
0xb2: {  	[dreg:$0x4] =	wrdreg s18  }
0xb3: {  	[dreg:$0x5] =	wrdreg s4  }
0xb4: {  	[dreg:$0x6] =	wrdreg $0x178000  }
0xb5: {  	[dreg:$0x7] =	wrdreg $0x180000  }
0xb6: {  	[dreg:$0x8] =	wrdreg $0x9  }
0xb7: {  	_ =	task.clear_ibuf [dreg:s9], $0x9FFFF;
	_ =	strace $0x90000046  }
0xb8: {  	s29 =	simm.s32 $0x9;
	_ =	strace $0x80000048  }
0xb9: {  	_ =	swait.ge [sflag:s29], $0x1  }
0xba: {  	[sflag:s29] =	ssyncadd.s32 $0xFFFFFFFF  }
0xbb: {  	_ =	strace $0x90000048  }
0xbc: {  	_ =	sfence  }
0xbd: {  	s30 =	sld [smem:$0x0];
	_ =	sdelay $0x2  }
0xbe: {  	s31 =	sshll.u32 s1, $0xD;
	s1 =	sshrl.u32 s1, $0x2  }
0xbf: {  	s3 =	sand.u32 $0x4000, s31;
	s1 =	sadd.s32 s1, s30  }
0xc0: {  	s0 =	sor.u32 s3, s0;
	s1 =	sshll.u32 s1, $0x11  }
0xc1: {  	s0 =	sor.u32 s1, s0  }
0xc2: {  	s0 =	sadd.s32 $0x8F2B, s0  }
0xc3: {  	[sflag:s0] =	ssyncadd.remote.s32 $0x1  }
0xc4: {  	_ =	sfence.sel $0xFFFF  }
0xc5: {  	[dreg:$0x0] =	wrdreg $0xFFFFFFFF;
	(pc) =	sbr.abs _section_cstart, $3  }
0xc6: {  	[dreg:$0x1] =	wrdreg $0xFFFFFFFF  }
0xc7: {  	_ =	task.clear_ibuf [dreg:s9], $0x2FFFF;
	_ =	strace $0x9FFFFFFF  }
0xc8: {  	(tm) =	ssettm $0x7FFFFFFF  }
0xc9: {  	_ =	shalt  }
tec
execute0_lowered:
.L_overlay_start_1:
0x0: {  	(tag) =	ssettag $0x1  }
0x1: {  	s0 =	rddreg [dreg:$0x0]  }
0x2: {  	s1 =	rddreg [dreg:$0x2]  }
0x3: {  	s5 =	rddreg [dreg:$0x3]  }
0x4: {  	s6 =	rddreg [dreg:$0x4]  }
0x5: {  	s9 =	rddreg [dreg:$0x5]  }
0x6: {  	s2 =	srdreg.scid;
	s3 =	stileid.u32;
	s31 =	simm.s32 $0x0  }
0x7: {  	s28 =	simm.s32 $0x12000;
	s29 =	simm.s32 $0x2;
	s30 =	simm.s32 $0x12800  }
0x8: {  	s2 =	sand.u32 $0x1, s2;
	s4 =	sshll.u32 s3, $0x6;
	s7 =	sand.u32 $0x1, s3  }
0x9: {  	[smem:$0x7FF] =	sst s31;
	s16 =	sshll.u32 s3, $0xB;
	s17 =	sshll.u32 s3, $0x7  }
0xa: {  	s8 =	sshll.u32 s2, $0xA;
	s4 =	sand.u32 $0x380, s4;
	_ =	strace $0x80000047  }
0xb: {  	s2 =	ssub.s32 $0x2, s2;
	s12 =	sshll.u32 s7, $0x13;
	s13 =	sshll.u32 s7, $0x1  }
0xc: {  	s10 =	sor.u32 s8, s4;
	s4 =	sshll.u32 s7, $0x6;
	s11 =	sshrl.u32 s2, $0x1  }
0xd: {  	s15 =	ssub.s32 s3, s13;
	s3 =	simm.s32 $0x2000;
	s8 =	sor.u32 s4, s10  }
0xe: {  	s11 =	ssub.s32 s2, s11;
	s12 =	sor.u32 s12, s10;
	s2 =	sshll.u32 s7, $0xB  }
0xf: {  	s7 =	sadd.s32 s1, s10;
	s10 =	sadd.s32 s5, s10;
	s8 =	sshll.u32 s8, $0x4  }
0x10: {  	s14 =	sadd.s32 s1, s12;
	s12 =	sadd.s32 s5, s12;
	s1 =	sadd.s32 $0x1, s15  }
0x11: {  	s26 =	smax.u32 s11, $0x1;
	s0 =	sadd.s32 s8, s0;
	[dreg:$0x7] =	wrdreg s14  }
0x12: {  	s8 =	sor.u32 $0x200, s2;
	[dreg:$0x8] =	wrdreg s12;
	s14 =	sshll.u32 s1, $0xB  }
0x13: {  	s1 =	sshll.u32 s1, $0x7;
	s12 =	sor.u32 s17, s16;
	[dreg:$0x11] =	wrdreg s26  }
0x14: {  	s26 =	simm.s32 $0x1000;
	s17 =	simm.s32 $0x80;
	s18 =	sand.u32 $0xFFFFC000, s14  }
0x15: {  	s1 =	sand.u32 $0x380, s1;
	s19 =	sand.u32 $0x4380, s12;
	s23 =	sadd.s32 $0x800, s0  }
0x16: {  	s24 =	sadd.s32 $0x10800, s0;
	s25 =	sadd.s32 $0x8800, s0;
	[dreg:$0xd] =	wrdreg s23  }
0x17: {  	s0 =	sadd.s32 $0x18800, s0;
	s1 =	sor.u32 s1, s18;
	[dreg:$0xe] =	wrdreg s24  }
0x18: {  	s20 =	sadd.s32 s19, s6;
	s21 =	sadd.s32 s19, s9;
	[dreg:$0xf] =	wrdreg s25  }
0x19: {  	[dreg:$0x10] =	wrdreg s0;
	s24 =	simm.s32 $0x1;
	s19 =	simm.s32 $0xA000  }
0x1a: {  	v0 =	vlaneseq.u32;
	s18 =	simm.s32 $0x13000;
	s25 =	simm.s32 $0x0;
	[dreg:$0x9] =	wrdreg s20  }
0x1b: {  	v1 =	vimm.f32 $0.0e+00;
	v2 =	vor.u32 $0x10, v0;
	v3 =	vor.u32 $0x20, v0;
	[dreg:$0xa] =	wrdreg s21;
	s22 =	sadd.s32 s1, s6;
	s1 =	sadd.s32 s1, s9  }
0x1c: {  	v4 =	vor.u32 $0x30, v0;
	v5 =	vor.u32 $0x40, v0;
	v6 =	vor.u32 $0x50, v0;
	s20 =	simm.s32 $0x3;
	s21 =	simm.s32 $0x400;
	[dreg:$0xb] =	wrdreg s22  }
0x1d: {  	v7 =	vor.u32 $0x60, v0;
	v8 =	vor.u32 $0x70, v0;
	v9 =	vmul.u32 $0x80, v0;
	[dreg:$0xc] =	wrdreg s1;
	s22 =	simm.s32 $0x4000;
	s1 =	simm.s32 $0x0  }
.LBB2_1:
0x1e: {  	[dreg:$0x12] =	wrdreg s1  }
0x1f: {  	s0 =	rddreg [dreg:$0x1]  }
0x20: {  	[tilespmem:s31], [sflag:$0x3] =	stream.linear.gather [hbm4b:s0+s31], $0x1000, $0x38;
	[tilespmem:$0x18800] =	vst v63  }
0x21: {  	_ =	swait.ge [sflag:s20], $0x1000  }
0x22: {  	[sflag:s20] =	ssyncset.done $0x0  }
0x23: {  	s31 =	simm.s32 $0x40;
	[sflag:s20] =	ssyncadd.s32 $0xFFFFF000  }
0x24: {  	v10 =	vld [tilespmem:s31+$0xFFFFFFC0];
	_ =	sdelay $0x1  }
0x25: {  	v11 =	vld [tilespmem:s31+$0xFFFFFFD0];
	_ =	sdelay $0x1  }
0x26: {  	v12 =	vld [tilespmem:s31+$0xFFFFFFE0]  }
0x27: {  	v10 =	vadd.f32 v10, v1  }
0x28: {  	v13 =	vld [tilespmem:s31+$0xFFFFFFF0]  }
0x29: {  	v10 =	vadd.f32 v11, v10  }
0x2a: {  	v11 =	vld [tilespmem:s31+$0x0]  }
0x2b: {  	v10 =	vadd.f32 v12, v10;
	_ =	sdelay $0x1  }
0x2c: {  	v12 =	vld [tilespmem:s31+$0x10];
	v10 =	vadd.f32 v13, v10;
	_ =	sdelay $0x1  }
0x2d: {  	v13 =	vadd.f32 v11, v10;
	v10 =	vld [tilespmem:s31+$0x20];
	_ =	sdelay $0x1  }
0x2e: {  	v11 =	vld [tilespmem:s31+$0x30]  }
0x2f: {  	s1 =	simm.s32 $0xC0;
	s0 =	simm.s32 $0x0;
	v12 =	vadd.f32 v12, v13  }
.LBB2_2:
0x30: {  	v13 =	vld [tilespmem:s1+$0xFFFFFFC0];
	s0 =	sadd.s32 $0x8, s0  }
0x31: {  	p0 =	slt.u32 s0, $0xF8;
	v10 =	vadd.f32 v10, v12  }
0x32: {  	v12 =	vld [tilespmem:s1+$0xFFFFFFD0]  }
0x33: {  	v10 =	vadd.f32 v11, v10  }
0x34: {  	v11 =	vld [tilespmem:s1+$0xFFFFFFE0]  }
0x35: {  	v10 =	vadd.f32 v13, v10  }
0x36: {  	v13 =	vld [tilespmem:s1+$0xFFFFFFF0]  }
0x37: {  	v10 =	vadd.f32 v12, v10  }
0x38: {  	v12 =	vld [tilespmem:s1+$0x0]  }
0x39: {  	v10 =	vadd.f32 v11, v10  }
0x3a: {  	v14 =	vld [tilespmem:s1+$0x10]  }
.Ltmp0:
0x3b: {  	v11 =	vadd.f32 v13, v10;
	(pc) =	sbr.rel @p0 .LBB2_2-.Ltmp0, $4  }
0x3c: {  	v10 =	vld [tilespmem:s1+$0x20]  }
0x3d: {  	v12 =	vadd.f32 v12, v11  }
0x3e: {  	v11 =	vld [tilespmem:s1+$0x30]  }
0x3f: {  	s1 =	sadd.s32 $0x80, s1;
	v12 =	vadd.f32 v14, v12  }
0x40: {  	_ = 	snop  }
0x41: {  	v10 =	vadd.f32 v10, v12;
	_ =	sdelay $0x1  }
0x42: {  	v10 =	vadd.f32 v11, v10;
	_ =	sdelay $0x1  }
0x43: {  	(v2sf) =	vpush v10, $0x0  }
0x44: {  	(v2sf) =	vpush v10, $0x1  }
0x45: {  	(v2sf) =	vpush v10, $0x2  }
0x46: {  	(v2sf) =	vpush v10, $0x3  }
0x47: {  	(v2sf) =	vpush v10, $0x4  }
0x48: {  	(v2sf) =	vpush v10, $0x5  }
0x49: {  	(v2sf) =	vpush v10, $0x6  }
0x4a: {  	(v2sf) =	vpush v10, $0x7  }
0x4b: {  	(v2sf) =	vpush v10, $0x8  }
0x4c: {  	(v2sf) =	vpush v10, $0x9  }
0x4d: {  	(v2sf) =	vpush v10, $0xA  }
0x4e: {  	(v2sf) =	vpush v10, $0xB  }
0x4f: {  	(v2sf) =	vpush v10, $0xC  }
0x50: {  	(v2sf) =	vpush v10, $0xD  }
0x51: {  	(v2sf) =	vpush v10, $0xE  }
0x52: {  	s0 =	spop (v2sf);
	(v2sf) =	vpush v10, $0xF  }
0x53: {  	s1 =	spop (v2sf)  }
0x54: {  	s5 =	spop (v2sf)  }
0x55: {  	s6 =	spop (v2sf)  }
0x56: {  	s9 =	spop (v2sf)  }
0x57: {  	s11 =	spop (v2sf)  }
0x58: {  	s12 =	spop (v2sf)  }
0x59: {  	s0 =	sadd.f32 s1, s0;
	s13 =	spop (v2sf)  }
0x5a: {  	s5 =	sadd.f32 s6, s5;
	s14 =	spop (v2sf)  }
0x5b: {  	s9 =	sadd.f32 s11, s9;
	s15 =	spop (v2sf)  }
0x5c: {  	s0 =	sadd.f32 s5, s0;
	s1 =	spop (v2sf)  }
0x5d: {  	s12 =	sadd.f32 s13, s12;
	s16 =	spop (v2sf)  }
0x5e: {  	s14 =	sadd.f32 s15, s14;
	s11 =	spop (v2sf)  }
0x5f: {  	s1 =	sadd.f32 s16, s1;
	s23 =	spop (v2sf)  }
0x60: {  	s31 =	spop (v2sf);
	s11 =	sadd.f32 s23, s11  }
0x61: {  	s23 =	sadd.f32 s12, s9;
	s16 =	spop (v2sf)  }
0x62: {  	s6 =	sadd.f32 s16, s31  }
0x63: {  	s1 =	sadd.f32 s1, s14  }
0x64: {  	s6 =	sadd.f32 s6, s11  }
0x65: {  	s0 =	sadd.f32 s23, s0;
	s31 =	simm.s32 $0x40  }
0x66: {  	v10 =	vld [tilespmem:s31+$0xFFFFFFC0];
	s1 =	sadd.f32 s6, s1;
	_ =	sdelay $0x1  }
0x67: {  	v11 =	vld [tilespmem:s31+$0xFFFFFFD0];
	s0 =	sadd.f32 s1, s0  }
0x68: {  	v12 =	vld [tilespmem:s31+$0xFFFFFFE0]  }
0x69: {  	s0 =	smul.f32 $2.441406200e-06, s0  }
0x6a: {  	v14 =	vld [tilespmem:s31+$0xFFFFFFF0];
	v13 =	vmul.f32 $9.999999770e-03, v10  }
0x6b: {  	v10 =	vmov s0  }
0x6c: {  	v11 =	vmul.f32 $9.999999770e-03, v11;
	v13 =	vsub.f32 v13, v10  }
0x6d: {  	v15 =	vimm.f32 $0.0e+00;
	v16 =	vld [tilespmem:s31+$0x0];
	v12 =	vmul.f32 $9.999999770e-03, v12  }
0x6e: {  	v11 =	vsub.f32 v11, v10;
	v15 =	vadd.f32 v13, v15  }
0x6f: {  	v17 =	vld [tilespmem:s31+$0x10];
	v18 =	vsub.f32 v12, v10;
	v12 =	vmul.f32 $9.999999770e-03, v14  }
0x70: {  	s5 =	simm.s32 $0x1040;
	v15 =	vadd.f32 v11, v15  }
0x71: {  	[tilespmem:s5+$0xFFFFFFC0] =	vst v13;
	v14 =	vsub.f32 v12, v10;
	v12 =	vld [tilespmem:s31+$0x20]  }
0x72: {  	[tilespmem:s5+$0xFFFFFFD0] =	vst v11;
	v11 =	vadd.f32 v18, v15;
	v15 =	vmul.f32 $9.999999770e-03, v16  }
0x73: {  	[tilespmem:s5+$0xFFFFFFE0] =	vst v18;
	v13 =	vld [tilespmem:s31+$0x30]  }
0x74: {  	s9 =	simm.s32 $0xC0;
	s6 =	simm.s32 $0x0;
	[tilespmem:s5+$0xFFFFFFF0] =	vst v14;
	v11 =	vadd.f32 v14, v11;
	v14 =	vsub.f32 v15, v10;
	v15 =	vmul.f32 $9.999999770e-03, v17  }
.LBB2_4:
0x75: {  	v16 =	vld [tilespmem:s9+$0xFFFFFFC0];
	s6 =	sadd.s32 $0x8, s6  }
0x76: {  	p0 =	slt.u32 s6, $0xF8;
	[tilespmem:s5+$0x0] =	vst v14;
	v11 =	vadd.f32 v14, v11;
	v14 =	vsub.f32 v15, v10;
	v12 =	vmul.f32 $9.999999770e-03, v12  }
0x77: {  	v15 =	vld [tilespmem:s9+$0xFFFFFFD0]  }
0x78: {  	[tilespmem:s5+$0x10] =	vst v14;
	v11 =	vadd.f32 v14, v11;
	v12 =	vsub.f32 v12, v10;
	v13 =	vmul.f32 $9.999999770e-03, v13  }
0x79: {  	v14 =	vld [tilespmem:s9+$0xFFFFFFE0]  }
0x7a: {  	v16 =	vmul.f32 $9.999999770e-03, v16;
	[tilespmem:s5+$0x20] =	vst v12;
	v11 =	vadd.f32 v12, v11;
	v12 =	vsub.f32 v13, v10  }
0x7b: {  	v13 =	vld [tilespmem:s9+$0xFFFFFFF0]  }
0x7c: {  	s1 =	simm.s32 $0x12040;
	s0 =	simm.s32 $0x12840;
	v16 =	vsub.f32 v16, v10;
	v15 =	vmul.f32 $9.999999770e-03, v15;
	[tilespmem:s5+$0x30] =	vst v12;
	v11 =	vadd.f32 v12, v11  }
0x7d: {  	s5 =	sadd.s32 $0x80, s5;
	v17 =	vld [tilespmem:s9+$0x0]  }
0x7e: {  	[tilespmem:s5+$0xFFFFFFC0] =	vst v16;
	v11 =	vadd.f32 v16, v11;
	v12 =	vsub.f32 v15, v10;
	v14 =	vmul.f32 $9.999999770e-03, v14  }
0x7f: {  	v15 =	vld [tilespmem:s9+$0x10]  }
.Ltmp1:
0x80: {  	[tilespmem:s5+$0xFFFFFFD0] =	vst v12;
	v11 =	vadd.f32 v12, v11;
	v14 =	vsub.f32 v14, v10;
	v13 =	vmul.f32 $9.999999770e-03, v13;
	(pc) =	sbr.rel @p0 .LBB2_4-.Ltmp1, $4  }
0x81: {  	v12 =	vld [tilespmem:s9+$0x20]  }
0x82: {  	[tilespmem:s5+$0xFFFFFFE0] =	vst v14;
	v11 =	vadd.f32 v14, v11;
	v14 =	vsub.f32 v13, v10;
	v16 =	vmul.f32 $9.999999770e-03, v17  }
0x83: {  	v13 =	vld [tilespmem:s9+$0x30]  }
0x84: {  	s9 =	sadd.s32 $0x80, s9;
	[tilespmem:s5+$0xFFFFFFF0] =	vst v14;
	v11 =	vadd.f32 v14, v11;
	v14 =	vsub.f32 v16, v10;
	v15 =	vmul.f32 $9.999999770e-03, v15  }
0x85: {  	_ =	sdelay $0x1  }
0x86: {  	v12 =	vmul.f32 $9.999999770e-03, v12  }
0x87: {  	v15 =	vsub.f32 v15, v10;
	v13 =	vmul.f32 $9.999999770e-03, v13  }
0x88: {  	[tilespmem:s5+$0x0] =	vst v14;
	v12 =	vsub.f32 v12, v10  }
0x89: {  	[tilespmem:s5+$0x10] =	vst v15;
	v10 =	vsub.f32 v13, v10  }
0x8a: {  	[tilespmem:s5+$0x20] =	vst v12  }
0x8b: {  	[tilespmem:s5+$0x30] =	vst v10  }
0x8c: {  	[tilespmem:s1+$0x30] =	vst v1  }
0x8d: {  	[tilespmem:s1+$0xFFFFFFF0] =	vst v1  }
0x8e: {  	[tilespmem:s1+$0xFFFFFFC0] =	vst v1  }
0x8f: {  	[tilespmem:s1+$0xFFFFFFE0] =	vst v1  }
0x90: {  	[tilespmem:s1+$0x10] =	vst v1  }
0x91: {  	[tilespmem:s1+$0x20] =	vst v1  }
0x92: {  	[tilespmem:s1+$0x0] =	vst v1  }
0x93: {  	[tilespmem:s1+$0xFFFFFFD0] =	vst v1  }
0x94: {  	v11 =	vadd.f32 v14, v11;
	[tilespmem:s0+$0xFFFFFFC0] =	vst v1  }
0x95: {  	[tilespmem:s0+$0x30] =	vst v1  }
0x96: {  	v11 =	vadd.f32 v15, v11;
	[tilespmem:s0+$0x20] =	vst v1  }
0x97: {  	[tilespmem:s0+$0x10] =	vst v1  }
0x98: {  	v11 =	vadd.f32 v12, v11;
	[tilespmem:s0+$0xFFFFFFE0] =	vst v1  }
0x99: {  	[tilespmem:s0+$0x0] =	vst v1  }
0x9a: {  	v10 =	vadd.f32 v10, v11;
	s5 =	simm.s32 $0x0;
	[tilespmem:s0+$0xFFFFFFF0] =	vst v1  }
.LBB2_6:
0x9b: {  	s5 =	sadd.s32 $0x8, s5;
	[tilespmem:s0+$0xFFFFFFD0] =	vst v1;
	s1 =	sadd.s32 $0x80, s1;
	s0 =	sadd.s32 $0x80, s0  }
0x9c: {  	[tilespmem:s1+$0x30] =	vst v1;
	p0 =	slt.u32 s5, $0x78  }
0x9d: {  	[tilespmem:s1+$0xFFFFFFF0] =	vst v1  }
0x9e: {  	[tilespmem:s1+$0xFFFFFFC0] =	vst v1  }
0x9f: {  	[tilespmem:s0+$0xFFFFFFC0] =	vst v1  }
0xa0: {  	[tilespmem:s0+$0x30] =	vst v1  }
0xa1: {  	[tilespmem:s1+$0xFFFFFFE0] =	vst v1  }
0xa2: {  	[tilespmem:s1+$0x10] =	vst v1  }
0xa3: {  	[tilespmem:s1+$0x20] =	vst v1  }
0xa4: {  	[tilespmem:s0+$0x20] =	vst v1  }
0xa5: {  	[tilespmem:s0+$0x10] =	vst v1  }
.Ltmp2:
0xa6: {  	[tilespmem:s0+$0xFFFFFFE0] =	vst v1;
	(pc) =	sbr.rel @p0 .LBB2_6-.Ltmp2, $4  }
0xa7: {  	[tilespmem:s1+$0x0] =	vst v1  }
0xa8: {  	[tilespmem:s0+$0x0] =	vst v1  }
0xa9: {  	[tilespmem:s0+$0xFFFFFFF0] =	vst v1  }
0xaa: {  	[tilespmem:s1+$0xFFFFFFD0] =	vst v1  }
0xab: {  	[tilespmem:s0+$0xFFFFFFD0] =	vst v1  }
0xac: {  	s0 =	rddreg [dreg:$0x7]  }
0xad: {  	[tilespmem:s3], [sflag:$0x1] =	stream.strided.gather [hbm4b:s0+s21], $0x8000, s22, s21, $0x38;
	[tilespmem:$0x18800] =	vst v63  }
0xae: {  	s5 =	smov.u32 s2;
	s0 =	simm.s32 $0x0  }
.LBB2_8:
0xaf: {  	s1 =	sshll.u32 s0, $0x9  }
0xb0: {  	s6 =	sor.u32 s2, s1  }
0xb1: {  	_ =	swait.ge [sflag:s24], $0x8000;
	s6 =	sshll.u32 s6, $0x8  }
0xb2: {  	s9 =	sadd.s32 $0xFFFFFFF8, s5;
	[sflag:s24] =	ssyncset.done $0x0;
	s6 =	sadd.s32 s6, s7  }
0xb3: {  	s11 =	sadd.s32 $0xE, s9;
	[sflag:s24] =	ssyncadd.s32 $0xFFFF8000;
	s6 =	sadd.s32 $0x10000, s6  }
0xb4: {  	v11 =	vmov s11;
	[tilespmem:s19], [sflag:$0x2] =	stream.strided.gather [hbm4b:s6+s21], $0x8000, s22, s21, $0x38;
	[tilespmem:$0x18800] =	vst v63  }
0xb5: {  	v11 =	vand.u32 $0xFFFFFFFE, v11;
	s6 =	simm.s32 $0x2200  }
0xb6: {  	v11 =	vbroadcast v11, $0x0;
	v12 =	vld [tilespmem:s6+$0x100];
	_ =	sdelay $0x3  }
0xb7: {  	v13 =	vld [tilespmem:s6+$0xFFFFFE00]  }
0xb8: {  	s14 =	sadd.s32 $0x8, s9;
	v15 =	vld [tilespmem:s6+$0xFFFFFE80];
	v12 =	vshll.u32 v12, $0x7  }
0xb9: {  	s15 =	sadd.s32 $0x9, s9;
	v18 =	vld.idx.msk [tilespmem:v11+s26+$0x0], $0xffff;
	v11 =	vor.u32 v0, v12;
	v12 =	vmov s14  }
0xba: {  	s16 =	sadd.s32 $0xB, s9;
	v14 =	vmov s15;
	v16 =	vld [tilespmem:s6+$0xFFFFFF00];
	v12 =	vand.u32 $0xFFFFFFF8, v12  }
0xbb: {  	s12 =	sadd.s32 $0xA, s9;
	v20 =	vmov s16;
	v14 =	vand.u32 $0xFFFFFFF9, v14;
	v19 =	vld [tilespmem:s6+$0xFFFFFF80];
	v12 =	vbroadcast v12, $0x0  }
0xbc: {  	s23 =	sadd.s32 $0xC, s9;
	v17 =	vmov s12;
	v20 =	vand.u32 $0xFFFFFFFB, v20;
	v14 =	vbroadcast v14, $0x0;
	v21 =	vld [tilespmem:s6+$0x0]  }
0xbd: {  	s31 =	sadd.s32 $0xD, s9;
	v22 =	vmov s23;
	v17 =	vand.u32 $0xFFFFFFFA, v17;
	v20 =	vbroadcast v20, $0x0;
	v24 =	vld [tilespmem:s6+$0x80]  }
0xbe: {  	v22 =	vand.u32 $0xFFFFFFFC, v22;
	v17 =	vbroadcast v17, $0x0;
	[tilespmem:v11+s28+$0x0] =	vst.idx.add.f32.msk $0xffff, v18;
	v11 =	vmov s31  }
0xbf: {  	v22 =	vbroadcast v22, $0x0;
	v23 =	vld [tilespmem:s6+$0x110];
	v11 =	vand.u32 $0xFFFFFFFD, v11  }
0xc0: {  	v26 =	vld [tilespmem:s6+$0x180];
	v25 =	vbroadcast v11, $0x0  }
0xc1: {  	v13 =	vshll.u32 v13, $0x7;
	v11 =	vld.idx.msk [tilespmem:v12+s26+$0x0], $0xffff  }
0xc2: {  	v19 =	vshll.u32 v19, $0x7;
	v28 =	vor.u32 v0, v13;
	v12 =	vld.idx.msk [tilespmem:v14+s26+$0x0], $0xffff  }
0xc3: {  	s9 =	sadd.s32 $0xF, s9;
	v19 =	vor.u32 v0, v19;
	v14 =	vld.idx.msk [tilespmem:v20+s26+$0x0], $0xffff  }
0xc4: {  	v27 =	vmov s9;
	v13 =	vld.idx.msk [tilespmem:v17+s26+$0x0], $0xffff;
	v17 =	vshll.u32 v23, $0x7  }
0xc5: {  	v21 =	vshll.u32 v21, $0x7;
	v20 =	vor.u32 v2, v17;
	v17 =	vshll.u32 v15, $0x7;
	v15 =	vld.idx.msk [tilespmem:v22+s26+$0x0], $0xffff  }
0xc6: {  	v21 =	vor.u32 v0, v21;
	v22 =	vor.u32 v0, v17;
	v17 =	vshll.u32 v16, $0x7;
	v16 =	vld.idx.msk [tilespmem:v25+s26+$0x0], $0xffff  }
0xc7: {  	[tilespmem:v28+s28+$0x0] =	vst.idx.add.f32.msk $0xffff, v11  }
0xc8: {  	[tilespmem:v19+s28+$0x0] =	vst.idx.add.f32.msk $0xffff, v14  }
0xc9: {  	v23 =	vor.u32 v0, v17;
	v17 =	vld.idx.msk [tilespmem:v27+s26+$0x0], $0xffff  }
0xca: {  	[tilespmem:v20+s28+$0x0] =	vst.idx.add.f32.msk $0xffff, v18  }
0xcb: {  	[tilespmem:v21+s28+$0x0] =	vst.idx.add.f32.msk $0xffff, v15  }
0xcc: {  	v20 =	vld [tilespmem:s6+$0x120]  }
0xcd: {  	v19 =	vshll.u32 v24, $0x7;
	v21 =	vld [tilespmem:s6+$0xFFFFFE10]  }
0xce: {  	v19 =	vor.u32 v0, v19;
	[tilespmem:v22+s28+$0x0] =	vst.idx.add.f32.msk $0xffff, v12  }
0xcf: {  	v35 =	vld [tilespmem:s6+$0x10]  }
0xd0: {  	[tilespmem:v23+s28+$0x0] =	vst.idx.add.f32.msk $0xffff, v13;
	v23 =	vshll.u32 v26, $0x7  }
0xd1: {  	v22 =	vld [tilespmem:s6+$0xFFFFFE90];
	v23 =	vor.u32 v0, v23;
	v20 =	vshll.u32 v20, $0x7  }
0xd2: {  	v33 =	vld [tilespmem:s6+$0xFFFFFF10];
	v20 =	vor.u32 v3, v20  }
0xd3: {  	[tilespmem:v19+s28+$0x0] =	vst.idx.add.f32.msk $0xffff, v16;
	v19 =	vshll.u32 v21, $0x7  }
0xd4: {  	v34 =	vld [tilespmem:s6+$0xFFFFFF90];
	v19 =	vor.u32 v2, v19  }
0xd5: {  	v36 =	vld [tilespmem:s6+$0x90];
	v37 =	vshll.u32 v35, $0x7  }
0xd6: {  	v21 =	vshll.u32 v22, $0x7;
	v25 =	vor.u32 v2, v37;
	[tilespmem:v23+s28+$0x0] =	vst.idx.add.f32.msk $0xffff, v17  }
0xd7: {  	[tilespmem:v20+s28+$0x0] =	vst.idx.add.f32.msk $0xffff, v18;
	v20 =	vor.u32 v2, v21;
	v21 =	vshll.u32 v33, $0x7  }
0xd8: {  	v38 =	vld [tilespmem:s6+$0x190];
	v21 =	vor.u32 v2, v21  }
0xd9: {  	[tilespmem:v19+s28+$0x0] =	vst.idx.add.f32.msk $0xffff, v11  }
0xda: {  	v22 =	vld [tilespmem:s6+$0x130]  }
0xdb: {  	v23 =	vshll.u32 v34, $0x7;
	[tilespmem:v25+s28+$0x0] =	vst.idx.add.f32.msk $0xffff, v15  }
0xdc: {  	v23 =	vor.u32 v2, v23;
	[tilespmem:v20+s28+$0x0] =	vst.idx.add.f32.msk $0xffff, v12;
	v20 =	vshll.u32 v36, $0x7  }
0xdd: {  	[tilespmem:v21+s28+$0x0] =	vst.idx.add.f32.msk $0xffff, v13;
	v20 =	vor.u32 v2, v20  }
0xde: {  	v21 =	vld [tilespmem:s6+$0xFFFFFE20]  }
0xdf: {  	v19 =	vshll.u32 v22, $0x7;
	v22 =	vld [tilespmem:s6+$0xFFFFFEA0]  }
0xe0: {  	v25 =	vld [tilespmem:s6+$0x20];
	v19 =	vor.u32 v4, v19  }
0xe1: {  	[tilespmem:v23+s28+$0x0] =	vst.idx.add.f32.msk $0xffff, v14  }
0xe2: {  	[tilespmem:v20+s28+$0x0] =	vst.idx.add.f32.msk $0xffff, v16  }
0xe3: {  	v20 =	vld [tilespmem:s6+$0xFFFFFF20];
	v21 =	vshll.u32 v21, $0x7  }
0xe4: {  	v39 =	vld [tilespmem:s6+$0xFFFFFFA0];
	v22 =	vshll.u32 v22, $0x7;
	v21 =	vor.u32 v3, v21  }
0xe5: {  	[tilespmem:v19+s28+$0x0] =	vst.idx.add.f32.msk $0xffff, v18;
	v19 =	vshll.u32 v38, $0x7;
	v22 =	vor.u32 v3, v22  }
0xe6: {  	v23 =	vld [tilespmem:s6+$0x140];
	v19 =	vor.u32 v2, v19;
	_ =	sdelay $0x1  }
0xe7: {  	v40 =	vld [tilespmem:s6+$0xA0];
	v20 =	vshll.u32 v20, $0x7  }
0xe8: {  	v24 =	vshll.u32 v39, $0x7;
	v20 =	vor.u32 v3, v20;
	[tilespmem:v21+s28+$0x0] =	vst.idx.add.f32.msk $0xffff, v11  }
0xe9: {  	v41 =	vshll.u32 v25, $0x7;
	v21 =	vor.u32 v3, v24;
	[tilespmem:v22+s28+$0x0] =	vst.idx.add.f32.msk $0xffff, v12  }
0xea: {  	v22 =	vor.u32 v3, v41;
	v23 =	vshll.u32 v23, $0x7;
	[tilespmem:v19+s28+$0x0] =	vst.idx.add.f32.msk $0xffff, v17  }
0xeb: {  	v19 =	vor.u32 v5, v23;
	v23 =	vld [tilespmem:s6+$0x1A0]  }
0xec: {  	v43 =	vld [tilespmem:s6+$0xFFFFFE30]  }
0xed: {  	[tilespmem:v20+s28+$0x0] =	vst.idx.add.f32.msk $0xffff, v13  }
0xee: {  	v42 =	vshll.u32 v40, $0x7;
	[tilespmem:v21+s28+$0x0] =	vst.idx.add.f32.msk $0xffff, v14  }
0xef: {  	v24 =	vor.u32 v3, v42;
	[tilespmem:v22+s28+$0x0] =	vst.idx.add.f32.msk $0xffff, v15  }
0xf0: {  	[tilespmem:v19+s28+$0x0] =	vst.idx.add.f32.msk $0xffff, v18;
	v20 =	vshll.u32 v23, $0x7  }
0xf1: {  	v19 =	vld [tilespmem:s6+$0x150];
	v20 =	vor.u32 v3, v20  }
0xf2: {  	v45 =	vld [tilespmem:s6+$0x30]  }
0xf3: {  	v44 =	vshll.u32 v43, $0x7;
	v23 =	vld [tilespmem:s6+$0xFFFFFFB0]  }
0xf4: {  	[tilespmem:v24+s28+$0x0] =	vst.idx.add.f32.msk $0xffff, v16;
	v24 =	vor.u32 v4, v44  }
0xf5: {  	v21 =	vld [tilespmem:s6+$0xFFFFFEB0]  }
0xf6: {  	v19 =	vshll.u32 v19, $0x7;
	[tilespmem:v20+s28+$0x0] =	vst.idx.add.f32.msk $0xffff, v17  }
0xf7: {  	v25 =	vshll.u32 v45, $0x7;
	v20 =	vld [tilespmem:s6+$0xB0];
	v19 =	vor.u32 v6, v19  }
0xf8: {  	v22 =	vld [tilespmem:s6+$0xFFFFFF30];
	v23 =	vshll.u32 v23, $0x7;
	v47 =	vor.u32 v4, v25  }
0xf9: {  	[tilespmem:v24+s28+$0x0] =	vst.idx.add.f32.msk $0xffff, v11;
	v23 =	vor.u32 v4, v23  }
0xfa: {  	v48 =	vld [tilespmem:s6+$0xFFFFFE40]  }
0xfb: {  	v21 =	vshll.u32 v21, $0x7;
	v46 =	vld [tilespmem:s6+$0x1B0]  }
0xfc: {  	v20 =	vshll.u32 v20, $0x7;
	[tilespmem:v19+s28+$0x0] =	vst.idx.add.f32.msk $0xffff, v18;
	v19 =	vor.u32 v4, v21  }
0xfd: {  	[tilespmem:v47+s28+$0x0] =	vst.idx.add.f32.msk $0xffff, v15;
	v21 =	vshll.u32 v22, $0x7;
	v20 =	vor.u32 v4, v20  }
0xfe: {  	[tilespmem:v23+s28+$0x0] =	vst.idx.add.f32.msk $0xffff, v14;
	v21 =	vor.u32 v4, v21  }
0xff: {  	v23 =	vshll.u32 v48, $0x7;
	v22 =	vld [tilespmem:s6+$0x160]  }
0x100: {  	v50 =	vld [tilespmem:s6+$0x40];
	v23 =	vor.u32 v5, v23  }
0x101: {  	[tilespmem:v19+s28+$0x0] =	vst.idx.add.f32.msk $0xffff, v12  }
0x102: {  	[tilespmem:v20+s28+$0x0] =	vst.idx.add.f32.msk $0xffff, v16  }
0x103: {  	[tilespmem:v21+s28+$0x0] =	vst.idx.add.f32.msk $0xffff, v13  }
0x104: {  	v19 =	vshll.u32 v22, $0x7;
	v21 =	vld [tilespmem:s6+$0xFFFFFEC0]  }
0x105: {  	[tilespmem:v23+s28+$0x0] =	vst.idx.add.f32.msk $0xffff, v11;
	v22 =	vshll.u32 v46, $0x7;
	v19 =	vor.u32 v7, v19  }
0x106: {  	v23 =	vshll.u32 v50, $0x7;
	v20 =	vor.u32 v4, v22;
	v22 =	vld [tilespmem:s6+$0xFFFFFF40]  }
0x107: {  	v49 =	vld [tilespmem:s6+$0xFFFFFFC0];
	v23 =	vor.u32 v5, v23  }
0x108: {  	v51 =	vld [tilespmem:s6+$0xC0]  }
0x109: {  	v52 =	vld [tilespmem:s6+$0xFFFFFE50];
	v21 =	vshll.u32 v21, $0x7  }
0x10a: {  	[tilespmem:v19+s28+$0x0] =	vst.idx.add.f32.msk $0xffff, v18;
	v19 =	vor.u32 v5, v21  }
0x10b: {  	[tilespmem:v20+s28+$0x0] =	vst.idx.add.f32.msk $0xffff, v17;
	v20 =	vshll.u32 v22, $0x7  }
0x10c: {  	[tilespmem:v23+s28+$0x0] =	vst.idx.add.f32.msk $0xffff, v15;
	v22 =	vshll.u32 v49, $0x7;
	v20 =	vor.u32 v5, v20  }
0x10d: {  	v21 =	vld [tilespmem:s6+$0x1C0];
	v22 =	vor.u32 v5, v22  }
0x10e: {  	v53 =	vshll.u32 v51, $0x7;
	v55 =	vld [tilespmem:s6+$0x50]  }
0x10f: {  	[tilespmem:v19+s28+$0x0] =	vst.idx.add.f32.msk $0xffff, v12;
	v19 =	vor.u32 v5, v53  }
0x110: {  	v54 =	vld [tilespmem:s6+$0xFFFFFED0]  }
0x111: {  	[tilespmem:v20+s28+$0x0] =	vst.idx.add.f32.msk $0xffff, v13  }
0x112: {  	[tilespmem:v22+s28+$0x0] =	vst.idx.add.f32.msk $0xffff, v14;
	v20 =	vshll.u32 v21, $0x7;
	v21 =	vshll.u32 v52, $0x7  }
0x113: {  	v22 =	vld [tilespmem:s6+$0xFFFFFFD0];
	v21 =	vor.u32 v6, v21  }
0x114: {  	[tilespmem:v19+s28+$0x0] =	vst.idx.add.f32.msk $0xffff, v16;
	v19 =	vor.u32 v5, v20  }
0x115: {  	v20 =	vld [tilespmem:s6+$0xFFFFFF50]  }
0x116: {  	v57 =	vld [tilespmem:s6+$0x170];
	v23 =	vshll.u32 v54, $0x7  }
0x117: {  	v56 =	vld [tilespmem:s6+$0xD0];
	v23 =	vor.u32 v6, v23  }
0x118: {  	v22 =	vshll.u32 v22, $0x7;
	[tilespmem:v21+s28+$0x0] =	vst.idx.add.f32.msk $0xffff, v11  }
0x119: {  	v21 =	vor.u32 v6, v22;
	v22 =	vshll.u32 v55, $0x7;
	[tilespmem:v19+s28+$0x0] =	vst.idx.add.f32.msk $0xffff, v17  }
0x11a: {  	v22 =	vor.u32 v6, v22;
	v19 =	vshll.u32 v20, $0x7;
	v20 =	vld [tilespmem:s6+$0x1D0]  }
0x11b: {  	v58 =	vld [tilespmem:s6+$0xFFFFFE60];
	v19 =	vor.u32 v6, v19  }
0x11c: {  	[tilespmem:v23+s28+$0x0] =	vst.idx.add.f32.msk $0xffff, v12  }
0x11d: {  	v59 =	vld [tilespmem:s6+$0xFFFFFEE0]  }
0x11e: {  	v23 =	vshll.u32 v56, $0x7;
	[tilespmem:v21+s28+$0x0] =	vst.idx.add.f32.msk $0xffff, v14  }
0x11f: {  	v23 =	vor.u32 v6, v23;
	[tilespmem:v22+s28+$0x0] =	vst.idx.add.f32.msk $0xffff, v15;
	v20 =	vshll.u32 v20, $0x7  }
0x120: {  	[tilespmem:v19+s28+$0x0] =	vst.idx.add.f32.msk $0xffff, v13;
	v19 =	vor.u32 v6, v20  }
0x121: {  	v22 =	vld [tilespmem:s6+$0xFFFFFFE0]  }
0x122: {  	v60 =	vld [tilespmem:s6+$0x60];
	v20 =	vshll.u32 v58, $0x7  }
0x123: {  	v21 =	vld [tilespmem:s6+$0xFFFFFF60];
	v20 =	vor.u32 v7, v20  }
0x124: {  	[tilespmem:v23+s28+$0x0] =	vst.idx.add.f32.msk $0xffff, v16;
	v23 =	vshll.u32 v57, $0x7  }
0x125: {  	[tilespmem:v19+s28+$0x0] =	vst.idx.add.f32.msk $0xffff, v17;
	v19 =	vor.u32 v8, v23;
	v23 =	vshll.u32 v59, $0x7  }
0x126: {  	v61 =	vld [tilespmem:s6+$0xE0];
	v23 =	vor.u32 v7, v23  }
0x127: {  	v62 =	vld [tilespmem:s6+$0x1E0]  }
0x128: {  	[tilespmem:v20+s28+$0x0] =	vst.idx.add.f32.msk $0xffff, v11  }
0x129: {  	v21 =	vshll.u32 v21, $0x7;
	v28 =	vld [tilespmem:s6+$0xFFFFFE70]  }
0x12a: {  	v63 =	vor.u32 v7, v21;
	v20 =	vshll.u32 v22, $0x7;
	[tilespmem:v19+s28+$0x0] =	vst.idx.add.f32.msk $0xffff, v18  }
0x12b: {  	v29 =	vor.u32 v7, v20;
	v18 =	vshll.u32 v60, $0x7;
	[tilespmem:v23+s28+$0x0] =	vst.idx.add.f32.msk $0xffff, v12  }
0x12c: {  	v21 =	vor.u32 v7, v18;
	v18 =	vshll.u32 v61, $0x7;
	v20 =	vld [tilespmem:s6+$0xFFFFFEF0]  }
0x12d: {  	v19 =	vshll.u32 v62, $0x7;
	v22 =	vor.u32 v7, v18  }
0x12e: {  	v19 =	vor.u32 v7, v19  }
0x12f: {  	[tilespmem:v63+s28+$0x0] =	vst.idx.add.f32.msk $0xffff, v13  }
0x130: {  	s11 =	simm.s32 $0x0;
	s9 =	simm.s32 $0x2200;
	v18 =	vshll.u32 v28, $0x7;
	[tilespmem:v29+s28+$0x0] =	vst.idx.add.f32.msk $0xffff, v14  }
.LBB2_9:
0x131: {  	s12 =	sadd.s32 s11, s5;
	s11 =	sadd.s32 $0x8, s11;
	v29 =	vor.u32 v8, v18;
	v18 =	vshll.u32 v20, $0x7;
	[tilespmem:v21+s28+$0x0] =	vst.idx.add.f32.msk $0xffff, v15  }
0x132: {  	s13 =	sadd.s32 $0x8, s12;
	s14 =	sadd.s32 $0xE, s12;
	p0 =	slt.u32 s11, $0xF8;
	v25 =	vor.u32 v8, v18;
	[tilespmem:v22+s28+$0x0] =	vst.idx.add.f32.msk $0xffff, v16  }
0x133: {  	s15 =	sadd.s32 $0xA, s12;
	s16 =	sadd.s32 $0xB, s12;
	v18 =	vmov s13;
	s13 =	sadd.s32 $0x9, s12;
	v20 =	vmov s14;
	[tilespmem:v19+s28+$0x0] =	vst.idx.add.f32.msk $0xffff, v17  }
0x134: {  	v21 =	vmov s15;
	s14 =	sadd.s32 $0xD, s12;
	v19 =	vmov s13;
	s13 =	sadd.s32 $0xC, s12;
	v20 =	vand.u32 $0xFFFFFFFE, v20;
	s12 =	sadd.s32 $0xF, s12;
	v22 =	vld [tilespmem:s6+$0xFFFFFF70]  }
0x135: {  	v23 =	vmov s16;
	s6 =	sadd.s32 $0x400, s6;
	v24 =	vmov s13;
	v20 =	vbroadcast v20, $0x0;
	v26 =	vld [tilespmem:s9+$0xFFFFFFF0]  }
0x136: {  	v18 =	vand.u32 $0xFFFFFFF8, v18;
	v27 =	vmov s14;
	v19 =	vand.u32 $0xFFFFFFF9, v19;
	v28 =	vld [tilespmem:s6+$0x100]  }
0x137: {  	v21 =	vand.u32 $0xFFFFFFFA, v21;
	v23 =	vand.u32 $0xFFFFFFFB, v23;
	v24 =	vand.u32 $0xFFFFFFFC, v24;
	v30 =	vld [tilespmem:s6+$0xFFFFFE00]  }
0x138: {  	v18 =	vbroadcast v18, $0x0;
	v27 =	vand.u32 $0xFFFFFFFD, v27;
	v19 =	vbroadcast v19, $0x0;
	v31 =	vld [tilespmem:s6+$0xFFFFFE80]  }
0x139: {  	v21 =	vbroadcast v21, $0x0;
	v33 =	vbroadcast v23, $0x0;
	v34 =	vmov s12;
	v32 =	vld [tilespmem:s6+$0xFFFFFF00]  }
0x13a: {  	v37 =	vbroadcast v27, $0x0;
	v36 =	vbroadcast v24, $0x0;
	v22 =	vshll.u32 v22, $0x7;
	v35 =	vld [tilespmem:s6+$0xFFFFFF80]  }
0x13b: {  	v23 =	vor.u32 v8, v22;
	v22 =	vshll.u32 v26, $0x7;
	v24 =	vld.idx.msk [tilespmem:v20+s26+$0x0], $0xffff;
	v20 =	vshll.u32 v28, $0x7  }
0x13c: {  	v26 =	vshll.u32 v30, $0x7;
	v27 =	vld [tilespmem:s6+$0x0];
	v28 =	vor.u32 v0, v20;
	v20 =	vor.u32 v8, v22  }
0x13d: {  	v26 =	vor.u32 v0, v26;
	v22 =	vshll.u32 v31, $0x7;
	v38 =	vld [tilespmem:s6+$0x80]  }
0x13e: {  	v39 =	vor.u32 v0, v22;
	v22 =	vshll.u32 v32, $0x7;
	v32 =	vld [tilespmem:s6+$0x180]  }
0x13f: {  	v31 =	vld.idx.msk [tilespmem:v18+s26+$0x0], $0xffff;
	v40 =	vor.u32 v0, v22;
	v18 =	vshll.u32 v35, $0x7  }
0x140: {  	v30 =	vld.idx.msk [tilespmem:v19+s26+$0x0], $0xffff;
	v35 =	vor.u32 v0, v18  }
0x141: {  	v18 =	vshll.u32 v27, $0x7;
	[tilespmem:v28+s28+$0x0] =	vst.idx.add.f32.msk $0xffff, v24  }
0x142: {  	v28 =	vor.u32 v0, v18;
	v18 =	vshll.u32 v38, $0x7;
	v38 =	vld [tilespmem:s6+$0x110]  }
0x143: {  	v27 =	vld.idx.msk [tilespmem:v21+s26+$0x0], $0xffff;
	v41 =	vor.u32 v0, v18;
	v18 =	vshll.u32 v32, $0x7  }
0x144: {  	v22 =	vld.idx.msk [tilespmem:v33+s26+$0x0], $0xffff;
	v32 =	vor.u32 v0, v18  }
0x145: {  	v21 =	vld.idx.msk [tilespmem:v36+s26+$0x0], $0xffff  }
0x146: {  	v19 =	vld.idx.msk [tilespmem:v37+s26+$0x0], $0xffff  }
0x147: {  	v33 =	vshll.u32 v38, $0x7;
	v18 =	vld.idx.msk [tilespmem:v34+s26+$0x0], $0xffff  }
0x148: {  	[tilespmem:v26+s28+$0x0] =	vst.idx.add.f32.msk $0xffff, v31;
	v26 =	vor.u32 v2, v33  }
0x149: {  	[tilespmem:v39+s28+$0x0] =	vst.idx.add.f32.msk $0xffff, v30  }
0x14a: {  	[tilespmem:v40+s28+$0x0] =	vst.idx.add.f32.msk $0xffff, v27  }
0x14b: {  	[tilespmem:v35+s28+$0x0] =	vst.idx.add.f32.msk $0xffff, v22  }
0x14c: {  	[tilespmem:v28+s28+$0x0] =	vst.idx.add.f32.msk $0xffff, v21  }
0x14d: {  	[tilespmem:v26+s28+$0x0] =	vst.idx.add.f32.msk $0xffff, v24  }
0x14e: {  	v26 =	vld [tilespmem:s6+$0x120]  }
0x14f: {  	[tilespmem:v41+s28+$0x0] =	vst.idx.add.f32.msk $0xffff, v19  }
0x150: {  	[tilespmem:v32+s28+$0x0] =	vst.idx.add.f32.msk $0xffff, v18  }
0x151: {  	v28 =	vld [tilespmem:s6+$0xFFFFFE10]  }
0x152: {  	v32 =	vld [tilespmem:s6+$0xFFFFFE90]  }
0x153: {  	v33 =	vld [tilespmem:s6+$0xFFFFFF10];
	v26 =	vshll.u32 v26, $0x7  }
0x154: {  	v34 =	vld [tilespmem:s6+$0xFFFFFF90];
	v26 =	vor.u32 v3, v26  }
0x155: {  	v35 =	vld [tilespmem:s6+$0x10]  }
0x156: {  	v28 =	vshll.u32 v28, $0x7;
	v36 =	vld [tilespmem:s6+$0x90]  }
0x157: {  	v28 =	vor.u32 v2, v28;
	v32 =	vshll.u32 v32, $0x7;
	v37 =	vld [tilespmem:s6+$0x190]  }
0x158: {  	v32 =	vor.u32 v2, v32;
	v33 =	vshll.u32 v33, $0x7;
	v38 =	vld [tilespmem:s9+$0x70]  }
0x159: {  	v33 =	vor.u32 v2, v33;
	v34 =	vshll.u32 v34, $0x7;
	[tilespmem:v26+s28+$0x0] =	vst.idx.add.f32.msk $0xffff, v24  }
0x15a: {  	v26 =	vor.u32 v2, v34;
	v34 =	vshll.u32 v35, $0x7;
	v35 =	vld [tilespmem:s6+$0x130]  }
0x15b: {  	v34 =	vor.u32 v2, v34;
	v36 =	vshll.u32 v36, $0x7;
	v39 =	vld [tilespmem:s9+$0xF0]  }
0x15c: {  	[tilespmem:v28+s28+$0x0] =	vst.idx.add.f32.msk $0xffff, v31;
	v36 =	vor.u32 v2, v36;
	v28 =	vshll.u32 v37, $0x7  }
0x15d: {  	[tilespmem:v32+s28+$0x0] =	vst.idx.add.f32.msk $0xffff, v30;
	v32 =	vor.u32 v2, v28;
	v28 =	vshll.u32 v38, $0x7  }
0x15e: {  	[tilespmem:v33+s28+$0x0] =	vst.idx.add.f32.msk $0xffff, v27;
	v28 =	vor.u32 v8, v28  }
0x15f: {  	[tilespmem:v26+s28+$0x0] =	vst.idx.add.f32.msk $0xffff, v22;
	v26 =	vshll.u32 v35, $0x7  }
0x160: {  	[tilespmem:v34+s28+$0x0] =	vst.idx.add.f32.msk $0xffff, v21;
	v33 =	vor.u32 v4, v26;
	v26 =	vshll.u32 v39, $0x7  }
0x161: {  	[tilespmem:v36+s28+$0x0] =	vst.idx.add.f32.msk $0xffff, v19;
	v26 =	vor.u32 v8, v26  }
0x162: {  	[tilespmem:v32+s28+$0x0] =	vst.idx.add.f32.msk $0xffff, v18  }
0x163: {  	v32 =	vld [tilespmem:s6+$0xFFFFFE20]  }
0x164: {  	v34 =	vld [tilespmem:s6+$0xFFFFFEA0]  }
0x165: {  	[tilespmem:v33+s28+$0x0] =	vst.idx.add.f32.msk $0xffff, v24  }
0x166: {  	v33 =	vld [tilespmem:s6+$0x140]  }
0x167: {  	v35 =	vld [tilespmem:s6+$0xFFFFFF20]  }
0x168: {  	v32 =	vshll.u32 v32, $0x7;
	v36 =	vld [tilespmem:s6+$0xFFFFFFA0]  }
0x169: {  	v32 =	vor.u32 v3, v32;
	v34 =	vshll.u32 v34, $0x7;
	v37 =	vld [tilespmem:s6+$0x20]  }
0x16a: {  	v34 =	vor.u32 v3, v34;
	v38 =	vld [tilespmem:s6+$0xA0]  }
0x16b: {  	v33 =	vshll.u32 v33, $0x7;
	v39 =	vld [tilespmem:s6+$0x1A0]  }
0x16c: {  	v35 =	vshll.u32 v35, $0x7;
	v33 =	vor.u32 v5, v33;
	v40 =	vld [tilespmem:s9+$0x1F0];
	s9 =	smov.u32 s6  }
0x16d: {  	v35 =	vor.u32 v3, v35;
	v36 =	vshll.u32 v36, $0x7;
	[tilespmem:v29+s28+$0x0] =	vst.idx.add.f32.msk $0xffff, v11;
	v11 =	vmov v31  }
0x16e: {  	[tilespmem:v32+s28+$0x0] =	vst.idx.add.f32.msk $0xffff, v11;
	v31 =	vor.u32 v3, v36;
	v29 =	vshll.u32 v37, $0x7  }
0x16f: {  	[tilespmem:v34+s28+$0x0] =	vst.idx.add.f32.msk $0xffff, v30;
	v32 =	vor.u32 v3, v29;
	v29 =	vshll.u32 v38, $0x7  }
0x170: {  	v34 =	vld [tilespmem:s6+$0xFFFFFE30];
	v36 =	vor.u32 v3, v29;
	v29 =	vshll.u32 v39, $0x7  }
0x171: {  	[tilespmem:v33+s28+$0x0] =	vst.idx.add.f32.msk $0xffff, v24;
	v33 =	vor.u32 v3, v29;
	v29 =	vshll.u32 v40, $0x7  }
0x172: {  	v37 =	vld [tilespmem:s6+$0x150];
	v29 =	vor.u32 v8, v29  }
0x173: {  	[tilespmem:v35+s28+$0x0] =	vst.idx.add.f32.msk $0xffff, v27  }
0x174: {  	[tilespmem:v31+s28+$0x0] =	vst.idx.add.f32.msk $0xffff, v22  }
0x175: {  	v31 =	vshll.u32 v34, $0x7;
	[tilespmem:v32+s28+$0x0] =	vst.idx.add.f32.msk $0xffff, v21  }
0x176: {  	v31 =	vor.u32 v4, v31;
	[tilespmem:v36+s28+$0x0] =	vst.idx.add.f32.msk $0xffff, v19  }
0x177: {  	v32 =	vshll.u32 v37, $0x7;
	[tilespmem:v33+s28+$0x0] =	vst.idx.add.f32.msk $0xffff, v18  }
0x178: {  	v33 =	vld [tilespmem:s6+$0xFFFFFEB0];
	v32 =	vor.u32 v6, v32  }
0x179: {  	v34 =	vld [tilespmem:s6+$0xFFFFFF30]  }
0x17a: {  	v35 =	vld [tilespmem:s6+$0xFFFFFFB0]  }
0x17b: {  	v36 =	vld [tilespmem:s6+$0x30]  }
0x17c: {  	v37 =	vld [tilespmem:s6+$0xB0]  }
0x17d: {  	v33 =	vshll.u32 v33, $0x7;
	[tilespmem:v32+s28+$0x0] =	vst.idx.add.f32.msk $0xffff, v24  }
0x17e: {  	v32 =	vor.u32 v4, v33;
	v33 =	vshll.u32 v34, $0x7;
	v34 =	vld [tilespmem:s6+$0x160]  }
0x17f: {  	v33 =	vor.u32 v4, v33;
	v35 =	vshll.u32 v35, $0x7;
	v38 =	vld [tilespmem:s6+$0x1B0]  }
0x180: {  	[tilespmem:v31+s28+$0x0] =	vst.idx.add.f32.msk $0xffff, v11;
	v31 =	vor.u32 v4, v35;
	v35 =	vshll.u32 v36, $0x7  }
0x181: {  	v36 =	vld [tilespmem:s6+$0xFFFFFE40];
	v35 =	vor.u32 v4, v35;
	v37 =	vshll.u32 v37, $0x7  }
0x182: {  	v37 =	vor.u32 v4, v37;
	[tilespmem:v25+s28+$0x0] =	vst.idx.add.f32.msk $0xffff, v12;
	v12 =	vmov v30  }
0x183: {  	[tilespmem:v32+s28+$0x0] =	vst.idx.add.f32.msk $0xffff, v12;
	v25 =	vshll.u32 v34, $0x7  }
0x184: {  	[tilespmem:v33+s28+$0x0] =	vst.idx.add.f32.msk $0xffff, v27;
	v25 =	vor.u32 v7, v25;
	v30 =	vshll.u32 v38, $0x7  }
0x185: {  	[tilespmem:v31+s28+$0x0] =	vst.idx.add.f32.msk $0xffff, v22;
	v30 =	vor.u32 v4, v30  }
0x186: {  	v31 =	vshll.u32 v36, $0x7;
	[tilespmem:v35+s28+$0x0] =	vst.idx.add.f32.msk $0xffff, v21  }
0x187: {  	v31 =	vor.u32 v5, v31;
	[tilespmem:v37+s28+$0x0] =	vst.idx.add.f32.msk $0xffff, v19  }
0x188: {  	v32 =	vld [tilespmem:s6+$0xFFFFFEC0]  }
0x189: {  	[tilespmem:v25+s28+$0x0] =	vst.idx.add.f32.msk $0xffff, v24  }
0x18a: {  	v25 =	vld [tilespmem:s6+$0x170]  }
0x18b: {  	[tilespmem:v30+s28+$0x0] =	vst.idx.add.f32.msk $0xffff, v18  }
0x18c: {  	v30 =	vld [tilespmem:s6+$0xFFFFFF40]  }
0x18d: {  	v32 =	vshll.u32 v32, $0x7;
	v33 =	vld [tilespmem:s6+$0xFFFFFFC0]  }
0x18e: {  	v32 =	vor.u32 v5, v32;
	v34 =	vld [tilespmem:s6+$0x40]  }
0x18f: {  	v35 =	vld [tilespmem:s6+$0xC0];
	v25 =	vshll.u32 v25, $0x7  }
0x190: {  	v25 =	vor.u32 v8, v25;
	v36 =	vld [tilespmem:s6+$0x1C0]  }
0x191: {  	[tilespmem:v31+s28+$0x0] =	vst.idx.add.f32.msk $0xffff, v11;
	v30 =	vshll.u32 v30, $0x7  }
0x192: {  	v31 =	vld [tilespmem:s6+$0xFFFFFE50];
	v30 =	vor.u32 v5, v30;
	v33 =	vshll.u32 v33, $0x7  }
0x193: {  	[tilespmem:v32+s28+$0x0] =	vst.idx.add.f32.msk $0xffff, v12;
	v32 =	vor.u32 v5, v33;
	v33 =	vshll.u32 v34, $0x7  }
0x194: {  	v34 =	vld [tilespmem:s6+$0xFFFFFED0];
	v33 =	vor.u32 v5, v33;
	v35 =	vshll.u32 v35, $0x7  }
0x195: {  	v35 =	vor.u32 v5, v35;
	[tilespmem:v25+s28+$0x0] =	vst.idx.add.f32.msk $0xffff, v24;
	v24 =	vshll.u32 v36, $0x7  }
0x196: {  	v24 =	vor.u32 v5, v24;
	[tilespmem:v23+s28+$0x0] =	vst.idx.add.f32.msk $0xffff, v13;
	v13 =	vmov v27  }
0x197: {  	v23 =	vshll.u32 v31, $0x7;
	[tilespmem:v30+s28+$0x0] =	vst.idx.add.f32.msk $0xffff, v13  }
0x198: {  	v23 =	vor.u32 v6, v23;
	[tilespmem:v32+s28+$0x0] =	vst.idx.add.f32.msk $0xffff, v22  }
0x199: {  	v25 =	vshll.u32 v34, $0x7;
	[tilespmem:v33+s28+$0x0] =	vst.idx.add.f32.msk $0xffff, v21  }
0x19a: {  	v25 =	vor.u32 v6, v25;
	[tilespmem:v35+s28+$0x0] =	vst.idx.add.f32.msk $0xffff, v19  }
0x19b: {  	[tilespmem:v24+s28+$0x0] =	vst.idx.add.f32.msk $0xffff, v18  }
0x19c: {  	v24 =	vld [tilespmem:s6+$0xFFFFFF50]  }
0x19d: {  	v27 =	vld [tilespmem:s6+$0xFFFFFFD0]  }
0x19e: {  	v30 =	vld [tilespmem:s6+$0x50]  }
0x19f: {  	v31 =	vld [tilespmem:s6+$0xD0]  }
0x1a0: {  	v32 =	vld [tilespmem:s6+$0x1D0]  }
0x1a1: {  	[tilespmem:v23+s28+$0x0] =	vst.idx.add.f32.msk $0xffff, v11;
	v23 =	vshll.u32 v24, $0x7  }
0x1a2: {  	[tilespmem:v25+s28+$0x0] =	vst.idx.add.f32.msk $0xffff, v12;
	v23 =	vor.u32 v6, v23;
	v24 =	vshll.u32 v27, $0x7  }
0x1a3: {  	v25 =	vld [tilespmem:s6+$0xFFFFFE60];
	v24 =	vor.u32 v6, v24;
	v27 =	vshll.u32 v30, $0x7  }
0x1a4: {  	v30 =	vld [tilespmem:s6+$0xFFFFFEE0];
	v27 =	vor.u32 v6, v27;
	v31 =	vshll.u32 v31, $0x7  }
0x1a5: {  	v31 =	vor.u32 v6, v31;
	v32 =	vshll.u32 v32, $0x7;
	[tilespmem:v20+s28+$0x0] =	vst.idx.add.f32.msk $0xffff, v14;
	v14 =	vmov v22  }
0x1a6: {  	v20 =	vor.u32 v6, v32;
	[tilespmem:v28+s28+$0x0] =	vst.idx.add.f32.msk $0xffff, v15;
	v15 =	vmov v21  }
0x1a7: {  	[tilespmem:v23+s28+$0x0] =	vst.idx.add.f32.msk $0xffff, v13  }
0x1a8: {  	v21 =	vshll.u32 v25, $0x7;
	[tilespmem:v24+s28+$0x0] =	vst.idx.add.f32.msk $0xffff, v14  }
0x1a9: {  	v21 =	vor.u32 v7, v21;
	v22 =	vshll.u32 v30, $0x7;
	[tilespmem:v27+s28+$0x0] =	vst.idx.add.f32.msk $0xffff, v15  }
0x1aa: {  	v22 =	vor.u32 v7, v22;
	[tilespmem:v31+s28+$0x0] =	vst.idx.add.f32.msk $0xffff, v19  }
0x1ab: {  	[tilespmem:v20+s28+$0x0] =	vst.idx.add.f32.msk $0xffff, v18  }
0x1ac: {  	v20 =	vld [tilespmem:s6+$0xFFFFFF60]  }
0x1ad: {  	v23 =	vld [tilespmem:s6+$0xFFFFFFE0]  }
0x1ae: {  	v24 =	vld [tilespmem:s6+$0x60]  }
0x1af: {  	v25 =	vld [tilespmem:s6+$0xE0]  }
0x1b0: {  	v27 =	vld [tilespmem:s6+$0x1E0]  }
0x1b1: {  	[tilespmem:v21+s28+$0x0] =	vst.idx.add.f32.msk $0xffff, v11;
	v20 =	vshll.u32 v20, $0x7  }
0x1b2: {  	[tilespmem:v22+s28+$0x0] =	vst.idx.add.f32.msk $0xffff, v12;
	v28 =	vor.u32 v7, v20;
	v20 =	vshll.u32 v23, $0x7  }
0x1b3: {  	v23 =	vld [tilespmem:s6+$0xFFFFFE70];
	v30 =	vor.u32 v7, v20;
	v21 =	vshll.u32 v24, $0x7  }
.Ltmp3:
0x1b4: {  	v20 =	vld [tilespmem:s6+$0xFFFFFEF0];
	v21 =	vor.u32 v7, v21;
	v22 =	vshll.u32 v25, $0x7;
	(pc) =	sbr.rel @p0 .LBB2_9-.Ltmp3, $4  }
0x1b5: {  	v22 =	vor.u32 v7, v22;
	v24 =	vshll.u32 v27, $0x7;
	[tilespmem:v26+s28+$0x0] =	vst.idx.add.f32.msk $0xffff, v16;
	v16 =	vmov v19  }
0x1b6: {  	v19 =	vor.u32 v7, v24;
	[tilespmem:v29+s28+$0x0] =	vst.idx.add.f32.msk $0xffff, v17;
	v17 =	vmov v18  }
0x1b7: {  	[tilespmem:v28+s28+$0x0] =	vst.idx.add.f32.msk $0xffff, v13  }
0x1b8: {  	v18 =	vshll.u32 v23, $0x7;
	[tilespmem:v30+s28+$0x0] =	vst.idx.add.f32.msk $0xffff, v14  }
0x1b9: {  	_ =	sdelay $0x3  }
0x1ba: {  	[tilespmem:v21+s28+$0x0] =	vst.idx.add.f32.msk $0xffff, v15  }
0x1bb: {  	[tilespmem:v22+s28+$0x0] =	vst.idx.add.f32.msk $0xffff, v16  }
0x1bc: {  	[tilespmem:v19+s28+$0x0] =	vst.idx.add.f32.msk $0xffff, v17  }
0x1bd: {  	v19 =	vld [tilespmem:s6+$0xFFFFFF70]  }
0x1be: {  	v21 =	vld [tilespmem:s9+$0xFFFFFFF0]  }
0x1bf: {  	v22 =	vld [tilespmem:s9+$0x70]  }
0x1c0: {  	v23 =	vld [tilespmem:s9+$0xF0]  }
0x1c1: {  	v18 =	vor.u32 v8, v18;
	v20 =	vshll.u32 v20, $0x7;
	v24 =	vld [tilespmem:s9+$0x1F0]  }
0x1c2: {  	v20 =	vor.u32 v8, v20;
	v19 =	vshll.u32 v19, $0x7  }
0x1c3: {  	v21 =	vshll.u32 v21, $0x7;
	v19 =	vor.u32 v8, v19  }
0x1c4: {  	v21 =	vor.u32 v8, v21;
	v22 =	vshll.u32 v22, $0x7  }
0x1c5: {  	v23 =	vshll.u32 v23, $0x7;
	v22 =	vor.u32 v8, v22  }
0x1c6: {  	[tilespmem:v18+s28+$0x0] =	vst.idx.add.f32.msk $0xffff, v11;
	v11 =	vshll.u32 v24, $0x7;
	v23 =	vor.u32 v8, v23  }
0x1c7: {  	[tilespmem:v20+s28+$0x0] =	vst.idx.add.f32.msk $0xffff, v12;
	v11 =	vor.u32 v8, v11  }
0x1c8: {  	[tilespmem:v19+s28+$0x0] =	vst.idx.add.f32.msk $0xffff, v13  }
0x1c9: {  	[tilespmem:v21+s28+$0x0] =	vst.idx.add.f32.msk $0xffff, v14  }
0x1ca: {  	[tilespmem:v22+s28+$0x0] =	vst.idx.add.f32.msk $0xffff, v15  }
0x1cb: {  	p0 =	seq.s32 s0, $0x3;
	[tilespmem:v23+s28+$0x0] =	vst.idx.add.f32.msk $0xffff, v16  }
0x1cc: {  	s31 =	sadd.s32 $0xFFFFFFF8, s5;
	s1 =	sadd.s32 @!p0 s1, s8;
	[tilespmem:v11+s28+$0x0] =	vst.idx.add.f32.msk $0xffff, v17  }
0x1cd: {  	s6 =	simm.s32 @!p0 $0x400;
	s11 =	simm.s32 @!p0 $0x4000;
	_ =	swait.ge [sflag:s29], $0x8000  }
0x1ce: {  	s12 =	simm.s32 @!p0 $0x2000;
	s1 =	sshll.u32 @!p0 s1, $0x8;
	[sflag:s29] =	ssyncset.done $0x0  }
0x1cf: {  	s13 =	sadd.s32 $0x10E, s31;
	s1 =	sadd.s32 @!p0 s1, s7;
	[sflag:s29] =	ssyncadd.s32 $0xFFFF8000  }
0x1d0: {  	v11 =	vmov s13;
	[tilespmem:s12], [sflag:$0x1] =	stream.strided.gather @!p0 [hbm4b:s1+s6], $0x8000, s11, s6, $0x38;
	[tilespmem:$0x18800] =	vst v63  }
0x1d1: {  	v11 =	vand.u32 $0xFFFFFFFE, v11;
	s1 =	simm.s32 $0xA200  }
0x1d2: {  	v11 =	vbroadcast v11, $0x0;
	v12 =	vld [tilespmem:s1+$0x100];
	_ =	sdelay $0x3  }
0x1d3: {  	v13 =	vld [tilespmem:s1+$0xFFFFFE00]  }
0x1d4: {  	s12 =	sadd.s32 $0x108, s31;
	v15 =	vld [tilespmem:s1+$0xFFFFFE80];
	v12 =	vshll.u32 v12, $0x7  }
0x1d5: {  	s13 =	sadd.s32 $0x109, s31;
	v18 =	vld.idx.msk [tilespmem:v11+s26+$0x0], $0xffff;
	v11 =	vor.u32 v0, v12;
	v12 =	vmov s12  }
0x1d6: {  	s15 =	sadd.s32 $0x10B, s31;
	v14 =	vmov s13;
	v16 =	vld [tilespmem:s1+$0xFFFFFF00];
	v12 =	vand.u32 $0xFFFFFFF8, v12  }
0x1d7: {  	s14 =	sadd.s32 $0x10A, s31;
	v20 =	vmov s15;
	v14 =	vand.u32 $0xFFFFFFF9, v14;
	v19 =	vld [tilespmem:s1+$0xFFFFFF80];
	v12 =	vbroadcast v12, $0x0  }
0x1d8: {  	s16 =	sadd.s32 $0x10C, s31;
	v20 =	vand.u32 $0xFFFFFFFB, v20;
	v17 =	vmov s14;
	v14 =	vbroadcast v14, $0x0;
	v21 =	vld [tilespmem:s1+$0x0]  }
0x1d9: {  	s23 =	sadd.s32 $0x10D, s31;
	v20 =	vbroadcast v20, $0x0;
	v22 =	vmov s16;
	v17 =	vand.u32 $0xFFFFFFFA, v17;
	v32 =	vld [tilespmem:s1+$0x80]  }
0x1da: {  	v22 =	vand.u32 $0xFFFFFFFC, v22;
	v17 =	vbroadcast v17, $0x0;
	[tilespmem:v11+s28+$0x0] =	vst.idx.add.f32.msk $0xffff, v18;
	v11 =	vmov s23  }
0x1db: {  	v22 =	vbroadcast v22, $0x0;
	v23 =	vld [tilespmem:s1+$0x110];
	v11 =	vand.u32 $0xFFFFFFFD, v11  }
0x1dc: {  	v26 =	vld [tilespmem:s1+$0x180];
	v25 =	vbroadcast v11, $0x0  }
0x1dd: {  	v13 =	vshll.u32 v13, $0x7;
	v11 =	vld.idx.msk [tilespmem:v12+s26+$0x0], $0xffff  }
0x1de: {  	v19 =	vshll.u32 v19, $0x7;
	v28 =	vor.u32 v0, v13;
	v12 =	vld.idx.msk [tilespmem:v14+s26+$0x0], $0xffff  }
0x1df: {  	s31 =	sadd.s32 $0x10F, s31;
	v19 =	vor.u32 v0, v19;
	v14 =	vld.idx.msk [tilespmem:v20+s26+$0x0], $0xffff  }
0x1e0: {  	v27 =	vmov s31;
	v13 =	vld.idx.msk [tilespmem:v17+s26+$0x0], $0xffff;
	v17 =	vshll.u32 v23, $0x7  }
0x1e1: {  	v21 =	vshll.u32 v21, $0x7;
	v20 =	vor.u32 v2, v17;
	v17 =	vshll.u32 v15, $0x7;
	v15 =	vld.idx.msk [tilespmem:v22+s26+$0x0], $0xffff  }
0x1e2: {  	v21 =	vor.u32 v0, v21;
	v22 =	vor.u32 v0, v17;
	v17 =	vshll.u32 v16, $0x7;
	v16 =	vld.idx.msk [tilespmem:v25+s26+$0x0], $0xffff  }
0x1e3: {  	[tilespmem:v28+s28+$0x0] =	vst.idx.add.f32.msk $0xffff, v11  }
0x1e4: {  	[tilespmem:v19+s28+$0x0] =	vst.idx.add.f32.msk $0xffff, v14  }
0x1e5: {  	v23 =	vor.u32 v0, v17;
	v17 =	vld.idx.msk [tilespmem:v27+s26+$0x0], $0xffff  }
0x1e6: {  	[tilespmem:v20+s28+$0x0] =	vst.idx.add.f32.msk $0xffff, v18  }
0x1e7: {  	[tilespmem:v21+s28+$0x0] =	vst.idx.add.f32.msk $0xffff, v15  }
0x1e8: {  	v20 =	vld [tilespmem:s1+$0x120]  }
0x1e9: {  	v19 =	vshll.u32 v32, $0x7;
	v21 =	vld [tilespmem:s1+$0xFFFFFE10]  }
0x1ea: {  	v19 =	vor.u32 v0, v19;
	[tilespmem:v22+s28+$0x0] =	vst.idx.add.f32.msk $0xffff, v12  }
0x1eb: {  	v35 =	vld [tilespmem:s1+$0x10]  }
0x1ec: {  	[tilespmem:v23+s28+$0x0] =	vst.idx.add.f32.msk $0xffff, v13;
	v23 =	vshll.u32 v26, $0x7  }
0x1ed: {  	v22 =	vld [tilespmem:s1+$0xFFFFFE90];
	v23 =	vor.u32 v0, v23;
	v20 =	vshll.u32 v20, $0x7  }
0x1ee: {  	v33 =	vld [tilespmem:s1+$0xFFFFFF10];
	v20 =	vor.u32 v3, v20  }
0x1ef: {  	[tilespmem:v19+s28+$0x0] =	vst.idx.add.f32.msk $0xffff, v16;
	v19 =	vshll.u32 v21, $0x7  }
0x1f0: {  	v34 =	vld [tilespmem:s1+$0xFFFFFF90];
	v19 =	vor.u32 v2, v19  }
0x1f1: {  	v36 =	vld [tilespmem:s1+$0x90];
	v37 =	vshll.u32 v35, $0x7  }
0x1f2: {  	v21 =	vshll.u32 v22, $0x7;
	v25 =	vor.u32 v2, v37;
	[tilespmem:v23+s28+$0x0] =	vst.idx.add.f32.msk $0xffff, v17  }
0x1f3: {  	[tilespmem:v20+s28+$0x0] =	vst.idx.add.f32.msk $0xffff, v18;
	v20 =	vor.u32 v2, v21;
	v21 =	vshll.u32 v33, $0x7  }
0x1f4: {  	v38 =	vld [tilespmem:s1+$0x190];
	v21 =	vor.u32 v2, v21  }
0x1f5: {  	[tilespmem:v19+s28+$0x0] =	vst.idx.add.f32.msk $0xffff, v11  }
0x1f6: {  	v22 =	vld [tilespmem:s1+$0x130]  }
0x1f7: {  	v23 =	vshll.u32 v34, $0x7;
	[tilespmem:v25+s28+$0x0] =	vst.idx.add.f32.msk $0xffff, v15  }
0x1f8: {  	v23 =	vor.u32 v2, v23;
	[tilespmem:v20+s28+$0x0] =	vst.idx.add.f32.msk $0xffff, v12;
	v20 =	vshll.u32 v36, $0x7  }
0x1f9: {  	[tilespmem:v21+s28+$0x0] =	vst.idx.add.f32.msk $0xffff, v13;
	v20 =	vor.u32 v2, v20  }
0x1fa: {  	v21 =	vld [tilespmem:s1+$0xFFFFFE20]  }
0x1fb: {  	v19 =	vshll.u32 v22, $0x7;
	v22 =	vld [tilespmem:s1+$0xFFFFFEA0]  }
0x1fc: {  	v25 =	vld [tilespmem:s1+$0x20];
	v19 =	vor.u32 v4, v19  }
0x1fd: {  	[tilespmem:v23+s28+$0x0] =	vst.idx.add.f32.msk $0xffff, v14  }
0x1fe: {  	[tilespmem:v20+s28+$0x0] =	vst.idx.add.f32.msk $0xffff, v16  }
0x1ff: {  	v20 =	vld [tilespmem:s1+$0xFFFFFF20];
	v21 =	vshll.u32 v21, $0x7  }
0x200: {  	v39 =	vld [tilespmem:s1+$0xFFFFFFA0];
	v22 =	vshll.u32 v22, $0x7;
	v21 =	vor.u32 v3, v21  }
0x201: {  	[tilespmem:v19+s28+$0x0] =	vst.idx.add.f32.msk $0xffff, v18;
	v19 =	vshll.u32 v38, $0x7;
	v22 =	vor.u32 v3, v22  }
0x202: {  	v23 =	vld [tilespmem:s1+$0x140];
	v19 =	vor.u32 v2, v19;
	_ =	sdelay $0x1  }
0x203: {  	v40 =	vld [tilespmem:s1+$0xA0];
	v20 =	vshll.u32 v20, $0x7  }
0x204: {  	v24 =	vshll.u32 v39, $0x7;
	v20 =	vor.u32 v3, v20;
	[tilespmem:v21+s28+$0x0] =	vst.idx.add.f32.msk $0xffff, v11  }
0x205: {  	v41 =	vshll.u32 v25, $0x7;
	v21 =	vor.u32 v3, v24;
	[tilespmem:v22+s28+$0x0] =	vst.idx.add.f32.msk $0xffff, v12  }
0x206: {  	v22 =	vor.u32 v3, v41;
	v23 =	vshll.u32 v23, $0x7;
	[tilespmem:v19+s28+$0x0] =	vst.idx.add.f32.msk $0xffff, v17  }
0x207: {  	v19 =	vor.u32 v5, v23;
	v23 =	vld [tilespmem:s1+$0x1A0]  }
0x208: {  	v43 =	vld [tilespmem:s1+$0xFFFFFE30]  }
0x209: {  	[tilespmem:v20+s28+$0x0] =	vst.idx.add.f32.msk $0xffff, v13  }
0x20a: {  	v42 =	vshll.u32 v40, $0x7;
	[tilespmem:v21+s28+$0x0] =	vst.idx.add.f32.msk $0xffff, v14  }
0x20b: {  	v24 =	vor.u32 v3, v42;
	[tilespmem:v22+s28+$0x0] =	vst.idx.add.f32.msk $0xffff, v15  }
0x20c: {  	[tilespmem:v19+s28+$0x0] =	vst.idx.add.f32.msk $0xffff, v18;
	v20 =	vshll.u32 v23, $0x7  }
0x20d: {  	v19 =	vld [tilespmem:s1+$0x150];
	v20 =	vor.u32 v3, v20  }
0x20e: {  	v45 =	vld [tilespmem:s1+$0x30]  }
0x20f: {  	v44 =	vshll.u32 v43, $0x7;
	v23 =	vld [tilespmem:s1+$0xFFFFFFB0]  }
0x210: {  	[tilespmem:v24+s28+$0x0] =	vst.idx.add.f32.msk $0xffff, v16;
	v24 =	vor.u32 v4, v44  }
0x211: {  	v21 =	vld [tilespmem:s1+$0xFFFFFEB0]  }
0x212: {  	v19 =	vshll.u32 v19, $0x7;
	[tilespmem:v20+s28+$0x0] =	vst.idx.add.f32.msk $0xffff, v17  }
0x213: {  	v25 =	vshll.u32 v45, $0x7;
	v20 =	vld [tilespmem:s1+$0xB0];
	v19 =	vor.u32 v6, v19  }
0x214: {  	v22 =	vld [tilespmem:s1+$0xFFFFFF30];
	v23 =	vshll.u32 v23, $0x7;
	v47 =	vor.u32 v4, v25  }
0x215: {  	[tilespmem:v24+s28+$0x0] =	vst.idx.add.f32.msk $0xffff, v11;
	v23 =	vor.u32 v4, v23  }
0x216: {  	v48 =	vld [tilespmem:s1+$0xFFFFFE40]  }
0x217: {  	v21 =	vshll.u32 v21, $0x7;
	v46 =	vld [tilespmem:s1+$0x1B0]  }
0x218: {  	v20 =	vshll.u32 v20, $0x7;
	[tilespmem:v19+s28+$0x0] =	vst.idx.add.f32.msk $0xffff, v18;
	v19 =	vor.u32 v4, v21  }
0x219: {  	[tilespmem:v47+s28+$0x0] =	vst.idx.add.f32.msk $0xffff, v15;
	v21 =	vshll.u32 v22, $0x7;
	v20 =	vor.u32 v4, v20  }
0x21a: {  	[tilespmem:v23+s28+$0x0] =	vst.idx.add.f32.msk $0xffff, v14;
	v21 =	vor.u32 v4, v21  }
0x21b: {  	v23 =	vshll.u32 v48, $0x7;
	v22 =	vld [tilespmem:s1+$0x160]  }
0x21c: {  	v50 =	vld [tilespmem:s1+$0x40];
	v23 =	vor.u32 v5, v23  }
0x21d: {  	[tilespmem:v19+s28+$0x0] =	vst.idx.add.f32.msk $0xffff, v12  }
0x21e: {  	[tilespmem:v20+s28+$0x0] =	vst.idx.add.f32.msk $0xffff, v16  }
0x21f: {  	[tilespmem:v21+s28+$0x0] =	vst.idx.add.f32.msk $0xffff, v13  }
0x220: {  	v19 =	vshll.u32 v22, $0x7;
	v21 =	vld [tilespmem:s1+$0xFFFFFEC0]  }
0x221: {  	[tilespmem:v23+s28+$0x0] =	vst.idx.add.f32.msk $0xffff, v11;
	v22 =	vshll.u32 v46, $0x7;
	v19 =	vor.u32 v7, v19  }
0x222: {  	v23 =	vshll.u32 v50, $0x7;
	v20 =	vor.u32 v4, v22;
	v22 =	vld [tilespmem:s1+$0xFFFFFF40]  }
0x223: {  	v49 =	vld [tilespmem:s1+$0xFFFFFFC0];
	v23 =	vor.u32 v5, v23  }
0x224: {  	v51 =	vld [tilespmem:s1+$0xC0]  }
0x225: {  	v52 =	vld [tilespmem:s1+$0xFFFFFE50];
	v21 =	vshll.u32 v21, $0x7  }
0x226: {  	[tilespmem:v19+s28+$0x0] =	vst.idx.add.f32.msk $0xffff, v18;
	v19 =	vor.u32 v5, v21  }
0x227: {  	[tilespmem:v20+s28+$0x0] =	vst.idx.add.f32.msk $0xffff, v17;
	v20 =	vshll.u32 v22, $0x7  }
0x228: {  	[tilespmem:v23+s28+$0x0] =	vst.idx.add.f32.msk $0xffff, v15;
	v22 =	vshll.u32 v49, $0x7;
	v20 =	vor.u32 v5, v20  }
0x229: {  	v21 =	vld [tilespmem:s1+$0x1C0];
	v22 =	vor.u32 v5, v22  }
0x22a: {  	v53 =	vshll.u32 v51, $0x7;
	v55 =	vld [tilespmem:s1+$0x50]  }
0x22b: {  	[tilespmem:v19+s28+$0x0] =	vst.idx.add.f32.msk $0xffff, v12;
	v19 =	vor.u32 v5, v53  }
0x22c: {  	v54 =	vld [tilespmem:s1+$0xFFFFFED0]  }
0x22d: {  	[tilespmem:v20+s28+$0x0] =	vst.idx.add.f32.msk $0xffff, v13  }
0x22e: {  	[tilespmem:v22+s28+$0x0] =	vst.idx.add.f32.msk $0xffff, v14;
	v20 =	vshll.u32 v21, $0x7;
	v21 =	vshll.u32 v52, $0x7  }
0x22f: {  	v22 =	vld [tilespmem:s1+$0xFFFFFFD0];
	v21 =	vor.u32 v6, v21  }
0x230: {  	[tilespmem:v19+s28+$0x0] =	vst.idx.add.f32.msk $0xffff, v16;
	v19 =	vor.u32 v5, v20  }
0x231: {  	v20 =	vld [tilespmem:s1+$0xFFFFFF50]  }
0x232: {  	v57 =	vld [tilespmem:s1+$0x170];
	v23 =	vshll.u32 v54, $0x7  }
0x233: {  	v56 =	vld [tilespmem:s1+$0xD0];
	v23 =	vor.u32 v6, v23  }
0x234: {  	v22 =	vshll.u32 v22, $0x7;
	[tilespmem:v21+s28+$0x0] =	vst.idx.add.f32.msk $0xffff, v11  }
0x235: {  	v21 =	vor.u32 v6, v22;
	v22 =	vshll.u32 v55, $0x7;
	[tilespmem:v19+s28+$0x0] =	vst.idx.add.f32.msk $0xffff, v17  }
0x236: {  	v22 =	vor.u32 v6, v22;
	v19 =	vshll.u32 v20, $0x7;
	v20 =	vld [tilespmem:s1+$0x1D0]  }
0x237: {  	v58 =	vld [tilespmem:s1+$0xFFFFFE60];
	v19 =	vor.u32 v6, v19  }
0x238: {  	[tilespmem:v23+s28+$0x0] =	vst.idx.add.f32.msk $0xffff, v12  }
0x239: {  	v59 =	vld [tilespmem:s1+$0xFFFFFEE0]  }
0x23a: {  	v23 =	vshll.u32 v56, $0x7;
	[tilespmem:v21+s28+$0x0] =	vst.idx.add.f32.msk $0xffff, v14  }
0x23b: {  	v23 =	vor.u32 v6, v23;
	[tilespmem:v22+s28+$0x0] =	vst.idx.add.f32.msk $0xffff, v15;
	v20 =	vshll.u32 v20, $0x7  }
0x23c: {  	[tilespmem:v19+s28+$0x0] =	vst.idx.add.f32.msk $0xffff, v13;
	v19 =	vor.u32 v6, v20  }
0x23d: {  	v22 =	vld [tilespmem:s1+$0xFFFFFFE0]  }
0x23e: {  	v60 =	vld [tilespmem:s1+$0x60];
	v20 =	vshll.u32 v58, $0x7  }
0x23f: {  	v21 =	vld [tilespmem:s1+$0xFFFFFF60];
	v20 =	vor.u32 v7, v20  }
0x240: {  	[tilespmem:v23+s28+$0x0] =	vst.idx.add.f32.msk $0xffff, v16;
	v23 =	vshll.u32 v57, $0x7  }
0x241: {  	[tilespmem:v19+s28+$0x0] =	vst.idx.add.f32.msk $0xffff, v17;
	v19 =	vor.u32 v8, v23;
	v23 =	vshll.u32 v59, $0x7  }
0x242: {  	v61 =	vld [tilespmem:s1+$0xE0];
	v23 =	vor.u32 v7, v23  }
0x243: {  	v62 =	vld [tilespmem:s1+$0x1E0]  }
0x244: {  	[tilespmem:v20+s28+$0x0] =	vst.idx.add.f32.msk $0xffff, v11  }
0x245: {  	v21 =	vshll.u32 v21, $0x7;
	v28 =	vld [tilespmem:s1+$0xFFFFFE70]  }
0x246: {  	v63 =	vor.u32 v7, v21;
	v20 =	vshll.u32 v22, $0x7;
	[tilespmem:v19+s28+$0x0] =	vst.idx.add.f32.msk $0xffff, v18  }
0x247: {  	v29 =	vor.u32 v7, v20;
	v18 =	vshll.u32 v60, $0x7;
	[tilespmem:v23+s28+$0x0] =	vst.idx.add.f32.msk $0xffff, v12  }
0x248: {  	v21 =	vor.u32 v7, v18;
	v18 =	vshll.u32 v61, $0x7;
	v20 =	vld [tilespmem:s1+$0xFFFFFEF0]  }
0x249: {  	v19 =	vshll.u32 v62, $0x7;
	v22 =	vor.u32 v7, v18  }
0x24a: {  	v19 =	vor.u32 v7, v19  }
0x24b: {  	[tilespmem:v63+s28+$0x0] =	vst.idx.add.f32.msk $0xffff, v13  }
0x24c: {  	s9 =	simm.s32 $0x0;
	s6 =	simm.s32 $0xA200;
	v18 =	vshll.u32 v28, $0x7;
	[tilespmem:v29+s28+$0x0] =	vst.idx.add.f32.msk $0xffff, v14  }
.LBB2_11:
0x24d: {  	s11 =	sadd.s32 s9, s5;
	s9 =	sadd.s32 $0x8, s9;
	v29 =	vor.u32 v8, v18;
	v18 =	vshll.u32 v20, $0x7;
	[tilespmem:v21+s28+$0x0] =	vst.idx.add.f32.msk $0xffff, v15  }
0x24e: {  	s12 =	sadd.s32 $0x108, s11;
	s13 =	sadd.s32 $0x10E, s11;
	p0 =	slt.u32 s9, $0xF8;
	v25 =	vor.u32 v8, v18;
	[tilespmem:v22+s28+$0x0] =	vst.idx.add.f32.msk $0xffff, v16  }
0x24f: {  	s14 =	sadd.s32 $0x10A, s11;
	s15 =	sadd.s32 $0x10B, s11;
	v18 =	vmov s12;
	s12 =	sadd.s32 $0x109, s11;
	v20 =	vmov s13;
	[tilespmem:v19+s28+$0x0] =	vst.idx.add.f32.msk $0xffff, v17  }
0x250: {  	v21 =	vmov s14;
	s13 =	sadd.s32 $0x10D, s11;
	v19 =	vmov s12;
	s12 =	sadd.s32 $0x10C, s11;
	v20 =	vand.u32 $0xFFFFFFFE, v20;
	s11 =	sadd.s32 $0x10F, s11;
	v22 =	vld [tilespmem:s1+$0xFFFFFF70]  }
0x251: {  	v23 =	vmov s15;
	s1 =	sadd.s32 $0x400, s1;
	v24 =	vmov s12;
	v20 =	vbroadcast v20, $0x0;
	v26 =	vld [tilespmem:s6+$0xFFFFFFF0]  }
0x252: {  	v18 =	vand.u32 $0xFFFFFFF8, v18;
	v27 =	vmov s13;
	v19 =	vand.u32 $0xFFFFFFF9, v19;
	v28 =	vld [tilespmem:s1+$0x100]  }
0x253: {  	v21 =	vand.u32 $0xFFFFFFFA, v21;
	v23 =	vand.u32 $0xFFFFFFFB, v23;
	v24 =	vand.u32 $0xFFFFFFFC, v24;
	v30 =	vld [tilespmem:s1+$0xFFFFFE00]  }
0x254: {  	v18 =	vbroadcast v18, $0x0;
	v27 =	vand.u32 $0xFFFFFFFD, v27;
	v19 =	vbroadcast v19, $0x0;
	v31 =	vld [tilespmem:s1+$0xFFFFFE80]  }
0x255: {  	v21 =	vbroadcast v21, $0x0;
	v33 =	vbroadcast v23, $0x0;
	v34 =	vmov s11;
	v32 =	vld [tilespmem:s1+$0xFFFFFF00]  }
0x256: {  	v37 =	vbroadcast v27, $0x0;
	v36 =	vbroadcast v24, $0x0;
	v22 =	vshll.u32 v22, $0x7;
	v35 =	vld [tilespmem:s1+$0xFFFFFF80]  }
0x257: {  	v23 =	vor.u32 v8, v22;
	v22 =	vshll.u32 v26, $0x7;
	v24 =	vld.idx.msk [tilespmem:v20+s26+$0x0], $0xffff;
	v20 =	vshll.u32 v28, $0x7  }
0x258: {  	v26 =	vshll.u32 v30, $0x7;
	v27 =	vld [tilespmem:s1+$0x0];
	v28 =	vor.u32 v0, v20;
	v20 =	vor.u32 v8, v22  }
0x259: {  	v26 =	vor.u32 v0, v26;
	v22 =	vshll.u32 v31, $0x7;
	v38 =	vld [tilespmem:s1+$0x80]  }
0x25a: {  	v39 =	vor.u32 v0, v22;
	v22 =	vshll.u32 v32, $0x7;
	v32 =	vld [tilespmem:s1+$0x180]  }
0x25b: {  	v31 =	vld.idx.msk [tilespmem:v18+s26+$0x0], $0xffff;
	v40 =	vor.u32 v0, v22;
	v18 =	vshll.u32 v35, $0x7  }
0x25c: {  	v30 =	vld.idx.msk [tilespmem:v19+s26+$0x0], $0xffff;
	v35 =	vor.u32 v0, v18  }
0x25d: {  	v18 =	vshll.u32 v27, $0x7;
	[tilespmem:v28+s28+$0x0] =	vst.idx.add.f32.msk $0xffff, v24  }
0x25e: {  	v28 =	vor.u32 v0, v18;
	v18 =	vshll.u32 v38, $0x7;
	v38 =	vld [tilespmem:s1+$0x110]  }
0x25f: {  	v27 =	vld.idx.msk [tilespmem:v21+s26+$0x0], $0xffff;
	v41 =	vor.u32 v0, v18;
	v18 =	vshll.u32 v32, $0x7  }
0x260: {  	v22 =	vld.idx.msk [tilespmem:v33+s26+$0x0], $0xffff;
	v32 =	vor.u32 v0, v18  }
0x261: {  	v21 =	vld.idx.msk [tilespmem:v36+s26+$0x0], $0xffff  }
0x262: {  	v19 =	vld.idx.msk [tilespmem:v37+s26+$0x0], $0xffff  }
0x263: {  	v33 =	vshll.u32 v38, $0x7;
	v18 =	vld.idx.msk [tilespmem:v34+s26+$0x0], $0xffff  }
0x264: {  	[tilespmem:v26+s28+$0x0] =	vst.idx.add.f32.msk $0xffff, v31;
	v26 =	vor.u32 v2, v33  }
0x265: {  	[tilespmem:v39+s28+$0x0] =	vst.idx.add.f32.msk $0xffff, v30  }
0x266: {  	[tilespmem:v40+s28+$0x0] =	vst.idx.add.f32.msk $0xffff, v27  }
0x267: {  	[tilespmem:v35+s28+$0x0] =	vst.idx.add.f32.msk $0xffff, v22  }
0x268: {  	[tilespmem:v28+s28+$0x0] =	vst.idx.add.f32.msk $0xffff, v21  }
0x269: {  	[tilespmem:v26+s28+$0x0] =	vst.idx.add.f32.msk $0xffff, v24  }
0x26a: {  	v26 =	vld [tilespmem:s1+$0x120]  }
0x26b: {  	[tilespmem:v41+s28+$0x0] =	vst.idx.add.f32.msk $0xffff, v19  }
0x26c: {  	[tilespmem:v32+s28+$0x0] =	vst.idx.add.f32.msk $0xffff, v18  }
0x26d: {  	v28 =	vld [tilespmem:s1+$0xFFFFFE10]  }
0x26e: {  	v32 =	vld [tilespmem:s1+$0xFFFFFE90]  }
0x26f: {  	v33 =	vld [tilespmem:s1+$0xFFFFFF10];
	v26 =	vshll.u32 v26, $0x7  }
0x270: {  	v34 =	vld [tilespmem:s1+$0xFFFFFF90];
	v26 =	vor.u32 v3, v26  }
0x271: {  	v35 =	vld [tilespmem:s1+$0x10]  }
0x272: {  	v28 =	vshll.u32 v28, $0x7;
	v36 =	vld [tilespmem:s1+$0x90]  }
0x273: {  	v28 =	vor.u32 v2, v28;
	v32 =	vshll.u32 v32, $0x7;
	v37 =	vld [tilespmem:s1+$0x190]  }
0x274: {  	v32 =	vor.u32 v2, v32;
	v33 =	vshll.u32 v33, $0x7;
	v38 =	vld [tilespmem:s6+$0x70]  }
0x275: {  	v33 =	vor.u32 v2, v33;
	v34 =	vshll.u32 v34, $0x7;
	[tilespmem:v26+s28+$0x0] =	vst.idx.add.f32.msk $0xffff, v24  }
0x276: {  	v26 =	vor.u32 v2, v34;
	v34 =	vshll.u32 v35, $0x7;
	v35 =	vld [tilespmem:s1+$0x130]  }
0x277: {  	v34 =	vor.u32 v2, v34;
	v36 =	vshll.u32 v36, $0x7;
	v39 =	vld [tilespmem:s6+$0xF0]  }
0x278: {  	[tilespmem:v28+s28+$0x0] =	vst.idx.add.f32.msk $0xffff, v31;
	v36 =	vor.u32 v2, v36;
	v28 =	vshll.u32 v37, $0x7  }
0x279: {  	[tilespmem:v32+s28+$0x0] =	vst.idx.add.f32.msk $0xffff, v30;
	v32 =	vor.u32 v2, v28;
	v28 =	vshll.u32 v38, $0x7  }
0x27a: {  	[tilespmem:v33+s28+$0x0] =	vst.idx.add.f32.msk $0xffff, v27;
	v28 =	vor.u32 v8, v28  }
0x27b: {  	[tilespmem:v26+s28+$0x0] =	vst.idx.add.f32.msk $0xffff, v22;
	v26 =	vshll.u32 v35, $0x7  }
0x27c: {  	[tilespmem:v34+s28+$0x0] =	vst.idx.add.f32.msk $0xffff, v21;
	v33 =	vor.u32 v4, v26;
	v26 =	vshll.u32 v39, $0x7  }
0x27d: {  	[tilespmem:v36+s28+$0x0] =	vst.idx.add.f32.msk $0xffff, v19;
	v26 =	vor.u32 v8, v26  }
0x27e: {  	[tilespmem:v32+s28+$0x0] =	vst.idx.add.f32.msk $0xffff, v18  }
0x27f: {  	v32 =	vld [tilespmem:s1+$0xFFFFFE20]  }
0x280: {  	v34 =	vld [tilespmem:s1+$0xFFFFFEA0]  }
0x281: {  	[tilespmem:v33+s28+$0x0] =	vst.idx.add.f32.msk $0xffff, v24  }
0x282: {  	v33 =	vld [tilespmem:s1+$0x140]  }
0x283: {  	v35 =	vld [tilespmem:s1+$0xFFFFFF20]  }
0x284: {  	v32 =	vshll.u32 v32, $0x7;
	v36 =	vld [tilespmem:s1+$0xFFFFFFA0]  }
0x285: {  	v32 =	vor.u32 v3, v32;
	v34 =	vshll.u32 v34, $0x7;
	v37 =	vld [tilespmem:s1+$0x20]  }
0x286: {  	v34 =	vor.u32 v3, v34;
	v38 =	vld [tilespmem:s1+$0xA0]  }
0x287: {  	v33 =	vshll.u32 v33, $0x7;
	v39 =	vld [tilespmem:s1+$0x1A0]  }
0x288: {  	v35 =	vshll.u32 v35, $0x7;
	v33 =	vor.u32 v5, v33;
	v40 =	vld [tilespmem:s6+$0x1F0];
	s6 =	smov.u32 s1  }
0x289: {  	v35 =	vor.u32 v3, v35;
	v36 =	vshll.u32 v36, $0x7;
	[tilespmem:v29+s28+$0x0] =	vst.idx.add.f32.msk $0xffff, v11;
	v11 =	vmov v31  }
0x28a: {  	[tilespmem:v32+s28+$0x0] =	vst.idx.add.f32.msk $0xffff, v11;
	v31 =	vor.u32 v3, v36;
	v29 =	vshll.u32 v37, $0x7  }
0x28b: {  	[tilespmem:v34+s28+$0x0] =	vst.idx.add.f32.msk $0xffff, v30;
	v32 =	vor.u32 v3, v29;
	v29 =	vshll.u32 v38, $0x7  }
0x28c: {  	v34 =	vld [tilespmem:s1+$0xFFFFFE30];
	v36 =	vor.u32 v3, v29;
	v29 =	vshll.u32 v39, $0x7  }
0x28d: {  	[tilespmem:v33+s28+$0x0] =	vst.idx.add.f32.msk $0xffff, v24;
	v33 =	vor.u32 v3, v29;
	v29 =	vshll.u32 v40, $0x7  }
0x28e: {  	v37 =	vld [tilespmem:s1+$0x150];
	v29 =	vor.u32 v8, v29  }
0x28f: {  	[tilespmem:v35+s28+$0x0] =	vst.idx.add.f32.msk $0xffff, v27  }
0x290: {  	[tilespmem:v31+s28+$0x0] =	vst.idx.add.f32.msk $0xffff, v22  }
0x291: {  	v31 =	vshll.u32 v34, $0x7;
	[tilespmem:v32+s28+$0x0] =	vst.idx.add.f32.msk $0xffff, v21  }
0x292: {  	v31 =	vor.u32 v4, v31;
	[tilespmem:v36+s28+$0x0] =	vst.idx.add.f32.msk $0xffff, v19  }
0x293: {  	v32 =	vshll.u32 v37, $0x7;
	[tilespmem:v33+s28+$0x0] =	vst.idx.add.f32.msk $0xffff, v18  }
0x294: {  	v33 =	vld [tilespmem:s1+$0xFFFFFEB0];
	v32 =	vor.u32 v6, v32  }
0x295: {  	v34 =	vld [tilespmem:s1+$0xFFFFFF30]  }
0x296: {  	v35 =	vld [tilespmem:s1+$0xFFFFFFB0]  }
0x297: {  	v36 =	vld [tilespmem:s1+$0x30]  }
0x298: {  	v37 =	vld [tilespmem:s1+$0xB0]  }
0x299: {  	v33 =	vshll.u32 v33, $0x7;
	[tilespmem:v32+s28+$0x0] =	vst.idx.add.f32.msk $0xffff, v24  }
0x29a: {  	v32 =	vor.u32 v4, v33;
	v33 =	vshll.u32 v34, $0x7;
	v34 =	vld [tilespmem:s1+$0x160]  }
0x29b: {  	v33 =	vor.u32 v4, v33;
	v35 =	vshll.u32 v35, $0x7;
	v38 =	vld [tilespmem:s1+$0x1B0]  }
0x29c: {  	[tilespmem:v31+s28+$0x0] =	vst.idx.add.f32.msk $0xffff, v11;
	v31 =	vor.u32 v4, v35;
	v35 =	vshll.u32 v36, $0x7  }
0x29d: {  	v36 =	vld [tilespmem:s1+$0xFFFFFE40];
	v35 =	vor.u32 v4, v35;
	v37 =	vshll.u32 v37, $0x7  }
0x29e: {  	v37 =	vor.u32 v4, v37;
	[tilespmem:v25+s28+$0x0] =	vst.idx.add.f32.msk $0xffff, v12;
	v12 =	vmov v30  }
0x29f: {  	[tilespmem:v32+s28+$0x0] =	vst.idx.add.f32.msk $0xffff, v12;
	v25 =	vshll.u32 v34, $0x7  }
0x2a0: {  	[tilespmem:v33+s28+$0x0] =	vst.idx.add.f32.msk $0xffff, v27;
	v25 =	vor.u32 v7, v25;
	v30 =	vshll.u32 v38, $0x7  }
0x2a1: {  	[tilespmem:v31+s28+$0x0] =	vst.idx.add.f32.msk $0xffff, v22;
	v30 =	vor.u32 v4, v30  }
0x2a2: {  	v31 =	vshll.u32 v36, $0x7;
	[tilespmem:v35+s28+$0x0] =	vst.idx.add.f32.msk $0xffff, v21  }
0x2a3: {  	v31 =	vor.u32 v5, v31;
	[tilespmem:v37+s28+$0x0] =	vst.idx.add.f32.msk $0xffff, v19  }
0x2a4: {  	v32 =	vld [tilespmem:s1+$0xFFFFFEC0]  }
0x2a5: {  	[tilespmem:v25+s28+$0x0] =	vst.idx.add.f32.msk $0xffff, v24  }
0x2a6: {  	v25 =	vld [tilespmem:s1+$0x170]  }
0x2a7: {  	[tilespmem:v30+s28+$0x0] =	vst.idx.add.f32.msk $0xffff, v18  }
0x2a8: {  	v30 =	vld [tilespmem:s1+$0xFFFFFF40]  }
0x2a9: {  	v32 =	vshll.u32 v32, $0x7;
	v33 =	vld [tilespmem:s1+$0xFFFFFFC0]  }
0x2aa: {  	v32 =	vor.u32 v5, v32;
	v34 =	vld [tilespmem:s1+$0x40]  }
0x2ab: {  	v35 =	vld [tilespmem:s1+$0xC0];
	v25 =	vshll.u32 v25, $0x7  }
0x2ac: {  	v25 =	vor.u32 v8, v25;
	v36 =	vld [tilespmem:s1+$0x1C0]  }
0x2ad: {  	[tilespmem:v31+s28+$0x0] =	vst.idx.add.f32.msk $0xffff, v11;
	v30 =	vshll.u32 v30, $0x7  }
0x2ae: {  	v31 =	vld [tilespmem:s1+$0xFFFFFE50];
	v30 =	vor.u32 v5, v30;
	v33 =	vshll.u32 v33, $0x7  }
0x2af: {  	[tilespmem:v32+s28+$0x0] =	vst.idx.add.f32.msk $0xffff, v12;
	v32 =	vor.u32 v5, v33;
	v33 =	vshll.u32 v34, $0x7  }
0x2b0: {  	v34 =	vld [tilespmem:s1+$0xFFFFFED0];
	v33 =	vor.u32 v5, v33;
	v35 =	vshll.u32 v35, $0x7  }
0x2b1: {  	v35 =	vor.u32 v5, v35;
	[tilespmem:v25+s28+$0x0] =	vst.idx.add.f32.msk $0xffff, v24;
	v24 =	vshll.u32 v36, $0x7  }
0x2b2: {  	v24 =	vor.u32 v5, v24;
	[tilespmem:v23+s28+$0x0] =	vst.idx.add.f32.msk $0xffff, v13;
	v13 =	vmov v27  }
0x2b3: {  	v23 =	vshll.u32 v31, $0x7;
	[tilespmem:v30+s28+$0x0] =	vst.idx.add.f32.msk $0xffff, v13  }
0x2b4: {  	v23 =	vor.u32 v6, v23;
	[tilespmem:v32+s28+$0x0] =	vst.idx.add.f32.msk $0xffff, v22  }
0x2b5: {  	v25 =	vshll.u32 v34, $0x7;
	[tilespmem:v33+s28+$0x0] =	vst.idx.add.f32.msk $0xffff, v21  }
0x2b6: {  	v25 =	vor.u32 v6, v25;
	[tilespmem:v35+s28+$0x0] =	vst.idx.add.f32.msk $0xffff, v19  }
0x2b7: {  	[tilespmem:v24+s28+$0x0] =	vst.idx.add.f32.msk $0xffff, v18  }
0x2b8: {  	v24 =	vld [tilespmem:s1+$0xFFFFFF50]  }
0x2b9: {  	v27 =	vld [tilespmem:s1+$0xFFFFFFD0]  }
0x2ba: {  	v30 =	vld [tilespmem:s1+$0x50]  }
0x2bb: {  	v31 =	vld [tilespmem:s1+$0xD0]  }
0x2bc: {  	v32 =	vld [tilespmem:s1+$0x1D0]  }
0x2bd: {  	[tilespmem:v23+s28+$0x0] =	vst.idx.add.f32.msk $0xffff, v11;
	v23 =	vshll.u32 v24, $0x7  }
0x2be: {  	[tilespmem:v25+s28+$0x0] =	vst.idx.add.f32.msk $0xffff, v12;
	v23 =	vor.u32 v6, v23;
	v24 =	vshll.u32 v27, $0x7  }
0x2bf: {  	v25 =	vld [tilespmem:s1+$0xFFFFFE60];
	v24 =	vor.u32 v6, v24;
	v27 =	vshll.u32 v30, $0x7  }
0x2c0: {  	v30 =	vld [tilespmem:s1+$0xFFFFFEE0];
	v27 =	vor.u32 v6, v27;
	v31 =	vshll.u32 v31, $0x7  }
0x2c1: {  	v31 =	vor.u32 v6, v31;
	v32 =	vshll.u32 v32, $0x7;
	[tilespmem:v20+s28+$0x0] =	vst.idx.add.f32.msk $0xffff, v14;
	v14 =	vmov v22  }
0x2c2: {  	v20 =	vor.u32 v6, v32;
	[tilespmem:v28+s28+$0x0] =	vst.idx.add.f32.msk $0xffff, v15;
	v15 =	vmov v21  }
0x2c3: {  	[tilespmem:v23+s28+$0x0] =	vst.idx.add.f32.msk $0xffff, v13  }
0x2c4: {  	v21 =	vshll.u32 v25, $0x7;
	[tilespmem:v24+s28+$0x0] =	vst.idx.add.f32.msk $0xffff, v14  }
0x2c5: {  	v21 =	vor.u32 v7, v21;
	v22 =	vshll.u32 v30, $0x7;
	[tilespmem:v27+s28+$0x0] =	vst.idx.add.f32.msk $0xffff, v15  }
0x2c6: {  	v22 =	vor.u32 v7, v22;
	[tilespmem:v31+s28+$0x0] =	vst.idx.add.f32.msk $0xffff, v19  }
0x2c7: {  	[tilespmem:v20+s28+$0x0] =	vst.idx.add.f32.msk $0xffff, v18  }
0x2c8: {  	v20 =	vld [tilespmem:s1+$0xFFFFFF60]  }
0x2c9: {  	v23 =	vld [tilespmem:s1+$0xFFFFFFE0]  }
0x2ca: {  	v24 =	vld [tilespmem:s1+$0x60]  }
0x2cb: {  	v25 =	vld [tilespmem:s1+$0xE0]  }
0x2cc: {  	v27 =	vld [tilespmem:s1+$0x1E0]  }
0x2cd: {  	[tilespmem:v21+s28+$0x0] =	vst.idx.add.f32.msk $0xffff, v11;
	v20 =	vshll.u32 v20, $0x7  }
0x2ce: {  	[tilespmem:v22+s28+$0x0] =	vst.idx.add.f32.msk $0xffff, v12;
	v28 =	vor.u32 v7, v20;
	v20 =	vshll.u32 v23, $0x7  }
0x2cf: {  	v23 =	vld [tilespmem:s1+$0xFFFFFE70];
	v30 =	vor.u32 v7, v20;
	v21 =	vshll.u32 v24, $0x7  }
.Ltmp4:
0x2d0: {  	v20 =	vld [tilespmem:s1+$0xFFFFFEF0];
	v21 =	vor.u32 v7, v21;
	v22 =	vshll.u32 v25, $0x7;
	(pc) =	sbr.rel @p0 .LBB2_11-.Ltmp4, $4  }
0x2d1: {  	v22 =	vor.u32 v7, v22;
	v24 =	vshll.u32 v27, $0x7;
	[tilespmem:v26+s28+$0x0] =	vst.idx.add.f32.msk $0xffff, v16;
	v16 =	vmov v19  }
0x2d2: {  	v19 =	vor.u32 v7, v24;
	[tilespmem:v29+s28+$0x0] =	vst.idx.add.f32.msk $0xffff, v17;
	v17 =	vmov v18  }
0x2d3: {  	[tilespmem:v28+s28+$0x0] =	vst.idx.add.f32.msk $0xffff, v13  }
0x2d4: {  	v18 =	vshll.u32 v23, $0x7;
	[tilespmem:v30+s28+$0x0] =	vst.idx.add.f32.msk $0xffff, v14  }
0x2d5: {  	_ =	sdelay $0x3  }
0x2d6: {  	[tilespmem:v21+s28+$0x0] =	vst.idx.add.f32.msk $0xffff, v15  }
0x2d7: {  	[tilespmem:v22+s28+$0x0] =	vst.idx.add.f32.msk $0xffff, v16  }
0x2d8: {  	[tilespmem:v19+s28+$0x0] =	vst.idx.add.f32.msk $0xffff, v17  }
0x2d9: {  	v61 =	vld [tilespmem:s1+$0xFFFFFF70]  }
0x2da: {  	v62 =	vld [tilespmem:s6+$0xFFFFFFF0]  }
0x2db: {  	v63 =	vld [tilespmem:s6+$0x70]  }
0x2dc: {  	v23 =	vld [tilespmem:s6+$0xF0]  }
0x2dd: {  	v18 =	vor.u32 v8, v18;
	v20 =	vshll.u32 v20, $0x7;
	v24 =	vld [tilespmem:s6+$0x1F0]  }
0x2de: {  	v20 =	vor.u32 v8, v20;
	v19 =	vshll.u32 v61, $0x7  }
0x2df: {  	v21 =	vshll.u32 v62, $0x7;
	v19 =	vor.u32 v8, v19  }
0x2e0: {  	v21 =	vor.u32 v8, v21;
	v22 =	vshll.u32 v63, $0x7  }
0x2e1: {  	v23 =	vshll.u32 v23, $0x7;
	v22 =	vor.u32 v8, v22  }
0x2e2: {  	s0 =	sadd.s32 $0x1, s0;
	[tilespmem:v18+s28+$0x0] =	vst.idx.add.f32.msk $0xffff, v11;
	v11 =	vshll.u32 v24, $0x7;
	v23 =	vor.u32 v8, v23  }
0x2e3: {  	p0 =	sne.s32 s0, $0x4;
	[tilespmem:v20+s28+$0x0] =	vst.idx.add.f32.msk $0xffff, v12;
	v11 =	vor.u32 v8, v11  }
.Ltmp5:
0x2e4: {  	[tilespmem:v19+s28+$0x0] =	vst.idx.add.f32.msk $0xffff, v13;
	(pc) =	sbr.rel @p0 .LBB2_8-.Ltmp5, $4  }
0x2e5: {  	[tilespmem:v21+s28+$0x0] =	vst.idx.add.f32.msk $0xffff, v14  }
0x2e6: {  	[tilespmem:v22+s28+$0x0] =	vst.idx.add.f32.msk $0xffff, v15  }
0x2e7: {  	[tilespmem:v23+s28+$0x0] =	vst.idx.add.f32.msk $0xffff, v16  }
0x2e8: {  	s5 =	sadd.s32 $0x200, s5;
	[tilespmem:v11+s28+$0x0] =	vst.idx.add.f32.msk $0xffff, v17  }
0x2e9: {  	s0 =	rddreg [dreg:$0x8]  }
0x2ea: {  	[tilespmem:s3], [sflag:$0x1] =	stream.strided.gather [hbm4b:s0+s21], $0x8000, s22, s21, $0x38;
	[tilespmem:$0x18800] =	vst v63  }
0x2eb: {  	s5 =	smov.u32 s2;
	s0 =	simm.s32 $0x0  }
.LBB2_14:
0x2ec: {  	s1 =	sshll.u32 s0, $0x9  }
0x2ed: {  	s6 =	sor.u32 s2, s1  }
0x2ee: {  	_ =	swait.ge [sflag:s24], $0x8000;
	s6 =	sshll.u32 s6, $0x8  }
0x2ef: {  	s9 =	sadd.s32 $0xFFFFFFF8, s5;
	[sflag:s24] =	ssyncset.done $0x0;
	s6 =	sadd.s32 s6, s10  }
0x2f0: {  	s11 =	sadd.s32 $0xE, s9;
	[sflag:s24] =	ssyncadd.s32 $0xFFFF8000;
	s6 =	sadd.s32 $0x10000, s6  }
0x2f1: {  	v11 =	vmov s11;
	[tilespmem:s19], [sflag:$0x2] =	stream.strided.gather [hbm4b:s6+s21], $0x8000, s22, s21, $0x38;
	[tilespmem:$0x18800] =	vst v63  }
0x2f2: {  	v11 =	vand.u32 $0xFFFFFFFE, v11;
	s6 =	simm.s32 $0x2200  }
0x2f3: {  	v11 =	vbroadcast v11, $0x0;
	v12 =	vld [tilespmem:s6+$0x100];
	_ =	sdelay $0x3  }
0x2f4: {  	v13 =	vld [tilespmem:s6+$0xFFFFFE00]  }
0x2f5: {  	s14 =	sadd.s32 $0x8, s9;
	v15 =	vld [tilespmem:s6+$0xFFFFFE80];
	v12 =	vshll.u32 v12, $0x7  }
0x2f6: {  	s15 =	sadd.s32 $0x9, s9;
	v18 =	vld.idx.msk [tilespmem:v11+s26+$0x0], $0xffff;
	v11 =	vor.u32 v0, v12;
	v12 =	vmov s14  }
0x2f7: {  	s16 =	sadd.s32 $0xB, s9;
	v14 =	vmov s15;
	v16 =	vld [tilespmem:s6+$0xFFFFFF00];
	v12 =	vand.u32 $0xFFFFFFF8, v12  }
0x2f8: {  	s12 =	sadd.s32 $0xA, s9;
	v20 =	vmov s16;
	v14 =	vand.u32 $0xFFFFFFF9, v14;
	v19 =	vld [tilespmem:s6+$0xFFFFFF80];
	v12 =	vbroadcast v12, $0x0  }
0x2f9: {  	s23 =	sadd.s32 $0xC, s9;
	v17 =	vmov s12;
	v20 =	vand.u32 $0xFFFFFFFB, v20;
	v14 =	vbroadcast v14, $0x0;
	v21 =	vld [tilespmem:s6+$0x0]  }
0x2fa: {  	s31 =	sadd.s32 $0xD, s9;
	v22 =	vmov s23;
	v17 =	vand.u32 $0xFFFFFFFA, v17;
	v20 =	vbroadcast v20, $0x0;
	v24 =	vld [tilespmem:s6+$0x80]  }
0x2fb: {  	v22 =	vand.u32 $0xFFFFFFFC, v22;
	v17 =	vbroadcast v17, $0x0;
	[tilespmem:v11+s30+$0x0] =	vst.idx.add.f32.msk $0xffff, v18;
	v11 =	vmov s31  }
0x2fc: {  	v22 =	vbroadcast v22, $0x0;
	v23 =	vld [tilespmem:s6+$0x110];
	v11 =	vand.u32 $0xFFFFFFFD, v11  }
0x2fd: {  	v26 =	vld [tilespmem:s6+$0x180];
	v25 =	vbroadcast v11, $0x0  }
0x2fe: {  	v13 =	vshll.u32 v13, $0x7;
	v11 =	vld.idx.msk [tilespmem:v12+s26+$0x0], $0xffff  }
0x2ff: {  	v19 =	vshll.u32 v19, $0x7;
	v28 =	vor.u32 v0, v13;
	v12 =	vld.idx.msk [tilespmem:v14+s26+$0x0], $0xffff  }
0x300: {  	s9 =	sadd.s32 $0xF, s9;
	v19 =	vor.u32 v0, v19;
	v14 =	vld.idx.msk [tilespmem:v20+s26+$0x0], $0xffff  }
0x301: {  	v27 =	vmov s9;
	v13 =	vld.idx.msk [tilespmem:v17+s26+$0x0], $0xffff;
	v17 =	vshll.u32 v23, $0x7  }
0x302: {  	v21 =	vshll.u32 v21, $0x7;
	v20 =	vor.u32 v2, v17;
	v17 =	vshll.u32 v15, $0x7;
	v15 =	vld.idx.msk [tilespmem:v22+s26+$0x0], $0xffff  }
0x303: {  	v21 =	vor.u32 v0, v21;
	v22 =	vor.u32 v0, v17;
	v17 =	vshll.u32 v16, $0x7;
	v16 =	vld.idx.msk [tilespmem:v25+s26+$0x0], $0xffff  }
0x304: {  	[tilespmem:v28+s30+$0x0] =	vst.idx.add.f32.msk $0xffff, v11  }
0x305: {  	[tilespmem:v19+s30+$0x0] =	vst.idx.add.f32.msk $0xffff, v14  }
0x306: {  	v23 =	vor.u32 v0, v17;
	v17 =	vld.idx.msk [tilespmem:v27+s26+$0x0], $0xffff  }
0x307: {  	[tilespmem:v20+s30+$0x0] =	vst.idx.add.f32.msk $0xffff, v18  }
0x308: {  	[tilespmem:v21+s30+$0x0] =	vst.idx.add.f32.msk $0xffff, v15  }
0x309: {  	v20 =	vld [tilespmem:s6+$0x120]  }
0x30a: {  	v19 =	vshll.u32 v24, $0x7;
	v21 =	vld [tilespmem:s6+$0xFFFFFE10]  }
0x30b: {  	v19 =	vor.u32 v0, v19;
	[tilespmem:v22+s30+$0x0] =	vst.idx.add.f32.msk $0xffff, v12  }
0x30c: {  	v35 =	vld [tilespmem:s6+$0x10]  }
0x30d: {  	[tilespmem:v23+s30+$0x0] =	vst.idx.add.f32.msk $0xffff, v13;
	v23 =	vshll.u32 v26, $0x7  }
0x30e: {  	v22 =	vld [tilespmem:s6+$0xFFFFFE90];
	v23 =	vor.u32 v0, v23;
	v20 =	vshll.u32 v20, $0x7  }
0x30f: {  	v33 =	vld [tilespmem:s6+$0xFFFFFF10];
	v20 =	vor.u32 v3, v20  }
0x310: {  	[tilespmem:v19+s30+$0x0] =	vst.idx.add.f32.msk $0xffff, v16;
	v19 =	vshll.u32 v21, $0x7  }
0x311: {  	v34 =	vld [tilespmem:s6+$0xFFFFFF90];
	v19 =	vor.u32 v2, v19  }
0x312: {  	v36 =	vld [tilespmem:s6+$0x90];
	v37 =	vshll.u32 v35, $0x7  }
0x313: {  	v21 =	vshll.u32 v22, $0x7;
	v25 =	vor.u32 v2, v37;
	[tilespmem:v23+s30+$0x0] =	vst.idx.add.f32.msk $0xffff, v17  }
0x314: {  	[tilespmem:v20+s30+$0x0] =	vst.idx.add.f32.msk $0xffff, v18;
	v20 =	vor.u32 v2, v21;
	v21 =	vshll.u32 v33, $0x7  }
0x315: {  	v38 =	vld [tilespmem:s6+$0x190];
	v21 =	vor.u32 v2, v21  }
0x316: {  	[tilespmem:v19+s30+$0x0] =	vst.idx.add.f32.msk $0xffff, v11  }
0x317: {  	v22 =	vld [tilespmem:s6+$0x130]  }
0x318: {  	v23 =	vshll.u32 v34, $0x7;
	[tilespmem:v25+s30+$0x0] =	vst.idx.add.f32.msk $0xffff, v15  }
0x319: {  	v23 =	vor.u32 v2, v23;
	[tilespmem:v20+s30+$0x0] =	vst.idx.add.f32.msk $0xffff, v12;
	v20 =	vshll.u32 v36, $0x7  }
0x31a: {  	[tilespmem:v21+s30+$0x0] =	vst.idx.add.f32.msk $0xffff, v13;
	v20 =	vor.u32 v2, v20  }
0x31b: {  	v21 =	vld [tilespmem:s6+$0xFFFFFE20]  }
0x31c: {  	v19 =	vshll.u32 v22, $0x7;
	v22 =	vld [tilespmem:s6+$0xFFFFFEA0]  }
0x31d: {  	v25 =	vld [tilespmem:s6+$0x20];
	v19 =	vor.u32 v4, v19  }
0x31e: {  	[tilespmem:v23+s30+$0x0] =	vst.idx.add.f32.msk $0xffff, v14  }
0x31f: {  	[tilespmem:v20+s30+$0x0] =	vst.idx.add.f32.msk $0xffff, v16  }
0x320: {  	v20 =	vld [tilespmem:s6+$0xFFFFFF20];
	v21 =	vshll.u32 v21, $0x7  }
0x321: {  	v39 =	vld [tilespmem:s6+$0xFFFFFFA0];
	v22 =	vshll.u32 v22, $0x7;
	v21 =	vor.u32 v3, v21  }
0x322: {  	[tilespmem:v19+s30+$0x0] =	vst.idx.add.f32.msk $0xffff, v18;
	v19 =	vshll.u32 v38, $0x7;
	v22 =	vor.u32 v3, v22  }
0x323: {  	v23 =	vld [tilespmem:s6+$0x140];
	v19 =	vor.u32 v2, v19;
	_ =	sdelay $0x1  }
0x324: {  	v40 =	vld [tilespmem:s6+$0xA0];
	v20 =	vshll.u32 v20, $0x7  }
0x325: {  	v24 =	vshll.u32 v39, $0x7;
	v20 =	vor.u32 v3, v20;
	[tilespmem:v21+s30+$0x0] =	vst.idx.add.f32.msk $0xffff, v11  }
0x326: {  	v41 =	vshll.u32 v25, $0x7;
	v21 =	vor.u32 v3, v24;
	[tilespmem:v22+s30+$0x0] =	vst.idx.add.f32.msk $0xffff, v12  }
0x327: {  	v22 =	vor.u32 v3, v41;
	v23 =	vshll.u32 v23, $0x7;
	[tilespmem:v19+s30+$0x0] =	vst.idx.add.f32.msk $0xffff, v17  }
0x328: {  	v19 =	vor.u32 v5, v23;
	v23 =	vld [tilespmem:s6+$0x1A0]  }
0x329: {  	v43 =	vld [tilespmem:s6+$0xFFFFFE30]  }
0x32a: {  	[tilespmem:v20+s30+$0x0] =	vst.idx.add.f32.msk $0xffff, v13  }
0x32b: {  	v42 =	vshll.u32 v40, $0x7;
	[tilespmem:v21+s30+$0x0] =	vst.idx.add.f32.msk $0xffff, v14  }
0x32c: {  	v24 =	vor.u32 v3, v42;
	[tilespmem:v22+s30+$0x0] =	vst.idx.add.f32.msk $0xffff, v15  }
0x32d: {  	[tilespmem:v19+s30+$0x0] =	vst.idx.add.f32.msk $0xffff, v18;
	v20 =	vshll.u32 v23, $0x7  }
0x32e: {  	v19 =	vld [tilespmem:s6+$0x150];
	v20 =	vor.u32 v3, v20  }
0x32f: {  	v45 =	vld [tilespmem:s6+$0x30]  }
0x330: {  	v44 =	vshll.u32 v43, $0x7;
	v23 =	vld [tilespmem:s6+$0xFFFFFFB0]  }
0x331: {  	[tilespmem:v24+s30+$0x0] =	vst.idx.add.f32.msk $0xffff, v16;
	v24 =	vor.u32 v4, v44  }
0x332: {  	v21 =	vld [tilespmem:s6+$0xFFFFFEB0]  }
0x333: {  	v19 =	vshll.u32 v19, $0x7;
	[tilespmem:v20+s30+$0x0] =	vst.idx.add.f32.msk $0xffff, v17  }
0x334: {  	v25 =	vshll.u32 v45, $0x7;
	v20 =	vld [tilespmem:s6+$0xB0];
	v19 =	vor.u32 v6, v19  }
0x335: {  	v22 =	vld [tilespmem:s6+$0xFFFFFF30];
	v23 =	vshll.u32 v23, $0x7;
	v47 =	vor.u32 v4, v25  }
0x336: {  	[tilespmem:v24+s30+$0x0] =	vst.idx.add.f32.msk $0xffff, v11;
	v23 =	vor.u32 v4, v23  }
0x337: {  	v48 =	vld [tilespmem:s6+$0xFFFFFE40]  }
0x338: {  	v21 =	vshll.u32 v21, $0x7;
	v46 =	vld [tilespmem:s6+$0x1B0]  }
0x339: {  	v20 =	vshll.u32 v20, $0x7;
	[tilespmem:v19+s30+$0x0] =	vst.idx.add.f32.msk $0xffff, v18;
	v19 =	vor.u32 v4, v21  }
0x33a: {  	[tilespmem:v47+s30+$0x0] =	vst.idx.add.f32.msk $0xffff, v15;
	v21 =	vshll.u32 v22, $0x7;
	v20 =	vor.u32 v4, v20  }
0x33b: {  	[tilespmem:v23+s30+$0x0] =	vst.idx.add.f32.msk $0xffff, v14;
	v21 =	vor.u32 v4, v21  }
0x33c: {  	v23 =	vshll.u32 v48, $0x7;
	v22 =	vld [tilespmem:s6+$0x160]  }
0x33d: {  	v50 =	vld [tilespmem:s6+$0x40];
	v23 =	vor.u32 v5, v23  }
0x33e: {  	[tilespmem:v19+s30+$0x0] =	vst.idx.add.f32.msk $0xffff, v12  }
0x33f: {  	[tilespmem:v20+s30+$0x0] =	vst.idx.add.f32.msk $0xffff, v16  }
0x340: {  	[tilespmem:v21+s30+$0x0] =	vst.idx.add.f32.msk $0xffff, v13  }
0x341: {  	v19 =	vshll.u32 v22, $0x7;
	v21 =	vld [tilespmem:s6+$0xFFFFFEC0]  }
0x342: {  	[tilespmem:v23+s30+$0x0] =	vst.idx.add.f32.msk $0xffff, v11;
	v22 =	vshll.u32 v46, $0x7;
	v19 =	vor.u32 v7, v19  }
0x343: {  	v23 =	vshll.u32 v50, $0x7;
	v20 =	vor.u32 v4, v22;
	v22 =	vld [tilespmem:s6+$0xFFFFFF40]  }
0x344: {  	v49 =	vld [tilespmem:s6+$0xFFFFFFC0];
	v23 =	vor.u32 v5, v23  }
0x345: {  	v51 =	vld [tilespmem:s6+$0xC0]  }
0x346: {  	v52 =	vld [tilespmem:s6+$0xFFFFFE50];
	v21 =	vshll.u32 v21, $0x7  }
0x347: {  	[tilespmem:v19+s30+$0x0] =	vst.idx.add.f32.msk $0xffff, v18;
	v19 =	vor.u32 v5, v21  }
0x348: {  	[tilespmem:v20+s30+$0x0] =	vst.idx.add.f32.msk $0xffff, v17;
	v20 =	vshll.u32 v22, $0x7  }
0x349: {  	[tilespmem:v23+s30+$0x0] =	vst.idx.add.f32.msk $0xffff, v15;
	v22 =	vshll.u32 v49, $0x7;
	v20 =	vor.u32 v5, v20  }
0x34a: {  	v21 =	vld [tilespmem:s6+$0x1C0];
	v22 =	vor.u32 v5, v22  }
0x34b: {  	v53 =	vshll.u32 v51, $0x7;
	v55 =	vld [tilespmem:s6+$0x50]  }
0x34c: {  	[tilespmem:v19+s30+$0x0] =	vst.idx.add.f32.msk $0xffff, v12;
	v19 =	vor.u32 v5, v53  }
0x34d: {  	v54 =	vld [tilespmem:s6+$0xFFFFFED0]  }
0x34e: {  	[tilespmem:v20+s30+$0x0] =	vst.idx.add.f32.msk $0xffff, v13  }
0x34f: {  	[tilespmem:v22+s30+$0x0] =	vst.idx.add.f32.msk $0xffff, v14;
	v20 =	vshll.u32 v21, $0x7;
	v21 =	vshll.u32 v52, $0x7  }
0x350: {  	v22 =	vld [tilespmem:s6+$0xFFFFFFD0];
	v21 =	vor.u32 v6, v21  }
0x351: {  	[tilespmem:v19+s30+$0x0] =	vst.idx.add.f32.msk $0xffff, v16;
	v19 =	vor.u32 v5, v20  }
0x352: {  	v20 =	vld [tilespmem:s6+$0xFFFFFF50]  }
0x353: {  	v57 =	vld [tilespmem:s6+$0x170];
	v23 =	vshll.u32 v54, $0x7  }
0x354: {  	v56 =	vld [tilespmem:s6+$0xD0];
	v23 =	vor.u32 v6, v23  }
0x355: {  	v22 =	vshll.u32 v22, $0x7;
	[tilespmem:v21+s30+$0x0] =	vst.idx.add.f32.msk $0xffff, v11  }
0x356: {  	v21 =	vor.u32 v6, v22;
	v22 =	vshll.u32 v55, $0x7;
	[tilespmem:v19+s30+$0x0] =	vst.idx.add.f32.msk $0xffff, v17  }
0x357: {  	v22 =	vor.u32 v6, v22;
	v19 =	vshll.u32 v20, $0x7;
	v20 =	vld [tilespmem:s6+$0x1D0]  }
0x358: {  	v58 =	vld [tilespmem:s6+$0xFFFFFE60];
	v19 =	vor.u32 v6, v19  }
0x359: {  	[tilespmem:v23+s30+$0x0] =	vst.idx.add.f32.msk $0xffff, v12  }
0x35a: {  	v59 =	vld [tilespmem:s6+$0xFFFFFEE0]  }
0x35b: {  	v23 =	vshll.u32 v56, $0x7;
	[tilespmem:v21+s30+$0x0] =	vst.idx.add.f32.msk $0xffff, v14  }
0x35c: {  	v23 =	vor.u32 v6, v23;
	[tilespmem:v22+s30+$0x0] =	vst.idx.add.f32.msk $0xffff, v15;
	v20 =	vshll.u32 v20, $0x7  }
0x35d: {  	[tilespmem:v19+s30+$0x0] =	vst.idx.add.f32.msk $0xffff, v13;
	v19 =	vor.u32 v6, v20  }
0x35e: {  	v22 =	vld [tilespmem:s6+$0xFFFFFFE0]  }
0x35f: {  	v60 =	vld [tilespmem:s6+$0x60];
	v20 =	vshll.u32 v58, $0x7  }
0x360: {  	v21 =	vld [tilespmem:s6+$0xFFFFFF60];
	v20 =	vor.u32 v7, v20  }
0x361: {  	[tilespmem:v23+s30+$0x0] =	vst.idx.add.f32.msk $0xffff, v16;
	v23 =	vshll.u32 v57, $0x7  }
0x362: {  	[tilespmem:v19+s30+$0x0] =	vst.idx.add.f32.msk $0xffff, v17;
	v19 =	vor.u32 v8, v23;
	v23 =	vshll.u32 v59, $0x7  }
0x363: {  	v61 =	vld [tilespmem:s6+$0xE0];
	v23 =	vor.u32 v7, v23  }
0x364: {  	v62 =	vld [tilespmem:s6+$0x1E0]  }
0x365: {  	[tilespmem:v20+s30+$0x0] =	vst.idx.add.f32.msk $0xffff, v11  }
0x366: {  	v21 =	vshll.u32 v21, $0x7;
	v28 =	vld [tilespmem:s6+$0xFFFFFE70]  }
0x367: {  	v63 =	vor.u32 v7, v21;
	v20 =	vshll.u32 v22, $0x7;
	[tilespmem:v19+s30+$0x0] =	vst.idx.add.f32.msk $0xffff, v18  }
0x368: {  	v29 =	vor.u32 v7, v20;
	v18 =	vshll.u32 v60, $0x7;
	[tilespmem:v23+s30+$0x0] =	vst.idx.add.f32.msk $0xffff, v12  }
0x369: {  	v21 =	vor.u32 v7, v18;
	v18 =	vshll.u32 v61, $0x7;
	v20 =	vld [tilespmem:s6+$0xFFFFFEF0]  }
0x36a: {  	v19 =	vshll.u32 v62, $0x7;
	v22 =	vor.u32 v7, v18  }
0x36b: {  	v19 =	vor.u32 v7, v19  }
0x36c: {  	[tilespmem:v63+s30+$0x0] =	vst.idx.add.f32.msk $0xffff, v13  }
0x36d: {  	s11 =	simm.s32 $0x0;
	s9 =	simm.s32 $0x2200;
	v18 =	vshll.u32 v28, $0x7;
	[tilespmem:v29+s30+$0x0] =	vst.idx.add.f32.msk $0xffff, v14  }
.LBB2_15:
0x36e: {  	s12 =	sadd.s32 s11, s5;
	s11 =	sadd.s32 $0x8, s11;
	v29 =	vor.u32 v8, v18;
	v18 =	vshll.u32 v20, $0x7;
	[tilespmem:v21+s30+$0x0] =	vst.idx.add.f32.msk $0xffff, v15  }
0x36f: {  	s13 =	sadd.s32 $0x8, s12;
	s14 =	sadd.s32 $0xE, s12;
	p0 =	slt.u32 s11, $0xF8;
	v25 =	vor.u32 v8, v18;
	[tilespmem:v22+s30+$0x0] =	vst.idx.add.f32.msk $0xffff, v16  }
0x370: {  	s15 =	sadd.s32 $0xA, s12;
	s16 =	sadd.s32 $0xB, s12;
	v18 =	vmov s13;
	s13 =	sadd.s32 $0x9, s12;
	v20 =	vmov s14;
	[tilespmem:v19+s30+$0x0] =	vst.idx.add.f32.msk $0xffff, v17  }
0x371: {  	v21 =	vmov s15;
	s14 =	sadd.s32 $0xD, s12;
	v19 =	vmov s13;
	s13 =	sadd.s32 $0xC, s12;
	v20 =	vand.u32 $0xFFFFFFFE, v20;
	s12 =	sadd.s32 $0xF, s12;
	v22 =	vld [tilespmem:s6+$0xFFFFFF70]  }
0x372: {  	v23 =	vmov s16;
	s6 =	sadd.s32 $0x400, s6;
	v24 =	vmov s13;
	v20 =	vbroadcast v20, $0x0;
	v26 =	vld [tilespmem:s9+$0xFFFFFFF0]  }
0x373: {  	v18 =	vand.u32 $0xFFFFFFF8, v18;
	v27 =	vmov s14;
	v19 =	vand.u32 $0xFFFFFFF9, v19;
	v28 =	vld [tilespmem:s6+$0x100]  }
0x374: {  	v21 =	vand.u32 $0xFFFFFFFA, v21;
	v23 =	vand.u32 $0xFFFFFFFB, v23;
	v24 =	vand.u32 $0xFFFFFFFC, v24;
	v30 =	vld [tilespmem:s6+$0xFFFFFE00]  }
0x375: {  	v18 =	vbroadcast v18, $0x0;
	v27 =	vand.u32 $0xFFFFFFFD, v27;
	v19 =	vbroadcast v19, $0x0;
	v31 =	vld [tilespmem:s6+$0xFFFFFE80]  }
0x376: {  	v21 =	vbroadcast v21, $0x0;
	v33 =	vbroadcast v23, $0x0;
	v34 =	vmov s12;
	v32 =	vld [tilespmem:s6+$0xFFFFFF00]  }
0x377: {  	v37 =	vbroadcast v27, $0x0;
	v36 =	vbroadcast v24, $0x0;
	v22 =	vshll.u32 v22, $0x7;
	v35 =	vld [tilespmem:s6+$0xFFFFFF80]  }
0x378: {  	v23 =	vor.u32 v8, v22;
	v22 =	vshll.u32 v26, $0x7;
	v24 =	vld.idx.msk [tilespmem:v20+s26+$0x0], $0xffff;
	v20 =	vshll.u32 v28, $0x7  }
0x379: {  	v26 =	vshll.u32 v30, $0x7;
	v27 =	vld [tilespmem:s6+$0x0];
	v28 =	vor.u32 v0, v20;
	v20 =	vor.u32 v8, v22  }
0x37a: {  	v26 =	vor.u32 v0, v26;
	v22 =	vshll.u32 v31, $0x7;
	v38 =	vld [tilespmem:s6+$0x80]  }
0x37b: {  	v39 =	vor.u32 v0, v22;
	v22 =	vshll.u32 v32, $0x7;
	v32 =	vld [tilespmem:s6+$0x180]  }
0x37c: {  	v31 =	vld.idx.msk [tilespmem:v18+s26+$0x0], $0xffff;
	v40 =	vor.u32 v0, v22;
	v18 =	vshll.u32 v35, $0x7  }
0x37d: {  	v30 =	vld.idx.msk [tilespmem:v19+s26+$0x0], $0xffff;
	v35 =	vor.u32 v0, v18  }
0x37e: {  	v18 =	vshll.u32 v27, $0x7;
	[tilespmem:v28+s30+$0x0] =	vst.idx.add.f32.msk $0xffff, v24  }
0x37f: {  	v28 =	vor.u32 v0, v18;
	v18 =	vshll.u32 v38, $0x7;
	v38 =	vld [tilespmem:s6+$0x110]  }
0x380: {  	v27 =	vld.idx.msk [tilespmem:v21+s26+$0x0], $0xffff;
	v41 =	vor.u32 v0, v18;
	v18 =	vshll.u32 v32, $0x7  }
0x381: {  	v22 =	vld.idx.msk [tilespmem:v33+s26+$0x0], $0xffff;
	v32 =	vor.u32 v0, v18  }
0x382: {  	v21 =	vld.idx.msk [tilespmem:v36+s26+$0x0], $0xffff  }
0x383: {  	v19 =	vld.idx.msk [tilespmem:v37+s26+$0x0], $0xffff  }
0x384: {  	v33 =	vshll.u32 v38, $0x7;
	v18 =	vld.idx.msk [tilespmem:v34+s26+$0x0], $0xffff  }
0x385: {  	[tilespmem:v26+s30+$0x0] =	vst.idx.add.f32.msk $0xffff, v31;
	v26 =	vor.u32 v2, v33  }
0x386: {  	[tilespmem:v39+s30+$0x0] =	vst.idx.add.f32.msk $0xffff, v30  }
0x387: {  	[tilespmem:v40+s30+$0x0] =	vst.idx.add.f32.msk $0xffff, v27  }
0x388: {  	[tilespmem:v35+s30+$0x0] =	vst.idx.add.f32.msk $0xffff, v22  }
0x389: {  	[tilespmem:v28+s30+$0x0] =	vst.idx.add.f32.msk $0xffff, v21  }
0x38a: {  	[tilespmem:v26+s30+$0x0] =	vst.idx.add.f32.msk $0xffff, v24  }
0x38b: {  	v26 =	vld [tilespmem:s6+$0x120]  }
0x38c: {  	[tilespmem:v41+s30+$0x0] =	vst.idx.add.f32.msk $0xffff, v19  }
0x38d: {  	[tilespmem:v32+s30+$0x0] =	vst.idx.add.f32.msk $0xffff, v18  }
0x38e: {  	v28 =	vld [tilespmem:s6+$0xFFFFFE10]  }
0x38f: {  	v32 =	vld [tilespmem:s6+$0xFFFFFE90]  }
0x390: {  	v33 =	vld [tilespmem:s6+$0xFFFFFF10];
	v26 =	vshll.u32 v26, $0x7  }
0x391: {  	v34 =	vld [tilespmem:s6+$0xFFFFFF90];
	v26 =	vor.u32 v3, v26  }
0x392: {  	v35 =	vld [tilespmem:s6+$0x10]  }
0x393: {  	v28 =	vshll.u32 v28, $0x7;
	v36 =	vld [tilespmem:s6+$0x90]  }
0x394: {  	v28 =	vor.u32 v2, v28;
	v32 =	vshll.u32 v32, $0x7;
	v37 =	vld [tilespmem:s6+$0x190]  }
0x395: {  	v32 =	vor.u32 v2, v32;
	v33 =	vshll.u32 v33, $0x7;
	v38 =	vld [tilespmem:s9+$0x70]  }
0x396: {  	v33 =	vor.u32 v2, v33;
	v34 =	vshll.u32 v34, $0x7;
	[tilespmem:v26+s30+$0x0] =	vst.idx.add.f32.msk $0xffff, v24  }
0x397: {  	v26 =	vor.u32 v2, v34;
	v34 =	vshll.u32 v35, $0x7;
	v35 =	vld [tilespmem:s6+$0x130]  }
0x398: {  	v34 =	vor.u32 v2, v34;
	v36 =	vshll.u32 v36, $0x7;
	v39 =	vld [tilespmem:s9+$0xF0]  }
0x399: {  	[tilespmem:v28+s30+$0x0] =	vst.idx.add.f32.msk $0xffff, v31;
	v36 =	vor.u32 v2, v36;
	v28 =	vshll.u32 v37, $0x7  }
0x39a: {  	[tilespmem:v32+s30+$0x0] =	vst.idx.add.f32.msk $0xffff, v30;
	v32 =	vor.u32 v2, v28;
	v28 =	vshll.u32 v38, $0x7  }
0x39b: {  	[tilespmem:v33+s30+$0x0] =	vst.idx.add.f32.msk $0xffff, v27;
	v28 =	vor.u32 v8, v28  }
0x39c: {  	[tilespmem:v26+s30+$0x0] =	vst.idx.add.f32.msk $0xffff, v22;
	v26 =	vshll.u32 v35, $0x7  }
0x39d: {  	[tilespmem:v34+s30+$0x0] =	vst.idx.add.f32.msk $0xffff, v21;
	v33 =	vor.u32 v4, v26;
	v26 =	vshll.u32 v39, $0x7  }
0x39e: {  	[tilespmem:v36+s30+$0x0] =	vst.idx.add.f32.msk $0xffff, v19;
	v26 =	vor.u32 v8, v26  }
0x39f: {  	[tilespmem:v32+s30+$0x0] =	vst.idx.add.f32.msk $0xffff, v18  }
0x3a0: {  	v32 =	vld [tilespmem:s6+$0xFFFFFE20]  }
0x3a1: {  	v34 =	vld [tilespmem:s6+$0xFFFFFEA0]  }
0x3a2: {  	[tilespmem:v33+s30+$0x0] =	vst.idx.add.f32.msk $0xffff, v24  }
0x3a3: {  	v33 =	vld [tilespmem:s6+$0x140]  }
0x3a4: {  	v35 =	vld [tilespmem:s6+$0xFFFFFF20]  }
0x3a5: {  	v32 =	vshll.u32 v32, $0x7;
	v36 =	vld [tilespmem:s6+$0xFFFFFFA0]  }
0x3a6: {  	v32 =	vor.u32 v3, v32;
	v34 =	vshll.u32 v34, $0x7;
	v37 =	vld [tilespmem:s6+$0x20]  }
0x3a7: {  	v34 =	vor.u32 v3, v34;
	v38 =	vld [tilespmem:s6+$0xA0]  }
0x3a8: {  	v33 =	vshll.u32 v33, $0x7;
	v39 =	vld [tilespmem:s6+$0x1A0]  }
0x3a9: {  	v35 =	vshll.u32 v35, $0x7;
	v33 =	vor.u32 v5, v33;
	v40 =	vld [tilespmem:s9+$0x1F0];
	s9 =	smov.u32 s6  }
0x3aa: {  	v35 =	vor.u32 v3, v35;
	v36 =	vshll.u32 v36, $0x7;
	[tilespmem:v29+s30+$0x0] =	vst.idx.add.f32.msk $0xffff, v11;
	v11 =	vmov v31  }
0x3ab: {  	[tilespmem:v32+s30+$0x0] =	vst.idx.add.f32.msk $0xffff, v11;
	v31 =	vor.u32 v3, v36;
	v29 =	vshll.u32 v37, $0x7  }
0x3ac: {  	[tilespmem:v34+s30+$0x0] =	vst.idx.add.f32.msk $0xffff, v30;
	v32 =	vor.u32 v3, v29;
	v29 =	vshll.u32 v38, $0x7  }
0x3ad: {  	v34 =	vld [tilespmem:s6+$0xFFFFFE30];
	v36 =	vor.u32 v3, v29;
	v29 =	vshll.u32 v39, $0x7  }
0x3ae: {  	[tilespmem:v33+s30+$0x0] =	vst.idx.add.f32.msk $0xffff, v24;
	v33 =	vor.u32 v3, v29;
	v29 =	vshll.u32 v40, $0x7  }
0x3af: {  	v37 =	vld [tilespmem:s6+$0x150];
	v29 =	vor.u32 v8, v29  }
0x3b0: {  	[tilespmem:v35+s30+$0x0] =	vst.idx.add.f32.msk $0xffff, v27  }
0x3b1: {  	[tilespmem:v31+s30+$0x0] =	vst.idx.add.f32.msk $0xffff, v22  }
0x3b2: {  	v31 =	vshll.u32 v34, $0x7;
	[tilespmem:v32+s30+$0x0] =	vst.idx.add.f32.msk $0xffff, v21  }
0x3b3: {  	v31 =	vor.u32 v4, v31;
	[tilespmem:v36+s30+$0x0] =	vst.idx.add.f32.msk $0xffff, v19  }
0x3b4: {  	v32 =	vshll.u32 v37, $0x7;
	[tilespmem:v33+s30+$0x0] =	vst.idx.add.f32.msk $0xffff, v18  }
0x3b5: {  	v33 =	vld [tilespmem:s6+$0xFFFFFEB0];
	v32 =	vor.u32 v6, v32  }
0x3b6: {  	v34 =	vld [tilespmem:s6+$0xFFFFFF30]  }
0x3b7: {  	v35 =	vld [tilespmem:s6+$0xFFFFFFB0]  }
0x3b8: {  	v36 =	vld [tilespmem:s6+$0x30]  }
0x3b9: {  	v37 =	vld [tilespmem:s6+$0xB0]  }
0x3ba: {  	v33 =	vshll.u32 v33, $0x7;
	[tilespmem:v32+s30+$0x0] =	vst.idx.add.f32.msk $0xffff, v24  }
0x3bb: {  	v32 =	vor.u32 v4, v33;
	v33 =	vshll.u32 v34, $0x7;
	v34 =	vld [tilespmem:s6+$0x160]  }
0x3bc: {  	v33 =	vor.u32 v4, v33;
	v35 =	vshll.u32 v35, $0x7;
	v38 =	vld [tilespmem:s6+$0x1B0]  }
0x3bd: {  	[tilespmem:v31+s30+$0x0] =	vst.idx.add.f32.msk $0xffff, v11;
	v31 =	vor.u32 v4, v35;
	v35 =	vshll.u32 v36, $0x7  }
0x3be: {  	v36 =	vld [tilespmem:s6+$0xFFFFFE40];
	v35 =	vor.u32 v4, v35;
	v37 =	vshll.u32 v37, $0x7  }
0x3bf: {  	v37 =	vor.u32 v4, v37;
	[tilespmem:v25+s30+$0x0] =	vst.idx.add.f32.msk $0xffff, v12;
	v12 =	vmov v30  }
0x3c0: {  	[tilespmem:v32+s30+$0x0] =	vst.idx.add.f32.msk $0xffff, v12;
	v25 =	vshll.u32 v34, $0x7  }
0x3c1: {  	[tilespmem:v33+s30+$0x0] =	vst.idx.add.f32.msk $0xffff, v27;
	v25 =	vor.u32 v7, v25;
	v30 =	vshll.u32 v38, $0x7  }
0x3c2: {  	[tilespmem:v31+s30+$0x0] =	vst.idx.add.f32.msk $0xffff, v22;
	v30 =	vor.u32 v4, v30  }
0x3c3: {  	v31 =	vshll.u32 v36, $0x7;
	[tilespmem:v35+s30+$0x0] =	vst.idx.add.f32.msk $0xffff, v21  }
0x3c4: {  	v31 =	vor.u32 v5, v31;
	[tilespmem:v37+s30+$0x0] =	vst.idx.add.f32.msk $0xffff, v19  }
0x3c5: {  	v32 =	vld [tilespmem:s6+$0xFFFFFEC0]  }
0x3c6: {  	[tilespmem:v25+s30+$0x0] =	vst.idx.add.f32.msk $0xffff, v24  }
0x3c7: {  	v25 =	vld [tilespmem:s6+$0x170]  }
0x3c8: {  	[tilespmem:v30+s30+$0x0] =	vst.idx.add.f32.msk $0xffff, v18  }
0x3c9: {  	v30 =	vld [tilespmem:s6+$0xFFFFFF40]  }
0x3ca: {  	v32 =	vshll.u32 v32, $0x7;
	v33 =	vld [tilespmem:s6+$0xFFFFFFC0]  }
0x3cb: {  	v32 =	vor.u32 v5, v32;
	v34 =	vld [tilespmem:s6+$0x40]  }
0x3cc: {  	v35 =	vld [tilespmem:s6+$0xC0];
	v25 =	vshll.u32 v25, $0x7  }
0x3cd: {  	v25 =	vor.u32 v8, v25;
	v36 =	vld [tilespmem:s6+$0x1C0]  }
0x3ce: {  	[tilespmem:v31+s30+$0x0] =	vst.idx.add.f32.msk $0xffff, v11;
	v30 =	vshll.u32 v30, $0x7  }
0x3cf: {  	v31 =	vld [tilespmem:s6+$0xFFFFFE50];
	v30 =	vor.u32 v5, v30;
	v33 =	vshll.u32 v33, $0x7  }
0x3d0: {  	[tilespmem:v32+s30+$0x0] =	vst.idx.add.f32.msk $0xffff, v12;
	v32 =	vor.u32 v5, v33;
	v33 =	vshll.u32 v34, $0x7  }
0x3d1: {  	v34 =	vld [tilespmem:s6+$0xFFFFFED0];
	v33 =	vor.u32 v5, v33;
	v35 =	vshll.u32 v35, $0x7  }
0x3d2: {  	v35 =	vor.u32 v5, v35;
	[tilespmem:v25+s30+$0x0] =	vst.idx.add.f32.msk $0xffff, v24;
	v24 =	vshll.u32 v36, $0x7  }
0x3d3: {  	v24 =	vor.u32 v5, v24;
	[tilespmem:v23+s30+$0x0] =	vst.idx.add.f32.msk $0xffff, v13;
	v13 =	vmov v27  }
0x3d4: {  	v23 =	vshll.u32 v31, $0x7;
	[tilespmem:v30+s30+$0x0] =	vst.idx.add.f32.msk $0xffff, v13  }
0x3d5: {  	v23 =	vor.u32 v6, v23;
	[tilespmem:v32+s30+$0x0] =	vst.idx.add.f32.msk $0xffff, v22  }
0x3d6: {  	v25 =	vshll.u32 v34, $0x7;
	[tilespmem:v33+s30+$0x0] =	vst.idx.add.f32.msk $0xffff, v21  }
0x3d7: {  	v25 =	vor.u32 v6, v25;
	[tilespmem:v35+s30+$0x0] =	vst.idx.add.f32.msk $0xffff, v19  }
0x3d8: {  	[tilespmem:v24+s30+$0x0] =	vst.idx.add.f32.msk $0xffff, v18  }
0x3d9: {  	v24 =	vld [tilespmem:s6+$0xFFFFFF50]  }
0x3da: {  	v27 =	vld [tilespmem:s6+$0xFFFFFFD0]  }
0x3db: {  	v30 =	vld [tilespmem:s6+$0x50]  }
0x3dc: {  	v31 =	vld [tilespmem:s6+$0xD0]  }
0x3dd: {  	v32 =	vld [tilespmem:s6+$0x1D0]  }
0x3de: {  	[tilespmem:v23+s30+$0x0] =	vst.idx.add.f32.msk $0xffff, v11;
	v23 =	vshll.u32 v24, $0x7  }
0x3df: {  	[tilespmem:v25+s30+$0x0] =	vst.idx.add.f32.msk $0xffff, v12;
	v23 =	vor.u32 v6, v23;
	v24 =	vshll.u32 v27, $0x7  }
0x3e0: {  	v25 =	vld [tilespmem:s6+$0xFFFFFE60];
	v24 =	vor.u32 v6, v24;
	v27 =	vshll.u32 v30, $0x7  }
0x3e1: {  	v30 =	vld [tilespmem:s6+$0xFFFFFEE0];
	v27 =	vor.u32 v6, v27;
	v31 =	vshll.u32 v31, $0x7  }
0x3e2: {  	v31 =	vor.u32 v6, v31;
	v32 =	vshll.u32 v32, $0x7;
	[tilespmem:v20+s30+$0x0] =	vst.idx.add.f32.msk $0xffff, v14;
	v14 =	vmov v22  }
0x3e3: {  	v20 =	vor.u32 v6, v32;
	[tilespmem:v28+s30+$0x0] =	vst.idx.add.f32.msk $0xffff, v15;
	v15 =	vmov v21  }
0x3e4: {  	[tilespmem:v23+s30+$0x0] =	vst.idx.add.f32.msk $0xffff, v13  }
0x3e5: {  	v21 =	vshll.u32 v25, $0x7;
	[tilespmem:v24+s30+$0x0] =	vst.idx.add.f32.msk $0xffff, v14  }
0x3e6: {  	v21 =	vor.u32 v7, v21;
	v22 =	vshll.u32 v30, $0x7;
	[tilespmem:v27+s30+$0x0] =	vst.idx.add.f32.msk $0xffff, v15  }
0x3e7: {  	v22 =	vor.u32 v7, v22;
	[tilespmem:v31+s30+$0x0] =	vst.idx.add.f32.msk $0xffff, v19  }
0x3e8: {  	[tilespmem:v20+s30+$0x0] =	vst.idx.add.f32.msk $0xffff, v18  }
0x3e9: {  	v20 =	vld [tilespmem:s6+$0xFFFFFF60]  }
0x3ea: {  	v23 =	vld [tilespmem:s6+$0xFFFFFFE0]  }
0x3eb: {  	v24 =	vld [tilespmem:s6+$0x60]  }
0x3ec: {  	v25 =	vld [tilespmem:s6+$0xE0]  }
0x3ed: {  	v27 =	vld [tilespmem:s6+$0x1E0]  }
0x3ee: {  	[tilespmem:v21+s30+$0x0] =	vst.idx.add.f32.msk $0xffff, v11;
	v20 =	vshll.u32 v20, $0x7  }
0x3ef: {  	[tilespmem:v22+s30+$0x0] =	vst.idx.add.f32.msk $0xffff, v12;
	v28 =	vor.u32 v7, v20;
	v20 =	vshll.u32 v23, $0x7  }
0x3f0: {  	v23 =	vld [tilespmem:s6+$0xFFFFFE70];
	v30 =	vor.u32 v7, v20;
	v21 =	vshll.u32 v24, $0x7  }
.Ltmp6:
0x3f1: {  	v20 =	vld [tilespmem:s6+$0xFFFFFEF0];
	v21 =	vor.u32 v7, v21;
	v22 =	vshll.u32 v25, $0x7;
	(pc) =	sbr.rel @p0 .LBB2_15-.Ltmp6, $4  }
0x3f2: {  	v22 =	vor.u32 v7, v22;
	v24 =	vshll.u32 v27, $0x7;
	[tilespmem:v26+s30+$0x0] =	vst.idx.add.f32.msk $0xffff, v16;
	v16 =	vmov v19  }
0x3f3: {  	v19 =	vor.u32 v7, v24;
	[tilespmem:v29+s30+$0x0] =	vst.idx.add.f32.msk $0xffff, v17;
	v17 =	vmov v18  }
0x3f4: {  	[tilespmem:v28+s30+$0x0] =	vst.idx.add.f32.msk $0xffff, v13  }
0x3f5: {  	v18 =	vshll.u32 v23, $0x7;
	[tilespmem:v30+s30+$0x0] =	vst.idx.add.f32.msk $0xffff, v14  }
0x3f6: {  	_ =	sdelay $0x3  }
0x3f7: {  	[tilespmem:v21+s30+$0x0] =	vst.idx.add.f32.msk $0xffff, v15  }
0x3f8: {  	[tilespmem:v22+s30+$0x0] =	vst.idx.add.f32.msk $0xffff, v16  }
0x3f9: {  	[tilespmem:v19+s30+$0x0] =	vst.idx.add.f32.msk $0xffff, v17  }
0x3fa: {  	v19 =	vld [tilespmem:s6+$0xFFFFFF70]  }
0x3fb: {  	v21 =	vld [tilespmem:s9+$0xFFFFFFF0]  }
0x3fc: {  	v22 =	vld [tilespmem:s9+$0x70]  }
0x3fd: {  	v23 =	vld [tilespmem:s9+$0xF0]  }
0x3fe: {  	v18 =	vor.u32 v8, v18;
	v20 =	vshll.u32 v20, $0x7;
	v24 =	vld [tilespmem:s9+$0x1F0]  }
0x3ff: {  	v20 =	vor.u32 v8, v20;
	v19 =	vshll.u32 v19, $0x7  }
0x400: {  	v21 =	vshll.u32 v21, $0x7;
	v19 =	vor.u32 v8, v19  }
0x401: {  	v21 =	vor.u32 v8, v21;
	v22 =	vshll.u32 v22, $0x7  }
0x402: {  	v23 =	vshll.u32 v23, $0x7;
	v22 =	vor.u32 v8, v22  }
0x403: {  	[tilespmem:v18+s30+$0x0] =	vst.idx.add.f32.msk $0xffff, v11;
	v11 =	vshll.u32 v24, $0x7;
	v23 =	vor.u32 v8, v23  }
0x404: {  	[tilespmem:v20+s30+$0x0] =	vst.idx.add.f32.msk $0xffff, v12;
	v11 =	vor.u32 v8, v11  }
0x405: {  	[tilespmem:v19+s30+$0x0] =	vst.idx.add.f32.msk $0xffff, v13  }
0x406: {  	[tilespmem:v21+s30+$0x0] =	vst.idx.add.f32.msk $0xffff, v14  }
0x407: {  	[tilespmem:v22+s30+$0x0] =	vst.idx.add.f32.msk $0xffff, v15  }
0x408: {  	p0 =	seq.s32 s0, $0x3;
	[tilespmem:v23+s30+$0x0] =	vst.idx.add.f32.msk $0xffff, v16  }
0x409: {  	s3 =	sadd.s32 $0xFFFFFFF8, s5;
	s1 =	sadd.s32 @!p0 s1, s8;
	[tilespmem:v11+s30+$0x0] =	vst.idx.add.f32.msk $0xffff, v17  }
0x40a: {  	s6 =	simm.s32 @!p0 $0x400;
	s11 =	simm.s32 @!p0 $0x4000;
	_ =	swait.ge [sflag:s29], $0x8000  }
0x40b: {  	s12 =	simm.s32 @!p0 $0x2000;
	s1 =	sshll.u32 @!p0 s1, $0x8;
	[sflag:s29] =	ssyncset.done $0x0  }
0x40c: {  	s13 =	sadd.s32 $0x10E, s3;
	s1 =	sadd.s32 @!p0 s1, s10;
	[sflag:s29] =	ssyncadd.s32 $0xFFFF8000  }
0x40d: {  	v11 =	vmov s13;
	[tilespmem:s12], [sflag:$0x1] =	stream.strided.gather @!p0 [hbm4b:s1+s6], $0x8000, s11, s6, $0x38;
	[tilespmem:$0x18800] =	vst v63  }
0x40e: {  	v11 =	vand.u32 $0xFFFFFFFE, v11;
	s1 =	simm.s32 $0xA200  }
0x40f: {  	v11 =	vbroadcast v11, $0x0;
	v12 =	vld [tilespmem:s1+$0x100];
	_ =	sdelay $0x3  }
0x410: {  	v13 =	vld [tilespmem:s1+$0xFFFFFE00]  }
0x411: {  	s12 =	sadd.s32 $0x108, s3;
	v15 =	vld [tilespmem:s1+$0xFFFFFE80];
	v12 =	vshll.u32 v12, $0x7  }
0x412: {  	s13 =	sadd.s32 $0x109, s3;
	v18 =	vld.idx.msk [tilespmem:v11+s26+$0x0], $0xffff;
	v11 =	vor.u32 v0, v12;
	v12 =	vmov s12  }
0x413: {  	s15 =	sadd.s32 $0x10B, s3;
	v14 =	vmov s13;
	v16 =	vld [tilespmem:s1+$0xFFFFFF00];
	v12 =	vand.u32 $0xFFFFFFF8, v12  }
0x414: {  	s14 =	sadd.s32 $0x10A, s3;
	v20 =	vmov s15;
	v14 =	vand.u32 $0xFFFFFFF9, v14;
	v19 =	vld [tilespmem:s1+$0xFFFFFF80];
	v12 =	vbroadcast v12, $0x0  }
0x415: {  	s16 =	sadd.s32 $0x10C, s3;
	v20 =	vand.u32 $0xFFFFFFFB, v20;
	v17 =	vmov s14;
	v14 =	vbroadcast v14, $0x0;
	v21 =	vld [tilespmem:s1+$0x0]  }
0x416: {  	s23 =	sadd.s32 $0x10D, s3;
	v20 =	vbroadcast v20, $0x0;
	v22 =	vmov s16;
	v17 =	vand.u32 $0xFFFFFFFA, v17;
	v32 =	vld [tilespmem:s1+$0x80]  }
0x417: {  	v22 =	vand.u32 $0xFFFFFFFC, v22;
	v17 =	vbroadcast v17, $0x0;
	[tilespmem:v11+s30+$0x0] =	vst.idx.add.f32.msk $0xffff, v18;
	v11 =	vmov s23  }
0x418: {  	v22 =	vbroadcast v22, $0x0;
	v23 =	vld [tilespmem:s1+$0x110];
	v11 =	vand.u32 $0xFFFFFFFD, v11  }
0x419: {  	v26 =	vld [tilespmem:s1+$0x180];
	v25 =	vbroadcast v11, $0x0  }
0x41a: {  	v13 =	vshll.u32 v13, $0x7;
	v11 =	vld.idx.msk [tilespmem:v12+s26+$0x0], $0xffff  }
0x41b: {  	v19 =	vshll.u32 v19, $0x7;
	v28 =	vor.u32 v0, v13;
	v12 =	vld.idx.msk [tilespmem:v14+s26+$0x0], $0xffff  }
0x41c: {  	s31 =	sadd.s32 $0x10F, s3;
	v19 =	vor.u32 v0, v19;
	v14 =	vld.idx.msk [tilespmem:v20+s26+$0x0], $0xffff  }
0x41d: {  	v27 =	vmov s31;
	v13 =	vld.idx.msk [tilespmem:v17+s26+$0x0], $0xffff;
	v17 =	vshll.u32 v23, $0x7  }
0x41e: {  	v21 =	vshll.u32 v21, $0x7;
	v20 =	vor.u32 v2, v17;
	v17 =	vshll.u32 v15, $0x7;
	v15 =	vld.idx.msk [tilespmem:v22+s26+$0x0], $0xffff  }
0x41f: {  	v21 =	vor.u32 v0, v21;
	v22 =	vor.u32 v0, v17;
	v17 =	vshll.u32 v16, $0x7;
	v16 =	vld.idx.msk [tilespmem:v25+s26+$0x0], $0xffff  }
0x420: {  	[tilespmem:v28+s30+$0x0] =	vst.idx.add.f32.msk $0xffff, v11  }
0x421: {  	[tilespmem:v19+s30+$0x0] =	vst.idx.add.f32.msk $0xffff, v14  }
0x422: {  	v23 =	vor.u32 v0, v17;
	v17 =	vld.idx.msk [tilespmem:v27+s26+$0x0], $0xffff  }
0x423: {  	[tilespmem:v20+s30+$0x0] =	vst.idx.add.f32.msk $0xffff, v18  }
0x424: {  	[tilespmem:v21+s30+$0x0] =	vst.idx.add.f32.msk $0xffff, v15  }
0x425: {  	v20 =	vld [tilespmem:s1+$0x120]  }
0x426: {  	v19 =	vshll.u32 v32, $0x7;
	v21 =	vld [tilespmem:s1+$0xFFFFFE10]  }
0x427: {  	v19 =	vor.u32 v0, v19;
	[tilespmem:v22+s30+$0x0] =	vst.idx.add.f32.msk $0xffff, v12  }
0x428: {  	v35 =	vld [tilespmem:s1+$0x10]  }
0x429: {  	[tilespmem:v23+s30+$0x0] =	vst.idx.add.f32.msk $0xffff, v13;
	v23 =	vshll.u32 v26, $0x7  }
0x42a: {  	v22 =	vld [tilespmem:s1+$0xFFFFFE90];
	v23 =	vor.u32 v0, v23;
	v20 =	vshll.u32 v20, $0x7  }
0x42b: {  	v33 =	vld [tilespmem:s1+$0xFFFFFF10];
	v20 =	vor.u32 v3, v20  }
0x42c: {  	[tilespmem:v19+s30+$0x0] =	vst.idx.add.f32.msk $0xffff, v16;
	v19 =	vshll.u32 v21, $0x7  }
0x42d: {  	v34 =	vld [tilespmem:s1+$0xFFFFFF90];
	v19 =	vor.u32 v2, v19  }
0x42e: {  	v36 =	vld [tilespmem:s1+$0x90];
	v37 =	vshll.u32 v35, $0x7  }
0x42f: {  	v21 =	vshll.u32 v22, $0x7;
	v25 =	vor.u32 v2, v37;
	[tilespmem:v23+s30+$0x0] =	vst.idx.add.f32.msk $0xffff, v17  }
0x430: {  	[tilespmem:v20+s30+$0x0] =	vst.idx.add.f32.msk $0xffff, v18;
	v20 =	vor.u32 v2, v21;
	v21 =	vshll.u32 v33, $0x7  }
0x431: {  	v38 =	vld [tilespmem:s1+$0x190];
	v21 =	vor.u32 v2, v21  }
0x432: {  	[tilespmem:v19+s30+$0x0] =	vst.idx.add.f32.msk $0xffff, v11  }
0x433: {  	v22 =	vld [tilespmem:s1+$0x130]  }
0x434: {  	v23 =	vshll.u32 v34, $0x7;
	[tilespmem:v25+s30+$0x0] =	vst.idx.add.f32.msk $0xffff, v15  }
0x435: {  	v23 =	vor.u32 v2, v23;
	[tilespmem:v20+s30+$0x0] =	vst.idx.add.f32.msk $0xffff, v12;
	v20 =	vshll.u32 v36, $0x7  }
0x436: {  	[tilespmem:v21+s30+$0x0] =	vst.idx.add.f32.msk $0xffff, v13;
	v20 =	vor.u32 v2, v20  }
0x437: {  	v21 =	vld [tilespmem:s1+$0xFFFFFE20]  }
0x438: {  	v19 =	vshll.u32 v22, $0x7;
	v22 =	vld [tilespmem:s1+$0xFFFFFEA0]  }
0x439: {  	v25 =	vld [tilespmem:s1+$0x20];
	v19 =	vor.u32 v4, v19  }
0x43a: {  	[tilespmem:v23+s30+$0x0] =	vst.idx.add.f32.msk $0xffff, v14  }
0x43b: {  	[tilespmem:v20+s30+$0x0] =	vst.idx.add.f32.msk $0xffff, v16  }
0x43c: {  	v20 =	vld [tilespmem:s1+$0xFFFFFF20];
	v21 =	vshll.u32 v21, $0x7  }
0x43d: {  	v39 =	vld [tilespmem:s1+$0xFFFFFFA0];
	v22 =	vshll.u32 v22, $0x7;
	v21 =	vor.u32 v3, v21  }
0x43e: {  	[tilespmem:v19+s30+$0x0] =	vst.idx.add.f32.msk $0xffff, v18;
	v19 =	vshll.u32 v38, $0x7;
	v22 =	vor.u32 v3, v22  }
0x43f: {  	v23 =	vld [tilespmem:s1+$0x140];
	v19 =	vor.u32 v2, v19;
	_ =	sdelay $0x1  }
0x440: {  	v40 =	vld [tilespmem:s1+$0xA0];
	v20 =	vshll.u32 v20, $0x7  }
0x441: {  	v24 =	vshll.u32 v39, $0x7;
	v20 =	vor.u32 v3, v20;
	[tilespmem:v21+s30+$0x0] =	vst.idx.add.f32.msk $0xffff, v11  }
0x442: {  	v41 =	vshll.u32 v25, $0x7;
	v21 =	vor.u32 v3, v24;
	[tilespmem:v22+s30+$0x0] =	vst.idx.add.f32.msk $0xffff, v12  }
0x443: {  	v22 =	vor.u32 v3, v41;
	v23 =	vshll.u32 v23, $0x7;
	[tilespmem:v19+s30+$0x0] =	vst.idx.add.f32.msk $0xffff, v17  }
0x444: {  	v19 =	vor.u32 v5, v23;
	v23 =	vld [tilespmem:s1+$0x1A0]  }
0x445: {  	v43 =	vld [tilespmem:s1+$0xFFFFFE30]  }
0x446: {  	[tilespmem:v20+s30+$0x0] =	vst.idx.add.f32.msk $0xffff, v13  }
0x447: {  	v42 =	vshll.u32 v40, $0x7;
	[tilespmem:v21+s30+$0x0] =	vst.idx.add.f32.msk $0xffff, v14  }
0x448: {  	v24 =	vor.u32 v3, v42;
	[tilespmem:v22+s30+$0x0] =	vst.idx.add.f32.msk $0xffff, v15  }
0x449: {  	[tilespmem:v19+s30+$0x0] =	vst.idx.add.f32.msk $0xffff, v18;
	v20 =	vshll.u32 v23, $0x7  }
0x44a: {  	v19 =	vld [tilespmem:s1+$0x150];
	v20 =	vor.u32 v3, v20  }
0x44b: {  	v45 =	vld [tilespmem:s1+$0x30]  }
0x44c: {  	v44 =	vshll.u32 v43, $0x7;
	v23 =	vld [tilespmem:s1+$0xFFFFFFB0]  }
0x44d: {  	[tilespmem:v24+s30+$0x0] =	vst.idx.add.f32.msk $0xffff, v16;
	v24 =	vor.u32 v4, v44  }
0x44e: {  	v21 =	vld [tilespmem:s1+$0xFFFFFEB0]  }
0x44f: {  	v19 =	vshll.u32 v19, $0x7;
	[tilespmem:v20+s30+$0x0] =	vst.idx.add.f32.msk $0xffff, v17  }
0x450: {  	v25 =	vshll.u32 v45, $0x7;
	v20 =	vld [tilespmem:s1+$0xB0];
	v19 =	vor.u32 v6, v19  }
0x451: {  	v22 =	vld [tilespmem:s1+$0xFFFFFF30];
	v23 =	vshll.u32 v23, $0x7;
	v47 =	vor.u32 v4, v25  }
0x452: {  	[tilespmem:v24+s30+$0x0] =	vst.idx.add.f32.msk $0xffff, v11;
	v23 =	vor.u32 v4, v23  }
0x453: {  	v48 =	vld [tilespmem:s1+$0xFFFFFE40]  }
0x454: {  	v21 =	vshll.u32 v21, $0x7;
	v46 =	vld [tilespmem:s1+$0x1B0]  }
0x455: {  	v20 =	vshll.u32 v20, $0x7;
	[tilespmem:v19+s30+$0x0] =	vst.idx.add.f32.msk $0xffff, v18;
	v19 =	vor.u32 v4, v21  }
0x456: {  	[tilespmem:v47+s30+$0x0] =	vst.idx.add.f32.msk $0xffff, v15;
	v21 =	vshll.u32 v22, $0x7;
	v20 =	vor.u32 v4, v20  }
0x457: {  	[tilespmem:v23+s30+$0x0] =	vst.idx.add.f32.msk $0xffff, v14;
	v21 =	vor.u32 v4, v21  }
0x458: {  	v23 =	vshll.u32 v48, $0x7;
	v22 =	vld [tilespmem:s1+$0x160]  }
0x459: {  	v50 =	vld [tilespmem:s1+$0x40];
	v23 =	vor.u32 v5, v23  }
0x45a: {  	[tilespmem:v19+s30+$0x0] =	vst.idx.add.f32.msk $0xffff, v12  }
0x45b: {  	[tilespmem:v20+s30+$0x0] =	vst.idx.add.f32.msk $0xffff, v16  }
0x45c: {  	[tilespmem:v21+s30+$0x0] =	vst.idx.add.f32.msk $0xffff, v13  }
0x45d: {  	v19 =	vshll.u32 v22, $0x7;
	v21 =	vld [tilespmem:s1+$0xFFFFFEC0]  }
0x45e: {  	[tilespmem:v23+s30+$0x0] =	vst.idx.add.f32.msk $0xffff, v11;
	v22 =	vshll.u32 v46, $0x7;
	v19 =	vor.u32 v7, v19  }
0x45f: {  	v23 =	vshll.u32 v50, $0x7;
	v20 =	vor.u32 v4, v22;
	v22 =	vld [tilespmem:s1+$0xFFFFFF40]  }
0x460: {  	v49 =	vld [tilespmem:s1+$0xFFFFFFC0];
	v23 =	vor.u32 v5, v23  }
0x461: {  	v51 =	vld [tilespmem:s1+$0xC0]  }
0x462: {  	v52 =	vld [tilespmem:s1+$0xFFFFFE50];
	v21 =	vshll.u32 v21, $0x7  }
0x463: {  	[tilespmem:v19+s30+$0x0] =	vst.idx.add.f32.msk $0xffff, v18;
	v19 =	vor.u32 v5, v21  }
0x464: {  	[tilespmem:v20+s30+$0x0] =	vst.idx.add.f32.msk $0xffff, v17;
	v20 =	vshll.u32 v22, $0x7  }
0x465: {  	[tilespmem:v23+s30+$0x0] =	vst.idx.add.f32.msk $0xffff, v15;
	v22 =	vshll.u32 v49, $0x7;
	v20 =	vor.u32 v5, v20  }
0x466: {  	v21 =	vld [tilespmem:s1+$0x1C0];
	v22 =	vor.u32 v5, v22  }
0x467: {  	v53 =	vshll.u32 v51, $0x7;
	v55 =	vld [tilespmem:s1+$0x50]  }
0x468: {  	[tilespmem:v19+s30+$0x0] =	vst.idx.add.f32.msk $0xffff, v12;
	v19 =	vor.u32 v5, v53  }
0x469: {  	v54 =	vld [tilespmem:s1+$0xFFFFFED0]  }
0x46a: {  	[tilespmem:v20+s30+$0x0] =	vst.idx.add.f32.msk $0xffff, v13  }
0x46b: {  	[tilespmem:v22+s30+$0x0] =	vst.idx.add.f32.msk $0xffff, v14;
	v20 =	vshll.u32 v21, $0x7;
	v21 =	vshll.u32 v52, $0x7  }
0x46c: {  	v22 =	vld [tilespmem:s1+$0xFFFFFFD0];
	v21 =	vor.u32 v6, v21  }
0x46d: {  	[tilespmem:v19+s30+$0x0] =	vst.idx.add.f32.msk $0xffff, v16;
	v19 =	vor.u32 v5, v20  }
0x46e: {  	v20 =	vld [tilespmem:s1+$0xFFFFFF50]  }
0x46f: {  	v57 =	vld [tilespmem:s1+$0x170];
	v23 =	vshll.u32 v54, $0x7  }
0x470: {  	v56 =	vld [tilespmem:s1+$0xD0];
	v23 =	vor.u32 v6, v23  }
0x471: {  	v22 =	vshll.u32 v22, $0x7;
	[tilespmem:v21+s30+$0x0] =	vst.idx.add.f32.msk $0xffff, v11  }
0x472: {  	v21 =	vor.u32 v6, v22;
	v22 =	vshll.u32 v55, $0x7;
	[tilespmem:v19+s30+$0x0] =	vst.idx.add.f32.msk $0xffff, v17  }
0x473: {  	v22 =	vor.u32 v6, v22;
	v19 =	vshll.u32 v20, $0x7;
	v20 =	vld [tilespmem:s1+$0x1D0]  }
0x474: {  	v58 =	vld [tilespmem:s1+$0xFFFFFE60];
	v19 =	vor.u32 v6, v19  }
0x475: {  	[tilespmem:v23+s30+$0x0] =	vst.idx.add.f32.msk $0xffff, v12  }
0x476: {  	v59 =	vld [tilespmem:s1+$0xFFFFFEE0]  }
0x477: {  	v23 =	vshll.u32 v56, $0x7;
	[tilespmem:v21+s30+$0x0] =	vst.idx.add.f32.msk $0xffff, v14  }
0x478: {  	v23 =	vor.u32 v6, v23;
	[tilespmem:v22+s30+$0x0] =	vst.idx.add.f32.msk $0xffff, v15;
	v20 =	vshll.u32 v20, $0x7  }
0x479: {  	[tilespmem:v19+s30+$0x0] =	vst.idx.add.f32.msk $0xffff, v13;
	v19 =	vor.u32 v6, v20  }
0x47a: {  	v22 =	vld [tilespmem:s1+$0xFFFFFFE0]  }
0x47b: {  	v60 =	vld [tilespmem:s1+$0x60];
	v20 =	vshll.u32 v58, $0x7  }
0x47c: {  	v21 =	vld [tilespmem:s1+$0xFFFFFF60];
	v20 =	vor.u32 v7, v20  }
0x47d: {  	[tilespmem:v23+s30+$0x0] =	vst.idx.add.f32.msk $0xffff, v16;
	v23 =	vshll.u32 v57, $0x7  }
0x47e: {  	[tilespmem:v19+s30+$0x0] =	vst.idx.add.f32.msk $0xffff, v17;
	v19 =	vor.u32 v8, v23;
	v23 =	vshll.u32 v59, $0x7  }
0x47f: {  	v61 =	vld [tilespmem:s1+$0xE0];
	v23 =	vor.u32 v7, v23  }
0x480: {  	v62 =	vld [tilespmem:s1+$0x1E0]  }
0x481: {  	[tilespmem:v20+s30+$0x0] =	vst.idx.add.f32.msk $0xffff, v11  }
0x482: {  	v21 =	vshll.u32 v21, $0x7;
	v28 =	vld [tilespmem:s1+$0xFFFFFE70]  }
0x483: {  	v63 =	vor.u32 v7, v21;
	v20 =	vshll.u32 v22, $0x7;
	[tilespmem:v19+s30+$0x0] =	vst.idx.add.f32.msk $0xffff, v18  }
0x484: {  	v29 =	vor.u32 v7, v20;
	v18 =	vshll.u32 v60, $0x7;
	[tilespmem:v23+s30+$0x0] =	vst.idx.add.f32.msk $0xffff, v12  }
0x485: {  	v21 =	vor.u32 v7, v18;
	v18 =	vshll.u32 v61, $0x7;
	v20 =	vld [tilespmem:s1+$0xFFFFFEF0]  }
0x486: {  	v19 =	vshll.u32 v62, $0x7;
	v22 =	vor.u32 v7, v18  }
0x487: {  	v19 =	vor.u32 v7, v19  }
0x488: {  	[tilespmem:v63+s30+$0x0] =	vst.idx.add.f32.msk $0xffff, v13  }
0x489: {  	s9 =	simm.s32 $0x0;
	s6 =	simm.s32 $0xA200;
	v18 =	vshll.u32 v28, $0x7;
	[tilespmem:v29+s30+$0x0] =	vst.idx.add.f32.msk $0xffff, v14  }
.LBB2_17:
0x48a: {  	s11 =	sadd.s32 s9, s5;
	s9 =	sadd.s32 $0x8, s9;
	v29 =	vor.u32 v8, v18;
	v18 =	vshll.u32 v20, $0x7;
	[tilespmem:v21+s30+$0x0] =	vst.idx.add.f32.msk $0xffff, v15  }
0x48b: {  	s12 =	sadd.s32 $0x108, s11;
	s13 =	sadd.s32 $0x10E, s11;
	p0 =	slt.u32 s9, $0xF8;
	v25 =	vor.u32 v8, v18;
	[tilespmem:v22+s30+$0x0] =	vst.idx.add.f32.msk $0xffff, v16  }
0x48c: {  	s14 =	sadd.s32 $0x10A, s11;
	s15 =	sadd.s32 $0x10B, s11;
	v18 =	vmov s12;
	s12 =	sadd.s32 $0x109, s11;
	v20 =	vmov s13;
	[tilespmem:v19+s30+$0x0] =	vst.idx.add.f32.msk $0xffff, v17  }
0x48d: {  	v21 =	vmov s14;
	s13 =	sadd.s32 $0x10D, s11;
	v19 =	vmov s12;
	s12 =	sadd.s32 $0x10C, s11;
	v20 =	vand.u32 $0xFFFFFFFE, v20;
	s11 =	sadd.s32 $0x10F, s11;
	v22 =	vld [tilespmem:s1+$0xFFFFFF70]  }
0x48e: {  	v23 =	vmov s15;
	s1 =	sadd.s32 $0x400, s1;
	v24 =	vmov s12;
	v20 =	vbroadcast v20, $0x0;
	v26 =	vld [tilespmem:s6+$0xFFFFFFF0]  }
0x48f: {  	v18 =	vand.u32 $0xFFFFFFF8, v18;
	v27 =	vmov s13;
	v19 =	vand.u32 $0xFFFFFFF9, v19;
	v28 =	vld [tilespmem:s1+$0x100]  }
0x490: {  	v21 =	vand.u32 $0xFFFFFFFA, v21;
	v23 =	vand.u32 $0xFFFFFFFB, v23;
	v24 =	vand.u32 $0xFFFFFFFC, v24;
	v30 =	vld [tilespmem:s1+$0xFFFFFE00]  }
0x491: {  	v18 =	vbroadcast v18, $0x0;
	v27 =	vand.u32 $0xFFFFFFFD, v27;
	v19 =	vbroadcast v19, $0x0;
	v31 =	vld [tilespmem:s1+$0xFFFFFE80]  }
0x492: {  	v21 =	vbroadcast v21, $0x0;
	v33 =	vbroadcast v23, $0x0;
	v34 =	vmov s11;
	v32 =	vld [tilespmem:s1+$0xFFFFFF00]  }
0x493: {  	v37 =	vbroadcast v27, $0x0;
	v36 =	vbroadcast v24, $0x0;
	v22 =	vshll.u32 v22, $0x7;
	v35 =	vld [tilespmem:s1+$0xFFFFFF80]  }
0x494: {  	v23 =	vor.u32 v8, v22;
	v22 =	vshll.u32 v26, $0x7;
	v24 =	vld.idx.msk [tilespmem:v20+s26+$0x0], $0xffff;
	v20 =	vshll.u32 v28, $0x7  }
0x495: {  	v26 =	vshll.u32 v30, $0x7;
	v27 =	vld [tilespmem:s1+$0x0];
	v28 =	vor.u32 v0, v20;
	v20 =	vor.u32 v8, v22  }
0x496: {  	v26 =	vor.u32 v0, v26;
	v22 =	vshll.u32 v31, $0x7;
	v38 =	vld [tilespmem:s1+$0x80]  }
0x497: {  	v39 =	vor.u32 v0, v22;
	v22 =	vshll.u32 v32, $0x7;
	v32 =	vld [tilespmem:s1+$0x180]  }
0x498: {  	v31 =	vld.idx.msk [tilespmem:v18+s26+$0x0], $0xffff;
	v40 =	vor.u32 v0, v22;
	v18 =	vshll.u32 v35, $0x7  }
0x499: {  	v30 =	vld.idx.msk [tilespmem:v19+s26+$0x0], $0xffff;
	v35 =	vor.u32 v0, v18  }
0x49a: {  	v18 =	vshll.u32 v27, $0x7;
	[tilespmem:v28+s30+$0x0] =	vst.idx.add.f32.msk $0xffff, v24  }
0x49b: {  	v28 =	vor.u32 v0, v18;
	v18 =	vshll.u32 v38, $0x7;
	v38 =	vld [tilespmem:s1+$0x110]  }
0x49c: {  	v27 =	vld.idx.msk [tilespmem:v21+s26+$0x0], $0xffff;
	v41 =	vor.u32 v0, v18;
	v18 =	vshll.u32 v32, $0x7  }
0x49d: {  	v22 =	vld.idx.msk [tilespmem:v33+s26+$0x0], $0xffff;
	v32 =	vor.u32 v0, v18  }
0x49e: {  	v21 =	vld.idx.msk [tilespmem:v36+s26+$0x0], $0xffff  }
0x49f: {  	v19 =	vld.idx.msk [tilespmem:v37+s26+$0x0], $0xffff  }
0x4a0: {  	v33 =	vshll.u32 v38, $0x7;
	v18 =	vld.idx.msk [tilespmem:v34+s26+$0x0], $0xffff  }
0x4a1: {  	[tilespmem:v26+s30+$0x0] =	vst.idx.add.f32.msk $0xffff, v31;
	v26 =	vor.u32 v2, v33  }
0x4a2: {  	[tilespmem:v39+s30+$0x0] =	vst.idx.add.f32.msk $0xffff, v30  }
0x4a3: {  	[tilespmem:v40+s30+$0x0] =	vst.idx.add.f32.msk $0xffff, v27  }
0x4a4: {  	[tilespmem:v35+s30+$0x0] =	vst.idx.add.f32.msk $0xffff, v22  }
0x4a5: {  	[tilespmem:v28+s30+$0x0] =	vst.idx.add.f32.msk $0xffff, v21  }
0x4a6: {  	[tilespmem:v26+s30+$0x0] =	vst.idx.add.f32.msk $0xffff, v24  }
0x4a7: {  	v26 =	vld [tilespmem:s1+$0x120]  }
0x4a8: {  	[tilespmem:v41+s30+$0x0] =	vst.idx.add.f32.msk $0xffff, v19  }
0x4a9: {  	[tilespmem:v32+s30+$0x0] =	vst.idx.add.f32.msk $0xffff, v18  }
0x4aa: {  	v28 =	vld [tilespmem:s1+$0xFFFFFE10]  }
0x4ab: {  	v32 =	vld [tilespmem:s1+$0xFFFFFE90]  }
0x4ac: {  	v33 =	vld [tilespmem:s1+$0xFFFFFF10];
	v26 =	vshll.u32 v26, $0x7  }
0x4ad: {  	v34 =	vld [tilespmem:s1+$0xFFFFFF90];
	v26 =	vor.u32 v3, v26  }
0x4ae: {  	v35 =	vld [tilespmem:s1+$0x10]  }
0x4af: {  	v28 =	vshll.u32 v28, $0x7;
	v36 =	vld [tilespmem:s1+$0x90]  }
0x4b0: {  	v28 =	vor.u32 v2, v28;
	v32 =	vshll.u32 v32, $0x7;
	v37 =	vld [tilespmem:s1+$0x190]  }
0x4b1: {  	v32 =	vor.u32 v2, v32;
	v33 =	vshll.u32 v33, $0x7;
	v38 =	vld [tilespmem:s6+$0x70]  }
0x4b2: {  	v33 =	vor.u32 v2, v33;
	v34 =	vshll.u32 v34, $0x7;
	[tilespmem:v26+s30+$0x0] =	vst.idx.add.f32.msk $0xffff, v24  }
0x4b3: {  	v26 =	vor.u32 v2, v34;
	v34 =	vshll.u32 v35, $0x7;
	v35 =	vld [tilespmem:s1+$0x130]  }
0x4b4: {  	v34 =	vor.u32 v2, v34;
	v36 =	vshll.u32 v36, $0x7;
	v39 =	vld [tilespmem:s6+$0xF0]  }
0x4b5: {  	[tilespmem:v28+s30+$0x0] =	vst.idx.add.f32.msk $0xffff, v31;
	v36 =	vor.u32 v2, v36;
	v28 =	vshll.u32 v37, $0x7  }
0x4b6: {  	[tilespmem:v32+s30+$0x0] =	vst.idx.add.f32.msk $0xffff, v30;
	v32 =	vor.u32 v2, v28;
	v28 =	vshll.u32 v38, $0x7  }
0x4b7: {  	[tilespmem:v33+s30+$0x0] =	vst.idx.add.f32.msk $0xffff, v27;
	v28 =	vor.u32 v8, v28  }
0x4b8: {  	[tilespmem:v26+s30+$0x0] =	vst.idx.add.f32.msk $0xffff, v22;
	v26 =	vshll.u32 v35, $0x7  }
0x4b9: {  	[tilespmem:v34+s30+$0x0] =	vst.idx.add.f32.msk $0xffff, v21;
	v33 =	vor.u32 v4, v26;
	v26 =	vshll.u32 v39, $0x7  }
0x4ba: {  	[tilespmem:v36+s30+$0x0] =	vst.idx.add.f32.msk $0xffff, v19;
	v26 =	vor.u32 v8, v26  }
0x4bb: {  	[tilespmem:v32+s30+$0x0] =	vst.idx.add.f32.msk $0xffff, v18  }
0x4bc: {  	v32 =	vld [tilespmem:s1+$0xFFFFFE20]  }
0x4bd: {  	v34 =	vld [tilespmem:s1+$0xFFFFFEA0]  }
0x4be: {  	[tilespmem:v33+s30+$0x0] =	vst.idx.add.f32.msk $0xffff, v24  }
0x4bf: {  	v33 =	vld [tilespmem:s1+$0x140]  }
0x4c0: {  	v35 =	vld [tilespmem:s1+$0xFFFFFF20]  }
0x4c1: {  	v32 =	vshll.u32 v32, $0x7;
	v36 =	vld [tilespmem:s1+$0xFFFFFFA0]  }
0x4c2: {  	v32 =	vor.u32 v3, v32;
	v34 =	vshll.u32 v34, $0x7;
	v37 =	vld [tilespmem:s1+$0x20]  }
0x4c3: {  	v34 =	vor.u32 v3, v34;
	v38 =	vld [tilespmem:s1+$0xA0]  }
0x4c4: {  	v33 =	vshll.u32 v33, $0x7;
	v39 =	vld [tilespmem:s1+$0x1A0]  }
0x4c5: {  	v35 =	vshll.u32 v35, $0x7;
	v33 =	vor.u32 v5, v33;
	v40 =	vld [tilespmem:s6+$0x1F0];
	s6 =	smov.u32 s1  }
0x4c6: {  	v35 =	vor.u32 v3, v35;
	v36 =	vshll.u32 v36, $0x7;
	[tilespmem:v29+s30+$0x0] =	vst.idx.add.f32.msk $0xffff, v11;
	v11 =	vmov v31  }
0x4c7: {  	[tilespmem:v32+s30+$0x0] =	vst.idx.add.f32.msk $0xffff, v11;
	v31 =	vor.u32 v3, v36;
	v29 =	vshll.u32 v37, $0x7  }
0x4c8: {  	[tilespmem:v34+s30+$0x0] =	vst.idx.add.f32.msk $0xffff, v30;
	v32 =	vor.u32 v3, v29;
	v29 =	vshll.u32 v38, $0x7  }
0x4c9: {  	v34 =	vld [tilespmem:s1+$0xFFFFFE30];
	v36 =	vor.u32 v3, v29;
	v29 =	vshll.u32 v39, $0x7  }
0x4ca: {  	[tilespmem:v33+s30+$0x0] =	vst.idx.add.f32.msk $0xffff, v24;
	v33 =	vor.u32 v3, v29;
	v29 =	vshll.u32 v40, $0x7  }
0x4cb: {  	v37 =	vld [tilespmem:s1+$0x150];
	v29 =	vor.u32 v8, v29  }
0x4cc: {  	[tilespmem:v35+s30+$0x0] =	vst.idx.add.f32.msk $0xffff, v27  }
0x4cd: {  	[tilespmem:v31+s30+$0x0] =	vst.idx.add.f32.msk $0xffff, v22  }
0x4ce: {  	v31 =	vshll.u32 v34, $0x7;
	[tilespmem:v32+s30+$0x0] =	vst.idx.add.f32.msk $0xffff, v21  }
0x4cf: {  	v31 =	vor.u32 v4, v31;
	[tilespmem:v36+s30+$0x0] =	vst.idx.add.f32.msk $0xffff, v19  }
0x4d0: {  	v32 =	vshll.u32 v37, $0x7;
	[tilespmem:v33+s30+$0x0] =	vst.idx.add.f32.msk $0xffff, v18  }
0x4d1: {  	v33 =	vld [tilespmem:s1+$0xFFFFFEB0];
	v32 =	vor.u32 v6, v32  }
0x4d2: {  	v34 =	vld [tilespmem:s1+$0xFFFFFF30]  }
0x4d3: {  	v35 =	vld [tilespmem:s1+$0xFFFFFFB0]  }
0x4d4: {  	v36 =	vld [tilespmem:s1+$0x30]  }
0x4d5: {  	v37 =	vld [tilespmem:s1+$0xB0]  }
0x4d6: {  	v33 =	vshll.u32 v33, $0x7;
	[tilespmem:v32+s30+$0x0] =	vst.idx.add.f32.msk $0xffff, v24  }
0x4d7: {  	v32 =	vor.u32 v4, v33;
	v33 =	vshll.u32 v34, $0x7;
	v34 =	vld [tilespmem:s1+$0x160]  }
0x4d8: {  	v33 =	vor.u32 v4, v33;
	v35 =	vshll.u32 v35, $0x7;
	v38 =	vld [tilespmem:s1+$0x1B0]  }
0x4d9: {  	[tilespmem:v31+s30+$0x0] =	vst.idx.add.f32.msk $0xffff, v11;
	v31 =	vor.u32 v4, v35;
	v35 =	vshll.u32 v36, $0x7  }
0x4da: {  	v36 =	vld [tilespmem:s1+$0xFFFFFE40];
	v35 =	vor.u32 v4, v35;
	v37 =	vshll.u32 v37, $0x7  }
0x4db: {  	v37 =	vor.u32 v4, v37;
	[tilespmem:v25+s30+$0x0] =	vst.idx.add.f32.msk $0xffff, v12;
	v12 =	vmov v30  }
0x4dc: {  	[tilespmem:v32+s30+$0x0] =	vst.idx.add.f32.msk $0xffff, v12;
	v25 =	vshll.u32 v34, $0x7  }
0x4dd: {  	[tilespmem:v33+s30+$0x0] =	vst.idx.add.f32.msk $0xffff, v27;
	v25 =	vor.u32 v7, v25;
	v30 =	vshll.u32 v38, $0x7  }
0x4de: {  	[tilespmem:v31+s30+$0x0] =	vst.idx.add.f32.msk $0xffff, v22;
	v30 =	vor.u32 v4, v30  }
0x4df: {  	v31 =	vshll.u32 v36, $0x7;
	[tilespmem:v35+s30+$0x0] =	vst.idx.add.f32.msk $0xffff, v21  }
0x4e0: {  	v31 =	vor.u32 v5, v31;
	[tilespmem:v37+s30+$0x0] =	vst.idx.add.f32.msk $0xffff, v19  }
0x4e1: {  	v32 =	vld [tilespmem:s1+$0xFFFFFEC0]  }
0x4e2: {  	[tilespmem:v25+s30+$0x0] =	vst.idx.add.f32.msk $0xffff, v24  }
0x4e3: {  	v25 =	vld [tilespmem:s1+$0x170]  }
0x4e4: {  	[tilespmem:v30+s30+$0x0] =	vst.idx.add.f32.msk $0xffff, v18  }
0x4e5: {  	v30 =	vld [tilespmem:s1+$0xFFFFFF40]  }
0x4e6: {  	v32 =	vshll.u32 v32, $0x7;
	v33 =	vld [tilespmem:s1+$0xFFFFFFC0]  }
0x4e7: {  	v32 =	vor.u32 v5, v32;
	v34 =	vld [tilespmem:s1+$0x40]  }
0x4e8: {  	v35 =	vld [tilespmem:s1+$0xC0];
	v25 =	vshll.u32 v25, $0x7  }
0x4e9: {  	v25 =	vor.u32 v8, v25;
	v36 =	vld [tilespmem:s1+$0x1C0]  }
0x4ea: {  	[tilespmem:v31+s30+$0x0] =	vst.idx.add.f32.msk $0xffff, v11;
	v30 =	vshll.u32 v30, $0x7  }
0x4eb: {  	v31 =	vld [tilespmem:s1+$0xFFFFFE50];
	v30 =	vor.u32 v5, v30;
	v33 =	vshll.u32 v33, $0x7  }
0x4ec: {  	[tilespmem:v32+s30+$0x0] =	vst.idx.add.f32.msk $0xffff, v12;
	v32 =	vor.u32 v5, v33;
	v33 =	vshll.u32 v34, $0x7  }
0x4ed: {  	v34 =	vld [tilespmem:s1+$0xFFFFFED0];
	v33 =	vor.u32 v5, v33;
	v35 =	vshll.u32 v35, $0x7  }
0x4ee: {  	v35 =	vor.u32 v5, v35;
	[tilespmem:v25+s30+$0x0] =	vst.idx.add.f32.msk $0xffff, v24;
	v24 =	vshll.u32 v36, $0x7  }
0x4ef: {  	v24 =	vor.u32 v5, v24;
	[tilespmem:v23+s30+$0x0] =	vst.idx.add.f32.msk $0xffff, v13;
	v13 =	vmov v27  }
0x4f0: {  	v23 =	vshll.u32 v31, $0x7;
	[tilespmem:v30+s30+$0x0] =	vst.idx.add.f32.msk $0xffff, v13  }
0x4f1: {  	v23 =	vor.u32 v6, v23;
	[tilespmem:v32+s30+$0x0] =	vst.idx.add.f32.msk $0xffff, v22  }
0x4f2: {  	v25 =	vshll.u32 v34, $0x7;
	[tilespmem:v33+s30+$0x0] =	vst.idx.add.f32.msk $0xffff, v21  }
0x4f3: {  	v25 =	vor.u32 v6, v25;
	[tilespmem:v35+s30+$0x0] =	vst.idx.add.f32.msk $0xffff, v19  }
0x4f4: {  	[tilespmem:v24+s30+$0x0] =	vst.idx.add.f32.msk $0xffff, v18  }
0x4f5: {  	v24 =	vld [tilespmem:s1+$0xFFFFFF50]  }
0x4f6: {  	v27 =	vld [tilespmem:s1+$0xFFFFFFD0]  }
0x4f7: {  	v30 =	vld [tilespmem:s1+$0x50]  }
0x4f8: {  	v31 =	vld [tilespmem:s1+$0xD0]  }
0x4f9: {  	v32 =	vld [tilespmem:s1+$0x1D0]  }
0x4fa: {  	[tilespmem:v23+s30+$0x0] =	vst.idx.add.f32.msk $0xffff, v11;
	v23 =	vshll.u32 v24, $0x7  }
0x4fb: {  	[tilespmem:v25+s30+$0x0] =	vst.idx.add.f32.msk $0xffff, v12;
	v23 =	vor.u32 v6, v23;
	v24 =	vshll.u32 v27, $0x7  }
0x4fc: {  	v25 =	vld [tilespmem:s1+$0xFFFFFE60];
	v24 =	vor.u32 v6, v24;
	v27 =	vshll.u32 v30, $0x7  }
0x4fd: {  	v30 =	vld [tilespmem:s1+$0xFFFFFEE0];
	v27 =	vor.u32 v6, v27;
	v31 =	vshll.u32 v31, $0x7  }
0x4fe: {  	v31 =	vor.u32 v6, v31;
	v32 =	vshll.u32 v32, $0x7;
	[tilespmem:v20+s30+$0x0] =	vst.idx.add.f32.msk $0xffff, v14;
	v14 =	vmov v22  }
0x4ff: {  	v20 =	vor.u32 v6, v32;
	[tilespmem:v28+s30+$0x0] =	vst.idx.add.f32.msk $0xffff, v15;
	v15 =	vmov v21  }
0x500: {  	[tilespmem:v23+s30+$0x0] =	vst.idx.add.f32.msk $0xffff, v13  }
0x501: {  	v21 =	vshll.u32 v25, $0x7;
	[tilespmem:v24+s30+$0x0] =	vst.idx.add.f32.msk $0xffff, v14  }
0x502: {  	v21 =	vor.u32 v7, v21;
	v22 =	vshll.u32 v30, $0x7;
	[tilespmem:v27+s30+$0x0] =	vst.idx.add.f32.msk $0xffff, v15  }
0x503: {  	v22 =	vor.u32 v7, v22;
	[tilespmem:v31+s30+$0x0] =	vst.idx.add.f32.msk $0xffff, v19  }
0x504: {  	[tilespmem:v20+s30+$0x0] =	vst.idx.add.f32.msk $0xffff, v18  }
0x505: {  	v20 =	vld [tilespmem:s1+$0xFFFFFF60]  }
0x506: {  	v23 =	vld [tilespmem:s1+$0xFFFFFFE0]  }
0x507: {  	v24 =	vld [tilespmem:s1+$0x60]  }
0x508: {  	v25 =	vld [tilespmem:s1+$0xE0]  }
0x509: {  	v27 =	vld [tilespmem:s1+$0x1E0]  }
0x50a: {  	[tilespmem:v21+s30+$0x0] =	vst.idx.add.f32.msk $0xffff, v11;
	v20 =	vshll.u32 v20, $0x7  }
0x50b: {  	[tilespmem:v22+s30+$0x0] =	vst.idx.add.f32.msk $0xffff, v12;
	v28 =	vor.u32 v7, v20;
	v20 =	vshll.u32 v23, $0x7  }
0x50c: {  	v23 =	vld [tilespmem:s1+$0xFFFFFE70];
	v30 =	vor.u32 v7, v20;
	v21 =	vshll.u32 v24, $0x7  }
.Ltmp7:
0x50d: {  	v20 =	vld [tilespmem:s1+$0xFFFFFEF0];
	v21 =	vor.u32 v7, v21;
	v22 =	vshll.u32 v25, $0x7;
	(pc) =	sbr.rel @p0 .LBB2_17-.Ltmp7, $4  }
0x50e: {  	v22 =	vor.u32 v7, v22;
	v24 =	vshll.u32 v27, $0x7;
	[tilespmem:v26+s30+$0x0] =	vst.idx.add.f32.msk $0xffff, v16;
	v16 =	vmov v19  }
0x50f: {  	v19 =	vor.u32 v7, v24;
	[tilespmem:v29+s30+$0x0] =	vst.idx.add.f32.msk $0xffff, v17;
	v17 =	vmov v18  }
0x510: {  	[tilespmem:v28+s30+$0x0] =	vst.idx.add.f32.msk $0xffff, v13  }
0x511: {  	v18 =	vshll.u32 v23, $0x7;
	[tilespmem:v30+s30+$0x0] =	vst.idx.add.f32.msk $0xffff, v14  }
0x512: {  	_ =	sdelay $0x3  }
0x513: {  	[tilespmem:v21+s30+$0x0] =	vst.idx.add.f32.msk $0xffff, v15  }
0x514: {  	[tilespmem:v22+s30+$0x0] =	vst.idx.add.f32.msk $0xffff, v16  }
0x515: {  	[tilespmem:v19+s30+$0x0] =	vst.idx.add.f32.msk $0xffff, v17  }
0x516: {  	v61 =	vld [tilespmem:s1+$0xFFFFFF70]  }
0x517: {  	v62 =	vld [tilespmem:s6+$0xFFFFFFF0]  }
0x518: {  	v63 =	vld [tilespmem:s6+$0x70]  }
0x519: {  	v23 =	vld [tilespmem:s6+$0xF0]  }
0x51a: {  	v18 =	vor.u32 v8, v18;
	v20 =	vshll.u32 v20, $0x7;
	v24 =	vld [tilespmem:s6+$0x1F0]  }
0x51b: {  	v20 =	vor.u32 v8, v20;
	v19 =	vshll.u32 v61, $0x7  }
0x51c: {  	v21 =	vshll.u32 v62, $0x7;
	v19 =	vor.u32 v8, v19  }
0x51d: {  	v21 =	vor.u32 v8, v21;
	v22 =	vshll.u32 v63, $0x7  }
0x51e: {  	v23 =	vshll.u32 v23, $0x7;
	v22 =	vor.u32 v8, v22  }
0x51f: {  	s0 =	sadd.s32 $0x1, s0;
	[tilespmem:v18+s30+$0x0] =	vst.idx.add.f32.msk $0xffff, v11;
	v11 =	vshll.u32 v24, $0x7;
	v23 =	vor.u32 v8, v23  }
0x520: {  	p0 =	sne.s32 s0, $0x4;
	[tilespmem:v20+s30+$0x0] =	vst.idx.add.f32.msk $0xffff, v12;
	v11 =	vor.u32 v8, v11  }
.Ltmp8:
0x521: {  	[tilespmem:v19+s30+$0x0] =	vst.idx.add.f32.msk $0xffff, v13;
	(pc) =	sbr.rel @p0 .LBB2_14-.Ltmp8, $4  }
0x522: {  	[tilespmem:v21+s30+$0x0] =	vst.idx.add.f32.msk $0xffff, v14  }
0x523: {  	[tilespmem:v22+s30+$0x0] =	vst.idx.add.f32.msk $0xffff, v15  }
0x524: {  	[tilespmem:v23+s30+$0x0] =	vst.idx.add.f32.msk $0xffff, v16  }
0x525: {  	s5 =	sadd.s32 $0x200, s5;
	[tilespmem:v11+s30+$0x0] =	vst.idx.add.f32.msk $0xffff, v17  }
0x526: {  	s0 =	rddreg [dreg:$0x9]  }
0x527: {  	[spmem:s0] =	stream.strided.scatter [tilespmem:s28], [sflag:$0x3], $0x800, s21, s17, $0x38;
	[tilespmem:$0x18800] =	vst v63  }
0x528: {  	_ =	swait.ge [sflag:s20], $0x800  }
0x529: {  	[sflag:s20] =	ssyncset.done $0x0  }
0x52a: {  	s23 =	rddreg [dreg:$0xa];
	[sflag:s20] =	ssyncadd.s32 $0xFFFFF800  }
0x52b: {  	[spmem:s23] =	stream.strided.scatter [tilespmem:s30], [sflag:$0x3], $0x800, s21, s17, $0x38;
	[tilespmem:$0x18800] =	vst v63  }
0x52c: {  	_ =	swait.ge [sflag:s20], $0x800  }
0x52d: {  	[sflag:s20] =	ssyncset.done $0x0  }
0x52e: {  	[sflag:s20] =	ssyncadd.s32 $0xFFFFF800  }
0x52f: {  	[bflag:$0x0] =	sbarrier.arrive $0xFFFF  }
0x530: {  	s31 =	rddreg [dreg:$0xb]  }
0x531: {  	[tilespmem:s18], [sflag:$0x3] =	stream.strided.gather [spmem:s31], $0x800, s21, s17, $0x38;
	[tilespmem:$0x18800] =	vst v63  }
0x532: {  	_ =	swait.ge [sflag:s20], $0x800  }
0x533: {  	[sflag:s20] =	ssyncset.done $0x0  }
0x534: {  	s0 =	simm.s32 $0x12040;
	[sflag:s20] =	ssyncadd.s32 $0xFFFFF800  }
0x535: {  	s1 =	simm.s32 $0x13040;
	v12 =	vld [tilespmem:s0+$0x30]  }
0x536: {  	v13 =	vld [tilespmem:s1+$0x30]  }
0x537: {  	v11 =	vld [tilespmem:s1+$0xFFFFFFC0]  }
0x538: {  	v14 =	vld [tilespmem:s0+$0xFFFFFFD0]  }
0x539: {  	v15 =	vld [tilespmem:s1+$0xFFFFFFD0]  }
0x53a: {  	v16 =	vld [tilespmem:s0+$0xFFFFFFE0]  }
0x53b: {  	v17 =	vld [tilespmem:s1+$0xFFFFFFE0]  }
0x53c: {  	v18 =	vld [tilespmem:s0+$0xFFFFFFF0]  }
0x53d: {  	v19 =	vld [tilespmem:s1+$0xFFFFFFF0]  }
0x53e: {  	v20 =	vld [tilespmem:s0+$0x0]  }
0x53f: {  	v21 =	vld [tilespmem:s1+$0x0];
	v13 =	vadd.f32 v13, v12  }
0x540: {  	v15 =	vadd.f32 v15, v14;
	v12 =	vld [tilespmem:s0+$0x10]  }
0x541: {  	v16 =	vadd.f32 v17, v16;
	v14 =	vld [tilespmem:s1+$0x10];
	[tilespmem:s0+$0x30] =	vst v13  }
0x542: {  	v17 =	vadd.f32 v19, v18;
	[tilespmem:s0+$0xFFFFFFD0] =	vst v15;
	v13 =	vld [tilespmem:s0+$0x20]  }
0x543: {  	[tilespmem:s0+$0xFFFFFFE0] =	vst v16;
	v16 =	vld [tilespmem:s1+$0x20]  }
0x544: {  	s5 =	simm.s32 $0x0;
	s6 =	simm.s32 $0x120C0;
	v15 =	vld [tilespmem:s0+$0xFFFFFFC0];
	[tilespmem:s0+$0xFFFFFFF0] =	vst v17;
	v17 =	vadd.f32 v21, v20  }
.LBB2_20:
0x545: {  	v18 =	vld [tilespmem:s6+$0x30];
	s1 =	sadd.s32 $0x80, s1  }
0x546: {  	s5 =	sadd.s32 $0x8, s5;
	v19 =	vld [tilespmem:s1+$0x30];
	[tilespmem:s0+$0x0] =	vst v17;
	v12 =	vadd.f32 v14, v12  }
0x547: {  	p0 =	slt.u32 s5, $0x78;
	v14 =	vld [tilespmem:s1+$0xFFFFFFC0]  }
0x548: {  	v17 =	vld [tilespmem:s6+$0xFFFFFFD0];
	[tilespmem:s0+$0x10] =	vst v12;
	v12 =	vadd.f32 v16, v13  }
0x549: {  	v13 =	vld [tilespmem:s1+$0xFFFFFFD0];
	v20 =	vadd.f32 v11, v15  }
0x54a: {  	v15 =	vld [tilespmem:s6+$0xFFFFFFE0];
	[tilespmem:s0+$0x20] =	vst v12  }
0x54b: {  	v12 =	vld [tilespmem:s1+$0xFFFFFFE0];
	v16 =	vadd.f32 v19, v18;
	[tilespmem:s0+$0xFFFFFFC0] =	vst v20;
	s0 =	smov.u32 s6  }
0x54c: {  	v18 =	vld [tilespmem:s6+$0xFFFFFFF0];
	v11 =	vmov v14  }
0x54d: {  	v19 =	vld [tilespmem:s1+$0xFFFFFFF0];
	[tilespmem:s6+$0x30] =	vst v16  }
0x54e: {  	v13 =	vadd.f32 v13, v17;
	v17 =	vld [tilespmem:s6+$0x0]  }
0x54f: {  	v20 =	vld [tilespmem:s1+$0x0]  }
.Ltmp9:
0x550: {  	[tilespmem:s6+$0xFFFFFFD0] =	vst v13;
	v13 =	vadd.f32 v12, v15;
	v12 =	vld [tilespmem:s6+$0x10];
	(pc) =	sbr.rel @p0 .LBB2_20-.Ltmp9, $4  }
0x551: {  	v14 =	vld [tilespmem:s1+$0x10]  }
0x552: {  	[tilespmem:s6+$0xFFFFFFE0] =	vst v13;
	v18 =	vadd.f32 v19, v18;
	v13 =	vld [tilespmem:s6+$0x20]  }
0x553: {  	v16 =	vld [tilespmem:s1+$0x20]  }
0x554: {  	s6 =	sadd.s32 $0x80, s6;
	v15 =	vld [tilespmem:s0+$0xFFFFFFC0];
	[tilespmem:s0+$0xFFFFFFF0] =	vst v18;
	v17 =	vadd.f32 v20, v17  }
0x555: {  	_ =	sdelay $0x1  }
0x556: {  	v12 =	vadd.f32 v14, v12  }
0x557: {  	[tilespmem:s0+$0x0] =	vst v17;
	v13 =	vadd.f32 v16, v13  }
0x558: {  	[tilespmem:s0+$0x10] =	vst v12;
	v11 =	vadd.f32 v11, v15  }
0x559: {  	[tilespmem:s0+$0x20] =	vst v13  }
0x55a: {  	[tilespmem:s0+$0xFFFFFFC0] =	vst v11  }
0x55b: {  	s0 =	rddreg [dreg:$0xc]  }
0x55c: {  	[tilespmem:s18], [sflag:$0x3] =	stream.strided.gather [spmem:s0], $0x800, s21, s17, $0x38;
	[tilespmem:$0x18800] =	vst v63  }
0x55d: {  	_ =	swait.ge [sflag:s20], $0x800  }
0x55e: {  	[sflag:s20] =	ssyncset.done $0x0  }
0x55f: {  	s0 =	simm.s32 $0x12840;
	[sflag:s20] =	ssyncadd.s32 $0xFFFFF800  }
0x560: {  	s1 =	simm.s32 $0x13040;
	v12 =	vld [tilespmem:s0+$0x30]  }
0x561: {  	v13 =	vld [tilespmem:s1+$0x30]  }
0x562: {  	v11 =	vld [tilespmem:s1+$0xFFFFFFC0]  }
0x563: {  	v14 =	vld [tilespmem:s0+$0xFFFFFFD0]  }
0x564: {  	v15 =	vld [tilespmem:s1+$0xFFFFFFD0]  }
0x565: {  	v16 =	vld [tilespmem:s0+$0xFFFFFFE0]  }
0x566: {  	v17 =	vld [tilespmem:s1+$0xFFFFFFE0]  }
0x567: {  	v18 =	vld [tilespmem:s0+$0xFFFFFFF0]  }
0x568: {  	v19 =	vld [tilespmem:s1+$0xFFFFFFF0]  }
0x569: {  	v20 =	vld [tilespmem:s0+$0x0]  }
0x56a: {  	v21 =	vld [tilespmem:s1+$0x0];
	v13 =	vadd.f32 v13, v12  }
0x56b: {  	v14 =	vadd.f32 v15, v14;
	v12 =	vld [tilespmem:s0+$0x10]  }
0x56c: {  	v16 =	vadd.f32 v17, v16;
	v15 =	vld [tilespmem:s1+$0x10];
	[tilespmem:s0+$0x30] =	vst v13  }
0x56d: {  	v17 =	vadd.f32 v19, v18;
	[tilespmem:s0+$0xFFFFFFD0] =	vst v14;
	v13 =	vld [tilespmem:s0+$0x20]  }
0x56e: {  	[tilespmem:s0+$0xFFFFFFE0] =	vst v16;
	v16 =	vld [tilespmem:s1+$0x20]  }
0x56f: {  	s5 =	simm.s32 $0x0;
	s6 =	simm.s32 $0x128C0;
	v14 =	vld [tilespmem:s0+$0xFFFFFFC0];
	[tilespmem:s0+$0xFFFFFFF0] =	vst v17;
	v17 =	vadd.f32 v21, v20  }
.LBB2_22:
0x570: {  	v18 =	vld [tilespmem:s6+$0x30];
	s1 =	sadd.s32 $0x80, s1  }
0x571: {  	s5 =	sadd.s32 $0x8, s5;
	v19 =	vld [tilespmem:s1+$0x30];
	[tilespmem:s0+$0x0] =	vst v17;
	v12 =	vadd.f32 v15, v12  }
0x572: {  	p0 =	slt.u32 s5, $0x78;
	v15 =	vld [tilespmem:s1+$0xFFFFFFC0]  }
0x573: {  	v17 =	vld [tilespmem:s6+$0xFFFFFFD0];
	[tilespmem:s0+$0x10] =	vst v12;
	v12 =	vadd.f32 v16, v13  }
0x574: {  	v13 =	vld [tilespmem:s1+$0xFFFFFFD0];
	v20 =	vadd.f32 v11, v14  }
0x575: {  	v14 =	vld [tilespmem:s6+$0xFFFFFFE0];
	[tilespmem:s0+$0x20] =	vst v12  }
0x576: {  	v12 =	vld [tilespmem:s1+$0xFFFFFFE0];
	v16 =	vadd.f32 v19, v18;
	[tilespmem:s0+$0xFFFFFFC0] =	vst v20;
	s0 =	smov.u32 s6  }
0x577: {  	v18 =	vld [tilespmem:s6+$0xFFFFFFF0];
	v11 =	vmov v15  }
0x578: {  	v19 =	vld [tilespmem:s1+$0xFFFFFFF0];
	[tilespmem:s6+$0x30] =	vst v16  }
0x579: {  	v13 =	vadd.f32 v13, v17;
	v17 =	vld [tilespmem:s6+$0x0]  }
0x57a: {  	v20 =	vld [tilespmem:s1+$0x0]  }
.Ltmp10:
0x57b: {  	[tilespmem:s6+$0xFFFFFFD0] =	vst v13;
	v13 =	vadd.f32 v12, v14;
	v12 =	vld [tilespmem:s6+$0x10];
	(pc) =	sbr.rel @p0 .LBB2_22-.Ltmp10, $4  }
0x57c: {  	v15 =	vld [tilespmem:s1+$0x10]  }
0x57d: {  	[tilespmem:s6+$0xFFFFFFE0] =	vst v13;
	v18 =	vadd.f32 v19, v18;
	v13 =	vld [tilespmem:s6+$0x20]  }
0x57e: {  	v16 =	vld [tilespmem:s1+$0x20]  }
0x57f: {  	s6 =	sadd.s32 $0x80, s6;
	v14 =	vld [tilespmem:s0+$0xFFFFFFC0];
	[tilespmem:s0+$0xFFFFFFF0] =	vst v18;
	v17 =	vadd.f32 v20, v17  }
0x580: {  	(v2sf) =	vpush v10, $0x0  }
0x581: {  	(v2sf) =	vpush v10, $0x1  }
0x582: {  	(v2sf) =	vpush v10, $0x2  }
0x583: {  	(v2sf) =	vpush v10, $0x3  }
0x584: {  	(v2sf) =	vpush v10, $0x4  }
0x585: {  	(v2sf) =	vpush v10, $0x5  }
0x586: {  	(v2sf) =	vpush v10, $0x6;
	_ =	sdelay $0x1  }
0x587: {  	(v2sf) =	vpush v10, $0x7  }
0x588: {  	(v2sf) =	vpush v10, $0x8  }
0x589: {  	(v2sf) =	vpush v10, $0x9  }
0x58a: {  	(v2sf) =	vpush v10, $0xA  }
0x58b: {  	(v2sf) =	vpush v10, $0xB  }
0x58c: {  	(v2sf) =	vpush v10, $0xC  }
0x58d: {  	(v2sf) =	vpush v10, $0xD  }
0x58e: {  	(v2sf) =	vpush v10, $0xE;
	s1 =	spop (v2sf)  }
0x58f: {  	(v2sf) =	vpush v10, $0xF;
	v10 =	vadd.f32 v15, v12;
	s5 =	spop (v2sf)  }
0x590: {  	[tilespmem:s0+$0x0] =	vst v17;
	v12 =	vadd.f32 v16, v13;
	s6 =	spop (v2sf)  }
0x591: {  	[tilespmem:s0+$0x10] =	vst v10;
	v10 =	vadd.f32 v11, v14;
	s9 =	spop (v2sf)  }
0x592: {  	[tilespmem:s0+$0x20] =	vst v12;
	s11 =	spop (v2sf)  }
0x593: {  	[tilespmem:s0+$0xFFFFFFC0] =	vst v10;
	s12 =	spop (v2sf)  }
0x594: {  	s20 =	simm.s32 $0x13800;
	s23 =	rddreg [dreg:$0xd];
	s13 =	spop (v2sf)  }
0x595: {  	[tilespmem:s20], [sflag:$0x3] =	stream.linear.gather [hbm4b:s23+s25], $0x2000, $0x38;
	[tilespmem:$0x18800] =	vst v63  }
0x596: {  	s14 =	spop (v2sf)  }
0x597: {  	s15 =	spop (v2sf)  }
0x598: {  	s16 =	spop (v2sf)  }
0x599: {  	s17 =	spop (v2sf)  }
0x59a: {  	s18 =	spop (v2sf)  }
0x59b: {  	s19 =	spop (v2sf)  }
0x59c: {  	s31 =	spop (v2sf)  }
0x59d: {  	s3 =	spop (v2sf)  }
0x59e: {  	s20 =	simm.s32 $0x3;
	s0 =	spop (v2sf)  }
0x59f: {  	_ =	swait.ge [sflag:s20], $0x2000  }
0x5a0: {  	[sflag:s20] =	ssyncset.done $0x0  }
0x5a1: {  	s23 =	simm.s32 $0x13900;
	[sflag:s20] =	ssyncadd.s32 $0xFFFFE000  }
0x5a2: {  	v10 =	vld [tilespmem:s23+$0x80];
	_ =	sdelay $0x4  }
0x5a3: {  	v10 =	vmul.f32 $1.442695020e+00, v10;
	_ =	sdelay $0x1  }
0x5a4: {  	(erf) = vpow2.f32 v10;
	_ =	sdelay $0x6  }
0x5a5: {  	v11 =	vld [tilespmem:s23+$0xFFFFFF80]  }
0x5a6: {  	v12 =	vld [tilespmem:s23+$0x0]  }
0x5a7: {  	v13 =	vld [tilespmem:s23+$0xFFFFFF00];
	v10 =	vpop (erf)  }
0x5a8: {  	(v2sf) =	vpush v10, $0x0  }
0x5a9: {  	(v2sf) =	vpush v10, $0x1  }
0x5aa: {  	v11 =	vmul.f32 $1.442695020e+00, v11;
	(v2sf) =	vpush v10, $0x2  }
0x5ab: {  	v12 =	vmul.f32 $1.442695020e+00, v12;
	(v2sf) =	vpush v10, $0x3  }
0x5ac: {  	(erf) = vpow2.f32 v11;
	v11 =	vmul.f32 $1.442695020e+00, v13;
	(v2sf) =	vpush v10, $0x4  }
0x5ad: {  	(erf) = vpow2.f32 v12;
	(v2sf) =	vpush v10, $0x5  }
0x5ae: {  	(erf) = vpow2.f32 v11;
	(v2sf) =	vpush v10, $0x6  }
0x5af: {  	(v2sf) =	vpush v10, $0x7  }
0x5b0: {  	(v2sf) =	vpush v10, $0x8  }
0x5b1: {  	(v2sf) =	vpush v10, $0x9  }
0x5b2: {  	s1 =	sadd.f32 s5, s1;
	(v2sf) =	vpush v10, $0xA  }
0x5b3: {  	s9 =	sadd.f32 s9, s6;
	(v2sf) =	vpush v10, $0xB  }
0x5b4: {  	s11 =	sadd.f32 s12, s11;
	(v2sf) =	vpush v10, $0xC  }
0x5b5: {  	s1 =	sadd.f32 s9, s1;
	v16 =	vpop (erf);
	(v2sf) =	vpush v10, $0xD  }
0x5b6: {  	s12 =	sadd.f32 s14, s13;
	v15 =	vpop (erf);
	(v2sf) =	vpush v10, $0xE  }
0x5b7: {  	s14 =	sadd.f32 s16, s15;
	v17 =	vpop (erf);
	s13 =	spop (v2sf);
	(v2sf) =	vpush v10, $0xF  }
0x5b8: {  	s6 =	sadd.f32 s12, s11;
	(v2sf) =	vpush v17, $0x0;
	s15 =	spop (v2sf)  }
0x5b9: {  	s16 =	sadd.f32 s18, s17;
	(v2sf) =	vpush v17, $0x1;
	s17 =	spop (v2sf)  }
0x5ba: {  	s19 =	sadd.f32 s31, s19;
	(v2sf) =	vpush v17, $0x2;
	s23 =	spop (v2sf)  }
0x5bb: {  	s0 =	sadd.f32 s0, s3;
	(v2sf) =	vpush v17, $0x3;
	s3 =	spop (v2sf)  }
0x5bc: {  	s12 =	sadd.f32 s16, s14;
	(v2sf) =	vpush v17, $0x4;
	s31 =	spop (v2sf)  }
0x5bd: {  	s0 =	sadd.f32 s0, s19;
	(v2sf) =	vpush v17, $0x5;
	s9 =	spop (v2sf)  }
0x5be: {  	s1 =	sadd.f32 s6, s1;
	(v2sf) =	vpush v17, $0x6;
	s14 =	spop (v2sf)  }
0x5bf: {  	s0 =	sadd.f32 s0, s12;
	(v2sf) =	vpush v17, $0x7;
	s16 =	spop (v2sf)  }
0x5c0: {  	(v2sf) =	vpush v17, $0x8;
	s6 =	spop (v2sf)  }
0x5c1: {  	s0 =	sadd.f32 s0, s1;
	(v2sf) =	vpush v17, $0x9;
	s12 =	spop (v2sf)  }
0x5c2: {  	s11 =	sadd.f32 s15, s13;
	(v2sf) =	vpush v17, $0xA;
	s18 =	spop (v2sf)  }
0x5c3: {  	s15 =	sadd.f32 s23, s17;
	(v2sf) =	vpush v17, $0xB;
	s1 =	spop (v2sf)  }
0x5c4: {  	s3 =	sadd.f32 s31, s3;
	(v2sf) =	vpush v17, $0xC;
	s19 =	spop (v2sf)  }
0x5c5: {  	s11 =	sadd.f32 s15, s11;
	(v2sf) =	vpush v17, $0xD;
	s23 =	spop (v2sf)  }
0x5c6: {  	s9 =	sadd.f32 s14, s9;
	(v2sf) =	vpush v17, $0xE;
	s31 =	spop (v2sf)  }
0x5c7: {  	s6 =	sadd.f32 s6, s16;
	s14 =	spop (v2sf);
	(v2sf) =	vpush v17, $0xF  }
0x5c8: {  	s3 =	sadd.f32 s9, s3;
	s16 =	spop (v2sf);
	(v2sf) =	vpush v16, $0x0  }
0x5c9: {  	s12 =	sadd.f32 s18, s12;
	s18 =	spop (v2sf);
	(v2sf) =	vpush v16, $0x1  }
0x5ca: {  	s1 =	sadd.f32 s19, s1;
	s19 =	spop (v2sf);
	(v2sf) =	vpush v16, $0x2  }
0x5cb: {  	s3 =	sadd.f32 s3, s11;
	s17 =	spop (v2sf);
	(v2sf) =	vpush v16, $0x3  }
0x5cc: {  	s5 =	sadd.f32 s31, s23;
	s23 =	spop (v2sf);
	(v2sf) =	vpush v16, $0x4  }
0x5cd: {  	s6 =	sadd.f32 s12, s6;
	s9 =	spop (v2sf);
	(v2sf) =	vpush v16, $0x5  }
0x5ce: {  	s1 =	sadd.f32 s5, s1;
	s31 =	spop (v2sf);
	(v2sf) =	vpush v16, $0x6  }
0x5cf: {  	s14 =	sadd.f32 s16, s14;
	s5 =	spop (v2sf);
	(v2sf) =	vpush v16, $0x7  }
0x5d0: {  	s1 =	sadd.f32 s1, s6;
	s11 =	spop (v2sf);
	(v2sf) =	vpush v16, $0x8  }
0x5d1: {  	s13 =	sadd.f32 s19, s18;
	s6 =	spop (v2sf);
	(v2sf) =	vpush v16, $0x9  }
0x5d2: {  	s1 =	sadd.f32 s1, s3;
	s16 =	spop (v2sf);
	(v2sf) =	vpush v16, $0xA  }
0x5d3: {  	s15 =	sadd.f32 s23, s17;
	s3 =	spop (v2sf);
	(v2sf) =	vpush v16, $0xB  }
0x5d4: {  	s13 =	sadd.f32 s13, s14;
	s19 =	spop (v2sf);
	(v2sf) =	vpush v16, $0xC  }
0x5d5: {  	s9 =	sadd.f32 s31, s9;
	s23 =	spop (v2sf);
	(v2sf) =	vpush v16, $0xD  }
0x5d6: {  	s12 =	simm.s32 $0x13B00;
	s5 =	sadd.f32 s11, s5;
	s31 =	spop (v2sf);
	(v2sf) =	vpush v16, $0xE  }
0x5d7: {  	v11 =	vld [tilespmem:s12+$0x80];
	v12 =	vmov s1;
	s1 =	sadd.f32 s9, s15;
	s11 =	spop (v2sf);
	(v2sf) =	vpush v16, $0xF  }
0x5d8: {  	s6 =	sadd.f32 s16, s6;
	s16 =	spop (v2sf);
	(v2sf) =	vpush v15, $0x0  }
0x5d9: {  	s18 =	spop (v2sf);
	(v2sf) =	vpush v15, $0x1  }
0x5da: {  	s13 =	sadd.f32 s1, s13;
	s14 =	spop (v2sf);
	(v2sf) =	vpush v15, $0x2  }
0x5db: {  	s17 =	sadd.f32 s31, s23;
	s23 =	spop (v2sf);
	(v2sf) =	vpush v15, $0x3  }
0x5dc: {  	v11 =	vmul.f32 $1.442695020e+00, v11;
	s3 =	sadd.f32 s19, s3;
	s31 =	spop (v2sf);
	(v2sf) =	vpush v15, $0x4  }
0x5dd: {  	(erf) = vrcp.f32 v12;
	s5 =	sadd.f32 s6, s5;
	s15 =	spop (v2sf);
	(v2sf) =	vpush v15, $0x5  }
0x5de: {  	(erf) = vpow2.f32 v11;
	s11 =	sadd.f32 s16, s11;
	s6 =	spop (v2sf);
	(v2sf) =	vpush v15, $0x6  }
0x5df: {  	s3 =	sadd.f32 s17, s3;
	s16 =	spop (v2sf);
	(v2sf) =	vpush v15, $0x7  }
0x5e0: {  	s14 =	sadd.f32 s14, s18;
	s18 =	spop (v2sf);
	(v2sf) =	vpush v15, $0x8  }
0x5e1: {  	s9 =	sadd.f32 s31, s23;
	s23 =	spop (v2sf);
	(v2sf) =	vpush v15, $0x9  }
0x5e2: {  	s3 =	sadd.f32 s3, s5;
	s31 =	spop (v2sf);
	(v2sf) =	vpush v15, $0xA  }
0x5e3: {  	s6 =	sadd.f32 s6, s15;
	s15 =	spop (v2sf);
	(v2sf) =	vpush v15, $0xB  }
0x5e4: {  	s11 =	sadd.f32 s14, s11;
	s1 =	spop (v2sf);
	(v2sf) =	vpush v15, $0xC  }
0x5e5: {  	v11 =	vld [tilespmem:s12+$0xFFFFFF80];
	s3 =	sadd.f32 s3, s13;
	s17 =	spop (v2sf);
	(v2sf) =	vpush v15, $0xD  }
0x5e6: {  	v12 =	vld [tilespmem:s12+$0x0];
	v18 =	vpop (erf);
	s6 =	sadd.f32 s6, s9;
	s9 =	spop (v2sf);
	(v2sf) =	vpush v15, $0xE  }
0x5e7: {  	v13 =	vld [tilespmem:s12+$0xFFFFFF00];
	v14 =	vpop (erf);
	s19 =	sadd.f32 s31, s23;
	s23 =	spop (v2sf);
	(v2sf) =	vpush v15, $0xF  }
0x5e8: {  	s16 =	sadd.f32 s18, s16;
	(v2sf) =	vpush v14, $0x0;
	s31 =	spop (v2sf)  }
0x5e9: {  	s15 =	sadd.f32 s1, s15;
	(v2sf) =	vpush v14, $0x1;
	s18 =	spop (v2sf)  }
0x5ea: {  	v11 =	vmul.f32 $1.442695020e+00, v11;
	s12 =	sadd.f32 s19, s16;
	(v2sf) =	vpush v14, $0x2;
	s19 =	spop (v2sf)  }
0x5eb: {  	v12 =	vmul.f32 $1.442695020e+00, v12;
	s9 =	sadd.f32 s9, s17;
	(v2sf) =	vpush v14, $0x3;
	s17 =	spop (v2sf)  }
0x5ec: {  	(erf) = vpow2.f32 v11;
	v11 =	vmul.f32 $1.442695020e+00, v13;
	s1 =	sadd.f32 s6, s11;
	(v2sf) =	vpush v14, $0x4;
	s11 =	spop (v2sf)  }
0x5ed: {  	(erf) = vpow2.f32 v12;
	s5 =	sadd.f32 s31, s23;
	(v2sf) =	vpush v14, $0x5;
	s23 =	spop (v2sf)  }
0x5ee: {  	(erf) = vpow2.f32 v11;
	s9 =	sadd.f32 s9, s15;
	(v2sf) =	vpush v14, $0x6;
	s31 =	spop (v2sf)  }
0x5ef: {  	s16 =	sadd.f32 s19, s18;
	(v2sf) =	vpush v14, $0x7;
	s18 =	spop (v2sf)  }
0x5f0: {  	s9 =	sadd.f32 s9, s12;
	(v2sf) =	vpush v14, $0x8;
	s19 =	spop (v2sf)  }
0x5f1: {  	s6 =	sadd.f32 s11, s17;
	(v2sf) =	vpush v14, $0x9;
	s17 =	spop (v2sf)  }
0x5f2: {  	s5 =	sadd.f32 s16, s5;
	(v2sf) =	vpush v14, $0xA;
	s15 =	spop (v2sf)  }
0x5f3: {  	s11 =	sadd.f32 s31, s23;
	(v2sf) =	vpush v14, $0xB;
	s23 =	spop (v2sf)  }
0x5f4: {  	s1 =	sadd.f32 s9, s1;
	(v2sf) =	vpush v14, $0xC;
	s31 =	spop (v2sf)  }
0x5f5: {  	v11 =	vpop (erf);
	s12 =	sadd.f32 s19, s18;
	(v2sf) =	vpush v14, $0xD;
	s18 =	spop (v2sf)  }
0x5f6: {  	v12 =	vpop (erf);
	s6 =	sadd.f32 s11, s6;
	(v2sf) =	vpush v14, $0xE;
	s19 =	spop (v2sf)  }
0x5f7: {  	v13 =	vpop (erf);
	s15 =	sadd.f32 s15, s17;
	s17 =	spop (v2sf);
	(v2sf) =	vpush v14, $0xF  }
0x5f8: {  	s13 =	sadd.f32 s31, s23;
	(v2sf) =	vpush v13, $0x0;
	s14 =	spop (v2sf)  }
0x5f9: {  	s11 =	sadd.f32 s19, s18;
	(v2sf) =	vpush v13, $0x1;
	s16 =	spop (v2sf)  }
0x5fa: {  	s12 =	sadd.f32 s15, s12;
	(v2sf) =	vpush v13, $0x2;
	s15 =	spop (v2sf)  }
0x5fb: {  	s11 =	sadd.f32 s11, s13;
	(v2sf) =	vpush v13, $0x3;
	s13 =	spop (v2sf)  }
0x5fc: {  	s5 =	sadd.f32 s6, s5;
	(v2sf) =	vpush v13, $0x4;
	s6 =	spop (v2sf)  }
0x5fd: {  	v22 =	vmov s3;
	s18 =	sadd.s32 $0xFFFFFFFC, s4;
	s11 =	sadd.f32 s11, s12;
	(v2sf) =	vpush v13, $0x5;
	s12 =	spop (v2sf)  }
0x5fe: {  	(erf) = vrcp.f32 v22;
	v58 =	vmov s1;
	s23 =	sadd.s32 $0x4, s18;
	(v2sf) =	vpush v13, $0x6;
	s9 =	spop (v2sf)  }
0x5ff: {  	(erf) = vrcp.f32 v58;
	s31 =	sadd.s32 $0x7, s18;
	v19 =	vmov s23;
	s5 =	sadd.f32 s11, s5;
	(v2sf) =	vpush v13, $0x7;
	s11 =	spop (v2sf)  }
0x600: {  	v20 =	vor.u32 s31, v9;
	s31 =	sadd.s32 $0x5, s18;
	s14 =	sadd.f32 s14, s17;
	v19 =	vand.u32 $0x7C, v19;
	(v2sf) =	vpush v13, $0x8;
	s17 =	spop (v2sf)  }
0x601: {  	s23 =	sadd.s32 $0x6, s18;
	v21 =	vmov s31;
	v19 =	vbroadcast v19, $0x0;
	s3 =	sadd.f32 s15, s16;
	(v2sf) =	vpush v13, $0x9;
	s16 =	spop (v2sf)  }
0x602: {  	v23 =	vmov s23;
	s1 =	sadd.f32 s6, s13;
	v59 =	vmov s5;
	(v2sf) =	vpush v13, $0xA;
	s19 =	spop (v2sf)  }
0x603: {  	v19 =	vor.u32 v9, v19;
	s31 =	sadd.f32 s9, s12;
	(erf) = vrcp.f32 v59;
	(v2sf) =	vpush v13, $0xB;
	s12 =	spop (v2sf)  }
0x604: {  	v60 =	vand.u32 $0x7E, v23;
	s3 =	sadd.f32 s3, s14;
	(v2sf) =	vpush v13, $0xC;
	s13 =	spop (v2sf)  }
0x605: {  	v21 =	vand.u32 $0x7D, v21;
	v22 =	vbroadcast v60, $0x0;
	s11 =	sadd.f32 s17, s11;
	(v2sf) =	vpush v13, $0xD;
	s15 =	spop (v2sf)  }
0x606: {  	v21 =	vbroadcast v21, $0x0;
	s6 =	sadd.f32 s19, s16;
	(v2sf) =	vpush v13, $0xE;
	s16 =	spop (v2sf)  }
0x607: {  	v22 =	vor.u32 v9, v22;
	s1 =	sadd.f32 s31, s1;
	s17 =	spop (v2sf);
	(v2sf) =	vpush v13, $0xF  }
0x608: {  	v61 =	vpop (erf);
	v21 =	vor.u32 v9, v21;
	v19 =	vld.idx.msk [tilespmem:v19+s28+$0x0], $0xffff;
	s9 =	sadd.f32 s13, s12;
	s18 =	spop (v2sf);
	(v2sf) =	vpush v11, $0x0  }
0x609: {  	v17 =	vmul.f32 v61, v17;
	v20 =	vld.idx.msk [tilespmem:v20+s28+$0x0], $0xffff;
	s12 =	sadd.f32 s16, s15;
	s5 =	spop (v2sf);
	(v2sf) =	vpush v11, $0x1  }
0x60a: {  	v18 =	vmul.f32 v18, v10;
	v10 =	vmov s0;
	s6 =	sadd.f32 s6, s11;
	s19 =	spop (v2sf);
	(v2sf) =	vpush v11, $0x2  }
0x60b: {  	v17 =	vmul.f32 v17, v10;
	v62 =	vpop (erf);
	s9 =	sadd.f32 s12, s9;
	s12 =	spop (v2sf);
	(v2sf) =	vpush v11, $0x3  }
0x60c: {  	v18 =	vmul.f32 v18, v10;
	s23 =	sadd.f32 s1, s3;
	v22 =	vld.idx.msk [tilespmem:v22+s28+$0x0], $0xffff;
	v63 =	vpop (erf);
	s31 =	spop (v2sf);
	(v2sf) =	vpush v11, $0x4  }
0x60d: {  	v21 =	vld.idx.msk [tilespmem:v21+s28+$0x0], $0xffff;
	v17 =	vsub.f32 v17, v19;
	v15 =	vmul.f32 v63, v15;
	s15 =	sadd.f32 s9, s6;
	s16 =	spop (v2sf);
	(v2sf) =	vpush v11, $0x5  }
0x60e: {  	v16 =	vmul.f32 v62, v16;
	v18 =	vsub.f32 v18, v20;
	s9 =	sadd.f32 s18, s17;
	s17 =	spop (v2sf);
	(v2sf) =	vpush v11, $0x6  }
0x60f: {  	v17 =	vmul.f32 $2.441406250e-04, v17;
	v15 =	vmul.f32 v15, v10;
	s3 =	sadd.f32 s15, s23;
	s18 =	spop (v2sf);
	(v2sf) =	vpush v11, $0x7  }
0x610: {  	s0 =	simm.s32 $0x15900;
	v16 =	vmul.f32 v16, v10;
	v18 =	vmul.f32 $2.441406250e-04, v18;
	s5 =	sadd.f32 s19, s5;
	s19 =	spop (v2sf);
	(v2sf) =	vpush v11, $0x8  }
0x611: {  	[tilespmem:s0+$0xFFFFFF00] =	vst v17;
	s11 =	sadd.f32 s31, s12;
	v15 =	vsub.f32 v15, v22;
	v17 =	vmov s3;
	s23 =	spop (v2sf);
	(v2sf) =	vpush v11, $0x9  }
0x612: {  	s1 =	simm.s32 $0x4;
	v16 =	vsub.f32 v16, v21;
	s9 =	sadd.f32 s5, s9;
	(erf) = vrcp.f32 v17;
	s31 =	spop (v2sf);
	(v2sf) =	vpush v11, $0xA  }
0x613: {  	s6 =	sadd.s32 $0x0, s4;
	v15 =	vmul.f32 $2.441406250e-04, v15;
	s12 =	sadd.f32 s19, s18;
	s18 =	spop (v2sf);
	(v2sf) =	vpush v11, $0xB  }
0x614: {  	[tilespmem:s0+$0x80] =	vst v18;
	v16 =	vmul.f32 $2.441406250e-04, v16;
	s19 =	sadd.s32 $0x7, s6;
	s15 =	sadd.f32 s31, s23;
	s23 =	spop (v2sf);
	(v2sf) =	vpush v11, $0xC  }
0x615: {  	s14 =	sadd.f32 s17, s16;
	[tilespmem:s0+$0x0] =	vst v15;
	v15 =	vor.u32 s19, v9;
	s31 =	sadd.s32 $0x4, s6;
	s16 =	spop (v2sf);
	(v2sf) =	vpush v11, $0xD  }
0x616: {  	[tilespmem:s0+$0xFFFFFF80] =	vst v16;
	s5 =	simm.s32 $0x13D00;
	v16 =	vmov s31;
	s13 =	sadd.f32 s23, s18;
	s17 =	spop (v2sf);
	(v2sf) =	vpush v11, $0xE  }
.LBB2_24:
0x617: {  	v17 =	vld [tilespmem:s5+$0x80];
	s3 =	sadd.f32 s17, s16;
	v16 =	vand.u32 $0x7C, v16;
	s16 =	sadd.s32 $0x5, s6;
	s17 =	spop (v2sf);
	(v2sf) =	vpush v11, $0xF  }
0x618: {  	s14 =	sadd.f32 s14, s11;
	s6 =	sadd.s32 $0x6, s6;
	v18 =	vld [tilespmem:s5+$0xFFFFFF80];
	v16 =	vbroadcast v16, $0x0;
	v19 =	vmov s16;
	s11 =	spop (v2sf);
	(v2sf) =	vpush v12, $0x0  }
0x619: {  	v21 =	vmov s6;
	s6 =	smov.u32 s1;
	v20 =	vld [tilespmem:s5+$0x0];
	s16 =	sadd.f32 s11, s17;
	v19 =	vand.u32 $0x7D, v19;
	s17 =	spop (v2sf);
	(v2sf) =	vpush v12, $0x1  }
0x61a: {  	s11 =	sadd.f32 s15, s12;
	v21 =	vand.u32 $0x7E, v21;
	v19 =	vbroadcast v19, $0x0;
	v15 =	vld.idx.msk [tilespmem:v15+s28+$0x0], $0xffff;
	s12 =	spop (v2sf);
	(v2sf) =	vpush v12, $0x2  }
0x61b: {  	v16 =	vor.u32 v9, v16;
	v21 =	vbroadcast v21, $0x0;
	v22 =	vld [tilespmem:s5+$0xFFFFFF00];
	s12 =	sadd.f32 s12, s17;
	s15 =	spop (v2sf);
	(v2sf) =	vpush v12, $0x3;
	v23 =	vpop (erf)  }
0x61c: {  	s3 =	sadd.f32 s3, s13;
	v17 =	vmul.f32 $1.442695020e+00, v17;
	v14 =	vmul.f32 v23, v14;
	s13 =	spop (v2sf);
	(v2sf) =	vpush v12, $0x4  }
0x61d: {  	v19 =	vor.u32 v9, v19;
	v18 =	vmul.f32 $1.442695020e+00, v18;
	s13 =	sadd.f32 s13, s15;
	s15 =	spop (v2sf);
	(v2sf) =	vpush v12, $0x5  }
0x61e: {  	s12 =	sadd.f32 s12, s16;
	(erf) = vpow2.f32 v17;
	v14 =	vmul.f32 v14, v10;
	s16 =	spop (v2sf);
	(v2sf) =	vpush v12, $0x6  }
0x61f: {  	v20 =	vmul.f32 $1.442695020e+00, v20;
	(erf) = vpow2.f32 v18;
	s15 =	sadd.f32 s16, s15;
	s16 =	spop (v2sf);
	(v2sf) =	vpush v12, $0x7  }
0x620: {  	s9 =	sadd.f32 s14, s9;
	v18 =	vmul.f32 $1.442695020e+00, v22;
	v17 =	vld.idx.msk [tilespmem:v16+s28+$0x0], $0xffff;
	v14 =	vsub.f32 v14, v15;
	s14 =	spop (v2sf);
	(v2sf) =	vpush v12, $0x8  }
0x621: {  	v15 =	vor.u32 v9, v21;
	(erf) = vpow2.f32 v20;
	s14 =	sadd.f32 s14, s16;
	s16 =	spop (v2sf);
	(v2sf) =	vpush v12, $0x9  }
0x622: {  	s13 =	sadd.f32 s15, s13;
	(erf) = vpow2.f32 v18;
	v16 =	vld.idx.msk [tilespmem:v19+s28+$0x0], $0xffff;
	v14 =	vmul.f32 $2.441406250e-04, v14;
	s15 =	spop (v2sf);
	(v2sf) =	vpush v12, $0xA  }
0x623: {  	s0 =	sadd.s32 $0x200, s0;
	s15 =	sadd.f32 s15, s16;
	s16 =	spop (v2sf);
	(v2sf) =	vpush v12, $0xB  }
0x624: {  	s3 =	sadd.f32 s3, s11;
	[tilespmem:s0+$0x80] =	vst v14;
	s11 =	spop (v2sf);
	(v2sf) =	vpush v12, $0xC  }
0x625: {  	s16 =	sadd.f32 s11, s16;
	s11 =	spop (v2sf);
	(v2sf) =	vpush v12, $0xD  }
0x626: {  	s14 =	sadd.f32 s15, s14;
	v15 =	vld.idx.msk [tilespmem:v15+s28+$0x0], $0xffff;
	s15 =	spop (v2sf);
	(v2sf) =	vpush v12, $0xE  }
0x627: {  	v14 =	vpop (erf);
	s15 =	sadd.f32 s15, s11;
	s17 =	spop (v2sf);
	(v2sf) =	vpush v12, $0xF  }
0x628: {  	s1 =	sadd.s32 $0x4, s1;
	s11 =	sadd.f32 s13, s12;
	v19 =	vpop (erf);
	(v2sf) =	vpush v14, $0x0;
	s12 =	spop (v2sf)  }
0x629: {  	p0 =	slt.u32 s1, $0x3C;
	(v2sf) =	vpush v14, $0x1;
	s12 =	sadd.f32 s12, s17;
	s13 =	spop (v2sf)  }
0x62a: {  	s15 =	sadd.f32 s15, s16;
	v18 =	vpop (erf);
	(v2sf) =	vpush v14, $0x2;
	s16 =	spop (v2sf)  }
0x62b: {  	v20 =	vpop (erf);
	(v2sf) =	vpush v14, $0x3;
	s13 =	sadd.f32 s16, s13;
	s16 =	spop (v2sf)  }
0x62c: {  	s14 =	sadd.f32 s15, s14;
	(v2sf) =	vpush v14, $0x4;
	s15 =	spop (v2sf)  }
0x62d: {  	(v2sf) =	vpush v14, $0x5;
	s15 =	sadd.f32 s15, s16;
	s16 =	spop (v2sf)  }
0x62e: {  	s12 =	sadd.f32 s13, s12;
	(v2sf) =	vpush v14, $0x6;
	s13 =	spop (v2sf)  }
0x62f: {  	(v2sf) =	vpush v14, $0x7;
	s13 =	sadd.f32 s13, s16;
	s16 =	spop (v2sf)  }
0x630: {  	s3 =	sadd.f32 s3, s9;
	(v2sf) =	vpush v14, $0x8;
	s9 =	spop (v2sf)  }
0x631: {  	(v2sf) =	vpush v14, $0x9;
	s9 =	sadd.f32 s9, s16;
	s16 =	spop (v2sf)  }
0x632: {  	v21 =	vmov s3;
	s3 =	sadd.f32 s13, s15;
	(v2sf) =	vpush v14, $0xA;
	s13 =	spop (v2sf)  }
0x633: {  	(v2sf) =	vpush v14, $0xB;
	s13 =	sadd.f32 s13, s16;
	(erf) = vrcp.f32 v21;
	s15 =	spop (v2sf)  }
0x634: {  	s3 =	sadd.f32 s3, s12;
	(v2sf) =	vpush v14, $0xC;
	s12 =	spop (v2sf)  }
0x635: {  	(v2sf) =	vpush v14, $0xD;
	s12 =	sadd.f32 s12, s15;
	s15 =	spop (v2sf)  }
0x636: {  	s9 =	sadd.f32 s13, s9;
	(v2sf) =	vpush v14, $0xE;
	s13 =	spop (v2sf)  }
0x637: {  	s16 =	spop (v2sf);
	(v2sf) =	vpush v14, $0xF;
	s13 =	sadd.f32 s13, s15  }
0x638: {  	s11 =	sadd.f32 s14, s11;
	(v2sf) =	vpush v20, $0x0;
	s15 =	spop (v2sf)  }
0x639: {  	(v2sf) =	vpush v20, $0x1;
	s14 =	spop (v2sf);
	s12 =	sadd.f32 s13, s12  }
0x63a: {  	v22 =	vmov s11;
	(v2sf) =	vpush v20, $0x2;
	s13 =	spop (v2sf)  }
0x63b: {  	(v2sf) =	vpush v20, $0x3;
	s11 =	spop (v2sf);
	s9 =	sadd.f32 s12, s9;
	(erf) = vrcp.f32 v22  }
0x63c: {  	(v2sf) =	vpush v20, $0x4;
	s12 =	spop (v2sf);
	v21 =	vpop (erf)  }
0x63d: {  	(v2sf) =	vpush v20, $0x5;
	s17 =	spop (v2sf);
	v21 =	vmul.f32 v21, v13;
	s3 =	sadd.f32 s9, s3;
	v13 =	vmov v20  }
0x63e: {  	s13 =	sadd.f32 s13, s14;
	(v2sf) =	vpush v13, $0x6;
	s9 =	spop (v2sf)  }
0x63f: {  	s11 =	sadd.f32 s12, s11;
	(v2sf) =	vpush v13, $0x7;
	s18 =	spop (v2sf);
	v20 =	vmul.f32 v21, v10;
	v21 =	vmov s3  }
0x640: {  	s3 =	sadd.f32 s15, s16;
	(v2sf) =	vpush v13, $0x8;
	s15 =	spop (v2sf);
	(erf) = vrcp.f32 v21  }
0x641: {  	s9 =	sadd.f32 s9, s17;
	(v2sf) =	vpush v13, $0x9;
	s14 =	spop (v2sf);
	v17 =	vsub.f32 v20, v17  }
0x642: {  	s15 =	sadd.f32 s15, s18;
	(v2sf) =	vpush v13, $0xA;
	s12 =	spop (v2sf)  }
0x643: {  	s3 =	sadd.f32 s13, s3;
	(v2sf) =	vpush v13, $0xB;
	s16 =	spop (v2sf);
	v17 =	vmul.f32 $2.441406250e-04, v17  }
0x644: {  	s9 =	sadd.f32 s9, s11;
	(v2sf) =	vpush v13, $0xC;
	s17 =	spop (v2sf);
	v20 =	vpop (erf)  }
0x645: {  	s12 =	sadd.f32 s12, s14;
	(v2sf) =	vpush v13, $0xD;
	s14 =	spop (v2sf);
	[tilespmem:s0+$0xFFFFFF00] =	vst v17;
	v17 =	vmul.f32 v20, v11;
	v11 =	vmov v19  }
0x646: {  	s16 =	sadd.f32 s17, s16;
	(v2sf) =	vpush v13, $0xE;
	s17 =	spop (v2sf)  }
0x647: {  	s14 =	sadd.f32 s17, s14;
	s17 =	spop (v2sf);
	(v2sf) =	vpush v13, $0xF;
	v19 =	vmul.f32 v17, v10  }
0x648: {  	s13 =	spop (v2sf);
	(v2sf) =	vpush v11, $0x0  }
0x649: {  	s3 =	sadd.f32 s9, s3;
	s11 =	spop (v2sf);
	(v2sf) =	vpush v11, $0x1;
	v16 =	vsub.f32 v19, v16;
	v17 =	vpop (erf)  }
0x64a: {  	s12 =	sadd.f32 s12, s15;
	s15 =	spop (v2sf);
	(v2sf) =	vpush v11, $0x2;
	v17 =	vmul.f32 v17, v12;
	v12 =	vmov v18  }
0x64b: {  	s14 =	sadd.f32 s14, s16;
	s16 =	spop (v2sf);
	(v2sf) =	vpush v11, $0x3;
	v16 =	vmul.f32 $2.441406250e-04, v16  }
0x64c: {  	s17 =	sadd.f32 s13, s17;
	s9 =	spop (v2sf);
	(v2sf) =	vpush v11, $0x4;
	v17 =	vmul.f32 v17, v10  }
0x64d: {  	s12 =	sadd.f32 s14, s12;
	s14 =	spop (v2sf);
	(v2sf) =	vpush v11, $0x5;
	[tilespmem:s0+$0xFFFFFF80] =	vst v16  }
0x64e: {  	s18 =	sadd.f32 s15, s11;
	s13 =	spop (v2sf);
	(v2sf) =	vpush v11, $0x6;
	v15 =	vsub.f32 v17, v15  }
0x64f: {  	s3 =	sadd.f32 s12, s3;
	s12 =	spop (v2sf);
	(v2sf) =	vpush v11, $0x7  }
0x650: {  	s11 =	sadd.f32 s9, s16;
	s15 =	spop (v2sf);
	(v2sf) =	vpush v11, $0x8;
	v15 =	vmul.f32 $2.441406250e-04, v15  }
0x651: {  	v16 =	vmov s3;
	s14 =	sadd.f32 s13, s14;
	s3 =	spop (v2sf);
	(v2sf) =	vpush v11, $0x9  }
.Ltmp11:
0x652: {  	s9 =	spop (v2sf);
	(v2sf) =	vpush v11, $0xA;
	(erf) = vrcp.f32 v16;
	[tilespmem:s0+$0x0] =	vst v15;
	(pc) =	sbr.rel @p0 .LBB2_24-.Ltmp11, $4  }
0x653: {  	s6 =	sadd.s32 s6, s4;
	s12 =	sadd.f32 s15, s12;
	s13 =	spop (v2sf);
	(v2sf) =	vpush v11, $0xB  }
0x654: {  	s15 =	sadd.f32 s9, s3;
	s3 =	sadd.s32 $0x7, s6;
	s9 =	spop (v2sf);
	(v2sf) =	vpush v11, $0xC  }
0x655: {  	s19 =	sadd.s32 $0x4, s6;
	v15 =	vor.u32 s3, v9;
	s13 =	sadd.f32 s9, s13;
	s16 =	spop (v2sf);
	(v2sf) =	vpush v11, $0xD  }
0x656: {  	s5 =	sadd.s32 $0x200, s5;
	v16 =	vmov s19;
	s9 =	sadd.f32 s18, s17;
	s17 =	spop (v2sf);
	(v2sf) =	vpush v11, $0xE  }
0x657: {  	s1 =	spop (v2sf);
	(v2sf) =	vpush v11, $0xF  }
0x658: {  	s3 =	spop (v2sf);
	(v2sf) =	vpush v12, $0x0  }
0x659: {  	s5 =	sadd.f32 s17, s16;
	s19 =	spop (v2sf);
	(v2sf) =	vpush v12, $0x1  }
0x65a: {  	s11 =	sadd.f32 s14, s11;
	s23 =	spop (v2sf);
	(v2sf) =	vpush v12, $0x2  }
0x65b: {  	s12 =	sadd.f32 s15, s12;
	s17 =	spop (v2sf);
	(v2sf) =	vpush v12, $0x3  }
0x65c: {  	s1 =	sadd.f32 s3, s1;
	s18 =	spop (v2sf);
	(v2sf) =	vpush v12, $0x4  }
0x65d: {  	s14 =	sadd.f32 s23, s19;
	s19 =	spop (v2sf);
	(v2sf) =	vpush v12, $0x5  }
0x65e: {  	s5 =	sadd.f32 s5, s13;
	s23 =	spop (v2sf);
	(v2sf) =	vpush v12, $0x6  }
0x65f: {  	s3 =	sadd.f32 s18, s17;
	s17 =	spop (v2sf);
	(v2sf) =	vpush v12, $0x7  }
0x660: {  	s9 =	sadd.f32 s11, s9;
	s18 =	spop (v2sf);
	(v2sf) =	vpush v12, $0x8  }
0x661: {  	s13 =	sadd.f32 s23, s19;
	s19 =	spop (v2sf);
	(v2sf) =	vpush v12, $0x9  }
0x662: {  	s1 =	sadd.f32 s14, s1;
	s23 =	spop (v2sf);
	(v2sf) =	vpush v12, $0xA  }
0x663: {  	s14 =	sadd.f32 s18, s17;
	s17 =	spop (v2sf);
	(v2sf) =	vpush v12, $0xB  }
0x664: {  	s5 =	sadd.f32 s5, s12;
	s18 =	spop (v2sf);
	(v2sf) =	vpush v12, $0xC  }
0x665: {  	s11 =	sadd.f32 s23, s19;
	s19 =	spop (v2sf);
	(v2sf) =	vpush v12, $0xD  }
0x666: {  	s3 =	sadd.f32 s13, s3;
	s23 =	spop (v2sf);
	(v2sf) =	vpush v12, $0xE  }
0x667: {  	s13 =	sadd.f32 s18, s17;
	s17 =	spop (v2sf);
	(v2sf) =	vpush v12, $0xF  }
0x668: {  	s5 =	sadd.f32 s5, s9;
	s18 =	spop (v2sf)  }
0x669: {  	s12 =	sadd.f32 s23, s19;
	s19 =	spop (v2sf)  }
0x66a: {  	s11 =	sadd.f32 s11, s14;
	s23 =	spop (v2sf)  }
0x66b: {  	s14 =	sadd.f32 s18, s17;
	s17 =	spop (v2sf)  }
0x66c: {  	s1 =	sadd.f32 s3, s1;
	s18 =	spop (v2sf)  }
0x66d: {  	s3 =	sadd.f32 s23, s19;
	s19 =	spop (v2sf)  }
0x66e: {  	s12 =	sadd.f32 s12, s13;
	s23 =	spop (v2sf)  }
0x66f: {  	s13 =	sadd.f32 s18, s17;
	s17 =	spop (v2sf)  }
0x670: {  	s11 =	sadd.f32 s12, s11;
	s18 =	spop (v2sf)  }
0x671: {  	s12 =	sadd.f32 s23, s19;
	s19 =	spop (v2sf)  }
0x672: {  	s3 =	sadd.f32 s3, s14;
	s23 =	spop (v2sf)  }
0x673: {  	s14 =	sadd.f32 s18, s17;
	s17 =	spop (v2sf)  }
0x674: {  	s12 =	sadd.f32 s12, s13;
	s18 =	spop (v2sf)  }
0x675: {  	s9 =	sadd.f32 s23, s19;
	s19 =	spop (v2sf)  }
0x676: {  	s13 =	sadd.f32 s18, s17;
	s23 =	spop (v2sf)  }
0x677: {  	s15 =	sadd.f32 s23, s19  }
0x678: {  	s9 =	sadd.f32 s9, s14  }
0x679: {  	s13 =	sadd.f32 s15, s13  }
0x67a: {  	s3 =	sadd.f32 s12, s3  }
0x67b: {  	s9 =	sadd.f32 s13, s9  }
0x67c: {  	s1 =	sadd.f32 s11, s1  }
0x67d: {  	v16 =	vand.u32 $0x7C, v16;
	v17 =	vmov s5;
	s3 =	sadd.f32 s9, s3  }
0x67e: {  	v16 =	vbroadcast v16, $0x0;
	(erf) = vrcp.f32 v17;
	v17 =	vmov s1;
	s15 =	sadd.s32 $0x5, s6  }
0x67f: {  	s16 =	sadd.s32 $0x6, s6;
	(erf) = vrcp.f32 v17;
	v18 =	vmov s15;
	v17 =	vmov s3  }
0x680: {  	v19 =	vmov s16;
	v18 =	vand.u32 $0x7D, v18;
	(erf) = vrcp.f32 v17  }
0x681: {  	v17 =	vbroadcast v18, $0x0;
	v18 =	vand.u32 $0x7E, v19  }
0x682: {  	v16 =	vor.u32 v9, v16;
	v18 =	vbroadcast v18, $0x0  }
0x683: {  	v17 =	vor.u32 v9, v17  }
0x684: {  	v18 =	vor.u32 v9, v18;
	_ =	sdelay $0x1  }
0x685: {  	v15 =	vld.idx.msk [tilespmem:v15+s28+$0x0], $0xffff;
	v19 =	vpop (erf)  }
0x686: {  	v16 =	vld.idx.msk [tilespmem:v16+s28+$0x0], $0xffff;
	v14 =	vmul.f32 v19, v14;
	v19 =	vpop (erf)  }
0x687: {  	v13 =	vmul.f32 v19, v13;
	v19 =	vpop (erf);
	v17 =	vld.idx.msk [tilespmem:v17+s28+$0x0], $0xffff  }
0x688: {  	v14 =	vmul.f32 v14, v10;
	v11 =	vmul.f32 v19, v11;
	v18 =	vld.idx.msk [tilespmem:v18+s28+$0x0], $0xffff;
	v19 =	vpop (erf)  }
0x689: {  	v13 =	vmul.f32 v13, v10;
	v12 =	vmul.f32 v19, v12  }
0x68a: {  	v14 =	vsub.f32 v14, v15;
	v11 =	vmul.f32 v11, v10  }
0x68b: {  	v13 =	vsub.f32 v13, v16;
	v12 =	vmul.f32 v12, v10  }
0x68c: {  	v14 =	vmul.f32 $2.441406250e-04, v14;
	v11 =	vsub.f32 v11, v17  }
0x68d: {  	s0 =	sadd.s32 $0x200, s0;
	v13 =	vmul.f32 $2.441406250e-04, v13;
	v12 =	vsub.f32 v12, v18  }
0x68e: {  	[tilespmem:s0+$0x80] =	vst v14;
	v11 =	vmul.f32 $2.441406250e-04, v11  }
0x68f: {  	[tilespmem:s0+$0xFFFFFF00] =	vst v13;
	v12 =	vmul.f32 $2.441406250e-04, v12  }
0x690: {  	[tilespmem:s0+$0xFFFFFF80] =	vst v11  }
0x691: {  	[tilespmem:s0+$0x0] =	vst v12  }
0x692: {  	s31 =	simm.s32 $0x0;
	s23 =	simm.s32 $0x15800;
	s0 =	rddreg [dreg:$0xe]  }
0x693: {  	[hbm4b:s0+s31] =	stream.linear.scatter [tilespmem:s23], [sflag:$0x3], $0x2000, $0x38;
	[tilespmem:$0x18800] =	vst v63  }
0x694: {  	_ =	swait.ge [sflag:s20], $0x2000  }
0x695: {  	[sflag:s20] =	ssyncset.done $0x0  }
0x696: {  	s18 =	simm.s32 $0x13800;
	s17 =	rddreg [dreg:$0xf];
	[sflag:s20] =	ssyncadd.s32 $0xFFFFE000  }
0x697: {  	[tilespmem:s18], [sflag:$0x3] =	stream.linear.gather [hbm4b:s17+s31], $0x2000, $0x38;
	[tilespmem:$0x18800] =	vst v63  }
0x698: {  	_ =	swait.ge [sflag:s20], $0x2000  }
0x699: {  	[sflag:s20] =	ssyncset.done $0x0  }
0x69a: {  	s19 =	simm.s32 $0x13900;
	[sflag:s20] =	ssyncadd.s32 $0xFFFFE000  }
0x69b: {  	v11 =	vld [tilespmem:s19+$0x80];
	_ =	sdelay $0x4  }
0x69c: {  	v11 =	vmul.f32 $1.442695020e+00, v11;
	_ =	sdelay $0x1  }
0x69d: {  	(erf) = vpow2.f32 v11;
	_ =	sdelay $0x6  }
0x69e: {  	v11 =	vld [tilespmem:s19+$0xFFFFFF80]  }
0x69f: {  	v12 =	vld [tilespmem:s19+$0x0]  }
0x6a0: {  	v13 =	vld [tilespmem:s19+$0xFFFFFF00];
	v15 =	vpop (erf)  }
0x6a1: {  	(v2sf) =	vpush v15, $0x0  }
0x6a2: {  	(v2sf) =	vpush v15, $0x1  }
0x6a3: {  	v11 =	vmul.f32 $1.442695020e+00, v11;
	(v2sf) =	vpush v15, $0x2  }
0x6a4: {  	v12 =	vmul.f32 $1.442695020e+00, v12;
	(v2sf) =	vpush v15, $0x3  }
0x6a5: {  	(erf) = vpow2.f32 v11;
	v11 =	vmul.f32 $1.442695020e+00, v13;
	(v2sf) =	vpush v15, $0x4  }
0x6a6: {  	(erf) = vpow2.f32 v12;
	(v2sf) =	vpush v15, $0x5  }
0x6a7: {  	(erf) = vpow2.f32 v11;
	(v2sf) =	vpush v15, $0x6  }
0x6a8: {  	(v2sf) =	vpush v15, $0x7  }
0x6a9: {  	(v2sf) =	vpush v15, $0x8  }
0x6aa: {  	(v2sf) =	vpush v15, $0x9  }
0x6ab: {  	(v2sf) =	vpush v15, $0xA  }
0x6ac: {  	(v2sf) =	vpush v15, $0xB  }
0x6ad: {  	(v2sf) =	vpush v15, $0xC  }
0x6ae: {  	v17 =	vpop (erf);
	(v2sf) =	vpush v15, $0xD  }
0x6af: {  	v16 =	vpop (erf);
	(v2sf) =	vpush v15, $0xE  }
0x6b0: {  	v18 =	vpop (erf);
	s1 =	spop (v2sf);
	(v2sf) =	vpush v15, $0xF  }
0x6b1: {  	(v2sf) =	vpush v18, $0x0;
	s3 =	spop (v2sf)  }
0x6b2: {  	(v2sf) =	vpush v18, $0x1;
	s5 =	spop (v2sf)  }
0x6b3: {  	(v2sf) =	vpush v18, $0x2;
	s6 =	spop (v2sf)  }
0x6b4: {  	(v2sf) =	vpush v18, $0x3;
	s9 =	spop (v2sf)  }
0x6b5: {  	(v2sf) =	vpush v18, $0x4;
	s18 =	spop (v2sf)  }
0x6b6: {  	(v2sf) =	vpush v18, $0x5;
	s11 =	spop (v2sf)  }
0x6b7: {  	(v2sf) =	vpush v18, $0x6;
	s12 =	spop (v2sf)  }
0x6b8: {  	(v2sf) =	vpush v18, $0x7;
	s13 =	spop (v2sf)  }
0x6b9: {  	(v2sf) =	vpush v18, $0x8;
	s14 =	spop (v2sf)  }
0x6ba: {  	(v2sf) =	vpush v18, $0x9;
	s15 =	spop (v2sf)  }
0x6bb: {  	s0 =	sadd.f32 s3, s1;
	(v2sf) =	vpush v18, $0xA;
	s16 =	spop (v2sf)  }
0x6bc: {  	s3 =	sadd.f32 s6, s5;
	(v2sf) =	vpush v18, $0xB;
	s17 =	spop (v2sf)  }
0x6bd: {  	s6 =	sadd.f32 s18, s9;
	(v2sf) =	vpush v18, $0xC;
	s19 =	spop (v2sf)  }
0x6be: {  	s0 =	sadd.f32 s3, s0;
	(v2sf) =	vpush v18, $0xD;
	s5 =	spop (v2sf)  }
0x6bf: {  	s11 =	sadd.f32 s12, s11;
	(v2sf) =	vpush v18, $0xE;
	s18 =	spop (v2sf)  }
0x6c0: {  	s13 =	sadd.f32 s14, s13;
	s12 =	spop (v2sf);
	(v2sf) =	vpush v18, $0xF  }
0x6c1: {  	s6 =	sadd.f32 s11, s6;
	s14 =	spop (v2sf);
	(v2sf) =	vpush v17, $0x0  }
0x6c2: {  	s15 =	sadd.f32 s16, s15;
	s16 =	spop (v2sf);
	(v2sf) =	vpush v17, $0x1  }
0x6c3: {  	s1 =	sadd.f32 s19, s17;
	s19 =	spop (v2sf);
	(v2sf) =	vpush v17, $0x2  }
0x6c4: {  	s9 =	spop (v2sf);
	(v2sf) =	vpush v17, $0x3  }
0x6c5: {  	s0 =	sadd.f32 s6, s0;
	s3 =	spop (v2sf);
	(v2sf) =	vpush v17, $0x4  }
0x6c6: {  	s5 =	sadd.f32 s18, s5;
	s11 =	spop (v2sf);
	(v2sf) =	vpush v17, $0x5  }
0x6c7: {  	s13 =	sadd.f32 s15, s13;
	s18 =	spop (v2sf);
	(v2sf) =	vpush v17, $0x6  }
0x6c8: {  	s1 =	sadd.f32 s5, s1;
	s5 =	spop (v2sf);
	(v2sf) =	vpush v17, $0x7  }
0x6c9: {  	s12 =	sadd.f32 s14, s12;
	s6 =	spop (v2sf);
	(v2sf) =	vpush v17, $0x8  }
0x6ca: {  	s1 =	sadd.f32 s1, s13;
	s13 =	spop (v2sf);
	(v2sf) =	vpush v17, $0x9  }
0x6cb: {  	s16 =	sadd.f32 s19, s16;
	s14 =	spop (v2sf);
	(v2sf) =	vpush v17, $0xA  }
0x6cc: {  	s0 =	sadd.f32 s1, s0;
	s1 =	spop (v2sf);
	(v2sf) =	vpush v17, $0xB  }
0x6cd: {  	s3 =	sadd.f32 s3, s9;
	s19 =	spop (v2sf);
	(v2sf) =	vpush v17, $0xC  }
0x6ce: {  	s12 =	sadd.f32 s16, s12;
	s9 =	spop (v2sf);
	(v2sf) =	vpush v17, $0xD  }
0x6cf: {  	s15 =	simm.s32 $0x13B00;
	s11 =	sadd.f32 s18, s11;
	s18 =	spop (v2sf);
	(v2sf) =	vpush v17, $0xE  }
0x6d0: {  	v11 =	vld [tilespmem:s15+$0x80];
	s5 =	sadd.f32 s6, s5;
	s6 =	spop (v2sf);
	(v2sf) =	vpush v17, $0xF  }
0x6d1: {  	s13 =	sadd.f32 s14, s13;
	s14 =	spop (v2sf);
	(v2sf) =	vpush v16, $0x0  }
0x6d2: {  	v12 =	vmov s0;
	s0 =	sadd.f32 s11, s3;
	s17 =	spop (v2sf);
	(v2sf) =	vpush v16, $0x1  }
0x6d3: {  	s1 =	sadd.f32 s19, s1;
	s19 =	spop (v2sf);
	(v2sf) =	vpush v16, $0x2  }
0x6d4: {  	s9 =	sadd.f32 s18, s9;
	s18 =	spop (v2sf);
	(v2sf) =	vpush v16, $0x3  }
0x6d5: {  	v11 =	vmul.f32 $1.442695020e+00, v11;
	s12 =	sadd.f32 s0, s12;
	s3 =	spop (v2sf);
	(v2sf) =	vpush v16, $0x4  }
0x6d6: {  	(erf) = vrcp.f32 v12;
	s5 =	sadd.f32 s13, s5;
	s11 =	spop (v2sf);
	(v2sf) =	vpush v16, $0x5  }
0x6d7: {  	(erf) = vpow2.f32 v11;
	s6 =	sadd.f32 s14, s6;
	s13 =	spop (v2sf);
	(v2sf) =	vpush v16, $0x6  }
0x6d8: {  	s1 =	sadd.f32 s9, s1;
	s16 =	spop (v2sf);
	(v2sf) =	vpush v16, $0x7  }
0x6d9: {  	s19 =	sadd.f32 s19, s17;
	s9 =	spop (v2sf);
	(v2sf) =	vpush v16, $0x8  }
0x6da: {  	s1 =	sadd.f32 s1, s5;
	s17 =	spop (v2sf);
	(v2sf) =	vpush v16, $0x9  }
0x6db: {  	s6 =	sadd.f32 s19, s6;
	s19 =	spop (v2sf);
	(v2sf) =	vpush v16, $0xA  }
0x6dc: {  	s11 =	sadd.f32 s13, s11;
	s13 =	spop (v2sf);
	(v2sf) =	vpush v16, $0xB  }
0x6dd: {  	s3 =	sadd.f32 s3, s18;
	s18 =	spop (v2sf);
	(v2sf) =	vpush v16, $0xC  }
0x6de: {  	v11 =	vld [tilespmem:s15+$0xFFFFFF80];
	s9 =	sadd.f32 s9, s16;
	s16 =	spop (v2sf);
	(v2sf) =	vpush v16, $0xD  }
0x6df: {  	v12 =	vld [tilespmem:s15+$0x0];
	v19 =	vpop (erf);
	s3 =	sadd.f32 s11, s3;
	s11 =	spop (v2sf);
	(v2sf) =	vpush v16, $0xE  }
0x6e0: {  	v13 =	vld [tilespmem:s15+$0xFFFFFF00];
	v14 =	vpop (erf);
	s1 =	sadd.f32 s1, s12;
	s15 =	spop (v2sf);
	(v2sf) =	vpush v16, $0xF  }
0x6e1: {  	s14 =	sadd.f32 s19, s17;
	(v2sf) =	vpush v14, $0x0;
	s19 =	spop (v2sf)  }
0x6e2: {  	s0 =	sadd.f32 s3, s6;
	(v2sf) =	vpush v14, $0x1;
	s17 =	spop (v2sf)  }
0x6e3: {  	v11 =	vmul.f32 $1.442695020e+00, v11;
	s13 =	sadd.f32 s18, s13;
	(v2sf) =	vpush v14, $0x2;
	s18 =	spop (v2sf)  }
0x6e4: {  	v12 =	vmul.f32 $1.442695020e+00, v12;
	s11 =	sadd.f32 s11, s16;
	(v2sf) =	vpush v14, $0x3;
	s16 =	spop (v2sf)  }
0x6e5: {  	(erf) = vpow2.f32 v11;
	v11 =	vmul.f32 $1.442695020e+00, v13;
	s9 =	sadd.f32 s14, s9;
	(v2sf) =	vpush v14, $0x4;
	s6 =	spop (v2sf)  }
0x6e6: {  	(erf) = vpow2.f32 v12;
	s5 =	sadd.f32 s19, s15;
	(v2sf) =	vpush v14, $0x5;
	s19 =	spop (v2sf)  }
0x6e7: {  	(erf) = vpow2.f32 v11;
	s11 =	sadd.f32 s11, s13;
	(v2sf) =	vpush v14, $0x6;
	s15 =	spop (v2sf)  }
0x6e8: {  	s14 =	sadd.f32 s18, s17;
	(v2sf) =	vpush v14, $0x7;
	s17 =	spop (v2sf)  }
0x6e9: {  	s9 =	sadd.f32 s11, s9;
	(v2sf) =	vpush v14, $0x8;
	s18 =	spop (v2sf)  }
0x6ea: {  	s3 =	sadd.f32 s6, s16;
	(v2sf) =	vpush v14, $0x9;
	s16 =	spop (v2sf)  }
0x6eb: {  	s5 =	sadd.f32 s14, s5;
	(v2sf) =	vpush v14, $0xA;
	s14 =	spop (v2sf)  }
0x6ec: {  	s0 =	sadd.f32 s9, s0;
	(v2sf) =	vpush v14, $0xB;
	s13 =	spop (v2sf)  }
0x6ed: {  	s6 =	sadd.f32 s15, s19;
	(v2sf) =	vpush v14, $0xC;
	s19 =	spop (v2sf)  }
0x6ee: {  	v11 =	vpop (erf);
	s11 =	sadd.f32 s18, s17;
	(v2sf) =	vpush v14, $0xD;
	s17 =	spop (v2sf)  }
0x6ef: {  	v12 =	vpop (erf);
	s3 =	sadd.f32 s6, s3;
	(v2sf) =	vpush v14, $0xE;
	s18 =	spop (v2sf)  }
0x6f0: {  	v13 =	vpop (erf);
	s14 =	sadd.f32 s14, s16;
	s16 =	spop (v2sf);
	(v2sf) =	vpush v14, $0xF  }
0x6f1: {  	s12 =	sadd.f32 s19, s13;
	(v2sf) =	vpush v13, $0x0;
	s13 =	spop (v2sf)  }
0x6f2: {  	s6 =	sadd.f32 s18, s17;
	(v2sf) =	vpush v13, $0x1;
	s15 =	spop (v2sf)  }
0x6f3: {  	s11 =	sadd.f32 s14, s11;
	(v2sf) =	vpush v13, $0x2;
	s14 =	spop (v2sf)  }
0x6f4: {  	s6 =	sadd.f32 s6, s12;
	(v2sf) =	vpush v13, $0x3;
	s12 =	spop (v2sf)  }
0x6f5: {  	s3 =	sadd.f32 s3, s5;
	(v2sf) =	vpush v13, $0x4;
	s5 =	spop (v2sf)  }
0x6f6: {  	v23 =	vmov s1;
	s17 =	sadd.s32 $0xFFFFFFFC, s4;
	s6 =	sadd.f32 s6, s11;
	(v2sf) =	vpush v13, $0x5;
	s11 =	spop (v2sf)  }
0x6f7: {  	(erf) = vrcp.f32 v23;
	v58 =	vmov s0;
	s19 =	sadd.s32 $0x4, s17;
	(v2sf) =	vpush v13, $0x6;
	s9 =	spop (v2sf)  }
0x6f8: {  	(erf) = vrcp.f32 v58;
	v20 =	vmov s19;
	s19 =	sadd.s32 $0x7, s17;
	s3 =	sadd.f32 s6, s3;
	(v2sf) =	vpush v13, $0x7;
	s6 =	spop (v2sf)  }
0x6f9: {  	s13 =	sadd.f32 s13, s16;
	v21 =	vor.u32 s19, v9;
	v20 =	vand.u32 $0x7C, v20;
	s19 =	sadd.s32 $0x5, s17;
	(v2sf) =	vpush v13, $0x8;
	s16 =	spop (v2sf)  }
0x6fa: {  	v22 =	vmov s19;
	v20 =	vbroadcast v20, $0x0;
	s1 =	sadd.f32 s14, s15;
	s19 =	sadd.s32 $0x6, s17;
	(v2sf) =	vpush v13, $0x9;
	s14 =	spop (v2sf)  }
0x6fb: {  	v22 =	vand.u32 $0x7D, v22;
	v60 =	vmov s19;
	s0 =	sadd.f32 s5, s12;
	(v2sf) =	vpush v13, $0xA;
	s18 =	spop (v2sf)  }
0x6fc: {  	v22 =	vbroadcast v22, $0x0;
	s1 =	sadd.f32 s1, s13;
	v59 =	vmov s3;
	(v2sf) =	vpush v13, $0xB;
	s15 =	spop (v2sf)  }
0x6fd: {  	v20 =	vor.u32 v9, v20;
	s3 =	sadd.f32 s9, s11;
	(erf) = vrcp.f32 v59;
	(v2sf) =	vpush v13, $0xC;
	s17 =	spop (v2sf)  }
0x6fe: {  	v23 =	vand.u32 $0x7E, v60;
	v22 =	vor.u32 v9, v22;
	s5 =	sadd.f32 s18, s14;
	(v2sf) =	vpush v13, $0xD;
	s18 =	spop (v2sf)  }
0x6ff: {  	v23 =	vbroadcast v23, $0x0;
	s6 =	sadd.f32 s16, s6;
	(v2sf) =	vpush v13, $0xE;
	s19 =	spop (v2sf)  }
0x700: {  	s0 =	sadd.f32 s3, s0;
	s14 =	spop (v2sf);
	(v2sf) =	vpush v13, $0xF  }
0x701: {  	v21 =	vld.idx.msk [tilespmem:v21+s30+$0x0], $0xffff;
	v23 =	vor.u32 v9, v23;
	s9 =	sadd.f32 s17, s15;
	s15 =	spop (v2sf);
	(v2sf) =	vpush v11, $0x0  }
0x702: {  	v15 =	vmul.f32 v19, v15;
	v61 =	vpop (erf);
	v19 =	vld.idx.msk [tilespmem:v20+s30+$0x0], $0xffff;
	s11 =	sadd.f32 s19, s18;
	s3 =	spop (v2sf);
	(v2sf) =	vpush v11, $0x1  }
0x703: {  	v18 =	vmul.f32 v61, v18;
	v62 =	vpop (erf);
	v22 =	vld.idx.msk [tilespmem:v22+s30+$0x0], $0xffff;
	s5 =	sadd.f32 s5, s6;
	s16 =	spop (v2sf);
	(v2sf) =	vpush v11, $0x2  }
0x704: {  	v15 =	vmul.f32 v15, v10;
	v17 =	vmul.f32 v62, v17;
	s9 =	sadd.f32 s11, s9;
	s11 =	spop (v2sf);
	(v2sf) =	vpush v11, $0x3  }
0x705: {  	v18 =	vmul.f32 v18, v10;
	s0 =	sadd.f32 s0, s1;
	s18 =	spop (v2sf);
	(v2sf) =	vpush v11, $0x4  }
0x706: {  	v17 =	vmul.f32 v17, v10;
	v15 =	vsub.f32 v15, v21;
	v23 =	vld.idx.msk [tilespmem:v23+s30+$0x0], $0xffff;
	v63 =	vpop (erf);
	s5 =	sadd.f32 s9, s5;
	s19 =	spop (v2sf);
	(v2sf) =	vpush v11, $0x5  }
0x707: {  	v18 =	vsub.f32 v18, v19;
	s17 =	sadd.f32 s15, s14;
	v16 =	vmul.f32 v63, v16;
	s14 =	spop (v2sf);
	(v2sf) =	vpush v11, $0x6  }
0x708: {  	v15 =	vmul.f32 $2.441406250e-04, v15;
	v17 =	vsub.f32 v17, v22;
	s5 =	sadd.f32 s5, s0;
	s15 =	spop (v2sf);
	(v2sf) =	vpush v11, $0x7  }
0x709: {  	v18 =	vmul.f32 $2.441406250e-04, v18;
	s3 =	sadd.f32 s16, s3;
	v16 =	vmul.f32 v16, v10;
	s0 =	simm.s32 $0x15900;
	s16 =	spop (v2sf);
	(v2sf) =	vpush v11, $0x8  }
0x70a: {  	s11 =	sadd.f32 s18, s11;
	[tilespmem:s0+$0x80] =	vst v15;
	v15 =	vmul.f32 $2.441406250e-04, v17;
	v17 =	vmov s5;
	s18 =	spop (v2sf);
	(v2sf) =	vpush v11, $0x9  }
0x70b: {  	s1 =	simm.s32 $0x4;
	v16 =	vsub.f32 v16, v23;
	s14 =	sadd.f32 s14, s19;
	(erf) = vrcp.f32 v17;
	s19 =	spop (v2sf);
	(v2sf) =	vpush v11, $0xA  }
0x70c: {  	s6 =	sadd.s32 $0x0, s4;
	s12 =	sadd.f32 s16, s15;
	s16 =	spop (v2sf);
	(v2sf) =	vpush v11, $0xB  }
0x70d: {  	s9 =	sadd.s32 $0x7, s6;
	[tilespmem:s0+$0xFFFFFF00] =	vst v18;
	v16 =	vmul.f32 $2.441406250e-04, v16;
	s15 =	sadd.f32 s19, s18;
	s18 =	spop (v2sf);
	(v2sf) =	vpush v11, $0xC  }
0x70e: {  	[tilespmem:s0+$0xFFFFFF80] =	vst v15;
	v15 =	vor.u32 s9, v9;
	s19 =	sadd.s32 $0x4, s6;
	s13 =	sadd.f32 s18, s16;
	s16 =	spop (v2sf);
	(v2sf) =	vpush v11, $0xD  }
0x70f: {  	s5 =	simm.s32 $0x13D00;
	s9 =	sadd.f32 s3, s17;
	[tilespmem:s0+$0x0] =	vst v16;
	v16 =	vmov s19;
	s17 =	spop (v2sf);
	(v2sf) =	vpush v11, $0xE  }
.LBB2_26:
0x710: {  	v17 =	vld [tilespmem:s5+$0x80];
	s3 =	sadd.f32 s17, s16;
	v16 =	vand.u32 $0x7C, v16;
	s16 =	sadd.s32 $0x5, s6;
	s17 =	spop (v2sf);
	(v2sf) =	vpush v11, $0xF  }
0x711: {  	s14 =	sadd.f32 s14, s11;
	s6 =	sadd.s32 $0x6, s6;
	v18 =	vld [tilespmem:s5+$0xFFFFFF80];
	v16 =	vbroadcast v16, $0x0;
	v19 =	vmov s16;
	s11 =	spop (v2sf);
	(v2sf) =	vpush v12, $0x0  }
0x712: {  	v21 =	vmov s6;
	s6 =	smov.u32 s1;
	v20 =	vld [tilespmem:s5+$0x0];
	s16 =	sadd.f32 s11, s17;
	v19 =	vand.u32 $0x7D, v19;
	s17 =	spop (v2sf);
	(v2sf) =	vpush v12, $0x1  }
0x713: {  	s11 =	sadd.f32 s15, s12;
	v21 =	vand.u32 $0x7E, v21;
	v19 =	vbroadcast v19, $0x0;
	v15 =	vld.idx.msk [tilespmem:v15+s30+$0x0], $0xffff;
	s12 =	spop (v2sf);
	(v2sf) =	vpush v12, $0x2  }
0x714: {  	v16 =	vor.u32 v9, v16;
	v21 =	vbroadcast v21, $0x0;
	v22 =	vld [tilespmem:s5+$0xFFFFFF00];
	s12 =	sadd.f32 s12, s17;
	s15 =	spop (v2sf);
	(v2sf) =	vpush v12, $0x3;
	v23 =	vpop (erf)  }
0x715: {  	s3 =	sadd.f32 s3, s13;
	v17 =	vmul.f32 $1.442695020e+00, v17;
	v14 =	vmul.f32 v23, v14;
	s13 =	spop (v2sf);
	(v2sf) =	vpush v12, $0x4  }
0x716: {  	v19 =	vor.u32 v9, v19;
	v18 =	vmul.f32 $1.442695020e+00, v18;
	s13 =	sadd.f32 s13, s15;
	s15 =	spop (v2sf);
	(v2sf) =	vpush v12, $0x5  }
0x717: {  	s12 =	sadd.f32 s12, s16;
	(erf) = vpow2.f32 v17;
	v14 =	vmul.f32 v14, v10;
	s16 =	spop (v2sf);
	(v2sf) =	vpush v12, $0x6  }
0x718: {  	v20 =	vmul.f32 $1.442695020e+00, v20;
	(erf) = vpow2.f32 v18;
	s15 =	sadd.f32 s16, s15;
	s16 =	spop (v2sf);
	(v2sf) =	vpush v12, $0x7  }
0x719: {  	s9 =	sadd.f32 s14, s9;
	v18 =	vmul.f32 $1.442695020e+00, v22;
	v17 =	vld.idx.msk [tilespmem:v16+s30+$0x0], $0xffff;
	v14 =	vsub.f32 v14, v15;
	s14 =	spop (v2sf);
	(v2sf) =	vpush v12, $0x8  }
0x71a: {  	v15 =	vor.u32 v9, v21;
	(erf) = vpow2.f32 v20;
	s14 =	sadd.f32 s14, s16;
	s16 =	spop (v2sf);
	(v2sf) =	vpush v12, $0x9  }
0x71b: {  	s13 =	sadd.f32 s15, s13;
	(erf) = vpow2.f32 v18;
	v16 =	vld.idx.msk [tilespmem:v19+s30+$0x0], $0xffff;
	v14 =	vmul.f32 $2.441406250e-04, v14;
	s15 =	spop (v2sf);
	(v2sf) =	vpush v12, $0xA  }
0x71c: {  	s0 =	sadd.s32 $0x200, s0;
	s15 =	sadd.f32 s15, s16;
	s16 =	spop (v2sf);
	(v2sf) =	vpush v12, $0xB  }
0x71d: {  	s3 =	sadd.f32 s3, s11;
	[tilespmem:s0+$0x80] =	vst v14;
	s11 =	spop (v2sf);
	(v2sf) =	vpush v12, $0xC  }
0x71e: {  	s16 =	sadd.f32 s11, s16;
	s11 =	spop (v2sf);
	(v2sf) =	vpush v12, $0xD  }
0x71f: {  	s14 =	sadd.f32 s15, s14;
	v15 =	vld.idx.msk [tilespmem:v15+s30+$0x0], $0xffff;
	s15 =	spop (v2sf);
	(v2sf) =	vpush v12, $0xE  }
0x720: {  	v14 =	vpop (erf);
	s15 =	sadd.f32 s15, s11;
	s17 =	spop (v2sf);
	(v2sf) =	vpush v12, $0xF  }
0x721: {  	s1 =	sadd.s32 $0x4, s1;
	s11 =	sadd.f32 s13, s12;
	v19 =	vpop (erf);
	(v2sf) =	vpush v14, $0x0;
	s12 =	spop (v2sf)  }
0x722: {  	p0 =	slt.u32 s1, $0x3C;
	(v2sf) =	vpush v14, $0x1;
	s12 =	sadd.f32 s12, s17;
	s13 =	spop (v2sf)  }
0x723: {  	s15 =	sadd.f32 s15, s16;
	v18 =	vpop (erf);
	(v2sf) =	vpush v14, $0x2;
	s16 =	spop (v2sf)  }
0x724: {  	v20 =	vpop (erf);
	(v2sf) =	vpush v14, $0x3;
	s13 =	sadd.f32 s16, s13;
	s16 =	spop (v2sf)  }
0x725: {  	s14 =	sadd.f32 s15, s14;
	(v2sf) =	vpush v14, $0x4;
	s15 =	spop (v2sf)  }
0x726: {  	(v2sf) =	vpush v14, $0x5;
	s15 =	sadd.f32 s15, s16;
	s16 =	spop (v2sf)  }
0x727: {  	s12 =	sadd.f32 s13, s12;
	(v2sf) =	vpush v14, $0x6;
	s13 =	spop (v2sf)  }
0x728: {  	(v2sf) =	vpush v14, $0x7;
	s13 =	sadd.f32 s13, s16;
	s16 =	spop (v2sf)  }
0x729: {  	s3 =	sadd.f32 s3, s9;
	(v2sf) =	vpush v14, $0x8;
	s9 =	spop (v2sf)  }
0x72a: {  	(v2sf) =	vpush v14, $0x9;
	s9 =	sadd.f32 s9, s16;
	s16 =	spop (v2sf)  }
0x72b: {  	v21 =	vmov s3;
	s3 =	sadd.f32 s13, s15;
	(v2sf) =	vpush v14, $0xA;
	s13 =	spop (v2sf)  }
0x72c: {  	(v2sf) =	vpush v14, $0xB;
	s13 =	sadd.f32 s13, s16;
	(erf) = vrcp.f32 v21;
	s15 =	spop (v2sf)  }
0x72d: {  	s3 =	sadd.f32 s3, s12;
	(v2sf) =	vpush v14, $0xC;
	s12 =	spop (v2sf)  }
0x72e: {  	(v2sf) =	vpush v14, $0xD;
	s12 =	sadd.f32 s12, s15;
	s15 =	spop (v2sf)  }
0x72f: {  	s9 =	sadd.f32 s13, s9;
	(v2sf) =	vpush v14, $0xE;
	s13 =	spop (v2sf)  }
0x730: {  	s16 =	spop (v2sf);
	(v2sf) =	vpush v14, $0xF;
	s13 =	sadd.f32 s13, s15  }
0x731: {  	s11 =	sadd.f32 s14, s11;
	(v2sf) =	vpush v20, $0x0;
	s15 =	spop (v2sf)  }
0x732: {  	(v2sf) =	vpush v20, $0x1;
	s14 =	spop (v2sf);
	s12 =	sadd.f32 s13, s12  }
0x733: {  	v22 =	vmov s11;
	(v2sf) =	vpush v20, $0x2;
	s13 =	spop (v2sf)  }
0x734: {  	(v2sf) =	vpush v20, $0x3;
	s11 =	spop (v2sf);
	s9 =	sadd.f32 s12, s9;
	(erf) = vrcp.f32 v22  }
0x735: {  	(v2sf) =	vpush v20, $0x4;
	s12 =	spop (v2sf);
	v21 =	vpop (erf)  }
0x736: {  	(v2sf) =	vpush v20, $0x5;
	s17 =	spop (v2sf);
	v21 =	vmul.f32 v21, v13;
	s3 =	sadd.f32 s9, s3;
	v13 =	vmov v20  }
0x737: {  	s13 =	sadd.f32 s13, s14;
	(v2sf) =	vpush v13, $0x6;
	s9 =	spop (v2sf)  }
0x738: {  	s11 =	sadd.f32 s12, s11;
	(v2sf) =	vpush v13, $0x7;
	s18 =	spop (v2sf);
	v20 =	vmul.f32 v21, v10;
	v21 =	vmov s3  }
0x739: {  	s3 =	sadd.f32 s15, s16;
	(v2sf) =	vpush v13, $0x8;
	s15 =	spop (v2sf);
	(erf) = vrcp.f32 v21  }
0x73a: {  	s9 =	sadd.f32 s9, s17;
	(v2sf) =	vpush v13, $0x9;
	s14 =	spop (v2sf);
	v17 =	vsub.f32 v20, v17  }
0x73b: {  	s15 =	sadd.f32 s15, s18;
	(v2sf) =	vpush v13, $0xA;
	s12 =	spop (v2sf)  }
0x73c: {  	s3 =	sadd.f32 s13, s3;
	(v2sf) =	vpush v13, $0xB;
	s16 =	spop (v2sf);
	v17 =	vmul.f32 $2.441406250e-04, v17  }
0x73d: {  	s9 =	sadd.f32 s9, s11;
	(v2sf) =	vpush v13, $0xC;
	s17 =	spop (v2sf);
	v20 =	vpop (erf)  }
0x73e: {  	s12 =	sadd.f32 s12, s14;
	(v2sf) =	vpush v13, $0xD;
	s14 =	spop (v2sf);
	[tilespmem:s0+$0xFFFFFF00] =	vst v17;
	v17 =	vmul.f32 v20, v11;
	v11 =	vmov v19  }
0x73f: {  	s16 =	sadd.f32 s17, s16;
	(v2sf) =	vpush v13, $0xE;
	s17 =	spop (v2sf)  }
0x740: {  	s14 =	sadd.f32 s17, s14;
	s17 =	spop (v2sf);
	(v2sf) =	vpush v13, $0xF;
	v19 =	vmul.f32 v17, v10  }
0x741: {  	s13 =	spop (v2sf);
	(v2sf) =	vpush v11, $0x0  }
0x742: {  	s3 =	sadd.f32 s9, s3;
	s11 =	spop (v2sf);
	(v2sf) =	vpush v11, $0x1;
	v16 =	vsub.f32 v19, v16;
	v17 =	vpop (erf)  }
0x743: {  	s12 =	sadd.f32 s12, s15;
	s15 =	spop (v2sf);
	(v2sf) =	vpush v11, $0x2;
	v17 =	vmul.f32 v17, v12;
	v12 =	vmov v18  }
0x744: {  	s14 =	sadd.f32 s14, s16;
	s16 =	spop (v2sf);
	(v2sf) =	vpush v11, $0x3;
	v16 =	vmul.f32 $2.441406250e-04, v16  }
0x745: {  	s17 =	sadd.f32 s13, s17;
	s9 =	spop (v2sf);
	(v2sf) =	vpush v11, $0x4;
	v17 =	vmul.f32 v17, v10  }
0x746: {  	s12 =	sadd.f32 s14, s12;
	s14 =	spop (v2sf);
	(v2sf) =	vpush v11, $0x5;
	[tilespmem:s0+$0xFFFFFF80] =	vst v16  }
0x747: {  	s18 =	sadd.f32 s15, s11;
	s13 =	spop (v2sf);
	(v2sf) =	vpush v11, $0x6;
	v15 =	vsub.f32 v17, v15  }
0x748: {  	s3 =	sadd.f32 s12, s3;
	s12 =	spop (v2sf);
	(v2sf) =	vpush v11, $0x7  }
0x749: {  	s11 =	sadd.f32 s9, s16;
	s15 =	spop (v2sf);
	(v2sf) =	vpush v11, $0x8;
	v15 =	vmul.f32 $2.441406250e-04, v15  }
0x74a: {  	v16 =	vmov s3;
	s14 =	sadd.f32 s13, s14;
	s3 =	spop (v2sf);
	(v2sf) =	vpush v11, $0x9  }
.Ltmp12:
0x74b: {  	s9 =	spop (v2sf);
	(v2sf) =	vpush v11, $0xA;
	(erf) = vrcp.f32 v16;
	[tilespmem:s0+$0x0] =	vst v15;
	(pc) =	sbr.rel @p0 .LBB2_26-.Ltmp12, $4  }
0x74c: {  	s6 =	sadd.s32 s6, s4;
	s12 =	sadd.f32 s15, s12;
	s13 =	spop (v2sf);
	(v2sf) =	vpush v11, $0xB  }
0x74d: {  	s15 =	sadd.f32 s9, s3;
	s3 =	sadd.s32 $0x7, s6;
	s9 =	spop (v2sf);
	(v2sf) =	vpush v11, $0xC  }
0x74e: {  	s19 =	sadd.s32 $0x4, s6;
	v15 =	vor.u32 s3, v9;
	s13 =	sadd.f32 s9, s13;
	s16 =	spop (v2sf);
	(v2sf) =	vpush v11, $0xD  }
0x74f: {  	s5 =	sadd.s32 $0x200, s5;
	v16 =	vmov s19;
	s9 =	sadd.f32 s18, s17;
	s17 =	spop (v2sf);
	(v2sf) =	vpush v11, $0xE  }
0x750: {  	s1 =	spop (v2sf);
	(v2sf) =	vpush v11, $0xF  }
0x751: {  	s3 =	spop (v2sf);
	(v2sf) =	vpush v12, $0x0  }
0x752: {  	s5 =	sadd.f32 s17, s16;
	s16 =	spop (v2sf);
	(v2sf) =	vpush v12, $0x1  }
0x753: {  	s11 =	sadd.f32 s14, s11;
	s18 =	spop (v2sf);
	(v2sf) =	vpush v12, $0x2  }
0x754: {  	s12 =	sadd.f32 s15, s12;
	s19 =	spop (v2sf);
	(v2sf) =	vpush v12, $0x3  }
0x755: {  	s1 =	sadd.f32 s3, s1;
	s17 =	spop (v2sf);
	(v2sf) =	vpush v12, $0x4  }
0x756: {  	s14 =	sadd.f32 s18, s16;
	s16 =	spop (v2sf);
	(v2sf) =	vpush v12, $0x5  }
0x757: {  	s5 =	sadd.f32 s5, s13;
	s18 =	spop (v2sf);
	(v2sf) =	vpush v12, $0x6  }
0x758: {  	s3 =	sadd.f32 s17, s19;
	s19 =	spop (v2sf);
	(v2sf) =	vpush v12, $0x7  }
0x759: {  	s9 =	sadd.f32 s11, s9;
	s17 =	spop (v2sf);
	(v2sf) =	vpush v12, $0x8  }
0x75a: {  	s13 =	sadd.f32 s18, s16;
	s16 =	spop (v2sf);
	(v2sf) =	vpush v12, $0x9  }
0x75b: {  	s1 =	sadd.f32 s14, s1;
	s18 =	spop (v2sf);
	(v2sf) =	vpush v12, $0xA  }
0x75c: {  	s14 =	sadd.f32 s17, s19;
	s19 =	spop (v2sf);
	(v2sf) =	vpush v12, $0xB  }
0x75d: {  	s5 =	sadd.f32 s5, s12;
	s17 =	spop (v2sf);
	(v2sf) =	vpush v12, $0xC  }
0x75e: {  	s11 =	sadd.f32 s18, s16;
	s16 =	spop (v2sf);
	(v2sf) =	vpush v12, $0xD  }
0x75f: {  	s3 =	sadd.f32 s13, s3;
	s18 =	spop (v2sf);
	(v2sf) =	vpush v12, $0xE  }
0x760: {  	s13 =	sadd.f32 s17, s19;
	s19 =	spop (v2sf);
	(v2sf) =	vpush v12, $0xF  }
0x761: {  	s5 =	sadd.f32 s5, s9;
	s17 =	spop (v2sf)  }
0x762: {  	s12 =	sadd.f32 s18, s16;
	s16 =	spop (v2sf)  }
0x763: {  	s11 =	sadd.f32 s11, s14;
	s18 =	spop (v2sf)  }
0x764: {  	s14 =	sadd.f32 s17, s19;
	s19 =	spop (v2sf)  }
0x765: {  	s1 =	sadd.f32 s3, s1;
	s17 =	spop (v2sf)  }
0x766: {  	s3 =	sadd.f32 s18, s16;
	s16 =	spop (v2sf)  }
0x767: {  	s12 =	sadd.f32 s12, s13;
	s18 =	spop (v2sf)  }
0x768: {  	s13 =	sadd.f32 s17, s19;
	s19 =	spop (v2sf)  }
0x769: {  	s11 =	sadd.f32 s12, s11;
	s17 =	spop (v2sf)  }
0x76a: {  	s12 =	sadd.f32 s18, s16;
	s16 =	spop (v2sf)  }
0x76b: {  	s3 =	sadd.f32 s3, s14;
	s18 =	spop (v2sf)  }
0x76c: {  	s14 =	sadd.f32 s17, s19;
	s19 =	spop (v2sf)  }
0x76d: {  	s12 =	sadd.f32 s12, s13;
	s17 =	spop (v2sf)  }
0x76e: {  	s9 =	sadd.f32 s18, s16;
	s18 =	spop (v2sf)  }
0x76f: {  	s13 =	sadd.f32 s17, s19;
	s19 =	spop (v2sf)  }
0x770: {  	s15 =	sadd.f32 s19, s18  }
0x771: {  	s9 =	sadd.f32 s9, s14  }
0x772: {  	s13 =	sadd.f32 s15, s13  }
0x773: {  	s3 =	sadd.f32 s12, s3  }
0x774: {  	s9 =	sadd.f32 s13, s9  }
0x775: {  	s1 =	sadd.f32 s11, s1  }
0x776: {  	v16 =	vand.u32 $0x7C, v16;
	v17 =	vmov s5;
	s3 =	sadd.f32 s9, s3  }
0x777: {  	v16 =	vbroadcast v16, $0x0;
	(erf) = vrcp.f32 v17;
	v55 =	vmov s1;
	s17 =	sadd.s32 $0x5, s6  }
0x778: {  	(erf) = vrcp.f32 v55;
	v18 =	vmov s17;
	s18 =	sadd.s32 $0x6, s6;
	v56 =	vmov s3  }
0x779: {  	v18 =	vand.u32 $0x7D, v18;
	v19 =	vmov s18;
	(erf) = vrcp.f32 v56  }
0x77a: {  	v57 =	vbroadcast v18, $0x0;
	v58 =	vand.u32 $0x7E, v19  }
0x77b: {  	v16 =	vor.u32 v9, v16;
	v18 =	vbroadcast v58, $0x0  }
0x77c: {  	v17 =	vor.u32 v9, v57  }
0x77d: {  	v18 =	vor.u32 v9, v18;
	_ =	sdelay $0x1  }
0x77e: {  	v15 =	vld.idx.msk [tilespmem:v15+s30+$0x0], $0xffff;
	v59 =	vpop (erf)  }
0x77f: {  	v14 =	vmul.f32 v59, v14;
	v16 =	vld.idx.msk [tilespmem:v16+s30+$0x0], $0xffff;
	v20 =	vpop (erf)  }
0x780: {  	v13 =	vmul.f32 v20, v13;
	v60 =	vpop (erf);
	v17 =	vld.idx.msk [tilespmem:v17+s30+$0x0], $0xffff  }
0x781: {  	v14 =	vmul.f32 v14, v10;
	v11 =	vmul.f32 v60, v11;
	v18 =	vld.idx.msk [tilespmem:v18+s30+$0x0], $0xffff;
	v61 =	vpop (erf)  }
0x782: {  	v13 =	vmul.f32 v13, v10;
	v62 =	vmul.f32 v61, v12  }
0x783: {  	v14 =	vsub.f32 v14, v15;
	v11 =	vmul.f32 v11, v10  }
0x784: {  	v13 =	vsub.f32 v13, v16;
	v10 =	vmul.f32 v62, v10  }
0x785: {  	v63 =	vmul.f32 $2.441406250e-04, v14;
	v11 =	vsub.f32 v11, v17  }
0x786: {  	s0 =	sadd.s32 $0x200, s0;
	v13 =	vmul.f32 $2.441406250e-04, v13;
	v10 =	vsub.f32 v10, v18  }
0x787: {  	[tilespmem:s0+$0x80] =	vst v63;
	v11 =	vmul.f32 $2.441406250e-04, v11  }
0x788: {  	[tilespmem:s0+$0xFFFFFF00] =	vst v13;
	v10 =	vmul.f32 $2.441406250e-04, v10  }
0x789: {  	[tilespmem:s0+$0xFFFFFF80] =	vst v11  }
0x78a: {  	[tilespmem:s0+$0x0] =	vst v10  }
0x78b: {  	s0 =	rddreg [dreg:$0x10]  }
0x78c: {  	[hbm4b:s0+s31] =	stream.linear.scatter [tilespmem:s23], [sflag:$0x3], $0x2000, $0x38;
	[tilespmem:$0x18800] =	vst v63  }
0x78d: {  	_ =	swait.ge [sflag:s20], $0x2000  }
0x78e: {  	s19 =	rddreg [dreg:$0x12]  }
0x78f: {  	s23 =	rddreg [dreg:$0x11];
	s1 =	sadd.s32 $0x1, s19  }
0x790: {  	p0 =	sne.s32 s1, s23  }
.Ltmp13:
0x791: {  	_ = 	snop;
	(pc) =	sbr.rel @p0 .LBB2_1-.Ltmp13, $3  }
0x792: {  	_ =	sdelay $0x1  }
0x793: {  	s17 =	simm.s32 $0x80;
	s18 =	simm.s32 $0x13000;
	[sflag:s20] =	ssyncset.done $0x0  }
0x794: {  	s3 =	simm.s32 $0x2000;
	[sflag:s20] =	ssyncadd.s32 $0xFFFFE000;
	s19 =	simm.s32 $0xA000  }
0x795: {  	_ =	sfence.sel $0x180000  }
0x796: {  	[bflag:$0x0] =	sbarrier.arrive $0xFFFF  }
0x797: {  	_ =	strace $0x90000047  }
0x798: {  	s0 =	stileid.u32;
	[bflag:$0x2] =	sbarrier.arrive $0xFFFF  }
0x799: {  	p0 =	sne.s32 s0, $0x0;
	s0 =	rddreg [dreg:$0x6]  }
0x79a: {  	s0 =	sadd.s32 @!p0 $0x100000, s0  }
0x79b: {  	[sflag:s0] =	ssyncadd.tile.s32 @!p0 $0x1;
	_ =	shalt  }
.Lfunc_end2:
_tile_overlayer_lowered:
.L_overlay_start_2:
0x79c: {  	(tag) =	ssettag $0x2  }
0x79d: {  	s0 =	rddreg [dreg:$0x0];
	s2 =	stileid.u32  }
0x79e: {  	s1 =	rddreg [dreg:$0x1];
	p0 =	sne.s32 s2, $0x0  }
0x79f: {  	s3 =	rddreg [dreg:$0x2];
	[bflag:$0x3] =	sbarrier.arrive $0xFFFF;
	s2 =	simm.s32 @!p0 $0x1C03  }
0x7a0: {  	[timem:s3], [sflag:s2] =	dma.local @!p0 [hbm:s0], s1  }
0x7a1: {  	s0 =	simm.s32 @!p0 $0x3  }
0x7a2: {  	_ =	swait.ge @!p0 [sflag:s0], s1  }
0x7a3: {  	s1 =	ssub.s32 @!p0 $0x0, s1;
	[sflag:s0] =	ssyncset.done @!p0 $0x0  }
0x7a4: {  	[sflag:s0] =	ssyncadd.s32 @!p0 s1  }
0x7a5: {  	[bflag:$0x3] =	sbarrier.arrive $0xFFFF  }
0x7a6: {  	_ =	shalt  }

</sc_bundles>
